<compile_context>
chip_gen: v7x
topology: tpu7x:2x2x1
jax: 0.10.2.dev20260603
libtpu: 0.0.44.dev20260713+nightly
codegen_flags: <defaults>
</compile_context>

<pallas_src>
import functools

import jax
import jax.numpy as jnp
from jax import lax
from jax.experimental import pallas as pl
from jax.experimental.pallas import tpu as pltpu
from jax.experimental.pallas import tpu_sc as plsc

NC = 2
NS = 16
NW = NC * NS
LANES = 16
K = 4
UNROLL = 8


def _make_kernel(B, S, V, D):
    SW = S // NW
    CK = SW // K
    VPR = D // LANES
    JBLK = VPR // UNROLL
    RPB = S // K

    mesh = plsc.VectorSubcoreMesh(core_axis_name="c", subcore_axis_name="s")

    scratch = (
        [pltpu.VMEM((B * CK, K), jnp.int32)]
        + [pltpu.VMEM((K, D), jnp.float32) for _ in range(2 * B)]
        + [pltpu.VMEM((K, D), jnp.float32) for _ in range(2)]
        + [pltpu.SemaphoreType.DMA for _ in range(4 * B + 2)]
    )

    @functools.partial(
        pl.kernel,
        mesh=mesh,
        out_type=jax.ShapeDtypeStruct((B * S, D), jnp.float32),
        scratch_types=scratch,
    )
    def k(ids_hbm, word_hbm, pos_hbm, out_hbm, idx_all, *rest):
        o = rest[:2 * B]
        pbuf = rest[2 * B:2 * B + 2]
        gsem = rest[2 * B + 2:4 * B + 2]
        wsem = rest[4 * B + 2:6 * B + 2]
        psem = rest[6 * B + 2:6 * B + 4]

        wid = lax.axis_index("s") * NC + lax.axis_index("c")
        seq_base = wid * SW

        for b in range(B):
            pltpu.async_copy(
                ids_hbm.at[pl.ds(b * RPB + wid * CK, CK)],
                idx_all.at[pl.ds(b * CK, CK)],
                psem[0],
            )
        for b in range(B):
            pltpu.make_async_copy(
                ids_hbm.at[pl.ds(b * RPB + wid * CK, CK)],
                idx_all.at[pl.ds(b * CK, CK)],
                psem[0],
            ).wait()

        def issue_gather(c, b, q):
            s = B * q + b
            pltpu.async_copy(
                word_hbm.at[idx_all.at[b * CK + c]], o[s], gsem[s]
            )

        def wait_gather(c, b, q):
            s = B * q + b
            pltpu.make_async_copy(
                word_hbm.at[idx_all.at[b * CK + c]], o[s], gsem[s]
            ).wait()

        def drain_writes(b, q):
            s = B * q + b
            pltpu.make_async_copy(
                o[s], out_hbm.at[pl.ds(seq_base, K)], wsem[s]
            ).wait()

        def issue_pos(c, q):
            pltpu.async_copy(
                pos_hbm.at[pl.ds(seq_base + c * K, K)], pbuf[q], psem[q]
            )

        def wait_pos(q):
            pltpu.make_async_copy(
                pos_hbm.at[pl.ds(seq_base, K)], pbuf[q], psem[q]
            ).wait()

        def fused_add(c, q):
            slots = [o[B * q + b] for b in range(B)]
            pb = pbuf[q]

            def row_body(r, _):
                def col_body(j, _):
                    base = j * (LANES * UNROLL)
                    xs = [
                        pb[r, pl.ds(base + u * LANES, LANES)]
                        for u in range(UNROLL)
                    ]
                    for u in range(UNROLL):
                        off = base + u * LANES
                        for ov in slots:
                            plsc.addupdate(ov.at[r, pl.ds(off, LANES)], xs[u])
                    return 0
                lax.fori_loop(0, JBLK, col_body, 0)
                for b in range(B):
                    s = B * q + b
                    pltpu.async_copy(
                        o[s].at[pl.ds(r, 1)],
                        out_hbm.at[pl.ds(b * S + seq_base + c * K + r, 1)],
                        wsem[s],
                    )
                return 0
            lax.fori_loop(0, K, row_body, 0)

        issue_pos(0, 0)
        issue_pos(1, 1)
        for b in range(B):
            issue_gather(0, b, 0)
        for b in range(B):
            issue_gather(1, b, 1)

        wait_pos(0)
        for b in range(B):
            wait_gather(0, b, 0)
        fused_add(0, 0)
        issue_pos(2, 0)

        wait_pos(1)
        for b in range(B):
            wait_gather(1, b, 1)
        for b in range(B):
            drain_writes(b, 0)
            issue_gather(2, b, 0)
        fused_add(1, 1)
        issue_pos(3, 1)

        def do_chunk(c, q):
            wait_pos(q)
            for b in range(B):
                wait_gather(c, b, q)
            @pl.when(c + 1 < CK)
            def _():
                for b in range(B):
                    drain_writes(b, 1 - q)
                    issue_gather(c + 1, b, 1 - q)
            fused_add(c, q)

            @pl.when(c + 2 < CK)
            def _():
                issue_pos(c + 2, q)

        def step_body(s2, _):
            do_chunk(2 * s2, 0)
            do_chunk(2 * s2 + 1, 1)
            return 0

        lax.fori_loop(1, CK // 2, step_body, 0)

        for s in range(2 * B):
            pltpu.make_async_copy(
                o[s], out_hbm.at[pl.ds(seq_base, K)], wsem[s]
            ).wait()

    return k


def kernel(input_ids, word_table, pos_table):
    B, S = input_ids.shape
    V, D = word_table.shape
    ids2 = input_ids.reshape((B * S) // K, K).astype(jnp.int32)
    k = _make_kernel(B, S, V, D)
    out = k(ids2, word_table, pos_table)
    return out.reshape(B, S, D)

# --- scband reference (transcript-rebuilt; emitter-appended) ---
"""Pipeline reference for scband-transformer-embedding-4011499454718 (READ-ONLY COPY).

The authoritative reference and input builder live on the scoring server;
editing this copy changes nothing except your own understanding.
"""

import jax, jax.numpy as jnp
import numpy as np

VOCAB = 100000
D_MODEL = 2048
MAX_LEN = 8192
PAD_IDX = 0
BATCH = 4
SEQ = 4096


def get_positional_encoding(max_length, hidden_size):
    pe = np.zeros((max_length, hidden_size), dtype=np.float32)
    position = np.arange(0, max_length, dtype=np.float32)[:, None]
    div_term = np.exp(np.arange(0, hidden_size, 2, dtype=np.float32) * (-(np.log(10000.0) / hidden_size)))
    pe[:, 0::2] = np.sin(position * div_term)
    pe[:, 1::2] = np.cos(position * div_term)
    return jnp.asarray(pe)


def setup_inputs(seed: int = 0) -> dict:
    key = jax.random.key(seed)
    k_idx, k_w = jax.random.split(key)
    input_ids = jax.random.randint(k_idx, (BATCH, SEQ), 0, VOCAB, dtype=jnp.int64 if jax.config.jax_enable_x64 else jnp.int32)
    word_table = jax.random.normal(k_w, (VOCAB, D_MODEL), dtype=jnp.float32)
    # nn.Embedding with padding_idx zero-initializes the pad row
    word_table = word_table.at[PAD_IDX].set(0.0)
    pos_table = get_positional_encoding(MAX_LEN, D_MODEL)
    return {"input_ids": input_ids, "word_table": word_table, "pos_table": pos_table}


def reference(input_ids, word_table, pos_table):
    seq_len = input_ids.shape[1]
    position_ids = jnp.arange(seq_len)
    position_ids = jnp.broadcast_to(position_ids[None, :], input_ids.shape)
    word_embeds = jnp.take(word_table, input_ids, axis=0)
    pos_embeds = jnp.take(pos_table, position_ids, axis=0)
    embeds = word_embeds + pos_embeds
    # dropout is identity in eval mode
    return embeds

if __name__ == "__main__":
    import jax
    _d = setup_inputs()
    print(jax.jit(kernel)(*tuple(_d.values())))

</pallas_src>

<mosaic_0001>
#map = affine_map<(d0, d1) -> (0, 0)>
module attributes {stable_mosaic.version = 14 : i64} {
  func.func @k(%arg0: i32, %arg1: i32, %arg2: memref<4096x4xi32, #tpu.memory_space<hbm>>, %arg3: memref<100000x2048xf32, #tpu.memory_space<hbm>>, %arg4: memref<8192x2048xf32, #tpu.memory_space<hbm>>, %arg5: memref<16384x2048xf32, #tpu.memory_space<hbm>>, %arg6: memref<128x4xi32, #tpu.memory_space<vmem>>, %arg7: memref<4x2048xf32, #tpu.memory_space<vmem>>, %arg8: memref<4x2048xf32, #tpu.memory_space<vmem>>, %arg9: memref<4x2048xf32, #tpu.memory_space<vmem>>, %arg10: memref<4x2048xf32, #tpu.memory_space<vmem>>, %arg11: memref<4x2048xf32, #tpu.memory_space<vmem>>, %arg12: memref<4x2048xf32, #tpu.memory_space<vmem>>, %arg13: memref<4x2048xf32, #tpu.memory_space<vmem>>, %arg14: memref<4x2048xf32, #tpu.memory_space<vmem>>, %arg15: memref<4x2048xf32, #tpu.memory_space<vmem>>, %arg16: memref<4x2048xf32, #tpu.memory_space<vmem>>, %arg17: memref<!tpu.dma_semaphore, #tpu.memory_space<semaphore_mem>>, %arg18: memref<!tpu.dma_semaphore, #tpu.memory_space<semaphore_mem>>, %arg19: memref<!tpu.dma_semaphore, #tpu.memory_space<semaphore_mem>>, %arg20: memref<!tpu.dma_semaphore, #tpu.memory_space<semaphore_mem>>, %arg21: memref<!tpu.dma_semaphore, #tpu.memory_space<semaphore_mem>>, %arg22: memref<!tpu.dma_semaphore, #tpu.memory_space<semaphore_mem>>, %arg23: memref<!tpu.dma_semaphore, #tpu.memory_space<semaphore_mem>>, %arg24: memref<!tpu.dma_semaphore, #tpu.memory_space<semaphore_mem>>, %arg25: memref<!tpu.dma_semaphore, #tpu.memory_space<semaphore_mem>>, %arg26: memref<!tpu.dma_semaphore, #tpu.memory_space<semaphore_mem>>, %arg27: memref<!tpu.dma_semaphore, #tpu.memory_space<semaphore_mem>>, %arg28: memref<!tpu.dma_semaphore, #tpu.memory_space<semaphore_mem>>, %arg29: memref<!tpu.dma_semaphore, #tpu.memory_space<semaphore_mem>>, %arg30: memref<!tpu.dma_semaphore, #tpu.memory_space<semaphore_mem>>, %arg31: memref<!tpu.dma_semaphore, #tpu.memory_space<semaphore_mem>>, %arg32: memref<!tpu.dma_semaphore, #tpu.memory_space<semaphore_mem>>, %arg33: memref<!tpu.dma_semaphore, #tpu.memory_space<semaphore_mem>>, %arg34: memref<!tpu.dma_semaphore, #tpu.memory_space<semaphore_mem>>) attributes {dimension_semantics = [#tpu.dimension_semantics<core_parallel>, #tpu.dimension_semantics<subcore_parallel>], iteration_bounds = array<i64: 2, 16>, scalar_prefetch = 0 : i64, scratch_operands = 29 : i64, tpu.core_type = #tpu.core_type<sc_vector_subcore>, window_params = [{transform_indices = #map}, {transform_indices = #map}, {transform_indices = #map}, {transform_indices = #map}]} {
    %mul3A = arith.constant 2 : i32
    %mul3A_0 = arith.muli %arg1, %mul3A : i32
    %add3A = arith.addi %mul3A_0, %arg0 : i32
    %mul3A_1 = arith.constant 128 : i32
    %mul3A_2 = arith.muli %add3A, %mul3A_1 : i32
    %mul3A_3 = arith.constant 32 : i32
    %mul3A_4 = arith.muli %add3A, %mul3A_3 : i32
    %add3A_5 = arith.constant 0 : i32
    %add3A_6 = arith.addi %add3A_5, %mul3A_4 : i32
    %dma_start3A = arith.constant 0 : i32
    %dma_start3A_7 = arith.constant 0 : i32
    %dma_start3A_8 = tpu.memref_slice %arg6[%dma_start3A, %dma_start3A_7] : memref<128x4xi32, #tpu.memory_space<vmem>> -> memref<32x4xi32, #tpu.memory_space<vmem>>
    %dma_start3A_9 = arith.constant 0 : i32
    %dma_start3A_10 = tpu.memref_slice %arg2[%add3A_6, %dma_start3A_9] : memref<4096x4xi32, #tpu.memory_space<hbm>> -> memref<32x4xi32, #tpu.memory_space<hbm>>
    %dma_start3A_11 = arith.constant 0 : i32
    %dma_start3A_12 = arith.constant 0 : i32
    %dma_start3A_13 = tpu.memref_slice %arg6[%dma_start3A_11, %dma_start3A_12] : memref<128x4xi32, #tpu.memory_space<vmem>> -> memref<32x4xi32, #tpu.memory_space<vmem>>
    %dma_start3A_14 = arith.constant 0 : i32
    %dma_start3A_15 = tpu.memref_slice %arg2[%add3A_6, %dma_start3A_14] : memref<4096x4xi32, #tpu.memory_space<hbm>> -> memref<32x4xi32, #tpu.memory_space<hbm>>
    tpu.enqueue_dma source(%dma_start3A_15 : memref<32x4xi32, #tpu.memory_space<hbm>>) target(%dma_start3A_13 : memref<32x4xi32, #tpu.memory_space<vmem>>) target_semaphore(%arg33 : memref<!tpu.dma_semaphore, #tpu.memory_space<semaphore_mem>>)
    %mul3A_16 = arith.constant 32 : i32
    %mul3A_17 = arith.muli %add3A, %mul3A_16 : i32
    %add3A_18 = arith.constant 1024 : i32
    %add3A_19 = arith.addi %add3A_18, %mul3A_17 : i32
    %dma_start3A_20 = arith.constant 32 : i32
    %dma_start3A_21 = arith.constant 0 : i32
    %dma_start3A_22 = tpu.memref_slice %arg6[%dma_start3A_20, %dma_start3A_21] : memref<128x4xi32, #tpu.memory_space<vmem>> -> memref<32x4xi32, #tpu.memory_space<vmem>>
    %dma_start3A_23 = arith.constant 0 : i32
    %dma_start3A_24 = tpu.memref_slice %arg2[%add3A_19, %dma_start3A_23] : memref<4096x4xi32, #tpu.memory_space<hbm>> -> memref<32x4xi32, #tpu.memory_space<hbm>>
    %dma_start3A_25 = arith.constant 32 : i32
    %dma_start3A_26 = arith.constant 0 : i32
    %dma_start3A_27 = tpu.memref_slice %arg6[%dma_start3A_25, %dma_start3A_26] : memref<128x4xi32, #tpu.memory_space<vmem>> -> memref<32x4xi32, #tpu.memory_space<vmem>>
    %dma_start3A_28 = arith.constant 0 : i32
    %dma_start3A_29 = tpu.memref_slice %arg2[%add3A_19, %dma_start3A_28] : memref<4096x4xi32, #tpu.memory_space<hbm>> -> memref<32x4xi32, #tpu.memory_space<hbm>>
    tpu.enqueue_dma source(%dma_start3A_29 : memref<32x4xi32, #tpu.memory_space<hbm>>) target(%dma_start3A_27 : memref<32x4xi32, #tpu.memory_space<vmem>>) target_semaphore(%arg33 : memref<!tpu.dma_semaphore, #tpu.memory_space<semaphore_mem>>)
    %mul3A_30 = arith.constant 32 : i32
    %mul3A_31 = arith.muli %add3A, %mul3A_30 : i32
    %add3A_32 = arith.constant 2048 : i32
    %add3A_33 = arith.addi %add3A_32, %mul3A_31 : i32
    %dma_start3A_34 = arith.constant 64 : i32
    %dma_start3A_35 = arith.constant 0 : i32
    %dma_start3A_36 = tpu.memref_slice %arg6[%dma_start3A_34, %dma_start3A_35] : memref<128x4xi32, #tpu.memory_space<vmem>> -> memref<32x4xi32, #tpu.memory_space<vmem>>
    %dma_start3A_37 = arith.constant 0 : i32
    %dma_start3A_38 = tpu.memref_slice %arg2[%add3A_33, %dma_start3A_37] : memref<4096x4xi32, #tpu.memory_space<hbm>> -> memref<32x4xi32, #tpu.memory_space<hbm>>
    %dma_start3A_39 = arith.constant 64 : i32
    %dma_start3A_40 = arith.constant 0 : i32
    %dma_start3A_41 = tpu.memref_slice %arg6[%dma_start3A_39, %dma_start3A_40] : memref<128x4xi32, #tpu.memory_space<vmem>> -> memref<32x4xi32, #tpu.memory_space<vmem>>
    %dma_start3A_42 = arith.constant 0 : i32
    %dma_start3A_43 = tpu.memref_slice %arg2[%add3A_33, %dma_start3A_42] : memref<4096x4xi32, #tpu.memory_space<hbm>> -> memref<32x4xi32, #tpu.memory_space<hbm>>
    tpu.enqueue_dma source(%dma_start3A_43 : memref<32x4xi32, #tpu.memory_space<hbm>>) target(%dma_start3A_41 : memref<32x4xi32, #tpu.memory_space<vmem>>) target_semaphore(%arg33 : memref<!tpu.dma_semaphore, #tpu.memory_space<semaphore_mem>>)
    %mul3A_44 = arith.constant 32 : i32
    %mul3A_45 = arith.muli %add3A, %mul3A_44 : i32
    %add3A_46 = arith.constant 3072 : i32
    %add3A_47 = arith.addi %add3A_46, %mul3A_45 : i32
    %dma_start3A_48 = arith.constant 96 : i32
    %dma_start3A_49 = arith.constant 0 : i32
    %dma_start3A_50 = tpu.memref_slice %arg6[%dma_start3A_48, %dma_start3A_49] : memref<128x4xi32, #tpu.memory_space<vmem>> -> memref<32x4xi32, #tpu.memory_space<vmem>>
    %dma_start3A_51 = arith.constant 0 : i32
    %dma_start3A_52 = tpu.memref_slice %arg2[%add3A_47, %dma_start3A_51] : memref<4096x4xi32, #tpu.memory_space<hbm>> -> memref<32x4xi32, #tpu.memory_space<hbm>>
    %dma_start3A_53 = arith.constant 96 : i32
    %dma_start3A_54 = arith.constant 0 : i32
    %dma_start3A_55 = tpu.memref_slice %arg6[%dma_start3A_53, %dma_start3A_54] : memref<128x4xi32, #tpu.memory_space<vmem>> -> memref<32x4xi32, #tpu.memory_space<vmem>>
    %dma_start3A_56 = arith.constant 0 : i32
    %dma_start3A_57 = tpu.memref_slice %arg2[%add3A_47, %dma_start3A_56] : memref<4096x4xi32, #tpu.memory_space<hbm>> -> memref<32x4xi32, #tpu.memory_space<hbm>>
    tpu.enqueue_dma source(%dma_start3A_57 : memref<32x4xi32, #tpu.memory_space<hbm>>) target(%dma_start3A_55 : memref<32x4xi32, #tpu.memory_space<vmem>>) target_semaphore(%arg33 : memref<!tpu.dma_semaphore, #tpu.memory_space<semaphore_mem>>)
    %mul3A_58 = arith.constant 32 : i32
    %mul3A_59 = arith.muli %add3A, %mul3A_58 : i32
    %add3A_60 = arith.constant 0 : i32
    %add3A_61 = arith.addi %add3A_60, %mul3A_59 : i32
    %dma_wait3A = arith.constant 0 : i32
    %dma_wait3A_62 = arith.constant 0 : i32
    %dma_wait3A_63 = tpu.memref_slice %arg6[%dma_wait3A, %dma_wait3A_62] : memref<128x4xi32, #tpu.memory_space<vmem>> -> memref<32x4xi32, #tpu.memory_space<vmem>>
    %dma_wait3A_64 = arith.constant 0 : i32
    %dma_wait3A_65 = tpu.memref_slice %arg2[%add3A_61, %dma_wait3A_64] : memref<4096x4xi32, #tpu.memory_space<hbm>> -> memref<32x4xi32, #tpu.memory_space<hbm>>
    %dma_wait3A_66 = arith.constant 0 : i32
    %dma_wait3A_67 = arith.constant 0 : i32
    %dma_wait3A_68 = tpu.memref_slice %arg6[%dma_wait3A_66, %dma_wait3A_67] : memref<128x4xi32, #tpu.memory_space<vmem>> -> memref<32x4xi32, #tpu.memory_space<vmem>>
    %dma_wait3A_69 = arith.constant 0 : i32
    %dma_wait3A_70 = tpu.memref_slice %arg2[%add3A_61, %dma_wait3A_69] : memref<4096x4xi32, #tpu.memory_space<hbm>> -> memref<32x4xi32, #tpu.memory_space<hbm>>
    tpu.wait_dma2 semaphore(%arg33 : memref<!tpu.dma_semaphore, #tpu.memory_space<semaphore_mem>>) src(%dma_wait3A_70 : memref<32x4xi32, #tpu.memory_space<hbm>>) dst(%dma_wait3A_68 : memref<32x4xi32, #tpu.memory_space<vmem>>)
    %mul3A_71 = arith.constant 32 : i32
    %mul3A_72 = arith.muli %add3A, %mul3A_71 : i32
    %add3A_73 = arith.constant 1024 : i32
    %add3A_74 = arith.addi %add3A_73, %mul3A_72 : i32
    %dma_wait3A_75 = arith.constant 32 : i32
    %dma_wait3A_76 = arith.constant 0 : i32
    %dma_wait3A_77 = tpu.memref_slice %arg6[%dma_wait3A_75, %dma_wait3A_76] : memref<128x4xi32, #tpu.memory_space<vmem>> -> memref<32x4xi32, #tpu.memory_space<vmem>>
    %dma_wait3A_78 = arith.constant 0 : i32
    %dma_wait3A_79 = tpu.memref_slice %arg2[%add3A_74, %dma_wait3A_78] : memref<4096x4xi32, #tpu.memory_space<hbm>> -> memref<32x4xi32, #tpu.memory_space<hbm>>
    %dma_wait3A_80 = arith.constant 32 : i32
    %dma_wait3A_81 = arith.constant 0 : i32
    %dma_wait3A_82 = tpu.memref_slice %arg6[%dma_wait3A_80, %dma_wait3A_81] : memref<128x4xi32, #tpu.memory_space<vmem>> -> memref<32x4xi32, #tpu.memory_space<vmem>>
    %dma_wait3A_83 = arith.constant 0 : i32
    %dma_wait3A_84 = tpu.memref_slice %arg2[%add3A_74, %dma_wait3A_83] : memref<4096x4xi32, #tpu.memory_space<hbm>> -> memref<32x4xi32, #tpu.memory_space<hbm>>
    tpu.wait_dma2 semaphore(%arg33 : memref<!tpu.dma_semaphore, #tpu.memory_space<semaphore_mem>>) src(%dma_wait3A_84 : memref<32x4xi32, #tpu.memory_space<hbm>>) dst(%dma_wait3A_82 : memref<32x4xi32, #tpu.memory_space<vmem>>)
    %mul3A_85 = arith.constant 32 : i32
    %mul3A_86 = arith.muli %add3A, %mul3A_85 : i32
    %add3A_87 = arith.constant 2048 : i32
    %add3A_88 = arith.addi %add3A_87, %mul3A_86 : i32
    %dma_wait3A_89 = arith.constant 64 : i32
    %dma_wait3A_90 = arith.constant 0 : i32
    %dma_wait3A_91 = tpu.memref_slice %arg6[%dma_wait3A_89, %dma_wait3A_90] : memref<128x4xi32, #tpu.memory_space<vmem>> -> memref<32x4xi32, #tpu.memory_space<vmem>>
    %dma_wait3A_92 = arith.constant 0 : i32
    %dma_wait3A_93 = tpu.memref_slice %arg2[%add3A_88, %dma_wait3A_92] : memref<4096x4xi32, #tpu.memory_space<hbm>> -> memref<32x4xi32, #tpu.memory_space<hbm>>
    %dma_wait3A_94 = arith.constant 64 : i32
    %dma_wait3A_95 = arith.constant 0 : i32
    %dma_wait3A_96 = tpu.memref_slice %arg6[%dma_wait3A_94, %dma_wait3A_95] : memref<128x4xi32, #tpu.memory_space<vmem>> -> memref<32x4xi32, #tpu.memory_space<vmem>>
    %dma_wait3A_97 = arith.constant 0 : i32
    %dma_wait3A_98 = tpu.memref_slice %arg2[%add3A_88, %dma_wait3A_97] : memref<4096x4xi32, #tpu.memory_space<hbm>> -> memref<32x4xi32, #tpu.memory_space<hbm>>
    tpu.wait_dma2 semaphore(%arg33 : memref<!tpu.dma_semaphore, #tpu.memory_space<semaphore_mem>>) src(%dma_wait3A_98 : memref<32x4xi32, #tpu.memory_space<hbm>>) dst(%dma_wait3A_96 : memref<32x4xi32, #tpu.memory_space<vmem>>)
    %mul3A_99 = arith.constant 32 : i32
    %mul3A_100 = arith.muli %add3A, %mul3A_99 : i32
    %add3A_101 = arith.constant 3072 : i32
    %add3A_102 = arith.addi %add3A_101, %mul3A_100 : i32
    %dma_wait3A_103 = arith.constant 96 : i32
    %dma_wait3A_104 = arith.constant 0 : i32
    %dma_wait3A_105 = tpu.memref_slice %arg6[%dma_wait3A_103, %dma_wait3A_104] : memref<128x4xi32, #tpu.memory_space<vmem>> -> memref<32x4xi32, #tpu.memory_space<vmem>>
    %dma_wait3A_106 = arith.constant 0 : i32
    %dma_wait3A_107 = tpu.memref_slice %arg2[%add3A_102, %dma_wait3A_106] : memref<4096x4xi32, #tpu.memory_space<hbm>> -> memref<32x4xi32, #tpu.memory_space<hbm>>
    %dma_wait3A_108 = arith.constant 96 : i32
    %dma_wait3A_109 = arith.constant 0 : i32
    %dma_wait3A_110 = tpu.memref_slice %arg6[%dma_wait3A_108, %dma_wait3A_109] : memref<128x4xi32, #tpu.memory_space<vmem>> -> memref<32x4xi32, #tpu.memory_space<vmem>>
    %dma_wait3A_111 = arith.constant 0 : i32
    %dma_wait3A_112 = tpu.memref_slice %arg2[%add3A_102, %dma_wait3A_111] : memref<4096x4xi32, #tpu.memory_space<hbm>> -> memref<32x4xi32, #tpu.memory_space<hbm>>
    tpu.wait_dma2 semaphore(%arg33 : memref<!tpu.dma_semaphore, #tpu.memory_space<semaphore_mem>>) src(%dma_wait3A_112 : memref<32x4xi32, #tpu.memory_space<hbm>>) dst(%dma_wait3A_110 : memref<32x4xi32, #tpu.memory_space<vmem>>)
    %add3A_113 = arith.constant 0 : i32
    %add3A_114 = arith.addi %mul3A_2, %add3A_113 : i32
    %dma_start3A_115 = arith.constant 0 : i32
    %dma_start3A_116 = tpu.memref_slice %arg4[%add3A_114, %dma_start3A_115] : memref<8192x2048xf32, #tpu.memory_space<hbm>> -> memref<4x2048xf32, #tpu.memory_space<hbm>>
    %dma_start3A_117 = arith.constant 0 : i32
    %dma_start3A_118 = tpu.memref_slice %arg4[%add3A_114, %dma_start3A_117] : memref<8192x2048xf32, #tpu.memory_space<hbm>> -> memref<4x2048xf32, #tpu.memory_space<hbm>>
    tpu.enqueue_dma source(%dma_start3A_118 : memref<4x2048xf32, #tpu.memory_space<hbm>>) target(%arg15 : memref<4x2048xf32, #tpu.memory_space<vmem>>) target_semaphore(%arg33 : memref<!tpu.dma_semaphore, #tpu.memory_space<semaphore_mem>>)
    %add3A_119 = arith.constant 4 : i32
    %add3A_120 = arith.addi %mul3A_2, %add3A_119 : i32
    %dma_start3A_121 = arith.constant 0 : i32
    %dma_start3A_122 = tpu.memref_slice %arg4[%add3A_120, %dma_start3A_121] : memref<8192x2048xf32, #tpu.memory_space<hbm>> -> memref<4x2048xf32, #tpu.memory_space<hbm>>
    %dma_start3A_123 = arith.constant 0 : i32
    %dma_start3A_124 = tpu.memref_slice %arg4[%add3A_120, %dma_start3A_123] : memref<8192x2048xf32, #tpu.memory_space<hbm>> -> memref<4x2048xf32, #tpu.memory_space<hbm>>
    tpu.enqueue_dma source(%dma_start3A_124 : memref<4x2048xf32, #tpu.memory_space<hbm>>) target(%arg16 : memref<4x2048xf32, #tpu.memory_space<vmem>>) target_semaphore(%arg34 : memref<!tpu.dma_semaphore, #tpu.memory_space<semaphore_mem>>)
    %dma_start3A_125 = arith.constant 0 : i32
    %dma_start3A_126 = arith.constant 0 : i32
    %dma_start3A_127 = tpu.memref_slice %arg6[%dma_start3A_125, %dma_start3A_126] : memref<128x4xi32, #tpu.memory_space<vmem>> -> memref<1x4xi32, #tpu.memory_space<vmem>>
    %dma_start3A_128 = tpu.memref_squeeze %dma_start3A_127 : memref<1x4xi32, #tpu.memory_space<vmem>> -> memref<4xi32, #tpu.memory_space<vmem>>
    %dma_start3A_129 = arith.constant 0 : i32
    %dma_start3A_130 = arith.constant 0 : i32
    %dma_start3A_131 = tpu.memref_slice %arg3[%dma_start3A_129, %dma_start3A_130] : memref<100000x2048xf32, #tpu.memory_space<hbm>> -> memref<100000x2048xf32, #tpu.memory_space<hbm>>
    tpu.enqueue_indirect_dma source(%dma_start3A_131 : memref<100000x2048xf32, #tpu.memory_space<hbm>>) target(%arg7 : memref<4x2048xf32, #tpu.memory_space<vmem>>) offsets(%dma_start3A_128 : memref<4xi32, #tpu.memory_space<vmem>>) semaphore(%arg17 : memref<!tpu.dma_semaphore, #tpu.memory_space<semaphore_mem>>)
    %dma_start3A_132 = arith.constant 32 : i32
    %dma_start3A_133 = arith.constant 0 : i32
    %dma_start3A_134 = tpu.memref_slice %arg6[%dma_start3A_132, %dma_start3A_133] : memref<128x4xi32, #tpu.memory_space<vmem>> -> memref<1x4xi32, #tpu.memory_space<vmem>>
    %dma_start3A_135 = tpu.memref_squeeze %dma_start3A_134 : memref<1x4xi32, #tpu.memory_space<vmem>> -> memref<4xi32, #tpu.memory_space<vmem>>
    %dma_start3A_136 = arith.constant 0 : i32
    %dma_start3A_137 = arith.constant 0 : i32
    %dma_start3A_138 = tpu.memref_slice %arg3[%dma_start3A_136, %dma_start3A_137] : memref<100000x2048xf32, #tpu.memory_space<hbm>> -> memref<100000x2048xf32, #tpu.memory_space<hbm>>
    tpu.enqueue_indirect_dma source(%dma_start3A_138 : memref<100000x2048xf32, #tpu.memory_space<hbm>>) target(%arg8 : memref<4x2048xf32, #tpu.memory_space<vmem>>) offsets(%dma_start3A_135 : memref<4xi32, #tpu.memory_space<vmem>>) semaphore(%arg18 : memref<!tpu.dma_semaphore, #tpu.memory_space<semaphore_mem>>)
    %dma_start3A_139 = arith.constant 64 : i32
    %dma_start3A_140 = arith.constant 0 : i32
    %dma_start3A_141 = tpu.memref_slice %arg6[%dma_start3A_139, %dma_start3A_140] : memref<128x4xi32, #tpu.memory_space<vmem>> -> memref<1x4xi32, #tpu.memory_space<vmem>>
    %dma_start3A_142 = tpu.memref_squeeze %dma_start3A_141 : memref<1x4xi32, #tpu.memory_space<vmem>> -> memref<4xi32, #tpu.memory_space<vmem>>
    %dma_start3A_143 = arith.constant 0 : i32
    %dma_start3A_144 = arith.constant 0 : i32
    %dma_start3A_145 = tpu.memref_slice %arg3[%dma_start3A_143, %dma_start3A_144] : memref<100000x2048xf32, #tpu.memory_space<hbm>> -> memref<100000x2048xf32, #tpu.memory_space<hbm>>
    tpu.enqueue_indirect_dma source(%dma_start3A_145 : memref<100000x2048xf32, #tpu.memory_space<hbm>>) target(%arg9 : memref<4x2048xf32, #tpu.memory_space<vmem>>) offsets(%dma_start3A_142 : memref<4xi32, #tpu.memory_space<vmem>>) semaphore(%arg19 : memref<!tpu.dma_semaphore, #tpu.memory_space<semaphore_mem>>)
    %dma_start3A_146 = arith.constant 96 : i32
    %dma_start3A_147 = arith.constant 0 : i32
    %dma_start3A_148 = tpu.memref_slice %arg6[%dma_start3A_146, %dma_start3A_147] : memref<128x4xi32, #tpu.memory_space<vmem>> -> memref<1x4xi32, #tpu.memory_space<vmem>>
    %dma_start3A_149 = tpu.memref_squeeze %dma_start3A_148 : memref<1x4xi32, #tpu.memory_space<vmem>> -> memref<4xi32, #tpu.memory_space<vmem>>
    %dma_start3A_150 = arith.constant 0 : i32
    %dma_start3A_151 = arith.constant 0 : i32
    %dma_start3A_152 = tpu.memref_slice %arg3[%dma_start3A_150, %dma_start3A_151] : memref<100000x2048xf32, #tpu.memory_space<hbm>> -> memref<100000x2048xf32, #tpu.memory_space<hbm>>
    tpu.enqueue_indirect_dma source(%dma_start3A_152 : memref<100000x2048xf32, #tpu.memory_space<hbm>>) target(%arg10 : memref<4x2048xf32, #tpu.memory_space<vmem>>) offsets(%dma_start3A_149 : memref<4xi32, #tpu.memory_space<vmem>>) semaphore(%arg20 : memref<!tpu.dma_semaphore, #tpu.memory_space<semaphore_mem>>)
    %dma_start3A_153 = arith.constant 1 : i32
    %dma_start3A_154 = arith.constant 0 : i32
    %dma_start3A_155 = tpu.memref_slice %arg6[%dma_start3A_153, %dma_start3A_154] : memref<128x4xi32, #tpu.memory_space<vmem>> -> memref<1x4xi32, #tpu.memory_space<vmem>>
    %dma_start3A_156 = tpu.memref_squeeze %dma_start3A_155 : memref<1x4xi32, #tpu.memory_space<vmem>> -> memref<4xi32, #tpu.memory_space<vmem>>
    %dma_start3A_157 = arith.constant 0 : i32
    %dma_start3A_158 = arith.constant 0 : i32
    %dma_start3A_159 = tpu.memref_slice %arg3[%dma_start3A_157, %dma_start3A_158] : memref<100000x2048xf32, #tpu.memory_space<hbm>> -> memref<100000x2048xf32, #tpu.memory_space<hbm>>
    tpu.enqueue_indirect_dma source(%dma_start3A_159 : memref<100000x2048xf32, #tpu.memory_space<hbm>>) target(%arg11 : memref<4x2048xf32, #tpu.memory_space<vmem>>) offsets(%dma_start3A_156 : memref<4xi32, #tpu.memory_space<vmem>>) semaphore(%arg21 : memref<!tpu.dma_semaphore, #tpu.memory_space<semaphore_mem>>)
    %dma_start3A_160 = arith.constant 33 : i32
    %dma_start3A_161 = arith.constant 0 : i32
    %dma_start3A_162 = tpu.memref_slice %arg6[%dma_start3A_160, %dma_start3A_161] : memref<128x4xi32, #tpu.memory_space<vmem>> -> memref<1x4xi32, #tpu.memory_space<vmem>>
    %dma_start3A_163 = tpu.memref_squeeze %dma_start3A_162 : memref<1x4xi32, #tpu.memory_space<vmem>> -> memref<4xi32, #tpu.memory_space<vmem>>
    %dma_start3A_164 = arith.constant 0 : i32
    %dma_start3A_165 = arith.constant 0 : i32
    %dma_start3A_166 = tpu.memref_slice %arg3[%dma_start3A_164, %dma_start3A_165] : memref<100000x2048xf32, #tpu.memory_space<hbm>> -> memref<100000x2048xf32, #tpu.memory_space<hbm>>
    tpu.enqueue_indirect_dma source(%dma_start3A_166 : memref<100000x2048xf32, #tpu.memory_space<hbm>>) target(%arg12 : memref<4x2048xf32, #tpu.memory_space<vmem>>) offsets(%dma_start3A_163 : memref<4xi32, #tpu.memory_space<vmem>>) semaphore(%arg22 : memref<!tpu.dma_semaphore, #tpu.memory_space<semaphore_mem>>)
    %dma_start3A_167 = arith.constant 65 : i32
    %dma_start3A_168 = arith.constant 0 : i32
    %dma_start3A_169 = tpu.memref_slice %arg6[%dma_start3A_167, %dma_start3A_168] : memref<128x4xi32, #tpu.memory_space<vmem>> -> memref<1x4xi32, #tpu.memory_space<vmem>>
    %dma_start3A_170 = tpu.memref_squeeze %dma_start3A_169 : memref<1x4xi32, #tpu.memory_space<vmem>> -> memref<4xi32, #tpu.memory_space<vmem>>
    %dma_start3A_171 = arith.constant 0 : i32
    %dma_start3A_172 = arith.constant 0 : i32
    %dma_start3A_173 = tpu.memref_slice %arg3[%dma_start3A_171, %dma_start3A_172] : memref<100000x2048xf32, #tpu.memory_space<hbm>> -> memref<100000x2048xf32, #tpu.memory_space<hbm>>
    tpu.enqueue_indirect_dma source(%dma_start3A_173 : memref<100000x2048xf32, #tpu.memory_space<hbm>>) target(%arg13 : memref<4x2048xf32, #tpu.memory_space<vmem>>) offsets(%dma_start3A_170 : memref<4xi32, #tpu.memory_space<vmem>>) semaphore(%arg23 : memref<!tpu.dma_semaphore, #tpu.memory_space<semaphore_mem>>)
    %dma_start3A_174 = arith.constant 97 : i32
    %dma_start3A_175 = arith.constant 0 : i32
    %dma_start3A_176 = tpu.memref_slice %arg6[%dma_start3A_174, %dma_start3A_175] : memref<128x4xi32, #tpu.memory_space<vmem>> -> memref<1x4xi32, #tpu.memory_space<vmem>>
    %dma_start3A_177 = tpu.memref_squeeze %dma_start3A_176 : memref<1x4xi32, #tpu.memory_space<vmem>> -> memref<4xi32, #tpu.memory_space<vmem>>
    %dma_start3A_178 = arith.constant 0 : i32
    %dma_start3A_179 = arith.constant 0 : i32
    %dma_start3A_180 = tpu.memref_slice %arg3[%dma_start3A_178, %dma_start3A_179] : memref<100000x2048xf32, #tpu.memory_space<hbm>> -> memref<100000x2048xf32, #tpu.memory_space<hbm>>
    tpu.enqueue_indirect_dma source(%dma_start3A_180 : memref<100000x2048xf32, #tpu.memory_space<hbm>>) target(%arg14 : memref<4x2048xf32, #tpu.memory_space<vmem>>) offsets(%dma_start3A_177 : memref<4xi32, #tpu.memory_space<vmem>>) semaphore(%arg24 : memref<!tpu.dma_semaphore, #tpu.memory_space<semaphore_mem>>)
    %dma_wait3A_181 = arith.constant 0 : i32
    %dma_wait3A_182 = tpu.memref_slice %arg4[%mul3A_2, %dma_wait3A_181] : memref<8192x2048xf32, #tpu.memory_space<hbm>> -> memref<4x2048xf32, #tpu.memory_space<hbm>>
    %dma_wait3A_183 = arith.constant 0 : i32
    %dma_wait3A_184 = tpu.memref_slice %arg4[%mul3A_2, %dma_wait3A_183] : memref<8192x2048xf32, #tpu.memory_space<hbm>> -> memref<4x2048xf32, #tpu.memory_space<hbm>>
    tpu.wait_dma2 semaphore(%arg33 : memref<!tpu.dma_semaphore, #tpu.memory_space<semaphore_mem>>) src(%dma_wait3A_184 : memref<4x2048xf32, #tpu.memory_space<hbm>>) dst(%arg15 : memref<4x2048xf32, #tpu.memory_space<vmem>>)
    %dma_wait3A_185 = arith.constant 0 : i32
    %dma_wait3A_186 = arith.constant 0 : i32
    %dma_wait3A_187 = tpu.memref_slice %arg6[%dma_wait3A_185, %dma_wait3A_186] : memref<128x4xi32, #tpu.memory_space<vmem>> -> memref<1x4xi32, #tpu.memory_space<vmem>>
    %dma_wait3A_188 = tpu.memref_squeeze %dma_wait3A_187 : memref<1x4xi32, #tpu.memory_space<vmem>> -> memref<4xi32, #tpu.memory_space<vmem>>
    %dma_wait3A_189 = arith.constant 0 : i32
    %dma_wait3A_190 = arith.constant 0 : i32
    %dma_wait3A_191 = tpu.memref_slice %arg3[%dma_wait3A_189, %dma_wait3A_190] : memref<100000x2048xf32, #tpu.memory_space<hbm>> -> memref<100000x2048xf32, #tpu.memory_space<hbm>>
    tpu.wait_indirect_dma semaphore(%arg17 : memref<!tpu.dma_semaphore, #tpu.memory_space<semaphore_mem>>) src(%dma_wait3A_191 : memref<100000x2048xf32, #tpu.memory_space<hbm>>) dst(%arg7 : memref<4x2048xf32, #tpu.memory_space<vmem>>)
    %dma_wait3A_192 = arith.constant 32 : i32
    %dma_wait3A_193 = arith.constant 0 : i32
    %dma_wait3A_194 = tpu.memref_slice %arg6[%dma_wait3A_192, %dma_wait3A_193] : memref<128x4xi32, #tpu.memory_space<vmem>> -> memref<1x4xi32, #tpu.memory_space<vmem>>
    %dma_wait3A_195 = tpu.memref_squeeze %dma_wait3A_194 : memref<1x4xi32, #tpu.memory_space<vmem>> -> memref<4xi32, #tpu.memory_space<vmem>>
    %dma_wait3A_196 = arith.constant 0 : i32
    %dma_wait3A_197 = arith.constant 0 : i32
    %dma_wait3A_198 = tpu.memref_slice %arg3[%dma_wait3A_196, %dma_wait3A_197] : memref<100000x2048xf32, #tpu.memory_space<hbm>> -> memref<100000x2048xf32, #tpu.memory_space<hbm>>
    tpu.wait_indirect_dma semaphore(%arg18 : memref<!tpu.dma_semaphore, #tpu.memory_space<semaphore_mem>>) src(%dma_wait3A_198 : memref<100000x2048xf32, #tpu.memory_space<hbm>>) dst(%arg8 : memref<4x2048xf32, #tpu.memory_space<vmem>>)
    %dma_wait3A_199 = arith.constant 64 : i32
    %dma_wait3A_200 = arith.constant 0 : i32
    %dma_wait3A_201 = tpu.memref_slice %arg6[%dma_wait3A_199, %dma_wait3A_200] : memref<128x4xi32, #tpu.memory_space<vmem>> -> memref<1x4xi32, #tpu.memory_space<vmem>>
    %dma_wait3A_202 = tpu.memref_squeeze %dma_wait3A_201 : memref<1x4xi32, #tpu.memory_space<vmem>> -> memref<4xi32, #tpu.memory_space<vmem>>
    %dma_wait3A_203 = arith.constant 0 : i32
    %dma_wait3A_204 = arith.constant 0 : i32
    %dma_wait3A_205 = tpu.memref_slice %arg3[%dma_wait3A_203, %dma_wait3A_204] : memref<100000x2048xf32, #tpu.memory_space<hbm>> -> memref<100000x2048xf32, #tpu.memory_space<hbm>>
    tpu.wait_indirect_dma semaphore(%arg19 : memref<!tpu.dma_semaphore, #tpu.memory_space<semaphore_mem>>) src(%dma_wait3A_205 : memref<100000x2048xf32, #tpu.memory_space<hbm>>) dst(%arg9 : memref<4x2048xf32, #tpu.memory_space<vmem>>)
    %dma_wait3A_206 = arith.constant 96 : i32
    %dma_wait3A_207 = arith.constant 0 : i32
    %dma_wait3A_208 = tpu.memref_slice %arg6[%dma_wait3A_206, %dma_wait3A_207] : memref<128x4xi32, #tpu.memory_space<vmem>> -> memref<1x4xi32, #tpu.memory_space<vmem>>
    %dma_wait3A_209 = tpu.memref_squeeze %dma_wait3A_208 : memref<1x4xi32, #tpu.memory_space<vmem>> -> memref<4xi32, #tpu.memory_space<vmem>>
    %dma_wait3A_210 = arith.constant 0 : i32
    %dma_wait3A_211 = arith.constant 0 : i32
    %dma_wait3A_212 = tpu.memref_slice %arg3[%dma_wait3A_210, %dma_wait3A_211] : memref<100000x2048xf32, #tpu.memory_space<hbm>> -> memref<100000x2048xf32, #tpu.memory_space<hbm>>
    tpu.wait_indirect_dma semaphore(%arg20 : memref<!tpu.dma_semaphore, #tpu.memory_space<semaphore_mem>>) src(%dma_wait3A_212 : memref<100000x2048xf32, #tpu.memory_space<hbm>>) dst(%arg10 : memref<4x2048xf32, #tpu.memory_space<vmem>>)
    %scan3A = arith.constant 0 : i32
    %scan3A_213 = arith.constant 0 : i32
    %scan3A_214 = arith.constant 4 : i32
    %scan3A_215 = arith.addi %scan3A_213, %scan3A_214 : i32
    %scan3A_216 = arith.constant 1 : i32
    %scan3A_217 = scf.for %scan3A_353 = %scan3A_213 to %scan3A_215 step %scan3A_216 iter_args(%scan3A_354 = %scan3A) -> (i32)  : i32 {
      %scan3A_355 = arith.constant 0 : i32
      %scan3A_356 = arith.constant 0 : i32
      %scan3A_357 = arith.constant 16 : i32
      %scan3A_358 = arith.addi %scan3A_356, %scan3A_357 : i32
      %scan3A_359 = arith.constant 1 : i32
      %scan3A_360 = scf.for %scan3A_415 = %scan3A_356 to %scan3A_358 step %scan3A_359 iter_args(%scan3A_416 = %scan3A_355) -> (i32)  : i32 {
        %mul3A_417 = arith.constant 128 : i32
        %mul3A_418 = arith.muli %scan3A_415, %mul3A_417 : i32
        %add3A_419 = arith.constant 0 : i32
        %add3A_420 = arith.addi %mul3A_418, %add3A_419 : i32
        %get3A = arith.index_cast %scan3A_353 : i32 to index
        %get3A_421 = arith.index_cast %add3A_420 : i32 to index
        %get3A_422 = tpu.vector_load %arg15[%get3A, %get3A_421] {strides = array<i32>} : memref<4x2048xf32, #tpu.memory_space<vmem>>, vector<1x16xf32>,
        %get3A_423 = vector.shape_cast %get3A_422 : vector<1x16xf32> to vector<16xf32>
        %add3A_424 = arith.constant 16 : i32
        %add3A_425 = arith.addi %mul3A_418, %add3A_424 : i32
        %get3A_426 = arith.index_cast %scan3A_353 : i32 to index
        %get3A_427 = arith.index_cast %add3A_425 : i32 to index
        %get3A_428 = tpu.vector_load %arg15[%get3A_426, %get3A_427] {strides = array<i32>} : memref<4x2048xf32, #tpu.memory_space<vmem>>, vector<1x16xf32>,
        %get3A_429 = vector.shape_cast %get3A_428 : vector<1x16xf32> to vector<16xf32>
        %add3A_430 = arith.constant 32 : i32
        %add3A_431 = arith.addi %mul3A_418, %add3A_430 : i32
        %get3A_432 = arith.index_cast %scan3A_353 : i32 to index
        %get3A_433 = arith.index_cast %add3A_431 : i32 to index
        %get3A_434 = tpu.vector_load %arg15[%get3A_432, %get3A_433] {strides = array<i32>} : memref<4x2048xf32, #tpu.memory_space<vmem>>, vector<1x16xf32>,
        %get3A_435 = vector.shape_cast %get3A_434 : vector<1x16xf32> to vector<16xf32>
        %add3A_436 = arith.constant 48 : i32
        %add3A_437 = arith.addi %mul3A_418, %add3A_436 : i32
        %get3A_438 = arith.index_cast %scan3A_353 : i32 to index
        %get3A_439 = arith.index_cast %add3A_437 : i32 to index
        %get3A_440 = tpu.vector_load %arg15[%get3A_438, %get3A_439] {strides = array<i32>} : memref<4x2048xf32, #tpu.memory_space<vmem>>, vector<1x16xf32>,
        %get3A_441 = vector.shape_cast %get3A_440 : vector<1x16xf32> to vector<16xf32>
        %add3A_442 = arith.constant 64 : i32
        %add3A_443 = arith.addi %mul3A_418, %add3A_442 : i32
        %get3A_444 = arith.index_cast %scan3A_353 : i32 to index
        %get3A_445 = arith.index_cast %add3A_443 : i32 to index
        %get3A_446 = tpu.vector_load %arg15[%get3A_444, %get3A_445] {strides = array<i32>} : memref<4x2048xf32, #tpu.memory_space<vmem>>, vector<1x16xf32>,
        %get3A_447 = vector.shape_cast %get3A_446 : vector<1x16xf32> to vector<16xf32>
        %add3A_448 = arith.constant 80 : i32
        %add3A_449 = arith.addi %mul3A_418, %add3A_448 : i32
        %get3A_450 = arith.index_cast %scan3A_353 : i32 to index
        %get3A_451 = arith.index_cast %add3A_449 : i32 to index
        %get3A_452 = tpu.vector_load %arg15[%get3A_450, %get3A_451] {strides = array<i32>} : memref<4x2048xf32, #tpu.memory_space<vmem>>, vector<1x16xf32>,
        %get3A_453 = vector.shape_cast %get3A_452 : vector<1x16xf32> to vector<16xf32>
        %add3A_454 = arith.constant 96 : i32
        %add3A_455 = arith.addi %mul3A_418, %add3A_454 : i32
        %get3A_456 = arith.index_cast %scan3A_353 : i32 to index
        %get3A_457 = arith.index_cast %add3A_455 : i32 to index
        %get3A_458 = tpu.vector_load %arg15[%get3A_456, %get3A_457] {strides = array<i32>} : memref<4x2048xf32, #tpu.memory_space<vmem>>, vector<1x16xf32>,
        %get3A_459 = vector.shape_cast %get3A_458 : vector<1x16xf32> to vector<16xf32>
        %add3A_460 = arith.constant 112 : i32
        %add3A_461 = arith.addi %mul3A_418, %add3A_460 : i32
        %get3A_462 = arith.index_cast %scan3A_353 : i32 to index
        %get3A_463 = arith.index_cast %add3A_461 : i32 to index
        %get3A_464 = tpu.vector_load %arg15[%get3A_462, %get3A_463] {strides = array<i32>} : memref<4x2048xf32, #tpu.memory_space<vmem>>, vector<1x16xf32>,
        %get3A_465 = vector.shape_cast %get3A_464 : vector<1x16xf32> to vector<16xf32>
        %add3A_466 = arith.constant 0 : i32
        %add3A_467 = arith.addi %mul3A_418, %add3A_466 : i32
        %swap3A = arith.index_cast %scan3A_353 : i32 to index
        %swap3A_468 = arith.index_cast %add3A_467 : i32 to index
        %swap3A_469 = tpu.vector_load %arg7[%swap3A, %swap3A_468] {strides = array<i32>} : memref<4x2048xf32, #tpu.memory_space<vmem>>, vector<1x16xf32>,
        %swap3A_470 = vector.shape_cast %swap3A_469 : vector<1x16xf32> to vector<16xf32>
        %swap3A_471 = vector.shape_cast %get3A_423 : vector<16xf32> to vector<1x16xf32>
        tpu.vector_store %arg7[%swap3A, %swap3A_468], %swap3A_471 {add = true, strides = array<i32>} : memref<4x2048xf32, #tpu.memory_space<vmem>>, vector<1x16xf32>,
        %swap3A_472 = arith.index_cast %scan3A_353 : i32 to index
        %swap3A_473 = arith.index_cast %add3A_467 : i32 to index
        %swap3A_474 = tpu.vector_load %arg8[%swap3A_472, %swap3A_473] {strides = array<i32>} : memref<4x2048xf32, #tpu.memory_space<vmem>>, vector<1x16xf32>,
        %swap3A_475 = vector.shape_cast %swap3A_474 : vector<1x16xf32> to vector<16xf32>
        %swap3A_476 = vector.shape_cast %get3A_423 : vector<16xf32> to vector<1x16xf32>
        tpu.vector_store %arg8[%swap3A_472, %swap3A_473], %swap3A_476 {add = true, strides = array<i32>} : memref<4x2048xf32, #tpu.memory_space<vmem>>, vector<1x16xf32>,
        %swap3A_477 = arith.index_cast %scan3A_353 : i32 to index
        %swap3A_478 = arith.index_cast %add3A_467 : i32 to index
        %swap3A_479 = tpu.vector_load %arg9[%swap3A_477, %swap3A_478] {strides = array<i32>} : memref<4x2048xf32, #tpu.memory_space<vmem>>, vector<1x16xf32>,
        %swap3A_480 = vector.shape_cast %swap3A_479 : vector<1x16xf32> to vector<16xf32>
        %swap3A_481 = vector.shape_cast %get3A_423 : vector<16xf32> to vector<1x16xf32>
        tpu.vector_store %arg9[%swap3A_477, %swap3A_478], %swap3A_481 {add = true, strides = array<i32>} : memref<4x2048xf32, #tpu.memory_space<vmem>>, vector<1x16xf32>,
        %swap3A_482 = arith.index_cast %scan3A_353 : i32 to index
        %swap3A_483 = arith.index_cast %add3A_467 : i32 to index
        %swap3A_484 = tpu.vector_load %arg10[%swap3A_482, %swap3A_483] {strides = array<i32>} : memref<4x2048xf32, #tpu.memory_space<vmem>>, vector<1x16xf32>,
        %swap3A_485 = vector.shape_cast %swap3A_484 : vector<1x16xf32> to vector<16xf32>
        %swap3A_486 = vector.shape_cast %get3A_423 : vector<16xf32> to vector<1x16xf32>
        tpu.vector_store %arg10[%swap3A_482, %swap3A_483], %swap3A_486 {add = true, strides = array<i32>} : memref<4x2048xf32, #tpu.memory_space<vmem>>, vector<1x16xf32>,
        %add3A_487 = arith.constant 16 : i32
        %add3A_488 = arith.addi %mul3A_418, %add3A_487 : i32
        %swap3A_489 = arith.index_cast %scan3A_353 : i32 to index
        %swap3A_490 = arith.index_cast %add3A_488 : i32 to index
        %swap3A_491 = tpu.vector_load %arg7[%swap3A_489, %swap3A_490] {strides = array<i32>} : memref<4x2048xf32, #tpu.memory_space<vmem>>, vector<1x16xf32>,
        %swap3A_492 = vector.shape_cast %swap3A_491 : vector<1x16xf32> to vector<16xf32>
        %swap3A_493 = vector.shape_cast %get3A_429 : vector<16xf32> to vector<1x16xf32>
        tpu.vector_store %arg7[%swap3A_489, %swap3A_490], %swap3A_493 {add = true, strides = array<i32>} : memref<4x2048xf32, #tpu.memory_space<vmem>>, vector<1x16xf32>,
        %swap3A_494 = arith.index_cast %scan3A_353 : i32 to index
        %swap3A_495 = arith.index_cast %add3A_488 : i32 to index
        %swap3A_496 = tpu.vector_load %arg8[%swap3A_494, %swap3A_495] {strides = array<i32>} : memref<4x2048xf32, #tpu.memory_space<vmem>>, vector<1x16xf32>,
        %swap3A_497 = vector.shape_cast %swap3A_496 : vector<1x16xf32> to vector<16xf32>
        %swap3A_498 = vector.shape_cast %get3A_429 : vector<16xf32> to vector<1x16xf32>
        tpu.vector_store %arg8[%swap3A_494, %swap3A_495], %swap3A_498 {add = true, strides = array<i32>} : memref<4x2048xf32, #tpu.memory_space<vmem>>, vector<1x16xf32>,
        %swap3A_499 = arith.index_cast %scan3A_353 : i32 to index
        %swap3A_500 = arith.index_cast %add3A_488 : i32 to index
        %swap3A_501 = tpu.vector_load %arg9[%swap3A_499, %swap3A_500] {strides = array<i32>} : memref<4x2048xf32, #tpu.memory_space<vmem>>, vector<1x16xf32>,
        %swap3A_502 = vector.shape_cast %swap3A_501 : vector<1x16xf32> to vector<16xf32>
        %swap3A_503 = vector.shape_cast %get3A_429 : vector<16xf32> to vector<1x16xf32>
        tpu.vector_store %arg9[%swap3A_499, %swap3A_500], %swap3A_503 {add = true, strides = array<i32>} : memref<4x2048xf32, #tpu.memory_space<vmem>>, vector<1x16xf32>,
        %swap3A_504 = arith.index_cast %scan3A_353 : i32 to index
        %swap3A_505 = arith.index_cast %add3A_488 : i32 to index
        %swap3A_506 = tpu.vector_load %arg10[%swap3A_504, %swap3A_505] {strides = array<i32>} : memref<4x2048xf32, #tpu.memory_space<vmem>>, vector<1x16xf32>,
        %swap3A_507 = vector.shape_cast %swap3A_506 : vector<1x16xf32> to vector<16xf32>
        %swap3A_508 = vector.shape_cast %get3A_429 : vector<16xf32> to vector<1x16xf32>
        tpu.vector_store %arg10[%swap3A_504, %swap3A_505], %swap3A_508 {add = true, strides = array<i32>} : memref<4x2048xf32, #tpu.memory_space<vmem>>, vector<1x16xf32>,
        %add3A_509 = arith.constant 32 : i32
        %add3A_510 = arith.addi %mul3A_418, %add3A_509 : i32
        %swap3A_511 = arith.index_cast %scan3A_353 : i32 to index
        %swap3A_512 = arith.index_cast %add3A_510 : i32 to index
        %swap3A_513 = tpu.vector_load %arg7[%swap3A_511, %swap3A_512] {strides = array<i32>} : memref<4x2048xf32, #tpu.memory_space<vmem>>, vector<1x16xf32>,
        %swap3A_514 = vector.shape_cast %swap3A_513 : vector<1x16xf32> to vector<16xf32>
        %swap3A_515 = vector.shape_cast %get3A_435 : vector<16xf32> to vector<1x16xf32>
        tpu.vector_store %arg7[%swap3A_511, %swap3A_512], %swap3A_515 {add = true, strides = array<i32>} : memref<4x2048xf32, #tpu.memory_space<vmem>>, vector<1x16xf32>,
        %swap3A_516 = arith.index_cast %scan3A_353 : i32 to index
        %swap3A_517 = arith.index_cast %add3A_510 : i32 to index
        %swap3A_518 = tpu.vector_load %arg8[%swap3A_516, %swap3A_517] {strides = array<i32>} : memref<4x2048xf32, #tpu.memory_space<vmem>>, vector<1x16xf32>,
        %swap3A_519 = vector.shape_cast %swap3A_518 : vector<1x16xf32> to vector<16xf32>
        %swap3A_520 = vector.shape_cast %get3A_435 : vector<16xf32> to vector<1x16xf32>
        tpu.vector_store %arg8[%swap3A_516, %swap3A_517], %swap3A_520 {add = true, strides = array<i32>} : memref<4x2048xf32, #tpu.memory_space<vmem>>, vector<1x16xf32>,
        %swap3A_521 = arith.index_cast %scan3A_353 : i32 to index
        %swap3A_522 = arith.index_cast %add3A_510 : i32 to index
        %swap3A_523 = tpu.vector_load %arg9[%swap3A_521, %swap3A_522] {strides = array<i32>} : memref<4x2048xf32, #tpu.memory_space<vmem>>, vector<1x16xf32>,
        %swap3A_524 = vector.shape_cast %swap3A_523 : vector<1x16xf32> to vector<16xf32>
        %swap3A_525 = vector.shape_cast %get3A_435 : vector<16xf32> to vector<1x16xf32>
        tpu.vector_store %arg9[%swap3A_521, %swap3A_522], %swap3A_525 {add = true, strides = array<i32>} : memref<4x2048xf32, #tpu.memory_space<vmem>>, vector<1x16xf32>,
        %swap3A_526 = arith.index_cast %scan3A_353 : i32 to index
        %swap3A_527 = arith.index_cast %add3A_510 : i32 to index
        %swap3A_528 = tpu.vector_load %arg10[%swap3A_526, %swap3A_527] {strides = array<i32>} : memref<4x2048xf32, #tpu.memory_space<vmem>>, vector<1x16xf32>,
        %swap3A_529 = vector.shape_cast %swap3A_528 : vector<1x16xf32> to vector<16xf32>
        %swap3A_530 = vector.shape_cast %get3A_435 : vector<16xf32> to vector<1x16xf32>
        tpu.vector_store %arg10[%swap3A_526, %swap3A_527], %swap3A_530 {add = true, strides = array<i32>} : memref<4x2048xf32, #tpu.memory_space<vmem>>, vector<1x16xf32>,
        %add3A_531 = arith.constant 48 : i32
        %add3A_532 = arith.addi %mul3A_418, %add3A_531 : i32
        %swap3A_533 = arith.index_cast %scan3A_353 : i32 to index
        %swap3A_534 = arith.index_cast %add3A_532 : i32 to index
        %swap3A_535 = tpu.vector_load %arg7[%swap3A_533, %swap3A_534] {strides = array<i32>} : memref<4x2048xf32, #tpu.memory_space<vmem>>, vector<1x16xf32>,
        %swap3A_536 = vector.shape_cast %swap3A_535 : vector<1x16xf32> to vector<16xf32>
        %swap3A_537 = vector.shape_cast %get3A_441 : vector<16xf32> to vector<1x16xf32>
        tpu.vector_store %arg7[%swap3A_533, %swap3A_534], %swap3A_537 {add = true, strides = array<i32>} : memref<4x2048xf32, #tpu.memory_space<vmem>>, vector<1x16xf32>,
        %swap3A_538 = arith.index_cast %scan3A_353 : i32 to index
        %swap3A_539 = arith.index_cast %add3A_532 : i32 to index
        %swap3A_540 = tpu.vector_load %arg8[%swap3A_538, %swap3A_539] {strides = array<i32>} : memref<4x2048xf32, #tpu.memory_space<vmem>>, vector<1x16xf32>,
        %swap3A_541 = vector.shape_cast %swap3A_540 : vector<1x16xf32> to vector<16xf32>
        %swap3A_542 = vector.shape_cast %get3A_441 : vector<16xf32> to vector<1x16xf32>
        tpu.vector_store %arg8[%swap3A_538, %swap3A_539], %swap3A_542 {add = true, strides = array<i32>} : memref<4x2048xf32, #tpu.memory_space<vmem>>, vector<1x16xf32>,
        %swap3A_543 = arith.index_cast %scan3A_353 : i32 to index
        %swap3A_544 = arith.index_cast %add3A_532 : i32 to index
        %swap3A_545 = tpu.vector_load %arg9[%swap3A_543, %swap3A_544] {strides = array<i32>} : memref<4x2048xf32, #tpu.memory_space<vmem>>, vector<1x16xf32>,
        %swap3A_546 = vector.shape_cast %swap3A_545 : vector<1x16xf32> to vector<16xf32>
        %swap3A_547 = vector.shape_cast %get3A_441 : vector<16xf32> to vector<1x16xf32>
        tpu.vector_store %arg9[%swap3A_543, %swap3A_544], %swap3A_547 {add = true, strides = array<i32>} : memref<4x2048xf32, #tpu.memory_space<vmem>>, vector<1x16xf32>,
        %swap3A_548 = arith.index_cast %scan3A_353 : i32 to index
        %swap3A_549 = arith.index_cast %add3A_532 : i32 to index
        %swap3A_550 = tpu.vector_load %arg10[%swap3A_548, %swap3A_549] {strides = array<i32>} : memref<4x2048xf32, #tpu.memory_space<vmem>>, vector<1x16xf32>,
        %swap3A_551 = vector.shape_cast %swap3A_550 : vector<1x16xf32> to vector<16xf32>
        %swap3A_552 = vector.shape_cast %get3A_441 : vector<16xf32> to vector<1x16xf32>
        tpu.vector_store %arg10[%swap3A_548, %swap3A_549], %swap3A_552 {add = true, strides = array<i32>} : memref<4x2048xf32, #tpu.memory_space<vmem>>, vector<1x16xf32>,
        %add3A_553 = arith.constant 64 : i32
        %add3A_554 = arith.addi %mul3A_418, %add3A_553 : i32
        %swap3A_555 = arith.index_cast %scan3A_353 : i32 to index
        %swap3A_556 = arith.index_cast %add3A_554 : i32 to index
        %swap3A_557 = tpu.vector_load %arg7[%swap3A_555, %swap3A_556] {strides = array<i32>} : memref<4x2048xf32, #tpu.memory_space<vmem>>, vector<1x16xf32>,
        %swap3A_558 = vector.shape_cast %swap3A_557 : vector<1x16xf32> to vector<16xf32>
        %swap3A_559 = vector.shape_cast %get3A_447 : vector<16xf32> to vector<1x16xf32>
        tpu.vector_store %arg7[%swap3A_555, %swap3A_556], %swap3A_559 {add = true, strides = array<i32>} : memref<4x2048xf32, #tpu.memory_space<vmem>>, vector<1x16xf32>,
        %swap3A_560 = arith.index_cast %scan3A_353 : i32 to index
        %swap3A_561 = arith.index_cast %add3A_554 : i32 to index
        %swap3A_562 = tpu.vector_load %arg8[%swap3A_560, %swap3A_561] {strides = array<i32>} : memref<4x2048xf32, #tpu.memory_space<vmem>>, vector<1x16xf32>,
        %swap3A_563 = vector.shape_cast %swap3A_562 : vector<1x16xf32> to vector<16xf32>
        %swap3A_564 = vector.shape_cast %get3A_447 : vector<16xf32> to vector<1x16xf32>
        tpu.vector_store %arg8[%swap3A_560, %swap3A_561], %swap3A_564 {add = true, strides = array<i32>} : memref<4x2048xf32, #tpu.memory_space<vmem>>, vector<1x16xf32>,
        %swap3A_565 = arith.index_cast %scan3A_353 : i32 to index
        %swap3A_566 = arith.index_cast %add3A_554 : i32 to index
        %swap3A_567 = tpu.vector_load %arg9[%swap3A_565, %swap3A_566] {strides = array<i32>} : memref<4x2048xf32, #tpu.memory_space<vmem>>, vector<1x16xf32>,
        %swap3A_568 = vector.shape_cast %swap3A_567 : vector<1x16xf32> to vector<16xf32>
        %swap3A_569 = vector.shape_cast %get3A_447 : vector<16xf32> to vector<1x16xf32>
        tpu.vector_store %arg9[%swap3A_565, %swap3A_566], %swap3A_569 {add = true, strides = array<i32>} : memref<4x2048xf32, #tpu.memory_space<vmem>>, vector<1x16xf32>,
        %swap3A_570 = arith.index_cast %scan3A_353 : i32 to index
        %swap3A_571 = arith.index_cast %add3A_554 : i32 to index
        %swap3A_572 = tpu.vector_load %arg10[%swap3A_570, %swap3A_571] {strides = array<i32>} : memref<4x2048xf32, #tpu.memory_space<vmem>>, vector<1x16xf32>,
        %swap3A_573 = vector.shape_cast %swap3A_572 : vector<1x16xf32> to vector<16xf32>
        %swap3A_574 = vector.shape_cast %get3A_447 : vector<16xf32> to vector<1x16xf32>
        tpu.vector_store %arg10[%swap3A_570, %swap3A_571], %swap3A_574 {add = true, strides = array<i32>} : memref<4x2048xf32, #tpu.memory_space<vmem>>, vector<1x16xf32>,
        %add3A_575 = arith.constant 80 : i32
        %add3A_576 = arith.addi %mul3A_418, %add3A_575 : i32
        %swap3A_577 = arith.index_cast %scan3A_353 : i32 to index
        %swap3A_578 = arith.index_cast %add3A_576 : i32 to index
        %swap3A_579 = tpu.vector_load %arg7[%swap3A_577, %swap3A_578] {strides = array<i32>} : memref<4x2048xf32, #tpu.memory_space<vmem>>, vector<1x16xf32>,
        %swap3A_580 = vector.shape_cast %swap3A_579 : vector<1x16xf32> to vector<16xf32>
        %swap3A_581 = vector.shape_cast %get3A_453 : vector<16xf32> to vector<1x16xf32>
        tpu.vector_store %arg7[%swap3A_577, %swap3A_578], %swap3A_581 {add = true, strides = array<i32>} : memref<4x2048xf32, #tpu.memory_space<vmem>>, vector<1x16xf32>,
        %swap3A_582 = arith.index_cast %scan3A_353 : i32 to index
        %swap3A_583 = arith.index_cast %add3A_576 : i32 to index
        %swap3A_584 = tpu.vector_load %arg8[%swap3A_582, %swap3A_583] {strides = array<i32>} : memref<4x2048xf32, #tpu.memory_space<vmem>>, vector<1x16xf32>,
        %swap3A_585 = vector.shape_cast %swap3A_584 : vector<1x16xf32> to vector<16xf32>
        %swap3A_586 = vector.shape_cast %get3A_453 : vector<16xf32> to vector<1x16xf32>
        tpu.vector_store %arg8[%swap3A_582, %swap3A_583], %swap3A_586 {add = true, strides = array<i32>} : memref<4x2048xf32, #tpu.memory_space<vmem>>, vector<1x16xf32>,
        %swap3A_587 = arith.index_cast %scan3A_353 : i32 to index
        %swap3A_588 = arith.index_cast %add3A_576 : i32 to index
        %swap3A_589 = tpu.vector_load %arg9[%swap3A_587, %swap3A_588] {strides = array<i32>} : memref<4x2048xf32, #tpu.memory_space<vmem>>, vector<1x16xf32>,
        %swap3A_590 = vector.shape_cast %swap3A_589 : vector<1x16xf32> to vector<16xf32>
        %swap3A_591 = vector.shape_cast %get3A_453 : vector<16xf32> to vector<1x16xf32>
        tpu.vector_store %arg9[%swap3A_587, %swap3A_588], %swap3A_591 {add = true, strides = array<i32>} : memref<4x2048xf32, #tpu.memory_space<vmem>>, vector<1x16xf32>,
        %swap3A_592 = arith.index_cast %scan3A_353 : i32 to index
        %swap3A_593 = arith.index_cast %add3A_576 : i32 to index
        %swap3A_594 = tpu.vector_load %arg10[%swap3A_592, %swap3A_593] {strides = array<i32>} : memref<4x2048xf32, #tpu.memory_space<vmem>>, vector<1x16xf32>,
        %swap3A_595 = vector.shape_cast %swap3A_594 : vector<1x16xf32> to vector<16xf32>
        %swap3A_596 = vector.shape_cast %get3A_453 : vector<16xf32> to vector<1x16xf32>
        tpu.vector_store %arg10[%swap3A_592, %swap3A_593], %swap3A_596 {add = true, strides = array<i32>} : memref<4x2048xf32, #tpu.memory_space<vmem>>, vector<1x16xf32>,
        %add3A_597 = arith.constant 96 : i32
        %add3A_598 = arith.addi %mul3A_418, %add3A_597 : i32
        %swap3A_599 = arith.index_cast %scan3A_353 : i32 to index
        %swap3A_600 = arith.index_cast %add3A_598 : i32 to index
        %swap3A_601 = tpu.vector_load %arg7[%swap3A_599, %swap3A_600] {strides = array<i32>} : memref<4x2048xf32, #tpu.memory_space<vmem>>, vector<1x16xf32>,
        %swap3A_602 = vector.shape_cast %swap3A_601 : vector<1x16xf32> to vector<16xf32>
        %swap3A_603 = vector.shape_cast %get3A_459 : vector<16xf32> to vector<1x16xf32>
        tpu.vector_store %arg7[%swap3A_599, %swap3A_600], %swap3A_603 {add = true, strides = array<i32>} : memref<4x2048xf32, #tpu.memory_space<vmem>>, vector<1x16xf32>,
        %swap3A_604 = arith.index_cast %scan3A_353 : i32 to index
        %swap3A_605 = arith.index_cast %add3A_598 : i32 to index
        %swap3A_606 = tpu.vector_load %arg8[%swap3A_604, %swap3A_605] {strides = array<i32>} : memref<4x2048xf32, #tpu.memory_space<vmem>>, vector<1x16xf32>,
        %swap3A_607 = vector.shape_cast %swap3A_606 : vector<1x16xf32> to vector<16xf32>
        %swap3A_608 = vector.shape_cast %get3A_459 : vector<16xf32> to vector<1x16xf32>
        tpu.vector_store %arg8[%swap3A_604, %swap3A_605], %swap3A_608 {add = true, strides = array<i32>} : memref<4x2048xf32, #tpu.memory_space<vmem>>, vector<1x16xf32>,
        %swap3A_609 = arith.index_cast %scan3A_353 : i32 to index
        %swap3A_610 = arith.index_cast %add3A_598 : i32 to index
        %swap3A_611 = tpu.vector_load %arg9[%swap3A_609, %swap3A_610] {strides = array<i32>} : memref<4x2048xf32, #tpu.memory_space<vmem>>, vector<1x16xf32>,
        %swap3A_612 = vector.shape_cast %swap3A_611 : vector<1x16xf32> to vector<16xf32>
        %swap3A_613 = vector.shape_cast %get3A_459 : vector<16xf32> to vector<1x16xf32>
        tpu.vector_store %arg9[%swap3A_609, %swap3A_610], %swap3A_613 {add = true, strides = array<i32>} : memref<4x2048xf32, #tpu.memory_space<vmem>>, vector<1x16xf32>,
        %swap3A_614 = arith.index_cast %scan3A_353 : i32 to index
        %swap3A_615 = arith.index_cast %add3A_598 : i32 to index
        %swap3A_616 = tpu.vector_load %arg10[%swap3A_614, %swap3A_615] {strides = array<i32>} : memref<4x2048xf32, #tpu.memory_space<vmem>>, vector<1x16xf32>,
        %swap3A_617 = vector.shape_cast %swap3A_616 : vector<1x16xf32> to vector<16xf32>
        %swap3A_618 = vector.shape_cast %get3A_459 : vector<16xf32> to vector<1x16xf32>
        tpu.vector_store %arg10[%swap3A_614, %swap3A_615], %swap3A_618 {add = true, strides = array<i32>} : memref<4x2048xf32, #tpu.memory_space<vmem>>, vector<1x16xf32>,
        %add3A_619 = arith.constant 112 : i32
        %add3A_620 = arith.addi %mul3A_418, %add3A_619 : i32
        %swap3A_621 = arith.index_cast %scan3A_353 : i32 to index
        %swap3A_622 = arith.index_cast %add3A_620 : i32 to index
        %swap3A_623 = tpu.vector_load %arg7[%swap3A_621, %swap3A_622] {strides = array<i32>} : memref<4x2048xf32, #tpu.memory_space<vmem>>, vector<1x16xf32>,
        %swap3A_624 = vector.shape_cast %swap3A_623 : vector<1x16xf32> to vector<16xf32>
        %swap3A_625 = vector.shape_cast %get3A_465 : vector<16xf32> to vector<1x16xf32>
        tpu.vector_store %arg7[%swap3A_621, %swap3A_622], %swap3A_625 {add = true, strides = array<i32>} : memref<4x2048xf32, #tpu.memory_space<vmem>>, vector<1x16xf32>,
        %swap3A_626 = arith.index_cast %scan3A_353 : i32 to index
        %swap3A_627 = arith.index_cast %add3A_620 : i32 to index
        %swap3A_628 = tpu.vector_load %arg8[%swap3A_626, %swap3A_627] {strides = array<i32>} : memref<4x2048xf32, #tpu.memory_space<vmem>>, vector<1x16xf32>,
        %swap3A_629 = vector.shape_cast %swap3A_628 : vector<1x16xf32> to vector<16xf32>
        %swap3A_630 = vector.shape_cast %get3A_465 : vector<16xf32> to vector<1x16xf32>
        tpu.vector_store %arg8[%swap3A_626, %swap3A_627], %swap3A_630 {add = true, strides = array<i32>} : memref<4x2048xf32, #tpu.memory_space<vmem>>, vector<1x16xf32>,
        %swap3A_631 = arith.index_cast %scan3A_353 : i32 to index
        %swap3A_632 = arith.index_cast %add3A_620 : i32 to index
        %swap3A_633 = tpu.vector_load %arg9[%swap3A_631, %swap3A_632] {strides = array<i32>} : memref<4x2048xf32, #tpu.memory_space<vmem>>, vector<1x16xf32>,
        %swap3A_634 = vector.shape_cast %swap3A_633 : vector<1x16xf32> to vector<16xf32>
        %swap3A_635 = vector.shape_cast %get3A_465 : vector<16xf32> to vector<1x16xf32>
        tpu.vector_store %arg9[%swap3A_631, %swap3A_632], %swap3A_635 {add = true, strides = array<i32>} : memref<4x2048xf32, #tpu.memory_space<vmem>>, vector<1x16xf32>,
        %swap3A_636 = arith.index_cast %scan3A_353 : i32 to index
        %swap3A_637 = arith.index_cast %add3A_620 : i32 to index
        %swap3A_638 = tpu.vector_load %arg10[%swap3A_636, %swap3A_637] {strides = array<i32>} : memref<4x2048xf32, #tpu.memory_space<vmem>>, vector<1x16xf32>,
        %swap3A_639 = vector.shape_cast %swap3A_638 : vector<1x16xf32> to vector<16xf32>
        %swap3A_640 = vector.shape_cast %get3A_465 : vector<16xf32> to vector<1x16xf32>
        tpu.vector_store %arg10[%swap3A_636, %swap3A_637], %swap3A_640 {add = true, strides = array<i32>} : memref<4x2048xf32, #tpu.memory_space<vmem>>, vector<1x16xf32>,
        %scan3A_641 = arith.constant 0 : i32
        scf.yield %scan3A_641 : i32
      }
      %scan3A_361 = arith.constant 16 : i32
      %add3A_362 = arith.constant 0 : i32
      %add3A_363 = arith.addi %add3A_362, %mul3A_2 : i32
      %add3A_364 = arith.constant 0 : i32
      %add3A_365 = arith.addi %add3A_363, %add3A_364 : i32
      %add3A_366 = arith.addi %add3A_365, %scan3A_353 : i32
      %dma_start3A_367 = arith.constant 0 : i32
      %dma_start3A_368 = tpu.memref_slice %arg7[%scan3A_353, %dma_start3A_367] : memref<4x2048xf32, #tpu.memory_space<vmem>> -> memref<1x2048xf32, #tpu.memory_space<vmem>>
      %dma_start3A_369 = arith.constant 0 : i32
      %dma_start3A_370 = tpu.memref_slice %arg5[%add3A_366, %dma_start3A_369] : memref<16384x2048xf32, #tpu.memory_space<hbm>> -> memref<1x2048xf32, #tpu.memory_space<hbm>>
      %dma_start3A_371 = arith.constant 0 : i32
      %dma_start3A_372 = tpu.memref_slice %arg5[%add3A_366, %dma_start3A_371] : memref<16384x2048xf32, #tpu.memory_space<hbm>> -> memref<1x2048xf32, #tpu.memory_space<hbm>>
      %dma_start3A_373 = arith.constant 0 : i32
      %dma_start3A_374 = tpu.memref_slice %arg7[%scan3A_353, %dma_start3A_373] : memref<4x2048xf32, #tpu.memory_space<vmem>> -> memref<1x2048xf32, #tpu.memory_space<vmem>>
      tpu.enqueue_dma source(%dma_start3A_374 : memref<1x2048xf32, #tpu.memory_space<vmem>>) target(%dma_start3A_372 : memref<1x2048xf32, #tpu.memory_space<hbm>>) target_semaphore(%arg25 : memref<!tpu.dma_semaphore, #tpu.memory_space<semaphore_mem>>)
      %add3A_375 = arith.constant 4096 : i32
      %add3A_376 = arith.addi %add3A_375, %mul3A_2 : i32
      %add3A_377 = arith.constant 0 : i32
      %add3A_378 = arith.addi %add3A_376, %add3A_377 : i32
      %add3A_379 = arith.addi %add3A_378, %scan3A_353 : i32
      %dma_start3A_380 = arith.constant 0 : i32
      %dma_start3A_381 = tpu.memref_slice %arg8[%scan3A_353, %dma_start3A_380] : memref<4x2048xf32, #tpu.memory_space<vmem>> -> memref<1x2048xf32, #tpu.memory_space<vmem>>
      %dma_start3A_382 = arith.constant 0 : i32
      %dma_start3A_383 = tpu.memref_slice %arg5[%add3A_379, %dma_start3A_382] : memref<16384x2048xf32, #tpu.memory_space<hbm>> -> memref<1x2048xf32, #tpu.memory_space<hbm>>
      %dma_start3A_384 = arith.constant 0 : i32
      %dma_start3A_385 = tpu.memref_slice %arg5[%add3A_379, %dma_start3A_384] : memref<16384x2048xf32, #tpu.memory_space<hbm>> -> memref<1x2048xf32, #tpu.memory_space<hbm>>
      %dma_start3A_386 = arith.constant 0 : i32
      %dma_start3A_387 = tpu.memref_slice %arg8[%scan3A_353, %dma_start3A_386] : memref<4x2048xf32, #tpu.memory_space<vmem>> -> memref<1x2048xf32, #tpu.memory_space<vmem>>
      tpu.enqueue_dma source(%dma_start3A_387 : memref<1x2048xf32, #tpu.memory_space<vmem>>) target(%dma_start3A_385 : memref<1x2048xf32, #tpu.memory_space<hbm>>) target_semaphore(%arg26 : memref<!tpu.dma_semaphore, #tpu.memory_space<semaphore_mem>>)
      %add3A_388 = arith.constant 8192 : i32
      %add3A_389 = arith.addi %add3A_388, %mul3A_2 : i32
      %add3A_390 = arith.constant 0 : i32
      %add3A_391 = arith.addi %add3A_389, %add3A_390 : i32
      %add3A_392 = arith.addi %add3A_391, %scan3A_353 : i32
      %dma_start3A_393 = arith.constant 0 : i32
      %dma_start3A_394 = tpu.memref_slice %arg9[%scan3A_353, %dma_start3A_393] : memref<4x2048xf32, #tpu.memory_space<vmem>> -> memref<1x2048xf32, #tpu.memory_space<vmem>>
      %dma_start3A_395 = arith.constant 0 : i32
      %dma_start3A_396 = tpu.memref_slice %arg5[%add3A_392, %dma_start3A_395] : memref<16384x2048xf32, #tpu.memory_space<hbm>> -> memref<1x2048xf32, #tpu.memory_space<hbm>>
      %dma_start3A_397 = arith.constant 0 : i32
      %dma_start3A_398 = tpu.memref_slice %arg5[%add3A_392, %dma_start3A_397] : memref<16384x2048xf32, #tpu.memory_space<hbm>> -> memref<1x2048xf32, #tpu.memory_space<hbm>>
      %dma_start3A_399 = arith.constant 0 : i32
      %dma_start3A_400 = tpu.memref_slice %arg9[%scan3A_353, %dma_start3A_399] : memref<4x2048xf32, #tpu.memory_space<vmem>> -> memref<1x2048xf32, #tpu.memory_space<vmem>>
      tpu.enqueue_dma source(%dma_start3A_400 : memref<1x2048xf32, #tpu.memory_space<vmem>>) target(%dma_start3A_398 : memref<1x2048xf32, #tpu.memory_space<hbm>>) target_semaphore(%arg27 : memref<!tpu.dma_semaphore, #tpu.memory_space<semaphore_mem>>)
      %add3A_401 = arith.constant 12288 : i32
      %add3A_402 = arith.addi %add3A_401, %mul3A_2 : i32
      %add3A_403 = arith.constant 0 : i32
      %add3A_404 = arith.addi %add3A_402, %add3A_403 : i32
      %add3A_405 = arith.addi %add3A_404, %scan3A_353 : i32
      %dma_start3A_406 = arith.constant 0 : i32
      %dma_start3A_407 = tpu.memref_slice %arg10[%scan3A_353, %dma_start3A_406] : memref<4x2048xf32, #tpu.memory_space<vmem>> -> memref<1x2048xf32, #tpu.memory_space<vmem>>
      %dma_start3A_408 = arith.constant 0 : i32
      %dma_start3A_409 = tpu.memref_slice %arg5[%add3A_405, %dma_start3A_408] : memref<16384x2048xf32, #tpu.memory_space<hbm>> -> memref<1x2048xf32, #tpu.memory_space<hbm>>
      %dma_start3A_410 = arith.constant 0 : i32
      %dma_start3A_411 = tpu.memref_slice %arg5[%add3A_405, %dma_start3A_410] : memref<16384x2048xf32, #tpu.memory_space<hbm>> -> memref<1x2048xf32, #tpu.memory_space<hbm>>
      %dma_start3A_412 = arith.constant 0 : i32
      %dma_start3A_413 = tpu.memref_slice %arg10[%scan3A_353, %dma_start3A_412] : memref<4x2048xf32, #tpu.memory_space<vmem>> -> memref<1x2048xf32, #tpu.memory_space<vmem>>
      tpu.enqueue_dma source(%dma_start3A_413 : memref<1x2048xf32, #tpu.memory_space<vmem>>) target(%dma_start3A_411 : memref<1x2048xf32, #tpu.memory_space<hbm>>) target_semaphore(%arg28 : memref<!tpu.dma_semaphore, #tpu.memory_space<semaphore_mem>>)
      %scan3A_414 = arith.constant 0 : i32
      scf.yield %scan3A_414 : i32
    }
    %scan3A_218 = arith.constant 4 : i32
    %add3A_219 = arith.constant 8 : i32
    %add3A_220 = arith.addi %mul3A_2, %add3A_219 : i32
    %dma_start3A_221 = arith.constant 0 : i32
    %dma_start3A_222 = tpu.memref_slice %arg4[%add3A_220, %dma_start3A_221] : memref<8192x2048xf32, #tpu.memory_space<hbm>> -> memref<4x2048xf32, #tpu.memory_space<hbm>>
    %dma_start3A_223 = arith.constant 0 : i32
    %dma_start3A_224 = tpu.memref_slice %arg4[%add3A_220, %dma_start3A_223] : memref<8192x2048xf32, #tpu.memory_space<hbm>> -> memref<4x2048xf32, #tpu.memory_space<hbm>>
    tpu.enqueue_dma source(%dma_start3A_224 : memref<4x2048xf32, #tpu.memory_space<hbm>>) target(%arg15 : memref<4x2048xf32, #tpu.memory_space<vmem>>) target_semaphore(%arg33 : memref<!tpu.dma_semaphore, #tpu.memory_space<semaphore_mem>>)
    %dma_wait3A_225 = arith.constant 0 : i32
    %dma_wait3A_226 = tpu.memref_slice %arg4[%mul3A_2, %dma_wait3A_225] : memref<8192x2048xf32, #tpu.memory_space<hbm>> -> memref<4x2048xf32, #tpu.memory_space<hbm>>
    %dma_wait3A_227 = arith.constant 0 : i32
    %dma_wait3A_228 = tpu.memref_slice %arg4[%mul3A_2, %dma_wait3A_227] : memref<8192x2048xf32, #tpu.memory_space<hbm>> -> memref<4x2048xf32, #tpu.memory_space<hbm>>
    tpu.wait_dma2 semaphore(%arg34 : memref<!tpu.dma_semaphore, #tpu.memory_space<semaphore_mem>>) src(%dma_wait3A_228 : memref<4x2048xf32, #tpu.memory_space<hbm>>) dst(%arg16 : memref<4x2048xf32, #tpu.memory_space<vmem>>)
    %dma_wait3A_229 = arith.constant 1 : i32
    %dma_wait3A_230 = arith.constant 0 : i32
    %dma_wait3A_231 = tpu.memref_slice %arg6[%dma_wait3A_229, %dma_wait3A_230] : memref<128x4xi32, #tpu.memory_space<vmem>> -> memref<1x4xi32, #tpu.memory_space<vmem>>
    %dma_wait3A_232 = tpu.memref_squeeze %dma_wait3A_231 : memref<1x4xi32, #tpu.memory_space<vmem>> -> memref<4xi32, #tpu.memory_space<vmem>>
    %dma_wait3A_233 = arith.constant 0 : i32
    %dma_wait3A_234 = arith.constant 0 : i32
    %dma_wait3A_235 = tpu.memref_slice %arg3[%dma_wait3A_233, %dma_wait3A_234] : memref<100000x2048xf32, #tpu.memory_space<hbm>> -> memref<100000x2048xf32, #tpu.memory_space<hbm>>
    tpu.wait_indirect_dma semaphore(%arg21 : memref<!tpu.dma_semaphore, #tpu.memory_space<semaphore_mem>>) src(%dma_wait3A_235 : memref<100000x2048xf32, #tpu.memory_space<hbm>>) dst(%arg11 : memref<4x2048xf32, #tpu.memory_space<vmem>>)
    %dma_wait3A_236 = arith.constant 33 : i32
    %dma_wait3A_237 = arith.constant 0 : i32
    %dma_wait3A_238 = tpu.memref_slice %arg6[%dma_wait3A_236, %dma_wait3A_237] : memref<128x4xi32, #tpu.memory_space<vmem>> -> memref<1x4xi32, #tpu.memory_space<vmem>>
    %dma_wait3A_239 = tpu.memref_squeeze %dma_wait3A_238 : memref<1x4xi32, #tpu.memory_space<vmem>> -> memref<4xi32, #tpu.memory_space<vmem>>
    %dma_wait3A_240 = arith.constant 0 : i32
    %dma_wait3A_241 = arith.constant 0 : i32
    %dma_wait3A_242 = tpu.memref_slice %arg3[%dma_wait3A_240, %dma_wait3A_241] : memref<100000x2048xf32, #tpu.memory_space<hbm>> -> memref<100000x2048xf32, #tpu.memory_space<hbm>>
    tpu.wait_indirect_dma semaphore(%arg22 : memref<!tpu.dma_semaphore, #tpu.memory_space<semaphore_mem>>) src(%dma_wait3A_242 : memref<100000x2048xf32, #tpu.memory_space<hbm>>) dst(%arg12 : memref<4x2048xf32, #tpu.memory_space<vmem>>)
    %dma_wait3A_243 = arith.constant 65 : i32
    %dma_wait3A_244 = arith.constant 0 : i32
    %dma_wait3A_245 = tpu.memref_slice %arg6[%dma_wait3A_243, %dma_wait3A_244] : memref<128x4xi32, #tpu.memory_space<vmem>> -> memref<1x4xi32, #tpu.memory_space<vmem>>
    %dma_wait3A_246 = tpu.memref_squeeze %dma_wait3A_245 : memref<1x4xi32, #tpu.memory_space<vmem>> -> memref<4xi32, #tpu.memory_space<vmem>>
    %dma_wait3A_247 = arith.constant 0 : i32
    %dma_wait3A_248 = arith.constant 0 : i32
    %dma_wait3A_249 = tpu.memref_slice %arg3[%dma_wait3A_247, %dma_wait3A_248] : memref<100000x2048xf32, #tpu.memory_space<hbm>> -> memref<100000x2048xf32, #tpu.memory_space<hbm>>
    tpu.wait_indirect_dma semaphore(%arg23 : memref<!tpu.dma_semaphore, #tpu.memory_space<semaphore_mem>>) src(%dma_wait3A_249 : memref<100000x2048xf32, #tpu.memory_space<hbm>>) dst(%arg13 : memref<4x2048xf32, #tpu.memory_space<vmem>>)
    %dma_wait3A_250 = arith.constant 97 : i32
    %dma_wait3A_251 = arith.constant 0 : i32
    %dma_wait3A_252 = tpu.memref_slice %arg6[%dma_wait3A_250, %dma_wait3A_251] : memref<128x4xi32, #tpu.memory_space<vmem>> -> memref<1x4xi32, #tpu.memory_space<vmem>>
    %dma_wait3A_253 = tpu.memref_squeeze %dma_wait3A_252 : memref<1x4xi32, #tpu.memory_space<vmem>> -> memref<4xi32, #tpu.memory_space<vmem>>
    %dma_wait3A_254 = arith.constant 0 : i32
    %dma_wait3A_255 = arith.constant 0 : i32
    %dma_wait3A_256 = tpu.memref_slice %arg3[%dma_wait3A_254, %dma_wait3A_255] : memref<100000x2048xf32, #tpu.memory_space<hbm>> -> memref<100000x2048xf32, #tpu.memory_space<hbm>>
    tpu.wait_indirect_dma semaphore(%arg24 : memref<!tpu.dma_semaphore, #tpu.memory_space<semaphore_mem>>) src(%dma_wait3A_256 : memref<100000x2048xf32, #tpu.memory_space<hbm>>) dst(%arg14 : memref<4x2048xf32, #tpu.memory_space<vmem>>)
    %dma_wait3A_257 = arith.constant 0 : i32
    %dma_wait3A_258 = tpu.memref_slice %arg5[%mul3A_2, %dma_wait3A_257] : memref<16384x2048xf32, #tpu.memory_space<hbm>> -> memref<4x2048xf32, #tpu.memory_space<hbm>>
    %dma_wait3A_259 = arith.constant 0 : i32
    %dma_wait3A_260 = tpu.memref_slice %arg5[%mul3A_2, %dma_wait3A_259] : memref<16384x2048xf32, #tpu.memory_space<hbm>> -> memref<4x2048xf32, #tpu.memory_space<hbm>>
    tpu.wait_dma2 semaphore(%arg25 : memref<!tpu.dma_semaphore, #tpu.memory_space<semaphore_mem>>) src(%arg7 : memref<4x2048xf32, #tpu.memory_space<vmem>>) dst(%dma_wait3A_260 : memref<4x2048xf32, #tpu.memory_space<hbm>>)
    %dma_start3A_261 = arith.constant 2 : i32
    %dma_start3A_262 = arith.constant 0 : i32
    %dma_start3A_263 = tpu.memref_slice %arg6[%dma_start3A_261, %dma_start3A_262] : memref<128x4xi32, #tpu.memory_space<vmem>> -> memref<1x4xi32, #tpu.memory_space<vmem>>
    %dma_start3A_264 = tpu.memref_squeeze %dma_start3A_263 : memref<1x4xi32, #tpu.memory_space<vmem>> -> memref<4xi32, #tpu.memory_space<vmem>>
    %dma_start3A_265 = arith.constant 0 : i32
    %dma_start3A_266 = arith.constant 0 : i32
    %dma_start3A_267 = tpu.memref_slice %arg3[%dma_start3A_265, %dma_start3A_266] : memref<100000x2048xf32, #tpu.memory_space<hbm>> -> memref<100000x2048xf32, #tpu.memory_space<hbm>>
    tpu.enqueue_indirect_dma source(%dma_start3A_267 : memref<100000x2048xf32, #tpu.memory_space<hbm>>) target(%arg7 : memref<4x2048xf32, #tpu.memory_space<vmem>>) offsets(%dma_start3A_264 : memref<4xi32, #tpu.memory_space<vmem>>) semaphore(%arg17 : memref<!tpu.dma_semaphore, #tpu.memory_space<semaphore_mem>>)
    %dma_wait3A_268 = arith.constant 0 : i32
    %dma_wait3A_269 = tpu.memref_slice %arg5[%mul3A_2, %dma_wait3A_268] : memref<16384x2048xf32, #tpu.memory_space<hbm>> -> memref<4x2048xf32, #tpu.memory_space<hbm>>
    %dma_wait3A_270 = arith.constant 0 : i32
    %dma_wait3A_271 = tpu.memref_slice %arg5[%mul3A_2, %dma_wait3A_270] : memref<16384x2048xf32, #tpu.memory_space<hbm>> -> memref<4x2048xf32, #tpu.memory_space<hbm>>
    tpu.wait_dma2 semaphore(%arg26 : memref<!tpu.dma_semaphore, #tpu.memory_space<semaphore_mem>>) src(%arg8 : memref<4x2048xf32, #tpu.memory_space<vmem>>) dst(%dma_wait3A_271 : memref<4x2048xf32, #tpu.memory_space<hbm>>)
    %dma_start3A_272 = arith.constant 34 : i32
    %dma_start3A_273 = arith.constant 0 : i32
    %dma_start3A_274 = tpu.memref_slice %arg6[%dma_start3A_272, %dma_start3A_273] : memref<128x4xi32, #tpu.memory_space<vmem>> -> memref<1x4xi32, #tpu.memory_space<vmem>>
    %dma_start3A_275 = tpu.memref_squeeze %dma_start3A_274 : memref<1x4xi32, #tpu.memory_space<vmem>> -> memref<4xi32, #tpu.memory_space<vmem>>
    %dma_start3A_276 = arith.constant 0 : i32
    %dma_start3A_277 = arith.constant 0 : i32
    %dma_start3A_278 = tpu.memref_slice %arg3[%dma_start3A_276, %dma_start3A_277] : memref<100000x2048xf32, #tpu.memory_space<hbm>> -> memref<100000x2048xf32, #tpu.memory_space<hbm>>
    tpu.enqueue_indirect_dma source(%dma_start3A_278 : memref<100000x2048xf32, #tpu.memory_space<hbm>>) target(%arg8 : memref<4x2048xf32, #tpu.memory_space<vmem>>) offsets(%dma_start3A_275 : memref<4xi32, #tpu.memory_space<vmem>>) semaphore(%arg18 : memref<!tpu.dma_semaphore, #tpu.memory_space<semaphore_mem>>)
    %dma_wait3A_279 = arith.constant 0 : i32
    %dma_wait3A_280 = tpu.memref_slice %arg5[%mul3A_2, %dma_wait3A_279] : memref<16384x2048xf32, #tpu.memory_space<hbm>> -> memref<4x2048xf32, #tpu.memory_space<hbm>>
    %dma_wait3A_281 = arith.constant 0 : i32
    %dma_wait3A_282 = tpu.memref_slice %arg5[%mul3A_2, %dma_wait3A_281] : memref<16384x2048xf32, #tpu.memory_space<hbm>> -> memref<4x2048xf32, #tpu.memory_space<hbm>>
    tpu.wait_dma2 semaphore(%arg27 : memref<!tpu.dma_semaphore, #tpu.memory_space<semaphore_mem>>) src(%arg9 : memref<4x2048xf32, #tpu.memory_space<vmem>>) dst(%dma_wait3A_282 : memref<4x2048xf32, #tpu.memory_space<hbm>>)
    %dma_start3A_283 = arith.constant 66 : i32
    %dma_start3A_284 = arith.constant 0 : i32
    %dma_start3A_285 = tpu.memref_slice %arg6[%dma_start3A_283, %dma_start3A_284] : memref<128x4xi32, #tpu.memory_space<vmem>> -> memref<1x4xi32, #tpu.memory_space<vmem>>
    %dma_start3A_286 = tpu.memref_squeeze %dma_start3A_285 : memref<1x4xi32, #tpu.memory_space<vmem>> -> memref<4xi32, #tpu.memory_space<vmem>>
    %dma_start3A_287 = arith.constant 0 : i32
    %dma_start3A_288 = arith.constant 0 : i32
    %dma_start3A_289 = tpu.memref_slice %arg3[%dma_start3A_287, %dma_start3A_288] : memref<100000x2048xf32, #tpu.memory_space<hbm>> -> memref<100000x2048xf32, #tpu.memory_space<hbm>>
    tpu.enqueue_indirect_dma source(%dma_start3A_289 : memref<100000x2048xf32, #tpu.memory_space<hbm>>) target(%arg9 : memref<4x2048xf32, #tpu.memory_space<vmem>>) offsets(%dma_start3A_286 : memref<4xi32, #tpu.memory_space<vmem>>) semaphore(%arg19 : memref<!tpu.dma_semaphore, #tpu.memory_space<semaphore_mem>>)
    %dma_wait3A_290 = arith.constant 0 : i32
    %dma_wait3A_291 = tpu.memref_slice %arg5[%mul3A_2, %dma_wait3A_290] : memref<16384x2048xf32, #tpu.memory_space<hbm>> -> memref<4x2048xf32, #tpu.memory_space<hbm>>
    %dma_wait3A_292 = arith.constant 0 : i32
    %dma_wait3A_293 = tpu.memref_slice %arg5[%mul3A_2, %dma_wait3A_292] : memref<16384x2048xf32, #tpu.memory_space<hbm>> -> memref<4x2048xf32, #tpu.memory_space<hbm>>
    tpu.wait_dma2 semaphore(%arg28 : memref<!tpu.dma_semaphore, #tpu.memory_space<semaphore_mem>>) src(%arg10 : memref<4x2048xf32, #tpu.memory_space<vmem>>) dst(%dma_wait3A_293 : memref<4x2048xf32, #tpu.memory_space<hbm>>)
    %dma_start3A_294 = arith.constant 98 : i32
    %dma_start3A_295 = arith.constant 0 : i32
    %dma_start3A_296 = tpu.memref_slice %arg6[%dma_start3A_294, %dma_start3A_295] : memref<128x4xi32, #tpu.memory_space<vmem>> -> memref<1x4xi32, #tpu.memory_space<vmem>>
    %dma_start3A_297 = tpu.memref_squeeze %dma_start3A_296 : memref<1x4xi32, #tpu.memory_space<vmem>> -> memref<4xi32, #tpu.memory_space<vmem>>
    %dma_start3A_298 = arith.constant 0 : i32
    %dma_start3A_299 = arith.constant 0 : i32
    %dma_start3A_300 = tpu.memref_slice %arg3[%dma_start3A_298, %dma_start3A_299] : memref<100000x2048xf32, #tpu.memory_space<hbm>> -> memref<100000x2048xf32, #tpu.memory_space<hbm>>
    tpu.enqueue_indirect_dma source(%dma_start3A_300 : memref<100000x2048xf32, #tpu.memory_space<hbm>>) target(%arg10 : memref<4x2048xf32, #tpu.memory_space<vmem>>) offsets(%dma_start3A_297 : memref<4xi32, #tpu.memory_space<vmem>>) semaphore(%arg20 : memref<!tpu.dma_semaphore, #tpu.memory_space<semaphore_mem>>)
    %scan3A_301 = arith.constant 0 : i32
    %scan3A_302 = arith.constant 0 : i32
    %scan3A_303 = arith.constant 4 : i32
    %scan3A_304 = arith.addi %scan3A_302, %scan3A_303 : i32
    %scan3A_305 = arith.constant 1 : i32
    %scan3A_306 = scf.for %scan3A_353 = %scan3A_302 to %scan3A_304 step %scan3A_305 iter_args(%scan3A_354 = %scan3A_301) -> (i32)  : i32 {
      %scan3A_355 = arith.constant 0 : i32
      %scan3A_356 = arith.constant 0 : i32
      %scan3A_357 = arith.constant 16 : i32
      %scan3A_358 = arith.addi %scan3A_356, %scan3A_357 : i32
      %scan3A_359 = arith.constant 1 : i32
      %scan3A_360 = scf.for %scan3A_415 = %scan3A_356 to %scan3A_358 step %scan3A_359 iter_args(%scan3A_416 = %scan3A_355) -> (i32)  : i32 {
        %mul3A_417 = arith.constant 128 : i32
        %mul3A_418 = arith.muli %scan3A_415, %mul3A_417 : i32
        %add3A_419 = arith.constant 0 : i32
        %add3A_420 = arith.addi %mul3A_418, %add3A_419 : i32
        %get3A = arith.index_cast %scan3A_353 : i32 to index
        %get3A_421 = arith.index_cast %add3A_420 : i32 to index
        %get3A_422 = tpu.vector_load %arg16[%get3A, %get3A_421] {strides = array<i32>} : memref<4x2048xf32, #tpu.memory_space<vmem>>, vector<1x16xf32>,
        %get3A_423 = vector.shape_cast %get3A_422 : vector<1x16xf32> to vector<16xf32>
        %add3A_424 = arith.constant 16 : i32
        %add3A_425 = arith.addi %mul3A_418, %add3A_424 : i32
        %get3A_426 = arith.index_cast %scan3A_353 : i32 to index
        %get3A_427 = arith.index_cast %add3A_425 : i32 to index
        %get3A_428 = tpu.vector_load %arg16[%get3A_426, %get3A_427] {strides = array<i32>} : memref<4x2048xf32, #tpu.memory_space<vmem>>, vector<1x16xf32>,
        %get3A_429 = vector.shape_cast %get3A_428 : vector<1x16xf32> to vector<16xf32>
        %add3A_430 = arith.constant 32 : i32
        %add3A_431 = arith.addi %mul3A_418, %add3A_430 : i32
        %get3A_432 = arith.index_cast %scan3A_353 : i32 to index
        %get3A_433 = arith.index_cast %add3A_431 : i32 to index
        %get3A_434 = tpu.vector_load %arg16[%get3A_432, %get3A_433] {strides = array<i32>} : memref<4x2048xf32, #tpu.memory_space<vmem>>, vector<1x16xf32>,
        %get3A_435 = vector.shape_cast %get3A_434 : vector<1x16xf32> to vector<16xf32>
        %add3A_436 = arith.constant 48 : i32
        %add3A_437 = arith.addi %mul3A_418, %add3A_436 : i32
        %get3A_438 = arith.index_cast %scan3A_353 : i32 to index
        %get3A_439 = arith.index_cast %add3A_437 : i32 to index
        %get3A_440 = tpu.vector_load %arg16[%get3A_438, %get3A_439] {strides = array<i32>} : memref<4x2048xf32, #tpu.memory_space<vmem>>, vector<1x16xf32>,
        %get3A_441 = vector.shape_cast %get3A_440 : vector<1x16xf32> to vector<16xf32>
        %add3A_442 = arith.constant 64 : i32
        %add3A_443 = arith.addi %mul3A_418, %add3A_442 : i32
        %get3A_444 = arith.index_cast %scan3A_353 : i32 to index
        %get3A_445 = arith.index_cast %add3A_443 : i32 to index
        %get3A_446 = tpu.vector_load %arg16[%get3A_444, %get3A_445] {strides = array<i32>} : memref<4x2048xf32, #tpu.memory_space<vmem>>, vector<1x16xf32>,
        %get3A_447 = vector.shape_cast %get3A_446 : vector<1x16xf32> to vector<16xf32>
        %add3A_448 = arith.constant 80 : i32
        %add3A_449 = arith.addi %mul3A_418, %add3A_448 : i32
        %get3A_450 = arith.index_cast %scan3A_353 : i32 to index
        %get3A_451 = arith.index_cast %add3A_449 : i32 to index
        %get3A_452 = tpu.vector_load %arg16[%get3A_450, %get3A_451] {strides = array<i32>} : memref<4x2048xf32, #tpu.memory_space<vmem>>, vector<1x16xf32>,
        %get3A_453 = vector.shape_cast %get3A_452 : vector<1x16xf32> to vector<16xf32>
        %add3A_454 = arith.constant 96 : i32
        %add3A_455 = arith.addi %mul3A_418, %add3A_454 : i32
        %get3A_456 = arith.index_cast %scan3A_353 : i32 to index
        %get3A_457 = arith.index_cast %add3A_455 : i32 to index
        %get3A_458 = tpu.vector_load %arg16[%get3A_456, %get3A_457] {strides = array<i32>} : memref<4x2048xf32, #tpu.memory_space<vmem>>, vector<1x16xf32>,
        %get3A_459 = vector.shape_cast %get3A_458 : vector<1x16xf32> to vector<16xf32>
        %add3A_460 = arith.constant 112 : i32
        %add3A_461 = arith.addi %mul3A_418, %add3A_460 : i32
        %get3A_462 = arith.index_cast %scan3A_353 : i32 to index
        %get3A_463 = arith.index_cast %add3A_461 : i32 to index
        %get3A_464 = tpu.vector_load %arg16[%get3A_462, %get3A_463] {strides = array<i32>} : memref<4x2048xf32, #tpu.memory_space<vmem>>, vector<1x16xf32>,
        %get3A_465 = vector.shape_cast %get3A_464 : vector<1x16xf32> to vector<16xf32>
        %add3A_466 = arith.constant 0 : i32
        %add3A_467 = arith.addi %mul3A_418, %add3A_466 : i32
        %swap3A = arith.index_cast %scan3A_353 : i32 to index
        %swap3A_468 = arith.index_cast %add3A_467 : i32 to index
        %swap3A_469 = tpu.vector_load %arg11[%swap3A, %swap3A_468] {strides = array<i32>} : memref<4x2048xf32, #tpu.memory_space<vmem>>, vector<1x16xf32>,
        %swap3A_470 = vector.shape_cast %swap3A_469 : vector<1x16xf32> to vector<16xf32>
        %swap3A_471 = vector.shape_cast %get3A_423 : vector<16xf32> to vector<1x16xf32>
        tpu.vector_store %arg11[%swap3A, %swap3A_468], %swap3A_471 {add = true, strides = array<i32>} : memref<4x2048xf32, #tpu.memory_space<vmem>>, vector<1x16xf32>,
        %swap3A_472 = arith.index_cast %scan3A_353 : i32 to index
        %swap3A_473 = arith.index_cast %add3A_467 : i32 to index
        %swap3A_474 = tpu.vector_load %arg12[%swap3A_472, %swap3A_473] {strides = array<i32>} : memref<4x2048xf32, #tpu.memory_space<vmem>>, vector<1x16xf32>,
        %swap3A_475 = vector.shape_cast %swap3A_474 : vector<1x16xf32> to vector<16xf32>
        %swap3A_476 = vector.shape_cast %get3A_423 : vector<16xf32> to vector<1x16xf32>
        tpu.vector_store %arg12[%swap3A_472, %swap3A_473], %swap3A_476 {add = true, strides = array<i32>} : memref<4x2048xf32, #tpu.memory_space<vmem>>, vector<1x16xf32>,
        %swap3A_477 = arith.index_cast %scan3A_353 : i32 to index
        %swap3A_478 = arith.index_cast %add3A_467 : i32 to index
        %swap3A_479 = tpu.vector_load %arg13[%swap3A_477, %swap3A_478] {strides = array<i32>} : memref<4x2048xf32, #tpu.memory_space<vmem>>, vector<1x16xf32>,
        %swap3A_480 = vector.shape_cast %swap3A_479 : vector<1x16xf32> to vector<16xf32>
        %swap3A_481 = vector.shape_cast %get3A_423 : vector<16xf32> to vector<1x16xf32>
        tpu.vector_store %arg13[%swap3A_477, %swap3A_478], %swap3A_481 {add = true, strides = array<i32>} : memref<4x2048xf32, #tpu.memory_space<vmem>>, vector<1x16xf32>,
        %swap3A_482 = arith.index_cast %scan3A_353 : i32 to index
        %swap3A_483 = arith.index_cast %add3A_467 : i32 to index
        %swap3A_484 = tpu.vector_load %arg14[%swap3A_482, %swap3A_483] {strides = array<i32>} : memref<4x2048xf32, #tpu.memory_space<vmem>>, vector<1x16xf32>,
        %swap3A_485 = vector.shape_cast %swap3A_484 : vector<1x16xf32> to vector<16xf32>
        %swap3A_486 = vector.shape_cast %get3A_423 : vector<16xf32> to vector<1x16xf32>
        tpu.vector_store %arg14[%swap3A_482, %swap3A_483], %swap3A_486 {add = true, strides = array<i32>} : memref<4x2048xf32, #tpu.memory_space<vmem>>, vector<1x16xf32>,
        %add3A_487 = arith.constant 16 : i32
        %add3A_488 = arith.addi %mul3A_418, %add3A_487 : i32
        %swap3A_489 = arith.index_cast %scan3A_353 : i32 to index
        %swap3A_490 = arith.index_cast %add3A_488 : i32 to index
        %swap3A_491 = tpu.vector_load %arg11[%swap3A_489, %swap3A_490] {strides = array<i32>} : memref<4x2048xf32, #tpu.memory_space<vmem>>, vector<1x16xf32>,
        %swap3A_492 = vector.shape_cast %swap3A_491 : vector<1x16xf32> to vector<16xf32>
        %swap3A_493 = vector.shape_cast %get3A_429 : vector<16xf32> to vector<1x16xf32>
        tpu.vector_store %arg11[%swap3A_489, %swap3A_490], %swap3A_493 {add = true, strides = array<i32>} : memref<4x2048xf32, #tpu.memory_space<vmem>>, vector<1x16xf32>,
        %swap3A_494 = arith.index_cast %scan3A_353 : i32 to index
        %swap3A_495 = arith.index_cast %add3A_488 : i32 to index
        %swap3A_496 = tpu.vector_load %arg12[%swap3A_494, %swap3A_495] {strides = array<i32>} : memref<4x2048xf32, #tpu.memory_space<vmem>>, vector<1x16xf32>,
        %swap3A_497 = vector.shape_cast %swap3A_496 : vector<1x16xf32> to vector<16xf32>
        %swap3A_498 = vector.shape_cast %get3A_429 : vector<16xf32> to vector<1x16xf32>
        tpu.vector_store %arg12[%swap3A_494, %swap3A_495], %swap3A_498 {add = true, strides = array<i32>} : memref<4x2048xf32, #tpu.memory_space<vmem>>, vector<1x16xf32>,
        %swap3A_499 = arith.index_cast %scan3A_353 : i32 to index
        %swap3A_500 = arith.index_cast %add3A_488 : i32 to index
        %swap3A_501 = tpu.vector_load %arg13[%swap3A_499, %swap3A_500] {strides = array<i32>} : memref<4x2048xf32, #tpu.memory_space<vmem>>, vector<1x16xf32>,
        %swap3A_502 = vector.shape_cast %swap3A_501 : vector<1x16xf32> to vector<16xf32>
        %swap3A_503 = vector.shape_cast %get3A_429 : vector<16xf32> to vector<1x16xf32>
        tpu.vector_store %arg13[%swap3A_499, %swap3A_500], %swap3A_503 {add = true, strides = array<i32>} : memref<4x2048xf32, #tpu.memory_space<vmem>>, vector<1x16xf32>,
        %swap3A_504 = arith.index_cast %scan3A_353 : i32 to index
        %swap3A_505 = arith.index_cast %add3A_488 : i32 to index
        %swap3A_506 = tpu.vector_load %arg14[%swap3A_504, %swap3A_505] {strides = array<i32>} : memref<4x2048xf32, #tpu.memory_space<vmem>>, vector<1x16xf32>,
        %swap3A_507 = vector.shape_cast %swap3A_506 : vector<1x16xf32> to vector<16xf32>
        %swap3A_508 = vector.shape_cast %get3A_429 : vector<16xf32> to vector<1x16xf32>
        tpu.vector_store %arg14[%swap3A_504, %swap3A_505], %swap3A_508 {add = true, strides = array<i32>} : memref<4x2048xf32, #tpu.memory_space<vmem>>, vector<1x16xf32>,
        %add3A_509 = arith.constant 32 : i32
        %add3A_510 = arith.addi %mul3A_418, %add3A_509 : i32
        %swap3A_511 = arith.index_cast %scan3A_353 : i32 to index
        %swap3A_512 = arith.index_cast %add3A_510 : i32 to index
        %swap3A_513 = tpu.vector_load %arg11[%swap3A_511, %swap3A_512] {strides = array<i32>} : memref<4x2048xf32, #tpu.memory_space<vmem>>, vector<1x16xf32>,
        %swap3A_514 = vector.shape_cast %swap3A_513 : vector<1x16xf32> to vector<16xf32>
        %swap3A_515 = vector.shape_cast %get3A_435 : vector<16xf32> to vector<1x16xf32>
        tpu.vector_store %arg11[%swap3A_511, %swap3A_512], %swap3A_515 {add = true, strides = array<i32>} : memref<4x2048xf32, #tpu.memory_space<vmem>>, vector<1x16xf32>,
        %swap3A_516 = arith.index_cast %scan3A_353 : i32 to index
        %swap3A_517 = arith.index_cast %add3A_510 : i32 to index
        %swap3A_518 = tpu.vector_load %arg12[%swap3A_516, %swap3A_517] {strides = array<i32>} : memref<4x2048xf32, #tpu.memory_space<vmem>>, vector<1x16xf32>,
        %swap3A_519 = vector.shape_cast %swap3A_518 : vector<1x16xf32> to vector<16xf32>
        %swap3A_520 = vector.shape_cast %get3A_435 : vector<16xf32> to vector<1x16xf32>
        tpu.vector_store %arg12[%swap3A_516, %swap3A_517], %swap3A_520 {add = true, strides = array<i32>} : memref<4x2048xf32, #tpu.memory_space<vmem>>, vector<1x16xf32>,
        %swap3A_521 = arith.index_cast %scan3A_353 : i32 to index
        %swap3A_522 = arith.index_cast %add3A_510 : i32 to index
        %swap3A_523 = tpu.vector_load %arg13[%swap3A_521, %swap3A_522] {strides = array<i32>} : memref<4x2048xf32, #tpu.memory_space<vmem>>, vector<1x16xf32>,
        %swap3A_524 = vector.shape_cast %swap3A_523 : vector<1x16xf32> to vector<16xf32>
        %swap3A_525 = vector.shape_cast %get3A_435 : vector<16xf32> to vector<1x16xf32>
        tpu.vector_store %arg13[%swap3A_521, %swap3A_522], %swap3A_525 {add = true, strides = array<i32>} : memref<4x2048xf32, #tpu.memory_space<vmem>>, vector<1x16xf32>,
        %swap3A_526 = arith.index_cast %scan3A_353 : i32 to index
        %swap3A_527 = arith.index_cast %add3A_510 : i32 to index
        %swap3A_528 = tpu.vector_load %arg14[%swap3A_526, %swap3A_527] {strides = array<i32>} : memref<4x2048xf32, #tpu.memory_space<vmem>>, vector<1x16xf32>,
        %swap3A_529 = vector.shape_cast %swap3A_528 : vector<1x16xf32> to vector<16xf32>
        %swap3A_530 = vector.shape_cast %get3A_435 : vector<16xf32> to vector<1x16xf32>
        tpu.vector_store %arg14[%swap3A_526, %swap3A_527], %swap3A_530 {add = true, strides = array<i32>} : memref<4x2048xf32, #tpu.memory_space<vmem>>, vector<1x16xf32>,
        %add3A_531 = arith.constant 48 : i32
        %add3A_532 = arith.addi %mul3A_418, %add3A_531 : i32
        %swap3A_533 = arith.index_cast %scan3A_353 : i32 to index
        %swap3A_534 = arith.index_cast %add3A_532 : i32 to index
        %swap3A_535 = tpu.vector_load %arg11[%swap3A_533, %swap3A_534] {strides = array<i32>} : memref<4x2048xf32, #tpu.memory_space<vmem>>, vector<1x16xf32>,
        %swap3A_536 = vector.shape_cast %swap3A_535 : vector<1x16xf32> to vector<16xf32>
        %swap3A_537 = vector.shape_cast %get3A_441 : vector<16xf32> to vector<1x16xf32>
        tpu.vector_store %arg11[%swap3A_533, %swap3A_534], %swap3A_537 {add = true, strides = array<i32>} : memref<4x2048xf32, #tpu.memory_space<vmem>>, vector<1x16xf32>,
        %swap3A_538 = arith.index_cast %scan3A_353 : i32 to index
        %swap3A_539 = arith.index_cast %add3A_532 : i32 to index
        %swap3A_540 = tpu.vector_load %arg12[%swap3A_538, %swap3A_539] {strides = array<i32>} : memref<4x2048xf32, #tpu.memory_space<vmem>>, vector<1x16xf32>,
        %swap3A_541 = vector.shape_cast %swap3A_540 : vector<1x16xf32> to vector<16xf32>
        %swap3A_542 = vector.shape_cast %get3A_441 : vector<16xf32> to vector<1x16xf32>
        tpu.vector_store %arg12[%swap3A_538, %swap3A_539], %swap3A_542 {add = true, strides = array<i32>} : memref<4x2048xf32, #tpu.memory_space<vmem>>, vector<1x16xf32>,
        %swap3A_543 = arith.index_cast %scan3A_353 : i32 to index
        %swap3A_544 = arith.index_cast %add3A_532 : i32 to index
        %swap3A_545 = tpu.vector_load %arg13[%swap3A_543, %swap3A_544] {strides = array<i32>} : memref<4x2048xf32, #tpu.memory_space<vmem>>, vector<1x16xf32>,
        %swap3A_546 = vector.shape_cast %swap3A_545 : vector<1x16xf32> to vector<16xf32>
        %swap3A_547 = vector.shape_cast %get3A_441 : vector<16xf32> to vector<1x16xf32>
        tpu.vector_store %arg13[%swap3A_543, %swap3A_544], %swap3A_547 {add = true, strides = array<i32>} : memref<4x2048xf32, #tpu.memory_space<vmem>>, vector<1x16xf32>,
        %swap3A_548 = arith.index_cast %scan3A_353 : i32 to index
        %swap3A_549 = arith.index_cast %add3A_532 : i32 to index
        %swap3A_550 = tpu.vector_load %arg14[%swap3A_548, %swap3A_549] {strides = array<i32>} : memref<4x2048xf32, #tpu.memory_space<vmem>>, vector<1x16xf32>,
        %swap3A_551 = vector.shape_cast %swap3A_550 : vector<1x16xf32> to vector<16xf32>
        %swap3A_552 = vector.shape_cast %get3A_441 : vector<16xf32> to vector<1x16xf32>
        tpu.vector_store %arg14[%swap3A_548, %swap3A_549], %swap3A_552 {add = true, strides = array<i32>} : memref<4x2048xf32, #tpu.memory_space<vmem>>, vector<1x16xf32>,
        %add3A_553 = arith.constant 64 : i32
        %add3A_554 = arith.addi %mul3A_418, %add3A_553 : i32
        %swap3A_555 = arith.index_cast %scan3A_353 : i32 to index
        %swap3A_556 = arith.index_cast %add3A_554 : i32 to index
        %swap3A_557 = tpu.vector_load %arg11[%swap3A_555, %swap3A_556] {strides = array<i32>} : memref<4x2048xf32, #tpu.memory_space<vmem>>, vector<1x16xf32>,
        %swap3A_558 = vector.shape_cast %swap3A_557 : vector<1x16xf32> to vector<16xf32>
        %swap3A_559 = vector.shape_cast %get3A_447 : vector<16xf32> to vector<1x16xf32>
        tpu.vector_store %arg11[%swap3A_555, %swap3A_556], %swap3A_559 {add = true, strides = array<i32>} : memref<4x2048xf32, #tpu.memory_space<vmem>>, vector<1x16xf32>,
        %swap3A_560 = arith.index_cast %scan3A_353 : i32 to index
        %swap3A_561 = arith.index_cast %add3A_554 : i32 to index
        %swap3A_562 = tpu.vector_load %arg12[%swap3A_560, %swap3A_561] {strides = array<i32>} : memref<4x2048xf32, #tpu.memory_space<vmem>>, vector<1x16xf32>,
        %swap3A_563 = vector.shape_cast %swap3A_562 : vector<1x16xf32> to vector<16xf32>
        %swap3A_564 = vector.shape_cast %get3A_447 : vector<16xf32> to vector<1x16xf32>
        tpu.vector_store %arg12[%swap3A_560, %swap3A_561], %swap3A_564 {add = true, strides = array<i32>} : memref<4x2048xf32, #tpu.memory_space<vmem>>, vector<1x16xf32>,
        %swap3A_565 = arith.index_cast %scan3A_353 : i32 to index
        %swap3A_566 = arith.index_cast %add3A_554 : i32 to index
        %swap3A_567 = tpu.vector_load %arg13[%swap3A_565, %swap3A_566] {strides = array<i32>} : memref<4x2048xf32, #tpu.memory_space<vmem>>, vector<1x16xf32>,
        %swap3A_568 = vector.shape_cast %swap3A_567 : vector<1x16xf32> to vector<16xf32>
        %swap3A_569 = vector.shape_cast %get3A_447 : vector<16xf32> to vector<1x16xf32>
        tpu.vector_store %arg13[%swap3A_565, %swap3A_566], %swap3A_569 {add = true, strides = array<i32>} : memref<4x2048xf32, #tpu.memory_space<vmem>>, vector<1x16xf32>,
        %swap3A_570 = arith.index_cast %scan3A_353 : i32 to index
        %swap3A_571 = arith.index_cast %add3A_554 : i32 to index
        %swap3A_572 = tpu.vector_load %arg14[%swap3A_570, %swap3A_571] {strides = array<i32>} : memref<4x2048xf32, #tpu.memory_space<vmem>>, vector<1x16xf32>,
        %swap3A_573 = vector.shape_cast %swap3A_572 : vector<1x16xf32> to vector<16xf32>
        %swap3A_574 = vector.shape_cast %get3A_447 : vector<16xf32> to vector<1x16xf32>
        tpu.vector_store %arg14[%swap3A_570, %swap3A_571], %swap3A_574 {add = true, strides = array<i32>} : memref<4x2048xf32, #tpu.memory_space<vmem>>, vector<1x16xf32>,
        %add3A_575 = arith.constant 80 : i32
        %add3A_576 = arith.addi %mul3A_418, %add3A_575 : i32
        %swap3A_577 = arith.index_cast %scan3A_353 : i32 to index
        %swap3A_578 = arith.index_cast %add3A_576 : i32 to index
        %swap3A_579 = tpu.vector_load %arg11[%swap3A_577, %swap3A_578] {strides = array<i32>} : memref<4x2048xf32, #tpu.memory_space<vmem>>, vector<1x16xf32>,
        %swap3A_580 = vector.shape_cast %swap3A_579 : vector<1x16xf32> to vector<16xf32>
        %swap3A_581 = vector.shape_cast %get3A_453 : vector<16xf32> to vector<1x16xf32>
        tpu.vector_store %arg11[%swap3A_577, %swap3A_578], %swap3A_581 {add = true, strides = array<i32>} : memref<4x2048xf32, #tpu.memory_space<vmem>>, vector<1x16xf32>,
        %swap3A_582 = arith.index_cast %scan3A_353 : i32 to index
        %swap3A_583 = arith.index_cast %add3A_576 : i32 to index
        %swap3A_584 = tpu.vector_load %arg12[%swap3A_582, %swap3A_583] {strides = array<i32>} : memref<4x2048xf32, #tpu.memory_space<vmem>>, vector<1x16xf32>,
        %swap3A_585 = vector.shape_cast %swap3A_584 : vector<1x16xf32> to vector<16xf32>
        %swap3A_586 = vector.shape_cast %get3A_453 : vector<16xf32> to vector<1x16xf32>
        tpu.vector_store %arg12[%swap3A_582, %swap3A_583], %swap3A_586 {add = true, strides = array<i32>} : memref<4x2048xf32, #tpu.memory_space<vmem>>, vector<1x16xf32>,
        %swap3A_587 = arith.index_cast %scan3A_353 : i32 to index
        %swap3A_588 = arith.index_cast %add3A_576 : i32 to index
        %swap3A_589 = tpu.vector_load %arg13[%swap3A_587, %swap3A_588] {strides = array<i32>} : memref<4x2048xf32, #tpu.memory_space<vmem>>, vector<1x16xf32>,
        %swap3A_590 = vector.shape_cast %swap3A_589 : vector<1x16xf32> to vector<16xf32>
        %swap3A_591 = vector.shape_cast %get3A_453 : vector<16xf32> to vector<1x16xf32>
        tpu.vector_store %arg13[%swap3A_587, %swap3A_588], %swap3A_591 {add = true, strides = array<i32>} : memref<4x2048xf32, #tpu.memory_space<vmem>>, vector<1x16xf32>,
        %swap3A_592 = arith.index_cast %scan3A_353 : i32 to index
        %swap3A_593 = arith.index_cast %add3A_576 : i32 to index
        %swap3A_594 = tpu.vector_load %arg14[%swap3A_592, %swap3A_593] {strides = array<i32>} : memref<4x2048xf32, #tpu.memory_space<vmem>>, vector<1x16xf32>,
        %swap3A_595 = vector.shape_cast %swap3A_594 : vector<1x16xf32> to vector<16xf32>
        %swap3A_596 = vector.shape_cast %get3A_453 : vector<16xf32> to vector<1x16xf32>
        tpu.vector_store %arg14[%swap3A_592, %swap3A_593], %swap3A_596 {add = true, strides = array<i32>} : memref<4x2048xf32, #tpu.memory_space<vmem>>, vector<1x16xf32>,
        %add3A_597 = arith.constant 96 : i32
        %add3A_598 = arith.addi %mul3A_418, %add3A_597 : i32
        %swap3A_599 = arith.index_cast %scan3A_353 : i32 to index
        %swap3A_600 = arith.index_cast %add3A_598 : i32 to index
        %swap3A_601 = tpu.vector_load %arg11[%swap3A_599, %swap3A_600] {strides = array<i32>} : memref<4x2048xf32, #tpu.memory_space<vmem>>, vector<1x16xf32>,
        %swap3A_602 = vector.shape_cast %swap3A_601 : vector<1x16xf32> to vector<16xf32>
        %swap3A_603 = vector.shape_cast %get3A_459 : vector<16xf32> to vector<1x16xf32>
        tpu.vector_store %arg11[%swap3A_599, %swap3A_600], %swap3A_603 {add = true, strides = array<i32>} : memref<4x2048xf32, #tpu.memory_space<vmem>>, vector<1x16xf32>,
        %swap3A_604 = arith.index_cast %scan3A_353 : i32 to index
        %swap3A_605 = arith.index_cast %add3A_598 : i32 to index
        %swap3A_606 = tpu.vector_load %arg12[%swap3A_604, %swap3A_605] {strides = array<i32>} : memref<4x2048xf32, #tpu.memory_space<vmem>>, vector<1x16xf32>,
        %swap3A_607 = vector.shape_cast %swap3A_606 : vector<1x16xf32> to vector<16xf32>
        %swap3A_608 = vector.shape_cast %get3A_459 : vector<16xf32> to vector<1x16xf32>
        tpu.vector_store %arg12[%swap3A_604, %swap3A_605], %swap3A_608 {add = true, strides = array<i32>} : memref<4x2048xf32, #tpu.memory_space<vmem>>, vector<1x16xf32>,
        %swap3A_609 = arith.index_cast %scan3A_353 : i32 to index
        %swap3A_610 = arith.index_cast %add3A_598 : i32 to index
        %swap3A_611 = tpu.vector_load %arg13[%swap3A_609, %swap3A_610] {strides = array<i32>} : memref<4x2048xf32, #tpu.memory_space<vmem>>, vector<1x16xf32>,
        %swap3A_612 = vector.shape_cast %swap3A_611 : vector<1x16xf32> to vector<16xf32>
        %swap3A_613 = vector.shape_cast %get3A_459 : vector<16xf32> to vector<1x16xf32>
        tpu.vector_store %arg13[%swap3A_609, %swap3A_610], %swap3A_613 {add = true, strides = array<i32>} : memref<4x2048xf32, #tpu.memory_space<vmem>>, vector<1x16xf32>,
        %swap3A_614 = arith.index_cast %scan3A_353 : i32 to index
        %swap3A_615 = arith.index_cast %add3A_598 : i32 to index
        %swap3A_616 = tpu.vector_load %arg14[%swap3A_614, %swap3A_615] {strides = array<i32>} : memref<4x2048xf32, #tpu.memory_space<vmem>>, vector<1x16xf32>,
        %swap3A_617 = vector.shape_cast %swap3A_616 : vector<1x16xf32> to vector<16xf32>
        %swap3A_618 = vector.shape_cast %get3A_459 : vector<16xf32> to vector<1x16xf32>
        tpu.vector_store %arg14[%swap3A_614, %swap3A_615], %swap3A_618 {add = true, strides = array<i32>} : memref<4x2048xf32, #tpu.memory_space<vmem>>, vector<1x16xf32>,
        %add3A_619 = arith.constant 112 : i32
        %add3A_620 = arith.addi %mul3A_418, %add3A_619 : i32
        %swap3A_621 = arith.index_cast %scan3A_353 : i32 to index
        %swap3A_622 = arith.index_cast %add3A_620 : i32 to index
        %swap3A_623 = tpu.vector_load %arg11[%swap3A_621, %swap3A_622] {strides = array<i32>} : memref<4x2048xf32, #tpu.memory_space<vmem>>, vector<1x16xf32>,
        %swap3A_624 = vector.shape_cast %swap3A_623 : vector<1x16xf32> to vector<16xf32>
        %swap3A_625 = vector.shape_cast %get3A_465 : vector<16xf32> to vector<1x16xf32>
        tpu.vector_store %arg11[%swap3A_621, %swap3A_622], %swap3A_625 {add = true, strides = array<i32>} : memref<4x2048xf32, #tpu.memory_space<vmem>>, vector<1x16xf32>,
        %swap3A_626 = arith.index_cast %scan3A_353 : i32 to index
        %swap3A_627 = arith.index_cast %add3A_620 : i32 to index
        %swap3A_628 = tpu.vector_load %arg12[%swap3A_626, %swap3A_627] {strides = array<i32>} : memref<4x2048xf32, #tpu.memory_space<vmem>>, vector<1x16xf32>,
        %swap3A_629 = vector.shape_cast %swap3A_628 : vector<1x16xf32> to vector<16xf32>
        %swap3A_630 = vector.shape_cast %get3A_465 : vector<16xf32> to vector<1x16xf32>
        tpu.vector_store %arg12[%swap3A_626, %swap3A_627], %swap3A_630 {add = true, strides = array<i32>} : memref<4x2048xf32, #tpu.memory_space<vmem>>, vector<1x16xf32>,
        %swap3A_631 = arith.index_cast %scan3A_353 : i32 to index
        %swap3A_632 = arith.index_cast %add3A_620 : i32 to index
        %swap3A_633 = tpu.vector_load %arg13[%swap3A_631, %swap3A_632] {strides = array<i32>} : memref<4x2048xf32, #tpu.memory_space<vmem>>, vector<1x16xf32>,
        %swap3A_634 = vector.shape_cast %swap3A_633 : vector<1x16xf32> to vector<16xf32>
        %swap3A_635 = vector.shape_cast %get3A_465 : vector<16xf32> to vector<1x16xf32>
        tpu.vector_store %arg13[%swap3A_631, %swap3A_632], %swap3A_635 {add = true, strides = array<i32>} : memref<4x2048xf32, #tpu.memory_space<vmem>>, vector<1x16xf32>,
        %swap3A_636 = arith.index_cast %scan3A_353 : i32 to index
        %swap3A_637 = arith.index_cast %add3A_620 : i32 to index
        %swap3A_638 = tpu.vector_load %arg14[%swap3A_636, %swap3A_637] {strides = array<i32>} : memref<4x2048xf32, #tpu.memory_space<vmem>>, vector<1x16xf32>,
        %swap3A_639 = vector.shape_cast %swap3A_638 : vector<1x16xf32> to vector<16xf32>
        %swap3A_640 = vector.shape_cast %get3A_465 : vector<16xf32> to vector<1x16xf32>
        tpu.vector_store %arg14[%swap3A_636, %swap3A_637], %swap3A_640 {add = true, strides = array<i32>} : memref<4x2048xf32, #tpu.memory_space<vmem>>, vector<1x16xf32>,
        %scan3A_641 = arith.constant 0 : i32
        scf.yield %scan3A_641 : i32
      }
      %scan3A_361 = arith.constant 16 : i32
      %add3A_362 = arith.constant 0 : i32
      %add3A_363 = arith.addi %add3A_362, %mul3A_2 : i32
      %add3A_364 = arith.constant 4 : i32
      %add3A_365 = arith.addi %add3A_363, %add3A_364 : i32
      %add3A_366 = arith.addi %add3A_365, %scan3A_353 : i32
      %dma_start3A_367 = arith.constant 0 : i32
      %dma_start3A_368 = tpu.memref_slice %arg11[%scan3A_353, %dma_start3A_367] : memref<4x2048xf32, #tpu.memory_space<vmem>> -> memref<1x2048xf32, #tpu.memory_space<vmem>>
      %dma_start3A_369 = arith.constant 0 : i32
      %dma_start3A_370 = tpu.memref_slice %arg5[%add3A_366, %dma_start3A_369] : memref<16384x2048xf32, #tpu.memory_space<hbm>> -> memref<1x2048xf32, #tpu.memory_space<hbm>>
      %dma_start3A_371 = arith.constant 0 : i32
      %dma_start3A_372 = tpu.memref_slice %arg5[%add3A_366, %dma_start3A_371] : memref<16384x2048xf32, #tpu.memory_space<hbm>> -> memref<1x2048xf32, #tpu.memory_space<hbm>>
      %dma_start3A_373 = arith.constant 0 : i32
      %dma_start3A_374 = tpu.memref_slice %arg11[%scan3A_353, %dma_start3A_373] : memref<4x2048xf32, #tpu.memory_space<vmem>> -> memref<1x2048xf32, #tpu.memory_space<vmem>>
      tpu.enqueue_dma source(%dma_start3A_374 : memref<1x2048xf32, #tpu.memory_space<vmem>>) target(%dma_start3A_372 : memref<1x2048xf32, #tpu.memory_space<hbm>>) target_semaphore(%arg29 : memref<!tpu.dma_semaphore, #tpu.memory_space<semaphore_mem>>)
      %add3A_375 = arith.constant 4096 : i32
      %add3A_376 = arith.addi %add3A_375, %mul3A_2 : i32
      %add3A_377 = arith.constant 4 : i32
      %add3A_378 = arith.addi %add3A_376, %add3A_377 : i32
      %add3A_379 = arith.addi %add3A_378, %scan3A_353 : i32
      %dma_start3A_380 = arith.constant 0 : i32
      %dma_start3A_381 = tpu.memref_slice %arg12[%scan3A_353, %dma_start3A_380] : memref<4x2048xf32, #tpu.memory_space<vmem>> -> memref<1x2048xf32, #tpu.memory_space<vmem>>
      %dma_start3A_382 = arith.constant 0 : i32
      %dma_start3A_383 = tpu.memref_slice %arg5[%add3A_379, %dma_start3A_382] : memref<16384x2048xf32, #tpu.memory_space<hbm>> -> memref<1x2048xf32, #tpu.memory_space<hbm>>
      %dma_start3A_384 = arith.constant 0 : i32
      %dma_start3A_385 = tpu.memref_slice %arg5[%add3A_379, %dma_start3A_384] : memref<16384x2048xf32, #tpu.memory_space<hbm>> -> memref<1x2048xf32, #tpu.memory_space<hbm>>
      %dma_start3A_386 = arith.constant 0 : i32
      %dma_start3A_387 = tpu.memref_slice %arg12[%scan3A_353, %dma_start3A_386] : memref<4x2048xf32, #tpu.memory_space<vmem>> -> memref<1x2048xf32, #tpu.memory_space<vmem>>
      tpu.enqueue_dma source(%dma_start3A_387 : memref<1x2048xf32, #tpu.memory_space<vmem>>) target(%dma_start3A_385 : memref<1x2048xf32, #tpu.memory_space<hbm>>) target_semaphore(%arg30 : memref<!tpu.dma_semaphore, #tpu.memory_space<semaphore_mem>>)
      %add3A_388 = arith.constant 8192 : i32
      %add3A_389 = arith.addi %add3A_388, %mul3A_2 : i32
      %add3A_390 = arith.constant 4 : i32
      %add3A_391 = arith.addi %add3A_389, %add3A_390 : i32
      %add3A_392 = arith.addi %add3A_391, %scan3A_353 : i32
      %dma_start3A_393 = arith.constant 0 : i32
      %dma_start3A_394 = tpu.memref_slice %arg13[%scan3A_353, %dma_start3A_393] : memref<4x2048xf32, #tpu.memory_space<vmem>> -> memref<1x2048xf32, #tpu.memory_space<vmem>>
      %dma_start3A_395 = arith.constant 0 : i32
      %dma_start3A_396 = tpu.memref_slice %arg5[%add3A_392, %dma_start3A_395] : memref<16384x2048xf32, #tpu.memory_space<hbm>> -> memref<1x2048xf32, #tpu.memory_space<hbm>>
      %dma_start3A_397 = arith.constant 0 : i32
      %dma_start3A_398 = tpu.memref_slice %arg5[%add3A_392, %dma_start3A_397] : memref<16384x2048xf32, #tpu.memory_space<hbm>> -> memref<1x2048xf32, #tpu.memory_space<hbm>>
      %dma_start3A_399 = arith.constant 0 : i32
      %dma_start3A_400 = tpu.memref_slice %arg13[%scan3A_353, %dma_start3A_399] : memref<4x2048xf32, #tpu.memory_space<vmem>> -> memref<1x2048xf32, #tpu.memory_space<vmem>>
      tpu.enqueue_dma source(%dma_start3A_400 : memref<1x2048xf32, #tpu.memory_space<vmem>>) target(%dma_start3A_398 : memref<1x2048xf32, #tpu.memory_space<hbm>>) target_semaphore(%arg31 : memref<!tpu.dma_semaphore, #tpu.memory_space<semaphore_mem>>)
      %add3A_401 = arith.constant 12288 : i32
      %add3A_402 = arith.addi %add3A_401, %mul3A_2 : i32
      %add3A_403 = arith.constant 4 : i32
      %add3A_404 = arith.addi %add3A_402, %add3A_403 : i32
      %add3A_405 = arith.addi %add3A_404, %scan3A_353 : i32
      %dma_start3A_406 = arith.constant 0 : i32
      %dma_start3A_407 = tpu.memref_slice %arg14[%scan3A_353, %dma_start3A_406] : memref<4x2048xf32, #tpu.memory_space<vmem>> -> memref<1x2048xf32, #tpu.memory_space<vmem>>
      %dma_start3A_408 = arith.constant 0 : i32
      %dma_start3A_409 = tpu.memref_slice %arg5[%add3A_405, %dma_start3A_408] : memref<16384x2048xf32, #tpu.memory_space<hbm>> -> memref<1x2048xf32, #tpu.memory_space<hbm>>
      %dma_start3A_410 = arith.constant 0 : i32
      %dma_start3A_411 = tpu.memref_slice %arg5[%add3A_405, %dma_start3A_410] : memref<16384x2048xf32, #tpu.memory_space<hbm>> -> memref<1x2048xf32, #tpu.memory_space<hbm>>
      %dma_start3A_412 = arith.constant 0 : i32
      %dma_start3A_413 = tpu.memref_slice %arg14[%scan3A_353, %dma_start3A_412] : memref<4x2048xf32, #tpu.memory_space<vmem>> -> memref<1x2048xf32, #tpu.memory_space<vmem>>
      tpu.enqueue_dma source(%dma_start3A_413 : memref<1x2048xf32, #tpu.memory_space<vmem>>) target(%dma_start3A_411 : memref<1x2048xf32, #tpu.memory_space<hbm>>) target_semaphore(%arg32 : memref<!tpu.dma_semaphore, #tpu.memory_space<semaphore_mem>>)
      %scan3A_414 = arith.constant 0 : i32
      scf.yield %scan3A_414 : i32
    }
    %scan3A_307 = arith.constant 4 : i32
    %add3A_308 = arith.constant 12 : i32
    %add3A_309 = arith.addi %mul3A_2, %add3A_308 : i32
    %dma_start3A_310 = arith.constant 0 : i32
    %dma_start3A_311 = tpu.memref_slice %arg4[%add3A_309, %dma_start3A_310] : memref<8192x2048xf32, #tpu.memory_space<hbm>> -> memref<4x2048xf32, #tpu.memory_space<hbm>>
    %dma_start3A_312 = arith.constant 0 : i32
    %dma_start3A_313 = tpu.memref_slice %arg4[%add3A_309, %dma_start3A_312] : memref<8192x2048xf32, #tpu.memory_space<hbm>> -> memref<4x2048xf32, #tpu.memory_space<hbm>>
    tpu.enqueue_dma source(%dma_start3A_313 : memref<4x2048xf32, #tpu.memory_space<hbm>>) target(%arg16 : memref<4x2048xf32, #tpu.memory_space<vmem>>) target_semaphore(%arg34 : memref<!tpu.dma_semaphore, #tpu.memory_space<semaphore_mem>>)
    %scan3A_314 = arith.constant 0 : i32
    %scan3A_315 = arith.constant 1 : i32
    %scan3A_316 = arith.constant 15 : i32
    %scan3A_317 = arith.addi %scan3A_315, %scan3A_316 : i32
    %scan3A_318 = arith.constant 1 : i32
    %scan3A_319 = scf.for %scan3A_353 = %scan3A_315 to %scan3A_317 step %scan3A_318 iter_args(%scan3A_354 = %scan3A_314) -> (i32)  : i32 {
      %mul3A_355 = arith.constant 2 : i32
      %mul3A_356 = arith.muli %mul3A_355, %scan3A_353 : i32
      %dma_wait3A_357 = arith.constant 0 : i32
      %dma_wait3A_358 = tpu.memref_slice %arg4[%mul3A_2, %dma_wait3A_357] : memref<8192x2048xf32, #tpu.memory_space<hbm>> -> memref<4x2048xf32, #tpu.memory_space<hbm>>
      %dma_wait3A_359 = arith.constant 0 : i32
      %dma_wait3A_360 = tpu.memref_slice %arg4[%mul3A_2, %dma_wait3A_359] : memref<8192x2048xf32, #tpu.memory_space<hbm>> -> memref<4x2048xf32, #tpu.memory_space<hbm>>
      tpu.wait_dma2 semaphore(%arg33 : memref<!tpu.dma_semaphore, #tpu.memory_space<semaphore_mem>>) src(%dma_wait3A_360 : memref<4x2048xf32, #tpu.memory_space<hbm>>) dst(%arg15 : memref<4x2048xf32, #tpu.memory_space<vmem>>)
      %add3A_361 = arith.constant 0 : i32
      %add3A_362 = arith.addi %add3A_361, %mul3A_356 : i32
      %dma_wait3A_363 = arith.constant 0 : i32
      %dma_wait3A_364 = tpu.memref_slice %arg6[%add3A_362, %dma_wait3A_363] : memref<128x4xi32, #tpu.memory_space<vmem>> -> memref<1x4xi32, #tpu.memory_space<vmem>>
      %dma_wait3A_365 = tpu.memref_squeeze %dma_wait3A_364 : memref<1x4xi32, #tpu.memory_space<vmem>> -> memref<4xi32, #tpu.memory_space<vmem>>
      %dma_wait3A_366 = arith.constant 0 : i32
      %dma_wait3A_367 = arith.constant 0 : i32
      %dma_wait3A_368 = tpu.memref_slice %arg3[%dma_wait3A_366, %dma_wait3A_367] : memref<100000x2048xf32, #tpu.memory_space<hbm>> -> memref<100000x2048xf32, #tpu.memory_space<hbm>>
      tpu.wait_indirect_dma semaphore(%arg17 : memref<!tpu.dma_semaphore, #tpu.memory_space<semaphore_mem>>) src(%dma_wait3A_368 : memref<100000x2048xf32, #tpu.memory_space<hbm>>) dst(%arg7 : memref<4x2048xf32, #tpu.memory_space<vmem>>)
      %add3A_369 = arith.constant 32 : i32
      %add3A_370 = arith.addi %add3A_369, %mul3A_356 : i32
      %dma_wait3A_371 = arith.constant 0 : i32
      %dma_wait3A_372 = tpu.memref_slice %arg6[%add3A_370, %dma_wait3A_371] : memref<128x4xi32, #tpu.memory_space<vmem>> -> memref<1x4xi32, #tpu.memory_space<vmem>>
      %dma_wait3A_373 = tpu.memref_squeeze %dma_wait3A_372 : memref<1x4xi32, #tpu.memory_space<vmem>> -> memref<4xi32, #tpu.memory_space<vmem>>
      %dma_wait3A_374 = arith.constant 0 : i32
      %dma_wait3A_375 = arith.constant 0 : i32
      %dma_wait3A_376 = tpu.memref_slice %arg3[%dma_wait3A_374, %dma_wait3A_375] : memref<100000x2048xf32, #tpu.memory_space<hbm>> -> memref<100000x2048xf32, #tpu.memory_space<hbm>>
      tpu.wait_indirect_dma semaphore(%arg18 : memref<!tpu.dma_semaphore, #tpu.memory_space<semaphore_mem>>) src(%dma_wait3A_376 : memref<100000x2048xf32, #tpu.memory_space<hbm>>) dst(%arg8 : memref<4x2048xf32, #tpu.memory_space<vmem>>)
      %add3A_377 = arith.constant 64 : i32
      %add3A_378 = arith.addi %add3A_377, %mul3A_356 : i32
      %dma_wait3A_379 = arith.constant 0 : i32
      %dma_wait3A_380 = tpu.memref_slice %arg6[%add3A_378, %dma_wait3A_379] : memref<128x4xi32, #tpu.memory_space<vmem>> -> memref<1x4xi32, #tpu.memory_space<vmem>>
      %dma_wait3A_381 = tpu.memref_squeeze %dma_wait3A_380 : memref<1x4xi32, #tpu.memory_space<vmem>> -> memref<4xi32, #tpu.memory_space<vmem>>
      %dma_wait3A_382 = arith.constant 0 : i32
      %dma_wait3A_383 = arith.constant 0 : i32
      %dma_wait3A_384 = tpu.memref_slice %arg3[%dma_wait3A_382, %dma_wait3A_383] : memref<100000x2048xf32, #tpu.memory_space<hbm>> -> memref<100000x2048xf32, #tpu.memory_space<hbm>>
      tpu.wait_indirect_dma semaphore(%arg19 : memref<!tpu.dma_semaphore, #tpu.memory_space<semaphore_mem>>) src(%dma_wait3A_384 : memref<100000x2048xf32, #tpu.memory_space<hbm>>) dst(%arg9 : memref<4x2048xf32, #tpu.memory_space<vmem>>)
      %add3A_385 = arith.constant 96 : i32
      %add3A_386 = arith.addi %add3A_385, %mul3A_356 : i32
      %dma_wait3A_387 = arith.constant 0 : i32
      %dma_wait3A_388 = tpu.memref_slice %arg6[%add3A_386, %dma_wait3A_387] : memref<128x4xi32, #tpu.memory_space<vmem>> -> memref<1x4xi32, #tpu.memory_space<vmem>>
      %dma_wait3A_389 = tpu.memref_squeeze %dma_wait3A_388 : memref<1x4xi32, #tpu.memory_space<vmem>> -> memref<4xi32, #tpu.memory_space<vmem>>
      %dma_wait3A_390 = arith.constant 0 : i32
      %dma_wait3A_391 = arith.constant 0 : i32
      %dma_wait3A_392 = tpu.memref_slice %arg3[%dma_wait3A_390, %dma_wait3A_391] : memref<100000x2048xf32, #tpu.memory_space<hbm>> -> memref<100000x2048xf32, #tpu.memory_space<hbm>>
      tpu.wait_indirect_dma semaphore(%arg20 : memref<!tpu.dma_semaphore, #tpu.memory_space<semaphore_mem>>) src(%dma_wait3A_392 : memref<100000x2048xf32, #tpu.memory_space<hbm>>) dst(%arg10 : memref<4x2048xf32, #tpu.memory_space<vmem>>)
      %add3A_393 = arith.constant 1 : i32
      %add3A_394 = arith.addi %mul3A_356, %add3A_393 : i32
      %lt3A = arith.constant 32 : i32
      %lt3A_395 = arith.cmpi slt, %add3A_394, %lt3A : i32
      %convert_element_type3A = arith.extui %lt3A_395 : i1 to i32
      %cond3A = arith.constant 0 : i32
      %cond3A_396 = arith.cmpi ne, %convert_element_type3A, %cond3A : i32
      scf.if %cond3A_396 {
        %dma_wait3A_473 = arith.constant 0 : i32
        %dma_wait3A_474 = tpu.memref_slice %arg5[%mul3A_2, %dma_wait3A_473] : memref<16384x2048xf32, #tpu.memory_space<hbm>> -> memref<4x2048xf32, #tpu.memory_space<hbm>>
        %dma_wait3A_475 = arith.constant 0 : i32
        %dma_wait3A_476 = tpu.memref_slice %arg5[%mul3A_2, %dma_wait3A_475] : memref<16384x2048xf32, #tpu.memory_space<hbm>> -> memref<4x2048xf32, #tpu.memory_space<hbm>>
        tpu.wait_dma2 semaphore(%arg29 : memref<!tpu.dma_semaphore, #tpu.memory_space<semaphore_mem>>) src(%arg11 : memref<4x2048xf32, #tpu.memory_space<vmem>>) dst(%dma_wait3A_476 : memref<4x2048xf32, #tpu.memory_space<hbm>>)
        %add3A_477 = arith.constant 1 : i32
        %add3A_478 = arith.addi %mul3A_356, %add3A_477 : i32
        %add3A_479 = arith.constant 0 : i32
        %add3A_480 = arith.addi %add3A_479, %add3A_478 : i32
        %dma_start3A_481 = arith.constant 0 : i32
        %dma_start3A_482 = tpu.memref_slice %arg6[%add3A_480, %dma_start3A_481] : memref<128x4xi32, #tpu.memory_space<vmem>> -> memref<1x4xi32, #tpu.memory_space<vmem>>
        %dma_start3A_483 = tpu.memref_squeeze %dma_start3A_482 : memref<1x4xi32, #tpu.memory_space<vmem>> -> memref<4xi32, #tpu.memory_space<vmem>>
        %dma_start3A_484 = arith.constant 0 : i32
        %dma_start3A_485 = arith.constant 0 : i32
        %dma_start3A_486 = tpu.memref_slice %arg3[%dma_start3A_484, %dma_start3A_485] : memref<100000x2048xf32, #tpu.memory_space<hbm>> -> memref<100000x2048xf32, #tpu.memory_space<hbm>>
        tpu.enqueue_indirect_dma source(%dma_start3A_486 : memref<100000x2048xf32, #tpu.memory_space<hbm>>) target(%arg11 : memref<4x2048xf32, #tpu.memory_space<vmem>>) offsets(%dma_start3A_483 : memref<4xi32, #tpu.memory_space<vmem>>) semaphore(%arg21 : memref<!tpu.dma_semaphore, #tpu.memory_space<semaphore_mem>>)
        %dma_wait3A_487 = arith.constant 0 : i32
        %dma_wait3A_488 = tpu.memref_slice %arg5[%mul3A_2, %dma_wait3A_487] : memref<16384x2048xf32, #tpu.memory_space<hbm>> -> memref<4x2048xf32, #tpu.memory_space<hbm>>
        %dma_wait3A_489 = arith.constant 0 : i32
        %dma_wait3A_490 = tpu.memref_slice %arg5[%mul3A_2, %dma_wait3A_489] : memref<16384x2048xf32, #tpu.memory_space<hbm>> -> memref<4x2048xf32, #tpu.memory_space<hbm>>
        tpu.wait_dma2 semaphore(%arg30 : memref<!tpu.dma_semaphore, #tpu.memory_space<semaphore_mem>>) src(%arg12 : memref<4x2048xf32, #tpu.memory_space<vmem>>) dst(%dma_wait3A_490 : memref<4x2048xf32, #tpu.memory_space<hbm>>)
        %add3A_491 = arith.constant 1 : i32
        %add3A_492 = arith.addi %mul3A_356, %add3A_491 : i32
        %add3A_493 = arith.constant 32 : i32
        %add3A_494 = arith.addi %add3A_493, %add3A_492 : i32
        %dma_start3A_495 = arith.constant 0 : i32
        %dma_start3A_496 = tpu.memref_slice %arg6[%add3A_494, %dma_start3A_495] : memref<128x4xi32, #tpu.memory_space<vmem>> -> memref<1x4xi32, #tpu.memory_space<vmem>>
        %dma_start3A_497 = tpu.memref_squeeze %dma_start3A_496 : memref<1x4xi32, #tpu.memory_space<vmem>> -> memref<4xi32, #tpu.memory_space<vmem>>
        %dma_start3A_498 = arith.constant 0 : i32
        %dma_start3A_499 = arith.constant 0 : i32
        %dma_start3A_500 = tpu.memref_slice %arg3[%dma_start3A_498, %dma_start3A_499] : memref<100000x2048xf32, #tpu.memory_space<hbm>> -> memref<100000x2048xf32, #tpu.memory_space<hbm>>
        tpu.enqueue_indirect_dma source(%dma_start3A_500 : memref<100000x2048xf32, #tpu.memory_space<hbm>>) target(%arg12 : memref<4x2048xf32, #tpu.memory_space<vmem>>) offsets(%dma_start3A_497 : memref<4xi32, #tpu.memory_space<vmem>>) semaphore(%arg22 : memref<!tpu.dma_semaphore, #tpu.memory_space<semaphore_mem>>)
        %dma_wait3A_501 = arith.constant 0 : i32
        %dma_wait3A_502 = tpu.memref_slice %arg5[%mul3A_2, %dma_wait3A_501] : memref<16384x2048xf32, #tpu.memory_space<hbm>> -> memref<4x2048xf32, #tpu.memory_space<hbm>>
        %dma_wait3A_503 = arith.constant 0 : i32
        %dma_wait3A_504 = tpu.memref_slice %arg5[%mul3A_2, %dma_wait3A_503] : memref<16384x2048xf32, #tpu.memory_space<hbm>> -> memref<4x2048xf32, #tpu.memory_space<hbm>>
        tpu.wait_dma2 semaphore(%arg31 : memref<!tpu.dma_semaphore, #tpu.memory_space<semaphore_mem>>) src(%arg13 : memref<4x2048xf32, #tpu.memory_space<vmem>>) dst(%dma_wait3A_504 : memref<4x2048xf32, #tpu.memory_space<hbm>>)
        %add3A_505 = arith.constant 1 : i32
        %add3A_506 = arith.addi %mul3A_356, %add3A_505 : i32
        %add3A_507 = arith.constant 64 : i32
        %add3A_508 = arith.addi %add3A_507, %add3A_506 : i32
        %dma_start3A_509 = arith.constant 0 : i32
        %dma_start3A_510 = tpu.memref_slice %arg6[%add3A_508, %dma_start3A_509] : memref<128x4xi32, #tpu.memory_space<vmem>> -> memref<1x4xi32, #tpu.memory_space<vmem>>
        %dma_start3A_511 = tpu.memref_squeeze %dma_start3A_510 : memref<1x4xi32, #tpu.memory_space<vmem>> -> memref<4xi32, #tpu.memory_space<vmem>>
        %dma_start3A_512 = arith.constant 0 : i32
        %dma_start3A_513 = arith.constant 0 : i32
        %dma_start3A_514 = tpu.memref_slice %arg3[%dma_start3A_512, %dma_start3A_513] : memref<100000x2048xf32, #tpu.memory_space<hbm>> -> memref<100000x2048xf32, #tpu.memory_space<hbm>>
        tpu.enqueue_indirect_dma source(%dma_start3A_514 : memref<100000x2048xf32, #tpu.memory_space<hbm>>) target(%arg13 : memref<4x2048xf32, #tpu.memory_space<vmem>>) offsets(%dma_start3A_511 : memref<4xi32, #tpu.memory_space<vmem>>) semaphore(%arg23 : memref<!tpu.dma_semaphore, #tpu.memory_space<semaphore_mem>>)
        %dma_wait3A_515 = arith.constant 0 : i32
        %dma_wait3A_516 = tpu.memref_slice %arg5[%mul3A_2, %dma_wait3A_515] : memref<16384x2048xf32, #tpu.memory_space<hbm>> -> memref<4x2048xf32, #tpu.memory_space<hbm>>
        %dma_wait3A_517 = arith.constant 0 : i32
        %dma_wait3A_518 = tpu.memref_slice %arg5[%mul3A_2, %dma_wait3A_517] : memref<16384x2048xf32, #tpu.memory_space<hbm>> -> memref<4x2048xf32, #tpu.memory_space<hbm>>
        tpu.wait_dma2 semaphore(%arg32 : memref<!tpu.dma_semaphore, #tpu.memory_space<semaphore_mem>>) src(%arg14 : memref<4x2048xf32, #tpu.memory_space<vmem>>) dst(%dma_wait3A_518 : memref<4x2048xf32, #tpu.memory_space<hbm>>)
        %add3A_519 = arith.constant 1 : i32
        %add3A_520 = arith.addi %mul3A_356, %add3A_519 : i32
        %add3A_521 = arith.constant 96 : i32
        %add3A_522 = arith.addi %add3A_521, %add3A_520 : i32
        %dma_start3A_523 = arith.constant 0 : i32
        %dma_start3A_524 = tpu.memref_slice %arg6[%add3A_522, %dma_start3A_523] : memref<128x4xi32, #tpu.memory_space<vmem>> -> memref<1x4xi32, #tpu.memory_space<vmem>>
        %dma_start3A_525 = tpu.memref_squeeze %dma_start3A_524 : memref<1x4xi32, #tpu.memory_space<vmem>> -> memref<4xi32, #tpu.memory_space<vmem>>
        %dma_start3A_526 = arith.constant 0 : i32
        %dma_start3A_527 = arith.constant 0 : i32
        %dma_start3A_528 = tpu.memref_slice %arg3[%dma_start3A_526, %dma_start3A_527] : memref<100000x2048xf32, #tpu.memory_space<hbm>> -> memref<100000x2048xf32, #tpu.memory_space<hbm>>
        tpu.enqueue_indirect_dma source(%dma_start3A_528 : memref<100000x2048xf32, #tpu.memory_space<hbm>>) target(%arg14 : memref<4x2048xf32, #tpu.memory_space<vmem>>) offsets(%dma_start3A_525 : memref<4xi32, #tpu.memory_space<vmem>>) semaphore(%arg24 : memref<!tpu.dma_semaphore, #tpu.memory_space<semaphore_mem>>)
      } else {
      }
      %scan3A_397 = arith.constant 0 : i32
      %scan3A_398 = arith.constant 0 : i32
      %scan3A_399 = arith.constant 4 : i32
      %scan3A_400 = arith.addi %scan3A_398, %scan3A_399 : i32
      %scan3A_401 = arith.constant 1 : i32
      %scan3A_402 = scf.for %scan3A_473 = %scan3A_398 to %scan3A_400 step %scan3A_401 iter_args(%scan3A_474 = %scan3A_397) -> (i32)  : i32 {
        %scan3A_475 = arith.constant 0 : i32
        %scan3A_476 = arith.constant 0 : i32
        %scan3A_477 = arith.constant 16 : i32
        %scan3A_478 = arith.addi %scan3A_476, %scan3A_477 : i32
        %scan3A_479 = arith.constant 1 : i32
        %scan3A_480 = scf.for %scan3A_539 = %scan3A_476 to %scan3A_478 step %scan3A_479 iter_args(%scan3A_540 = %scan3A_475) -> (i32)  : i32 {
          %mul3A_541 = arith.constant 128 : i32
          %mul3A_542 = arith.muli %scan3A_539, %mul3A_541 : i32
          %add3A_543 = arith.constant 0 : i32
          %add3A_544 = arith.addi %mul3A_542, %add3A_543 : i32
          %get3A = arith.index_cast %scan3A_473 : i32 to index
          %get3A_545 = arith.index_cast %add3A_544 : i32 to index
          %get3A_546 = tpu.vector_load %arg15[%get3A, %get3A_545] {strides = array<i32>} : memref<4x2048xf32, #tpu.memory_space<vmem>>, vector<1x16xf32>,
          %get3A_547 = vector.shape_cast %get3A_546 : vector<1x16xf32> to vector<16xf32>
          %add3A_548 = arith.constant 16 : i32
          %add3A_549 = arith.addi %mul3A_542, %add3A_548 : i32
          %get3A_550 = arith.index_cast %scan3A_473 : i32 to index
          %get3A_551 = arith.index_cast %add3A_549 : i32 to index
          %get3A_552 = tpu.vector_load %arg15[%get3A_550, %get3A_551] {strides = array<i32>} : memref<4x2048xf32, #tpu.memory_space<vmem>>, vector<1x16xf32>,
          %get3A_553 = vector.shape_cast %get3A_552 : vector<1x16xf32> to vector<16xf32>
          %add3A_554 = arith.constant 32 : i32
          %add3A_555 = arith.addi %mul3A_542, %add3A_554 : i32
          %get3A_556 = arith.index_cast %scan3A_473 : i32 to index
          %get3A_557 = arith.index_cast %add3A_555 : i32 to index
          %get3A_558 = tpu.vector_load %arg15[%get3A_556, %get3A_557] {strides = array<i32>} : memref<4x2048xf32, #tpu.memory_space<vmem>>, vector<1x16xf32>,
          %get3A_559 = vector.shape_cast %get3A_558 : vector<1x16xf32> to vector<16xf32>
          %add3A_560 = arith.constant 48 : i32
          %add3A_561 = arith.addi %mul3A_542, %add3A_560 : i32
          %get3A_562 = arith.index_cast %scan3A_473 : i32 to index
          %get3A_563 = arith.index_cast %add3A_561 : i32 to index
          %get3A_564 = tpu.vector_load %arg15[%get3A_562, %get3A_563] {strides = array<i32>} : memref<4x2048xf32, #tpu.memory_space<vmem>>, vector<1x16xf32>,
          %get3A_565 = vector.shape_cast %get3A_564 : vector<1x16xf32> to vector<16xf32>
          %add3A_566 = arith.constant 64 : i32
          %add3A_567 = arith.addi %mul3A_542, %add3A_566 : i32
          %get3A_568 = arith.index_cast %scan3A_473 : i32 to index
          %get3A_569 = arith.index_cast %add3A_567 : i32 to index
          %get3A_570 = tpu.vector_load %arg15[%get3A_568, %get3A_569] {strides = array<i32>} : memref<4x2048xf32, #tpu.memory_space<vmem>>, vector<1x16xf32>,
          %get3A_571 = vector.shape_cast %get3A_570 : vector<1x16xf32> to vector<16xf32>
          %add3A_572 = arith.constant 80 : i32
          %add3A_573 = arith.addi %mul3A_542, %add3A_572 : i32
          %get3A_574 = arith.index_cast %scan3A_473 : i32 to index
          %get3A_575 = arith.index_cast %add3A_573 : i32 to index
          %get3A_576 = tpu.vector_load %arg15[%get3A_574, %get3A_575] {strides = array<i32>} : memref<4x2048xf32, #tpu.memory_space<vmem>>, vector<1x16xf32>,
          %get3A_577 = vector.shape_cast %get3A_576 : vector<1x16xf32> to vector<16xf32>
          %add3A_578 = arith.constant 96 : i32
          %add3A_579 = arith.addi %mul3A_542, %add3A_578 : i32
          %get3A_580 = arith.index_cast %scan3A_473 : i32 to index
          %get3A_581 = arith.index_cast %add3A_579 : i32 to index
          %get3A_582 = tpu.vector_load %arg15[%get3A_580, %get3A_581] {strides = array<i32>} : memref<4x2048xf32, #tpu.memory_space<vmem>>, vector<1x16xf32>,
          %get3A_583 = vector.shape_cast %get3A_582 : vector<1x16xf32> to vector<16xf32>
          %add3A_584 = arith.constant 112 : i32
          %add3A_585 = arith.addi %mul3A_542, %add3A_584 : i32
          %get3A_586 = arith.index_cast %scan3A_473 : i32 to index
          %get3A_587 = arith.index_cast %add3A_585 : i32 to index
          %get3A_588 = tpu.vector_load %arg15[%get3A_586, %get3A_587] {strides = array<i32>} : memref<4x2048xf32, #tpu.memory_space<vmem>>, vector<1x16xf32>,
          %get3A_589 = vector.shape_cast %get3A_588 : vector<1x16xf32> to vector<16xf32>
          %add3A_590 = arith.constant 0 : i32
          %add3A_591 = arith.addi %mul3A_542, %add3A_590 : i32
          %swap3A = arith.index_cast %scan3A_473 : i32 to index
          %swap3A_592 = arith.index_cast %add3A_591 : i32 to index
          %swap3A_593 = tpu.vector_load %arg7[%swap3A, %swap3A_592] {strides = array<i32>} : memref<4x2048xf32, #tpu.memory_space<vmem>>, vector<1x16xf32>,
          %swap3A_594 = vector.shape_cast %swap3A_593 : vector<1x16xf32> to vector<16xf32>
          %swap3A_595 = vector.shape_cast %get3A_547 : vector<16xf32> to vector<1x16xf32>
          tpu.vector_store %arg7[%swap3A, %swap3A_592], %swap3A_595 {add = true, strides = array<i32>} : memref<4x2048xf32, #tpu.memory_space<vmem>>, vector<1x16xf32>,
          %swap3A_596 = arith.index_cast %scan3A_473 : i32 to index
          %swap3A_597 = arith.index_cast %add3A_591 : i32 to index
          %swap3A_598 = tpu.vector_load %arg8[%swap3A_596, %swap3A_597] {strides = array<i32>} : memref<4x2048xf32, #tpu.memory_space<vmem>>, vector<1x16xf32>,
          %swap3A_599 = vector.shape_cast %swap3A_598 : vector<1x16xf32> to vector<16xf32>
          %swap3A_600 = vector.shape_cast %get3A_547 : vector<16xf32> to vector<1x16xf32>
          tpu.vector_store %arg8[%swap3A_596, %swap3A_597], %swap3A_600 {add = true, strides = array<i32>} : memref<4x2048xf32, #tpu.memory_space<vmem>>, vector<1x16xf32>,
          %swap3A_601 = arith.index_cast %scan3A_473 : i32 to index
          %swap3A_602 = arith.index_cast %add3A_591 : i32 to index
          %swap3A_603 = tpu.vector_load %arg9[%swap3A_601, %swap3A_602] {strides = array<i32>} : memref<4x2048xf32, #tpu.memory_space<vmem>>, vector<1x16xf32>,
          %swap3A_604 = vector.shape_cast %swap3A_603 : vector<1x16xf32> to vector<16xf32>
          %swap3A_605 = vector.shape_cast %get3A_547 : vector<16xf32> to vector<1x16xf32>
          tpu.vector_store %arg9[%swap3A_601, %swap3A_602], %swap3A_605 {add = true, strides = array<i32>} : memref<4x2048xf32, #tpu.memory_space<vmem>>, vector<1x16xf32>,
          %swap3A_606 = arith.index_cast %scan3A_473 : i32 to index
          %swap3A_607 = arith.index_cast %add3A_591 : i32 to index
          %swap3A_608 = tpu.vector_load %arg10[%swap3A_606, %swap3A_607] {strides = array<i32>} : memref<4x2048xf32, #tpu.memory_space<vmem>>, vector<1x16xf32>,
          %swap3A_609 = vector.shape_cast %swap3A_608 : vector<1x16xf32> to vector<16xf32>
          %swap3A_610 = vector.shape_cast %get3A_547 : vector<16xf32> to vector<1x16xf32>
          tpu.vector_store %arg10[%swap3A_606, %swap3A_607], %swap3A_610 {add = true, strides = array<i32>} : memref<4x2048xf32, #tpu.memory_space<vmem>>, vector<1x16xf32>,
          %add3A_611 = arith.constant 16 : i32
          %add3A_612 = arith.addi %mul3A_542, %add3A_611 : i32
          %swap3A_613 = arith.index_cast %scan3A_473 : i32 to index
          %swap3A_614 = arith.index_cast %add3A_612 : i32 to index
          %swap3A_615 = tpu.vector_load %arg7[%swap3A_613, %swap3A_614] {strides = array<i32>} : memref<4x2048xf32, #tpu.memory_space<vmem>>, vector<1x16xf32>,
          %swap3A_616 = vector.shape_cast %swap3A_615 : vector<1x16xf32> to vector<16xf32>
          %swap3A_617 = vector.shape_cast %get3A_553 : vector<16xf32> to vector<1x16xf32>
          tpu.vector_store %arg7[%swap3A_613, %swap3A_614], %swap3A_617 {add = true, strides = array<i32>} : memref<4x2048xf32, #tpu.memory_space<vmem>>, vector<1x16xf32>,
          %swap3A_618 = arith.index_cast %scan3A_473 : i32 to index
          %swap3A_619 = arith.index_cast %add3A_612 : i32 to index
          %swap3A_620 = tpu.vector_load %arg8[%swap3A_618, %swap3A_619] {strides = array<i32>} : memref<4x2048xf32, #tpu.memory_space<vmem>>, vector<1x16xf32>,
          %swap3A_621 = vector.shape_cast %swap3A_620 : vector<1x16xf32> to vector<16xf32>
          %swap3A_622 = vector.shape_cast %get3A_553 : vector<16xf32> to vector<1x16xf32>
          tpu.vector_store %arg8[%swap3A_618, %swap3A_619], %swap3A_622 {add = true, strides = array<i32>} : memref<4x2048xf32, #tpu.memory_space<vmem>>, vector<1x16xf32>,
          %swap3A_623 = arith.index_cast %scan3A_473 : i32 to index
          %swap3A_624 = arith.index_cast %add3A_612 : i32 to index
          %swap3A_625 = tpu.vector_load %arg9[%swap3A_623, %swap3A_624] {strides = array<i32>} : memref<4x2048xf32, #tpu.memory_space<vmem>>, vector<1x16xf32>,
          %swap3A_626 = vector.shape_cast %swap3A_625 : vector<1x16xf32> to vector<16xf32>
          %swap3A_627 = vector.shape_cast %get3A_553 : vector<16xf32> to vector<1x16xf32>
          tpu.vector_store %arg9[%swap3A_623, %swap3A_624], %swap3A_627 {add = true, strides = array<i32>} : memref<4x2048xf32, #tpu.memory_space<vmem>>, vector<1x16xf32>,
          %swap3A_628 = arith.index_cast %scan3A_473 : i32 to index
          %swap3A_629 = arith.index_cast %add3A_612 : i32 to index
          %swap3A_630 = tpu.vector_load %arg10[%swap3A_628, %swap3A_629] {strides = array<i32>} : memref<4x2048xf32, #tpu.memory_space<vmem>>, vector<1x16xf32>,
          %swap3A_631 = vector.shape_cast %swap3A_630 : vector<1x16xf32> to vector<16xf32>
          %swap3A_632 = vector.shape_cast %get3A_553 : vector<16xf32> to vector<1x16xf32>
          tpu.vector_store %arg10[%swap3A_628, %swap3A_629], %swap3A_632 {add = true, strides = array<i32>} : memref<4x2048xf32, #tpu.memory_space<vmem>>, vector<1x16xf32>,
          %add3A_633 = arith.constant 32 : i32
          %add3A_634 = arith.addi %mul3A_542, %add3A_633 : i32
          %swap3A_635 = arith.index_cast %scan3A_473 : i32 to index
          %swap3A_636 = arith.index_cast %add3A_634 : i32 to index
          %swap3A_637 = tpu.vector_load %arg7[%swap3A_635, %swap3A_636] {strides = array<i32>} : memref<4x2048xf32, #tpu.memory_space<vmem>>, vector<1x16xf32>,
          %swap3A_638 = vector.shape_cast %swap3A_637 : vector<1x16xf32> to vector<16xf32>
          %swap3A_639 = vector.shape_cast %get3A_559 : vector<16xf32> to vector<1x16xf32>
          tpu.vector_store %arg7[%swap3A_635, %swap3A_636], %swap3A_639 {add = true, strides = array<i32>} : memref<4x2048xf32, #tpu.memory_space<vmem>>, vector<1x16xf32>,
          %swap3A_640 = arith.index_cast %scan3A_473 : i32 to index
          %swap3A_641 = arith.index_cast %add3A_634 : i32 to index
          %swap3A_642 = tpu.vector_load %arg8[%swap3A_640, %swap3A_641] {strides = array<i32>} : memref<4x2048xf32, #tpu.memory_space<vmem>>, vector<1x16xf32>,
          %swap3A_643 = vector.shape_cast %swap3A_642 : vector<1x16xf32> to vector<16xf32>
          %swap3A_644 = vector.shape_cast %get3A_559 : vector<16xf32> to vector<1x16xf32>
          tpu.vector_store %arg8[%swap3A_640, %swap3A_641], %swap3A_644 {add = true, strides = array<i32>} : memref<4x2048xf32, #tpu.memory_space<vmem>>, vector<1x16xf32>,
          %swap3A_645 = arith.index_cast %scan3A_473 : i32 to index
          %swap3A_646 = arith.index_cast %add3A_634 : i32 to index
          %swap3A_647 = tpu.vector_load %arg9[%swap3A_645, %swap3A_646] {strides = array<i32>} : memref<4x2048xf32, #tpu.memory_space<vmem>>, vector<1x16xf32>,
          %swap3A_648 = vector.shape_cast %swap3A_647 : vector<1x16xf32> to vector<16xf32>
          %swap3A_649 = vector.shape_cast %get3A_559 : vector<16xf32> to vector<1x16xf32>
          tpu.vector_store %arg9[%swap3A_645, %swap3A_646], %swap3A_649 {add = true, strides = array<i32>} : memref<4x2048xf32, #tpu.memory_space<vmem>>, vector<1x16xf32>,
          %swap3A_650 = arith.index_cast %scan3A_473 : i32 to index
          %swap3A_651 = arith.index_cast %add3A_634 : i32 to index
          %swap3A_652 = tpu.vector_load %arg10[%swap3A_650, %swap3A_651] {strides = array<i32>} : memref<4x2048xf32, #tpu.memory_space<vmem>>, vector<1x16xf32>,
          %swap3A_653 = vector.shape_cast %swap3A_652 : vector<1x16xf32> to vector<16xf32>
          %swap3A_654 = vector.shape_cast %get3A_559 : vector<16xf32> to vector<1x16xf32>
          tpu.vector_store %arg10[%swap3A_650, %swap3A_651], %swap3A_654 {add = true, strides = array<i32>} : memref<4x2048xf32, #tpu.memory_space<vmem>>, vector<1x16xf32>,
          %add3A_655 = arith.constant 48 : i32
          %add3A_656 = arith.addi %mul3A_542, %add3A_655 : i32
          %swap3A_657 = arith.index_cast %scan3A_473 : i32 to index
          %swap3A_658 = arith.index_cast %add3A_656 : i32 to index
          %swap3A_659 = tpu.vector_load %arg7[%swap3A_657, %swap3A_658] {strides = array<i32>} : memref<4x2048xf32, #tpu.memory_space<vmem>>, vector<1x16xf32>,
          %swap3A_660 = vector.shape_cast %swap3A_659 : vector<1x16xf32> to vector<16xf32>
          %swap3A_661 = vector.shape_cast %get3A_565 : vector<16xf32> to vector<1x16xf32>
          tpu.vector_store %arg7[%swap3A_657, %swap3A_658], %swap3A_661 {add = true, strides = array<i32>} : memref<4x2048xf32, #tpu.memory_space<vmem>>, vector<1x16xf32>,
          %swap3A_662 = arith.index_cast %scan3A_473 : i32 to index
          %swap3A_663 = arith.index_cast %add3A_656 : i32 to index
          %swap3A_664 = tpu.vector_load %arg8[%swap3A_662, %swap3A_663] {strides = array<i32>} : memref<4x2048xf32, #tpu.memory_space<vmem>>, vector<1x16xf32>,
          %swap3A_665 = vector.shape_cast %swap3A_664 : vector<1x16xf32> to vector<16xf32>
          %swap3A_666 = vector.shape_cast %get3A_565 : vector<16xf32> to vector<1x16xf32>
          tpu.vector_store %arg8[%swap3A_662, %swap3A_663], %swap3A_666 {add = true, strides = array<i32>} : memref<4x2048xf32, #tpu.memory_space<vmem>>, vector<1x16xf32>,
          %swap3A_667 = arith.index_cast %scan3A_473 : i32 to index
          %swap3A_668 = arith.index_cast %add3A_656 : i32 to index
          %swap3A_669 = tpu.vector_load %arg9[%swap3A_667, %swap3A_668] {strides = array<i32>} : memref<4x2048xf32, #tpu.memory_space<vmem>>, vector<1x16xf32>,
          %swap3A_670 = vector.shape_cast %swap3A_669 : vector<1x16xf32> to vector<16xf32>
          %swap3A_671 = vector.shape_cast %get3A_565 : vector<16xf32> to vector<1x16xf32>
          tpu.vector_store %arg9[%swap3A_667, %swap3A_668], %swap3A_671 {add = true, strides = array<i32>} : memref<4x2048xf32, #tpu.memory_space<vmem>>, vector<1x16xf32>,
          %swap3A_672 = arith.index_cast %scan3A_473 : i32 to index
          %swap3A_673 = arith.index_cast %add3A_656 : i32 to index
          %swap3A_674 = tpu.vector_load %arg10[%swap3A_672, %swap3A_673] {strides = array<i32>} : memref<4x2048xf32, #tpu.memory_space<vmem>>, vector<1x16xf32>,
          %swap3A_675 = vector.shape_cast %swap3A_674 : vector<1x16xf32> to vector<16xf32>
          %swap3A_676 = vector.shape_cast %get3A_565 : vector<16xf32> to vector<1x16xf32>
          tpu.vector_store %arg10[%swap3A_672, %swap3A_673], %swap3A_676 {add = true, strides = array<i32>} : memref<4x2048xf32, #tpu.memory_space<vmem>>, vector<1x16xf32>,
          %add3A_677 = arith.constant 64 : i32
          %add3A_678 = arith.addi %mul3A_542, %add3A_677 : i32
          %swap3A_679 = arith.index_cast %scan3A_473 : i32 to index
          %swap3A_680 = arith.index_cast %add3A_678 : i32 to index
          %swap3A_681 = tpu.vector_load %arg7[%swap3A_679, %swap3A_680] {strides = array<i32>} : memref<4x2048xf32, #tpu.memory_space<vmem>>, vector<1x16xf32>,
          %swap3A_682 = vector.shape_cast %swap3A_681 : vector<1x16xf32> to vector<16xf32>
          %swap3A_683 = vector.shape_cast %get3A_571 : vector<16xf32> to vector<1x16xf32>
          tpu.vector_store %arg7[%swap3A_679, %swap3A_680], %swap3A_683 {add = true, strides = array<i32>} : memref<4x2048xf32, #tpu.memory_space<vmem>>, vector<1x16xf32>,
          %swap3A_684 = arith.index_cast %scan3A_473 : i32 to index
          %swap3A_685 = arith.index_cast %add3A_678 : i32 to index
          %swap3A_686 = tpu.vector_load %arg8[%swap3A_684, %swap3A_685] {strides = array<i32>} : memref<4x2048xf32, #tpu.memory_space<vmem>>, vector<1x16xf32>,
          %swap3A_687 = vector.shape_cast %swap3A_686 : vector<1x16xf32> to vector<16xf32>
          %swap3A_688 = vector.shape_cast %get3A_571 : vector<16xf32> to vector<1x16xf32>
          tpu.vector_store %arg8[%swap3A_684, %swap3A_685], %swap3A_688 {add = true, strides = array<i32>} : memref<4x2048xf32, #tpu.memory_space<vmem>>, vector<1x16xf32>,
          %swap3A_689 = arith.index_cast %scan3A_473 : i32 to index
          %swap3A_690 = arith.index_cast %add3A_678 : i32 to index
          %swap3A_691 = tpu.vector_load %arg9[%swap3A_689, %swap3A_690] {strides = array<i32>} : memref<4x2048xf32, #tpu.memory_space<vmem>>, vector<1x16xf32>,
          %swap3A_692 = vector.shape_cast %swap3A_691 : vector<1x16xf32> to vector<16xf32>
          %swap3A_693 = vector.shape_cast %get3A_571 : vector<16xf32> to vector<1x16xf32>
          tpu.vector_store %arg9[%swap3A_689, %swap3A_690], %swap3A_693 {add = true, strides = array<i32>} : memref<4x2048xf32, #tpu.memory_space<vmem>>, vector<1x16xf32>,
          %swap3A_694 = arith.index_cast %scan3A_473 : i32 to index
          %swap3A_695 = arith.index_cast %add3A_678 : i32 to index
          %swap3A_696 = tpu.vector_load %arg10[%swap3A_694, %swap3A_695] {strides = array<i32>} : memref<4x2048xf32, #tpu.memory_space<vmem>>, vector<1x16xf32>,
          %swap3A_697 = vector.shape_cast %swap3A_696 : vector<1x16xf32> to vector<16xf32>
          %swap3A_698 = vector.shape_cast %get3A_571 : vector<16xf32> to vector<1x16xf32>
          tpu.vector_store %arg10[%swap3A_694, %swap3A_695], %swap3A_698 {add = true, strides = array<i32>} : memref<4x2048xf32, #tpu.memory_space<vmem>>, vector<1x16xf32>,
          %add3A_699 = arith.constant 80 : i32
          %add3A_700 = arith.addi %mul3A_542, %add3A_699 : i32
          %swap3A_701 = arith.index_cast %scan3A_473 : i32 to index
          %swap3A_702 = arith.index_cast %add3A_700 : i32 to index
          %swap3A_703 = tpu.vector_load %arg7[%swap3A_701, %swap3A_702] {strides = array<i32>} : memref<4x2048xf32, #tpu.memory_space<vmem>>, vector<1x16xf32>,
          %swap3A_704 = vector.shape_cast %swap3A_703 : vector<1x16xf32> to vector<16xf32>
          %swap3A_705 = vector.shape_cast %get3A_577 : vector<16xf32> to vector<1x16xf32>
          tpu.vector_store %arg7[%swap3A_701, %swap3A_702], %swap3A_705 {add = true, strides = array<i32>} : memref<4x2048xf32, #tpu.memory_space<vmem>>, vector<1x16xf32>,
          %swap3A_706 = arith.index_cast %scan3A_473 : i32 to index
          %swap3A_707 = arith.index_cast %add3A_700 : i32 to index
          %swap3A_708 = tpu.vector_load %arg8[%swap3A_706, %swap3A_707] {strides = array<i32>} : memref<4x2048xf32, #tpu.memory_space<vmem>>, vector<1x16xf32>,
          %swap3A_709 = vector.shape_cast %swap3A_708 : vector<1x16xf32> to vector<16xf32>
          %swap3A_710 = vector.shape_cast %get3A_577 : vector<16xf32> to vector<1x16xf32>
          tpu.vector_store %arg8[%swap3A_706, %swap3A_707], %swap3A_710 {add = true, strides = array<i32>} : memref<4x2048xf32, #tpu.memory_space<vmem>>, vector<1x16xf32>,
          %swap3A_711 = arith.index_cast %scan3A_473 : i32 to index
          %swap3A_712 = arith.index_cast %add3A_700 : i32 to index
          %swap3A_713 = tpu.vector_load %arg9[%swap3A_711, %swap3A_712] {strides = array<i32>} : memref<4x2048xf32, #tpu.memory_space<vmem>>, vector<1x16xf32>,
          %swap3A_714 = vector.shape_cast %swap3A_713 : vector<1x16xf32> to vector<16xf32>
          %swap3A_715 = vector.shape_cast %get3A_577 : vector<16xf32> to vector<1x16xf32>
          tpu.vector_store %arg9[%swap3A_711, %swap3A_712], %swap3A_715 {add = true, strides = array<i32>} : memref<4x2048xf32, #tpu.memory_space<vmem>>, vector<1x16xf32>,
          %swap3A_716 = arith.index_cast %scan3A_473 : i32 to index
          %swap3A_717 = arith.index_cast %add3A_700 : i32 to index
          %swap3A_718 = tpu.vector_load %arg10[%swap3A_716, %swap3A_717] {strides = array<i32>} : memref<4x2048xf32, #tpu.memory_space<vmem>>, vector<1x16xf32>,
          %swap3A_719 = vector.shape_cast %swap3A_718 : vector<1x16xf32> to vector<16xf32>
          %swap3A_720 = vector.shape_cast %get3A_577 : vector<16xf32> to vector<1x16xf32>
          tpu.vector_store %arg10[%swap3A_716, %swap3A_717], %swap3A_720 {add = true, strides = array<i32>} : memref<4x2048xf32, #tpu.memory_space<vmem>>, vector<1x16xf32>,
          %add3A_721 = arith.constant 96 : i32
          %add3A_722 = arith.addi %mul3A_542, %add3A_721 : i32
          %swap3A_723 = arith.index_cast %scan3A_473 : i32 to index
          %swap3A_724 = arith.index_cast %add3A_722 : i32 to index
          %swap3A_725 = tpu.vector_load %arg7[%swap3A_723, %swap3A_724] {strides = array<i32>} : memref<4x2048xf32, #tpu.memory_space<vmem>>, vector<1x16xf32>,
          %swap3A_726 = vector.shape_cast %swap3A_725 : vector<1x16xf32> to vector<16xf32>
          %swap3A_727 = vector.shape_cast %get3A_583 : vector<16xf32> to vector<1x16xf32>
          tpu.vector_store %arg7[%swap3A_723, %swap3A_724], %swap3A_727 {add = true, strides = array<i32>} : memref<4x2048xf32, #tpu.memory_space<vmem>>, vector<1x16xf32>,
          %swap3A_728 = arith.index_cast %scan3A_473 : i32 to index
          %swap3A_729 = arith.index_cast %add3A_722 : i32 to index
          %swap3A_730 = tpu.vector_load %arg8[%swap3A_728, %swap3A_729] {strides = array<i32>} : memref<4x2048xf32, #tpu.memory_space<vmem>>, vector<1x16xf32>,
          %swap3A_731 = vector.shape_cast %swap3A_730 : vector<1x16xf32> to vector<16xf32>
          %swap3A_732 = vector.shape_cast %get3A_583 : vector<16xf32> to vector<1x16xf32>
          tpu.vector_store %arg8[%swap3A_728, %swap3A_729], %swap3A_732 {add = true, strides = array<i32>} : memref<4x2048xf32, #tpu.memory_space<vmem>>, vector<1x16xf32>,
          %swap3A_733 = arith.index_cast %scan3A_473 : i32 to index
          %swap3A_734 = arith.index_cast %add3A_722 : i32 to index
          %swap3A_735 = tpu.vector_load %arg9[%swap3A_733, %swap3A_734] {strides = array<i32>} : memref<4x2048xf32, #tpu.memory_space<vmem>>, vector<1x16xf32>,
          %swap3A_736 = vector.shape_cast %swap3A_735 : vector<1x16xf32> to vector<16xf32>
          %swap3A_737 = vector.shape_cast %get3A_583 : vector<16xf32> to vector<1x16xf32>
          tpu.vector_store %arg9[%swap3A_733, %swap3A_734], %swap3A_737 {add = true, strides = array<i32>} : memref<4x2048xf32, #tpu.memory_space<vmem>>, vector<1x16xf32>,
          %swap3A_738 = arith.index_cast %scan3A_473 : i32 to index
          %swap3A_739 = arith.index_cast %add3A_722 : i32 to index
          %swap3A_740 = tpu.vector_load %arg10[%swap3A_738, %swap3A_739] {strides = array<i32>} : memref<4x2048xf32, #tpu.memory_space<vmem>>, vector<1x16xf32>,
          %swap3A_741 = vector.shape_cast %swap3A_740 : vector<1x16xf32> to vector<16xf32>
          %swap3A_742 = vector.shape_cast %get3A_583 : vector<16xf32> to vector<1x16xf32>
          tpu.vector_store %arg10[%swap3A_738, %swap3A_739], %swap3A_742 {add = true, strides = array<i32>} : memref<4x2048xf32, #tpu.memory_space<vmem>>, vector<1x16xf32>,
          %add3A_743 = arith.constant 112 : i32
          %add3A_744 = arith.addi %mul3A_542, %add3A_743 : i32
          %swap3A_745 = arith.index_cast %scan3A_473 : i32 to index
          %swap3A_746 = arith.index_cast %add3A_744 : i32 to index
          %swap3A_747 = tpu.vector_load %arg7[%swap3A_745, %swap3A_746] {strides = array<i32>} : memref<4x2048xf32, #tpu.memory_space<vmem>>, vector<1x16xf32>,
          %swap3A_748 = vector.shape_cast %swap3A_747 : vector<1x16xf32> to vector<16xf32>
          %swap3A_749 = vector.shape_cast %get3A_589 : vector<16xf32> to vector<1x16xf32>
          tpu.vector_store %arg7[%swap3A_745, %swap3A_746], %swap3A_749 {add = true, strides = array<i32>} : memref<4x2048xf32, #tpu.memory_space<vmem>>, vector<1x16xf32>,
          %swap3A_750 = arith.index_cast %scan3A_473 : i32 to index
          %swap3A_751 = arith.index_cast %add3A_744 : i32 to index
          %swap3A_752 = tpu.vector_load %arg8[%swap3A_750, %swap3A_751] {strides = array<i32>} : memref<4x2048xf32, #tpu.memory_space<vmem>>, vector<1x16xf32>,
          %swap3A_753 = vector.shape_cast %swap3A_752 : vector<1x16xf32> to vector<16xf32>
          %swap3A_754 = vector.shape_cast %get3A_589 : vector<16xf32> to vector<1x16xf32>
          tpu.vector_store %arg8[%swap3A_750, %swap3A_751], %swap3A_754 {add = true, strides = array<i32>} : memref<4x2048xf32, #tpu.memory_space<vmem>>, vector<1x16xf32>,
          %swap3A_755 = arith.index_cast %scan3A_473 : i32 to index
          %swap3A_756 = arith.index_cast %add3A_744 : i32 to index
          %swap3A_757 = tpu.vector_load %arg9[%swap3A_755, %swap3A_756] {strides = array<i32>} : memref<4x2048xf32, #tpu.memory_space<vmem>>, vector<1x16xf32>,
          %swap3A_758 = vector.shape_cast %swap3A_757 : vector<1x16xf32> to vector<16xf32>
          %swap3A_759 = vector.shape_cast %get3A_589 : vector<16xf32> to vector<1x16xf32>
          tpu.vector_store %arg9[%swap3A_755, %swap3A_756], %swap3A_759 {add = true, strides = array<i32>} : memref<4x2048xf32, #tpu.memory_space<vmem>>, vector<1x16xf32>,
          %swap3A_760 = arith.index_cast %scan3A_473 : i32 to index
          %swap3A_761 = arith.index_cast %add3A_744 : i32 to index
          %swap3A_762 = tpu.vector_load %arg10[%swap3A_760, %swap3A_761] {strides = array<i32>} : memref<4x2048xf32, #tpu.memory_space<vmem>>, vector<1x16xf32>,
          %swap3A_763 = vector.shape_cast %swap3A_762 : vector<1x16xf32> to vector<16xf32>
          %swap3A_764 = vector.shape_cast %get3A_589 : vector<16xf32> to vector<1x16xf32>
          tpu.vector_store %arg10[%swap3A_760, %swap3A_761], %swap3A_764 {add = true, strides = array<i32>} : memref<4x2048xf32, #tpu.memory_space<vmem>>, vector<1x16xf32>,
          %scan3A_765 = arith.constant 0 : i32
          scf.yield %scan3A_765 : i32
        }
        %scan3A_481 = arith.constant 16 : i32
        %add3A_482 = arith.constant 0 : i32
        %add3A_483 = arith.addi %add3A_482, %mul3A_2 : i32
        %mul3A_484 = arith.constant 4 : i32
        %mul3A_485 = arith.muli %mul3A_356, %mul3A_484 : i32
        %add3A_486 = arith.addi %add3A_483, %mul3A_485 : i32
        %add3A_487 = arith.addi %add3A_486, %scan3A_473 : i32
        %dma_start3A_488 = arith.constant 0 : i32
        %dma_start3A_489 = tpu.memref_slice %arg7[%scan3A_473, %dma_start3A_488] : memref<4x2048xf32, #tpu.memory_space<vmem>> -> memref<1x2048xf32, #tpu.memory_space<vmem>>
        %dma_start3A_490 = arith.constant 0 : i32
        %dma_start3A_491 = tpu.memref_slice %arg5[%add3A_487, %dma_start3A_490] : memref<16384x2048xf32, #tpu.memory_space<hbm>> -> memref<1x2048xf32, #tpu.memory_space<hbm>>
        %dma_start3A_492 = arith.constant 0 : i32
        %dma_start3A_493 = tpu.memref_slice %arg5[%add3A_487, %dma_start3A_492] : memref<16384x2048xf32, #tpu.memory_space<hbm>> -> memref<1x2048xf32, #tpu.memory_space<hbm>>
        %dma_start3A_494 = arith.constant 0 : i32
        %dma_start3A_495 = tpu.memref_slice %arg7[%scan3A_473, %dma_start3A_494] : memref<4x2048xf32, #tpu.memory_space<vmem>> -> memref<1x2048xf32, #tpu.memory_space<vmem>>
        tpu.enqueue_dma source(%dma_start3A_495 : memref<1x2048xf32, #tpu.memory_space<vmem>>) target(%dma_start3A_493 : memref<1x2048xf32, #tpu.memory_space<hbm>>) target_semaphore(%arg25 : memref<!tpu.dma_semaphore, #tpu.memory_space<semaphore_mem>>)
        %add3A_496 = arith.constant 4096 : i32
        %add3A_497 = arith.addi %add3A_496, %mul3A_2 : i32
        %mul3A_498 = arith.constant 4 : i32
        %mul3A_499 = arith.muli %mul3A_356, %mul3A_498 : i32
        %add3A_500 = arith.addi %add3A_497, %mul3A_499 : i32
        %add3A_501 = arith.addi %add3A_500, %scan3A_473 : i32
        %dma_start3A_502 = arith.constant 0 : i32
        %dma_start3A_503 = tpu.memref_slice %arg8[%scan3A_473, %dma_start3A_502] : memref<4x2048xf32, #tpu.memory_space<vmem>> -> memref<1x2048xf32, #tpu.memory_space<vmem>>
        %dma_start3A_504 = arith.constant 0 : i32
        %dma_start3A_505 = tpu.memref_slice %arg5[%add3A_501, %dma_start3A_504] : memref<16384x2048xf32, #tpu.memory_space<hbm>> -> memref<1x2048xf32, #tpu.memory_space<hbm>>
        %dma_start3A_506 = arith.constant 0 : i32
        %dma_start3A_507 = tpu.memref_slice %arg5[%add3A_501, %dma_start3A_506] : memref<16384x2048xf32, #tpu.memory_space<hbm>> -> memref<1x2048xf32, #tpu.memory_space<hbm>>
        %dma_start3A_508 = arith.constant 0 : i32
        %dma_start3A_509 = tpu.memref_slice %arg8[%scan3A_473, %dma_start3A_508] : memref<4x2048xf32, #tpu.memory_space<vmem>> -> memref<1x2048xf32, #tpu.memory_space<vmem>>
        tpu.enqueue_dma source(%dma_start3A_509 : memref<1x2048xf32, #tpu.memory_space<vmem>>) target(%dma_start3A_507 : memref<1x2048xf32, #tpu.memory_space<hbm>>) target_semaphore(%arg26 : memref<!tpu.dma_semaphore, #tpu.memory_space<semaphore_mem>>)
        %add3A_510 = arith.constant 8192 : i32
        %add3A_511 = arith.addi %add3A_510, %mul3A_2 : i32
        %mul3A_512 = arith.constant 4 : i32
        %mul3A_513 = arith.muli %mul3A_356, %mul3A_512 : i32
        %add3A_514 = arith.addi %add3A_511, %mul3A_513 : i32
        %add3A_515 = arith.addi %add3A_514, %scan3A_473 : i32
        %dma_start3A_516 = arith.constant 0 : i32
        %dma_start3A_517 = tpu.memref_slice %arg9[%scan3A_473, %dma_start3A_516] : memref<4x2048xf32, #tpu.memory_space<vmem>> -> memref<1x2048xf32, #tpu.memory_space<vmem>>
        %dma_start3A_518 = arith.constant 0 : i32
        %dma_start3A_519 = tpu.memref_slice %arg5[%add3A_515, %dma_start3A_518] : memref<16384x2048xf32, #tpu.memory_space<hbm>> -> memref<1x2048xf32, #tpu.memory_space<hbm>>
        %dma_start3A_520 = arith.constant 0 : i32
        %dma_start3A_521 = tpu.memref_slice %arg5[%add3A_515, %dma_start3A_520] : memref<16384x2048xf32, #tpu.memory_space<hbm>> -> memref<1x2048xf32, #tpu.memory_space<hbm>>
        %dma_start3A_522 = arith.constant 0 : i32
        %dma_start3A_523 = tpu.memref_slice %arg9[%scan3A_473, %dma_start3A_522] : memref<4x2048xf32, #tpu.memory_space<vmem>> -> memref<1x2048xf32, #tpu.memory_space<vmem>>
        tpu.enqueue_dma source(%dma_start3A_523 : memref<1x2048xf32, #tpu.memory_space<vmem>>) target(%dma_start3A_521 : memref<1x2048xf32, #tpu.memory_space<hbm>>) target_semaphore(%arg27 : memref<!tpu.dma_semaphore, #tpu.memory_space<semaphore_mem>>)
        %add3A_524 = arith.constant 12288 : i32
        %add3A_525 = arith.addi %add3A_524, %mul3A_2 : i32
        %mul3A_526 = arith.constant 4 : i32
        %mul3A_527 = arith.muli %mul3A_356, %mul3A_526 : i32
        %add3A_528 = arith.addi %add3A_525, %mul3A_527 : i32
        %add3A_529 = arith.addi %add3A_528, %scan3A_473 : i32
        %dma_start3A_530 = arith.constant 0 : i32
        %dma_start3A_531 = tpu.memref_slice %arg10[%scan3A_473, %dma_start3A_530] : memref<4x2048xf32, #tpu.memory_space<vmem>> -> memref<1x2048xf32, #tpu.memory_space<vmem>>
        %dma_start3A_532 = arith.constant 0 : i32
        %dma_start3A_533 = tpu.memref_slice %arg5[%add3A_529, %dma_start3A_532] : memref<16384x2048xf32, #tpu.memory_space<hbm>> -> memref<1x2048xf32, #tpu.memory_space<hbm>>
        %dma_start3A_534 = arith.constant 0 : i32
        %dma_start3A_535 = tpu.memref_slice %arg5[%add3A_529, %dma_start3A_534] : memref<16384x2048xf32, #tpu.memory_space<hbm>> -> memref<1x2048xf32, #tpu.memory_space<hbm>>
        %dma_start3A_536 = arith.constant 0 : i32
        %dma_start3A_537 = tpu.memref_slice %arg10[%scan3A_473, %dma_start3A_536] : memref<4x2048xf32, #tpu.memory_space<vmem>> -> memref<1x2048xf32, #tpu.memory_space<vmem>>
        tpu.enqueue_dma source(%dma_start3A_537 : memref<1x2048xf32, #tpu.memory_space<vmem>>) target(%dma_start3A_535 : memref<1x2048xf32, #tpu.memory_space<hbm>>) target_semaphore(%arg28 : memref<!tpu.dma_semaphore, #tpu.memory_space<semaphore_mem>>)
        %scan3A_538 = arith.constant 0 : i32
        scf.yield %scan3A_538 : i32
      }
      %scan3A_403 = arith.constant 4 : i32
      %add3A_404 = arith.constant 2 : i32
      %add3A_405 = arith.addi %mul3A_356, %add3A_404 : i32
      %lt3A_406 = arith.constant 32 : i32
      %lt3A_407 = arith.cmpi slt, %add3A_405, %lt3A_406 : i32
      %convert_element_type3A_408 = arith.extui %lt3A_407 : i1 to i32
      %cond3A_409 = arith.constant 0 : i32
      %cond3A_410 = arith.cmpi ne, %convert_element_type3A_408, %cond3A_409 : i32
      scf.if %cond3A_410 {
        %add3A_473 = arith.constant 2 : i32
        %add3A_474 = arith.addi %mul3A_356, %add3A_473 : i32
        %mul3A_475 = arith.constant 4 : i32
        %mul3A_476 = arith.muli %add3A_474, %mul3A_475 : i32
        %add3A_477 = arith.addi %mul3A_2, %mul3A_476 : i32
        %dma_start3A_478 = arith.constant 0 : i32
        %dma_start3A_479 = tpu.memref_slice %arg4[%add3A_477, %dma_start3A_478] : memref<8192x2048xf32, #tpu.memory_space<hbm>> -> memref<4x2048xf32, #tpu.memory_space<hbm>>
        %dma_start3A_480 = arith.constant 0 : i32
        %dma_start3A_481 = tpu.memref_slice %arg4[%add3A_477, %dma_start3A_480] : memref<8192x2048xf32, #tpu.memory_space<hbm>> -> memref<4x2048xf32, #tpu.memory_space<hbm>>
        tpu.enqueue_dma source(%dma_start3A_481 : memref<4x2048xf32, #tpu.memory_space<hbm>>) target(%arg15 : memref<4x2048xf32, #tpu.memory_space<vmem>>) target_semaphore(%arg33 : memref<!tpu.dma_semaphore, #tpu.memory_space<semaphore_mem>>)
      } else {
      }
      %mul3A_411 = arith.constant 2 : i32
      %mul3A_412 = arith.muli %mul3A_411, %scan3A_353 : i32
      %add3A_413 = arith.constant 1 : i32
      %add3A_414 = arith.addi %mul3A_412, %add3A_413 : i32
      %dma_wait3A_415 = arith.constant 0 : i32
      %dma_wait3A_416 = tpu.memref_slice %arg4[%mul3A_2, %dma_wait3A_415] : memref<8192x2048xf32, #tpu.memory_space<hbm>> -> memref<4x2048xf32, #tpu.memory_space<hbm>>
      %dma_wait3A_417 = arith.constant 0 : i32
      %dma_wait3A_418 = tpu.memref_slice %arg4[%mul3A_2, %dma_wait3A_417] : memref<8192x2048xf32, #tpu.memory_space<hbm>> -> memref<4x2048xf32, #tpu.memory_space<hbm>>
      tpu.wait_dma2 semaphore(%arg34 : memref<!tpu.dma_semaphore, #tpu.memory_space<semaphore_mem>>) src(%dma_wait3A_418 : memref<4x2048xf32, #tpu.memory_space<hbm>>) dst(%arg16 : memref<4x2048xf32, #tpu.memory_space<vmem>>)
      %add3A_419 = arith.constant 0 : i32
      %add3A_420 = arith.addi %add3A_419, %add3A_414 : i32
      %dma_wait3A_421 = arith.constant 0 : i32
      %dma_wait3A_422 = tpu.memref_slice %arg6[%add3A_420, %dma_wait3A_421] : memref<128x4xi32, #tpu.memory_space<vmem>> -> memref<1x4xi32, #tpu.memory_space<vmem>>
      %dma_wait3A_423 = tpu.memref_squeeze %dma_wait3A_422 : memref<1x4xi32, #tpu.memory_space<vmem>> -> memref<4xi32, #tpu.memory_space<vmem>>
      %dma_wait3A_424 = arith.constant 0 : i32
      %dma_wait3A_425 = arith.constant 0 : i32
      %dma_wait3A_426 = tpu.memref_slice %arg3[%dma_wait3A_424, %dma_wait3A_425] : memref<100000x2048xf32, #tpu.memory_space<hbm>> -> memref<100000x2048xf32, #tpu.memory_space<hbm>>
      tpu.wait_indirect_dma semaphore(%arg21 : memref<!tpu.dma_semaphore, #tpu.memory_space<semaphore_mem>>) src(%dma_wait3A_426 : memref<100000x2048xf32, #tpu.memory_space<hbm>>) dst(%arg11 : memref<4x2048xf32, #tpu.memory_space<vmem>>)
      %add3A_427 = arith.constant 32 : i32
      %add3A_428 = arith.addi %add3A_427, %add3A_414 : i32
      %dma_wait3A_429 = arith.constant 0 : i32
      %dma_wait3A_430 = tpu.memref_slice %arg6[%add3A_428, %dma_wait3A_429] : memref<128x4xi32, #tpu.memory_space<vmem>> -> memref<1x4xi32, #tpu.memory_space<vmem>>
      %dma_wait3A_431 = tpu.memref_squeeze %dma_wait3A_430 : memref<1x4xi32, #tpu.memory_space<vmem>> -> memref<4xi32, #tpu.memory_space<vmem>>
      %dma_wait3A_432 = arith.constant 0 : i32
      %dma_wait3A_433 = arith.constant 0 : i32
      %dma_wait3A_434 = tpu.memref_slice %arg3[%dma_wait3A_432, %dma_wait3A_433] : memref<100000x2048xf32, #tpu.memory_space<hbm>> -> memref<100000x2048xf32, #tpu.memory_space<hbm>>
      tpu.wait_indirect_dma semaphore(%arg22 : memref<!tpu.dma_semaphore, #tpu.memory_space<semaphore_mem>>) src(%dma_wait3A_434 : memref<100000x2048xf32, #tpu.memory_space<hbm>>) dst(%arg12 : memref<4x2048xf32, #tpu.memory_space<vmem>>)
      %add3A_435 = arith.constant 64 : i32
      %add3A_436 = arith.addi %add3A_435, %add3A_414 : i32
      %dma_wait3A_437 = arith.constant 0 : i32
      %dma_wait3A_438 = tpu.memref_slice %arg6[%add3A_436, %dma_wait3A_437] : memref<128x4xi32, #tpu.memory_space<vmem>> -> memref<1x4xi32, #tpu.memory_space<vmem>>
      %dma_wait3A_439 = tpu.memref_squeeze %dma_wait3A_438 : memref<1x4xi32, #tpu.memory_space<vmem>> -> memref<4xi32, #tpu.memory_space<vmem>>
      %dma_wait3A_440 = arith.constant 0 : i32
      %dma_wait3A_441 = arith.constant 0 : i32
      %dma_wait3A_442 = tpu.memref_slice %arg3[%dma_wait3A_440, %dma_wait3A_441] : memref<100000x2048xf32, #tpu.memory_space<hbm>> -> memref<100000x2048xf32, #tpu.memory_space<hbm>>
      tpu.wait_indirect_dma semaphore(%arg23 : memref<!tpu.dma_semaphore, #tpu.memory_space<semaphore_mem>>) src(%dma_wait3A_442 : memref<100000x2048xf32, #tpu.memory_space<hbm>>) dst(%arg13 : memref<4x2048xf32, #tpu.memory_space<vmem>>)
      %add3A_443 = arith.constant 96 : i32
      %add3A_444 = arith.addi %add3A_443, %add3A_414 : i32
      %dma_wait3A_445 = arith.constant 0 : i32
      %dma_wait3A_446 = tpu.memref_slice %arg6[%add3A_444, %dma_wait3A_445] : memref<128x4xi32, #tpu.memory_space<vmem>> -> memref<1x4xi32, #tpu.memory_space<vmem>>
      %dma_wait3A_447 = tpu.memref_squeeze %dma_wait3A_446 : memref<1x4xi32, #tpu.memory_space<vmem>> -> memref<4xi32, #tpu.memory_space<vmem>>
      %dma_wait3A_448 = arith.constant 0 : i32
      %dma_wait3A_449 = arith.constant 0 : i32
      %dma_wait3A_450 = tpu.memref_slice %arg3[%dma_wait3A_448, %dma_wait3A_449] : memref<100000x2048xf32, #tpu.memory_space<hbm>> -> memref<100000x2048xf32, #tpu.memory_space<hbm>>
      tpu.wait_indirect_dma semaphore(%arg24 : memref<!tpu.dma_semaphore, #tpu.memory_space<semaphore_mem>>) src(%dma_wait3A_450 : memref<100000x2048xf32, #tpu.memory_space<hbm>>) dst(%arg14 : memref<4x2048xf32, #tpu.memory_space<vmem>>)
      %add3A_451 = arith.constant 1 : i32
      %add3A_452 = arith.addi %add3A_414, %add3A_451 : i32
      %lt3A_453 = arith.constant 32 : i32
      %lt3A_454 = arith.cmpi slt, %add3A_452, %lt3A_453 : i32
      %convert_element_type3A_455 = arith.extui %lt3A_454 : i1 to i32
      %cond3A_456 = arith.constant 0 : i32
      %cond3A_457 = arith.cmpi ne, %convert_element_type3A_455, %cond3A_456 : i32
      scf.if %cond3A_457 {
        %dma_wait3A_473 = arith.constant 0 : i32
        %dma_wait3A_474 = tpu.memref_slice %arg5[%mul3A_2, %dma_wait3A_473] : memref<16384x2048xf32, #tpu.memory_space<hbm>> -> memref<4x2048xf32, #tpu.memory_space<hbm>>
        %dma_wait3A_475 = arith.constant 0 : i32
        %dma_wait3A_476 = tpu.memref_slice %arg5[%mul3A_2, %dma_wait3A_475] : memref<16384x2048xf32, #tpu.memory_space<hbm>> -> memref<4x2048xf32, #tpu.memory_space<hbm>>
        tpu.wait_dma2 semaphore(%arg25 : memref<!tpu.dma_semaphore, #tpu.memory_space<semaphore_mem>>) src(%arg7 : memref<4x2048xf32, #tpu.memory_space<vmem>>) dst(%dma_wait3A_476 : memref<4x2048xf32, #tpu.memory_space<hbm>>)
        %add3A_477 = arith.constant 1 : i32
        %add3A_478 = arith.addi %add3A_414, %add3A_477 : i32
        %add3A_479 = arith.constant 0 : i32
        %add3A_480 = arith.addi %add3A_479, %add3A_478 : i32
        %dma_start3A_481 = arith.constant 0 : i32
        %dma_start3A_482 = tpu.memref_slice %arg6[%add3A_480, %dma_start3A_481] : memref<128x4xi32, #tpu.memory_space<vmem>> -> memref<1x4xi32, #tpu.memory_space<vmem>>
        %dma_start3A_483 = tpu.memref_squeeze %dma_start3A_482 : memref<1x4xi32, #tpu.memory_space<vmem>> -> memref<4xi32, #tpu.memory_space<vmem>>
        %dma_start3A_484 = arith.constant 0 : i32
        %dma_start3A_485 = arith.constant 0 : i32
        %dma_start3A_486 = tpu.memref_slice %arg3[%dma_start3A_484, %dma_start3A_485] : memref<100000x2048xf32, #tpu.memory_space<hbm>> -> memref<100000x2048xf32, #tpu.memory_space<hbm>>
        tpu.enqueue_indirect_dma source(%dma_start3A_486 : memref<100000x2048xf32, #tpu.memory_space<hbm>>) target(%arg7 : memref<4x2048xf32, #tpu.memory_space<vmem>>) offsets(%dma_start3A_483 : memref<4xi32, #tpu.memory_space<vmem>>) semaphore(%arg17 : memref<!tpu.dma_semaphore, #tpu.memory_space<semaphore_mem>>)
        %dma_wait3A_487 = arith.constant 0 : i32
        %dma_wait3A_488 = tpu.memref_slice %arg5[%mul3A_2, %dma_wait3A_487] : memref<16384x2048xf32, #tpu.memory_space<hbm>> -> memref<4x2048xf32, #tpu.memory_space<hbm>>
        %dma_wait3A_489 = arith.constant 0 : i32
        %dma_wait3A_490 = tpu.memref_slice %arg5[%mul3A_2, %dma_wait3A_489] : memref<16384x2048xf32, #tpu.memory_space<hbm>> -> memref<4x2048xf32, #tpu.memory_space<hbm>>
        tpu.wait_dma2 semaphore(%arg26 : memref<!tpu.dma_semaphore, #tpu.memory_space<semaphore_mem>>) src(%arg8 : memref<4x2048xf32, #tpu.memory_space<vmem>>) dst(%dma_wait3A_490 : memref<4x2048xf32, #tpu.memory_space<hbm>>)
        %add3A_491 = arith.constant 1 : i32
        %add3A_492 = arith.addi %add3A_414, %add3A_491 : i32
        %add3A_493 = arith.constant 32 : i32
        %add3A_494 = arith.addi %add3A_493, %add3A_492 : i32
        %dma_start3A_495 = arith.constant 0 : i32
        %dma_start3A_496 = tpu.memref_slice %arg6[%add3A_494, %dma_start3A_495] : memref<128x4xi32, #tpu.memory_space<vmem>> -> memref<1x4xi32, #tpu.memory_space<vmem>>
        %dma_start3A_497 = tpu.memref_squeeze %dma_start3A_496 : memref<1x4xi32, #tpu.memory_space<vmem>> -> memref<4xi32, #tpu.memory_space<vmem>>
        %dma_start3A_498 = arith.constant 0 : i32
        %dma_start3A_499 = arith.constant 0 : i32
        %dma_start3A_500 = tpu.memref_slice %arg3[%dma_start3A_498, %dma_start3A_499] : memref<100000x2048xf32, #tpu.memory_space<hbm>> -> memref<100000x2048xf32, #tpu.memory_space<hbm>>
        tpu.enqueue_indirect_dma source(%dma_start3A_500 : memref<100000x2048xf32, #tpu.memory_space<hbm>>) target(%arg8 : memref<4x2048xf32, #tpu.memory_space<vmem>>) offsets(%dma_start3A_497 : memref<4xi32, #tpu.memory_space<vmem>>) semaphore(%arg18 : memref<!tpu.dma_semaphore, #tpu.memory_space<semaphore_mem>>)
        %dma_wait3A_501 = arith.constant 0 : i32
        %dma_wait3A_502 = tpu.memref_slice %arg5[%mul3A_2, %dma_wait3A_501] : memref<16384x2048xf32, #tpu.memory_space<hbm>> -> memref<4x2048xf32, #tpu.memory_space<hbm>>
        %dma_wait3A_503 = arith.constant 0 : i32
        %dma_wait3A_504 = tpu.memref_slice %arg5[%mul3A_2, %dma_wait3A_503] : memref<16384x2048xf32, #tpu.memory_space<hbm>> -> memref<4x2048xf32, #tpu.memory_space<hbm>>
        tpu.wait_dma2 semaphore(%arg27 : memref<!tpu.dma_semaphore, #tpu.memory_space<semaphore_mem>>) src(%arg9 : memref<4x2048xf32, #tpu.memory_space<vmem>>) dst(%dma_wait3A_504 : memref<4x2048xf32, #tpu.memory_space<hbm>>)
        %add3A_505 = arith.constant 1 : i32
        %add3A_506 = arith.addi %add3A_414, %add3A_505 : i32
        %add3A_507 = arith.constant 64 : i32
        %add3A_508 = arith.addi %add3A_507, %add3A_506 : i32
        %dma_start3A_509 = arith.constant 0 : i32
        %dma_start3A_510 = tpu.memref_slice %arg6[%add3A_508, %dma_start3A_509] : memref<128x4xi32, #tpu.memory_space<vmem>> -> memref<1x4xi32, #tpu.memory_space<vmem>>
        %dma_start3A_511 = tpu.memref_squeeze %dma_start3A_510 : memref<1x4xi32, #tpu.memory_space<vmem>> -> memref<4xi32, #tpu.memory_space<vmem>>
        %dma_start3A_512 = arith.constant 0 : i32
        %dma_start3A_513 = arith.constant 0 : i32
        %dma_start3A_514 = tpu.memref_slice %arg3[%dma_start3A_512, %dma_start3A_513] : memref<100000x2048xf32, #tpu.memory_space<hbm>> -> memref<100000x2048xf32, #tpu.memory_space<hbm>>
        tpu.enqueue_indirect_dma source(%dma_start3A_514 : memref<100000x2048xf32, #tpu.memory_space<hbm>>) target(%arg9 : memref<4x2048xf32, #tpu.memory_space<vmem>>) offsets(%dma_start3A_511 : memref<4xi32, #tpu.memory_space<vmem>>) semaphore(%arg19 : memref<!tpu.dma_semaphore, #tpu.memory_space<semaphore_mem>>)
        %dma_wait3A_515 = arith.constant 0 : i32
        %dma_wait3A_516 = tpu.memref_slice %arg5[%mul3A_2, %dma_wait3A_515] : memref<16384x2048xf32, #tpu.memory_space<hbm>> -> memref<4x2048xf32, #tpu.memory_space<hbm>>
        %dma_wait3A_517 = arith.constant 0 : i32
        %dma_wait3A_518 = tpu.memref_slice %arg5[%mul3A_2, %dma_wait3A_517] : memref<16384x2048xf32, #tpu.memory_space<hbm>> -> memref<4x2048xf32, #tpu.memory_space<hbm>>
        tpu.wait_dma2 semaphore(%arg28 : memref<!tpu.dma_semaphore, #tpu.memory_space<semaphore_mem>>) src(%arg10 : memref<4x2048xf32, #tpu.memory_space<vmem>>) dst(%dma_wait3A_518 : memref<4x2048xf32, #tpu.memory_space<hbm>>)
        %add3A_519 = arith.constant 1 : i32
        %add3A_520 = arith.addi %add3A_414, %add3A_519 : i32
        %add3A_521 = arith.constant 96 : i32
        %add3A_522 = arith.addi %add3A_521, %add3A_520 : i32
        %dma_start3A_523 = arith.constant 0 : i32
        %dma_start3A_524 = tpu.memref_slice %arg6[%add3A_522, %dma_start3A_523] : memref<128x4xi32, #tpu.memory_space<vmem>> -> memref<1x4xi32, #tpu.memory_space<vmem>>
        %dma_start3A_525 = tpu.memref_squeeze %dma_start3A_524 : memref<1x4xi32, #tpu.memory_space<vmem>> -> memref<4xi32, #tpu.memory_space<vmem>>
        %dma_start3A_526 = arith.constant 0 : i32
        %dma_start3A_527 = arith.constant 0 : i32
        %dma_start3A_528 = tpu.memref_slice %arg3[%dma_start3A_526, %dma_start3A_527] : memref<100000x2048xf32, #tpu.memory_space<hbm>> -> memref<100000x2048xf32, #tpu.memory_space<hbm>>
        tpu.enqueue_indirect_dma source(%dma_start3A_528 : memref<100000x2048xf32, #tpu.memory_space<hbm>>) target(%arg10 : memref<4x2048xf32, #tpu.memory_space<vmem>>) offsets(%dma_start3A_525 : memref<4xi32, #tpu.memory_space<vmem>>) semaphore(%arg20 : memref<!tpu.dma_semaphore, #tpu.memory_space<semaphore_mem>>)
      } else {
      }
      %scan3A_458 = arith.constant 0 : i32
      %scan3A_459 = arith.constant 0 : i32
      %scan3A_460 = arith.constant 4 : i32
      %scan3A_461 = arith.addi %scan3A_459, %scan3A_460 : i32
      %scan3A_462 = arith.constant 1 : i32
      %scan3A_463 = scf.for %scan3A_473 = %scan3A_459 to %scan3A_461 step %scan3A_462 iter_args(%scan3A_474 = %scan3A_458) -> (i32)  : i32 {
        %scan3A_475 = arith.constant 0 : i32
        %scan3A_476 = arith.constant 0 : i32
        %scan3A_477 = arith.constant 16 : i32
        %scan3A_478 = arith.addi %scan3A_476, %scan3A_477 : i32
        %scan3A_479 = arith.constant 1 : i32
        %scan3A_480 = scf.for %scan3A_539 = %scan3A_476 to %scan3A_478 step %scan3A_479 iter_args(%scan3A_540 = %scan3A_475) -> (i32)  : i32 {
          %mul3A_541 = arith.constant 128 : i32
          %mul3A_542 = arith.muli %scan3A_539, %mul3A_541 : i32
          %add3A_543 = arith.constant 0 : i32
          %add3A_544 = arith.addi %mul3A_542, %add3A_543 : i32
          %get3A = arith.index_cast %scan3A_473 : i32 to index
          %get3A_545 = arith.index_cast %add3A_544 : i32 to index
          %get3A_546 = tpu.vector_load %arg16[%get3A, %get3A_545] {strides = array<i32>} : memref<4x2048xf32, #tpu.memory_space<vmem>>, vector<1x16xf32>,
          %get3A_547 = vector.shape_cast %get3A_546 : vector<1x16xf32> to vector<16xf32>
          %add3A_548 = arith.constant 16 : i32
          %add3A_549 = arith.addi %mul3A_542, %add3A_548 : i32
          %get3A_550 = arith.index_cast %scan3A_473 : i32 to index
          %get3A_551 = arith.index_cast %add3A_549 : i32 to index
          %get3A_552 = tpu.vector_load %arg16[%get3A_550, %get3A_551] {strides = array<i32>} : memref<4x2048xf32, #tpu.memory_space<vmem>>, vector<1x16xf32>,
          %get3A_553 = vector.shape_cast %get3A_552 : vector<1x16xf32> to vector<16xf32>
          %add3A_554 = arith.constant 32 : i32
          %add3A_555 = arith.addi %mul3A_542, %add3A_554 : i32
          %get3A_556 = arith.index_cast %scan3A_473 : i32 to index
          %get3A_557 = arith.index_cast %add3A_555 : i32 to index
          %get3A_558 = tpu.vector_load %arg16[%get3A_556, %get3A_557] {strides = array<i32>} : memref<4x2048xf32, #tpu.memory_space<vmem>>, vector<1x16xf32>,
          %get3A_559 = vector.shape_cast %get3A_558 : vector<1x16xf32> to vector<16xf32>
          %add3A_560 = arith.constant 48 : i32
          %add3A_561 = arith.addi %mul3A_542, %add3A_560 : i32
          %get3A_562 = arith.index_cast %scan3A_473 : i32 to index
          %get3A_563 = arith.index_cast %add3A_561 : i32 to index
          %get3A_564 = tpu.vector_load %arg16[%get3A_562, %get3A_563] {strides = array<i32>} : memref<4x2048xf32, #tpu.memory_space<vmem>>, vector<1x16xf32>,
          %get3A_565 = vector.shape_cast %get3A_564 : vector<1x16xf32> to vector<16xf32>
          %add3A_566 = arith.constant 64 : i32
          %add3A_567 = arith.addi %mul3A_542, %add3A_566 : i32
          %get3A_568 = arith.index_cast %scan3A_473 : i32 to index
          %get3A_569 = arith.index_cast %add3A_567 : i32 to index
          %get3A_570 = tpu.vector_load %arg16[%get3A_568, %get3A_569] {strides = array<i32>} : memref<4x2048xf32, #tpu.memory_space<vmem>>, vector<1x16xf32>,
          %get3A_571 = vector.shape_cast %get3A_570 : vector<1x16xf32> to vector<16xf32>
          %add3A_572 = arith.constant 80 : i32
          %add3A_573 = arith.addi %mul3A_542, %add3A_572 : i32
          %get3A_574 = arith.index_cast %scan3A_473 : i32 to index
          %get3A_575 = arith.index_cast %add3A_573 : i32 to index
          %get3A_576 = tpu.vector_load %arg16[%get3A_574, %get3A_575] {strides = array<i32>} : memref<4x2048xf32, #tpu.memory_space<vmem>>, vector<1x16xf32>,
          %get3A_577 = vector.shape_cast %get3A_576 : vector<1x16xf32> to vector<16xf32>
          %add3A_578 = arith.constant 96 : i32
          %add3A_579 = arith.addi %mul3A_542, %add3A_578 : i32
          %get3A_580 = arith.index_cast %scan3A_473 : i32 to index
          %get3A_581 = arith.index_cast %add3A_579 : i32 to index
          %get3A_582 = tpu.vector_load %arg16[%get3A_580, %get3A_581] {strides = array<i32>} : memref<4x2048xf32, #tpu.memory_space<vmem>>, vector<1x16xf32>,
          %get3A_583 = vector.shape_cast %get3A_582 : vector<1x16xf32> to vector<16xf32>
          %add3A_584 = arith.constant 112 : i32
          %add3A_585 = arith.addi %mul3A_542, %add3A_584 : i32
          %get3A_586 = arith.index_cast %scan3A_473 : i32 to index
          %get3A_587 = arith.index_cast %add3A_585 : i32 to index
          %get3A_588 = tpu.vector_load %arg16[%get3A_586, %get3A_587] {strides = array<i32>} : memref<4x2048xf32, #tpu.memory_space<vmem>>, vector<1x16xf32>,
          %get3A_589 = vector.shape_cast %get3A_588 : vector<1x16xf32> to vector<16xf32>
          %add3A_590 = arith.constant 0 : i32
          %add3A_591 = arith.addi %mul3A_542, %add3A_590 : i32
          %swap3A = arith.index_cast %scan3A_473 : i32 to index
          %swap3A_592 = arith.index_cast %add3A_591 : i32 to index
          %swap3A_593 = tpu.vector_load %arg11[%swap3A, %swap3A_592] {strides = array<i32>} : memref<4x2048xf32, #tpu.memory_space<vmem>>, vector<1x16xf32>,
          %swap3A_594 = vector.shape_cast %swap3A_593 : vector<1x16xf32> to vector<16xf32>
          %swap3A_595 = vector.shape_cast %get3A_547 : vector<16xf32> to vector<1x16xf32>
          tpu.vector_store %arg11[%swap3A, %swap3A_592], %swap3A_595 {add = true, strides = array<i32>} : memref<4x2048xf32, #tpu.memory_space<vmem>>, vector<1x16xf32>,
          %swap3A_596 = arith.index_cast %scan3A_473 : i32 to index
          %swap3A_597 = arith.index_cast %add3A_591 : i32 to index
          %swap3A_598 = tpu.vector_load %arg12[%swap3A_596, %swap3A_597] {strides = array<i32>} : memref<4x2048xf32, #tpu.memory_space<vmem>>, vector<1x16xf32>,
          %swap3A_599 = vector.shape_cast %swap3A_598 : vector<1x16xf32> to vector<16xf32>
          %swap3A_600 = vector.shape_cast %get3A_547 : vector<16xf32> to vector<1x16xf32>
          tpu.vector_store %arg12[%swap3A_596, %swap3A_597], %swap3A_600 {add = true, strides = array<i32>} : memref<4x2048xf32, #tpu.memory_space<vmem>>, vector<1x16xf32>,
          %swap3A_601 = arith.index_cast %scan3A_473 : i32 to index
          %swap3A_602 = arith.index_cast %add3A_591 : i32 to index
          %swap3A_603 = tpu.vector_load %arg13[%swap3A_601, %swap3A_602] {strides = array<i32>} : memref<4x2048xf32, #tpu.memory_space<vmem>>, vector<1x16xf32>,
          %swap3A_604 = vector.shape_cast %swap3A_603 : vector<1x16xf32> to vector<16xf32>
          %swap3A_605 = vector.shape_cast %get3A_547 : vector<16xf32> to vector<1x16xf32>
          tpu.vector_store %arg13[%swap3A_601, %swap3A_602], %swap3A_605 {add = true, strides = array<i32>} : memref<4x2048xf32, #tpu.memory_space<vmem>>, vector<1x16xf32>,
          %swap3A_606 = arith.index_cast %scan3A_473 : i32 to index
          %swap3A_607 = arith.index_cast %add3A_591 : i32 to index
          %swap3A_608 = tpu.vector_load %arg14[%swap3A_606, %swap3A_607] {strides = array<i32>} : memref<4x2048xf32, #tpu.memory_space<vmem>>, vector<1x16xf32>,
          %swap3A_609 = vector.shape_cast %swap3A_608 : vector<1x16xf32> to vector<16xf32>
          %swap3A_610 = vector.shape_cast %get3A_547 : vector<16xf32> to vector<1x16xf32>
          tpu.vector_store %arg14[%swap3A_606, %swap3A_607], %swap3A_610 {add = true, strides = array<i32>} : memref<4x2048xf32, #tpu.memory_space<vmem>>, vector<1x16xf32>,
          %add3A_611 = arith.constant 16 : i32
          %add3A_612 = arith.addi %mul3A_542, %add3A_611 : i32
          %swap3A_613 = arith.index_cast %scan3A_473 : i32 to index
          %swap3A_614 = arith.index_cast %add3A_612 : i32 to index
          %swap3A_615 = tpu.vector_load %arg11[%swap3A_613, %swap3A_614] {strides = array<i32>} : memref<4x2048xf32, #tpu.memory_space<vmem>>, vector<1x16xf32>,
          %swap3A_616 = vector.shape_cast %swap3A_615 : vector<1x16xf32> to vector<16xf32>
          %swap3A_617 = vector.shape_cast %get3A_553 : vector<16xf32> to vector<1x16xf32>
          tpu.vector_store %arg11[%swap3A_613, %swap3A_614], %swap3A_617 {add = true, strides = array<i32>} : memref<4x2048xf32, #tpu.memory_space<vmem>>, vector<1x16xf32>,
          %swap3A_618 = arith.index_cast %scan3A_473 : i32 to index
          %swap3A_619 = arith.index_cast %add3A_612 : i32 to index
          %swap3A_620 = tpu.vector_load %arg12[%swap3A_618, %swap3A_619] {strides = array<i32>} : memref<4x2048xf32, #tpu.memory_space<vmem>>, vector<1x16xf32>,
          %swap3A_621 = vector.shape_cast %swap3A_620 : vector<1x16xf32> to vector<16xf32>
          %swap3A_622 = vector.shape_cast %get3A_553 : vector<16xf32> to vector<1x16xf32>
          tpu.vector_store %arg12[%swap3A_618, %swap3A_619], %swap3A_622 {add = true, strides = array<i32>} : memref<4x2048xf32, #tpu.memory_space<vmem>>, vector<1x16xf32>,
          %swap3A_623 = arith.index_cast %scan3A_473 : i32 to index
          %swap3A_624 = arith.index_cast %add3A_612 : i32 to index
          %swap3A_625 = tpu.vector_load %arg13[%swap3A_623, %swap3A_624] {strides = array<i32>} : memref<4x2048xf32, #tpu.memory_space<vmem>>, vector<1x16xf32>,
          %swap3A_626 = vector.shape_cast %swap3A_625 : vector<1x16xf32> to vector<16xf32>
          %swap3A_627 = vector.shape_cast %get3A_553 : vector<16xf32> to vector<1x16xf32>
          tpu.vector_store %arg13[%swap3A_623, %swap3A_624], %swap3A_627 {add = true, strides = array<i32>} : memref<4x2048xf32, #tpu.memory_space<vmem>>, vector<1x16xf32>,
          %swap3A_628 = arith.index_cast %scan3A_473 : i32 to index
          %swap3A_629 = arith.index_cast %add3A_612 : i32 to index
          %swap3A_630 = tpu.vector_load %arg14[%swap3A_628, %swap3A_629] {strides = array<i32>} : memref<4x2048xf32, #tpu.memory_space<vmem>>, vector<1x16xf32>,
          %swap3A_631 = vector.shape_cast %swap3A_630 : vector<1x16xf32> to vector<16xf32>
          %swap3A_632 = vector.shape_cast %get3A_553 : vector<16xf32> to vector<1x16xf32>
          tpu.vector_store %arg14[%swap3A_628, %swap3A_629], %swap3A_632 {add = true, strides = array<i32>} : memref<4x2048xf32, #tpu.memory_space<vmem>>, vector<1x16xf32>,
          %add3A_633 = arith.constant 32 : i32
          %add3A_634 = arith.addi %mul3A_542, %add3A_633 : i32
          %swap3A_635 = arith.index_cast %scan3A_473 : i32 to index
          %swap3A_636 = arith.index_cast %add3A_634 : i32 to index
          %swap3A_637 = tpu.vector_load %arg11[%swap3A_635, %swap3A_636] {strides = array<i32>} : memref<4x2048xf32, #tpu.memory_space<vmem>>, vector<1x16xf32>,
          %swap3A_638 = vector.shape_cast %swap3A_637 : vector<1x16xf32> to vector<16xf32>
          %swap3A_639 = vector.shape_cast %get3A_559 : vector<16xf32> to vector<1x16xf32>
          tpu.vector_store %arg11[%swap3A_635, %swap3A_636], %swap3A_639 {add = true, strides = array<i32>} : memref<4x2048xf32, #tpu.memory_space<vmem>>, vector<1x16xf32>,
          %swap3A_640 = arith.index_cast %scan3A_473 : i32 to index
          %swap3A_641 = arith.index_cast %add3A_634 : i32 to index
          %swap3A_642 = tpu.vector_load %arg12[%swap3A_640, %swap3A_641] {strides = array<i32>} : memref<4x2048xf32, #tpu.memory_space<vmem>>, vector<1x16xf32>,
          %swap3A_643 = vector.shape_cast %swap3A_642 : vector<1x16xf32> to vector<16xf32>
          %swap3A_644 = vector.shape_cast %get3A_559 : vector<16xf32> to vector<1x16xf32>
          tpu.vector_store %arg12[%swap3A_640, %swap3A_641], %swap3A_644 {add = true, strides = array<i32>} : memref<4x2048xf32, #tpu.memory_space<vmem>>, vector<1x16xf32>,
          %swap3A_645 = arith.index_cast %scan3A_473 : i32 to index
          %swap3A_646 = arith.index_cast %add3A_634 : i32 to index
          %swap3A_647 = tpu.vector_load %arg13[%swap3A_645, %swap3A_646] {strides = array<i32>} : memref<4x2048xf32, #tpu.memory_space<vmem>>, vector<1x16xf32>,
          %swap3A_648 = vector.shape_cast %swap3A_647 : vector<1x16xf32> to vector<16xf32>
          %swap3A_649 = vector.shape_cast %get3A_559 : vector<16xf32> to vector<1x16xf32>
          tpu.vector_store %arg13[%swap3A_645, %swap3A_646], %swap3A_649 {add = true, strides = array<i32>} : memref<4x2048xf32, #tpu.memory_space<vmem>>, vector<1x16xf32>,
          %swap3A_650 = arith.index_cast %scan3A_473 : i32 to index
          %swap3A_651 = arith.index_cast %add3A_634 : i32 to index
          %swap3A_652 = tpu.vector_load %arg14[%swap3A_650, %swap3A_651] {strides = array<i32>} : memref<4x2048xf32, #tpu.memory_space<vmem>>, vector<1x16xf32>,
          %swap3A_653 = vector.shape_cast %swap3A_652 : vector<1x16xf32> to vector<16xf32>
          %swap3A_654 = vector.shape_cast %get3A_559 : vector<16xf32> to vector<1x16xf32>
          tpu.vector_store %arg14[%swap3A_650, %swap3A_651], %swap3A_654 {add = true, strides = array<i32>} : memref<4x2048xf32, #tpu.memory_space<vmem>>, vector<1x16xf32>,
          %add3A_655 = arith.constant 48 : i32
          %add3A_656 = arith.addi %mul3A_542, %add3A_655 : i32
          %swap3A_657 = arith.index_cast %scan3A_473 : i32 to index
          %swap3A_658 = arith.index_cast %add3A_656 : i32 to index
          %swap3A_659 = tpu.vector_load %arg11[%swap3A_657, %swap3A_658] {strides = array<i32>} : memref<4x2048xf32, #tpu.memory_space<vmem>>, vector<1x16xf32>,
          %swap3A_660 = vector.shape_cast %swap3A_659 : vector<1x16xf32> to vector<16xf32>
          %swap3A_661 = vector.shape_cast %get3A_565 : vector<16xf32> to vector<1x16xf32>
          tpu.vector_store %arg11[%swap3A_657, %swap3A_658], %swap3A_661 {add = true, strides = array<i32>} : memref<4x2048xf32, #tpu.memory_space<vmem>>, vector<1x16xf32>,
          %swap3A_662 = arith.index_cast %scan3A_473 : i32 to index
          %swap3A_663 = arith.index_cast %add3A_656 : i32 to index
          %swap3A_664 = tpu.vector_load %arg12[%swap3A_662, %swap3A_663] {strides = array<i32>} : memref<4x2048xf32, #tpu.memory_space<vmem>>, vector<1x16xf32>,
          %swap3A_665 = vector.shape_cast %swap3A_664 : vector<1x16xf32> to vector<16xf32>
          %swap3A_666 = vector.shape_cast %get3A_565 : vector<16xf32> to vector<1x16xf32>
          tpu.vector_store %arg12[%swap3A_662, %swap3A_663], %swap3A_666 {add = true, strides = array<i32>} : memref<4x2048xf32, #tpu.memory_space<vmem>>, vector<1x16xf32>,
          %swap3A_667 = arith.index_cast %scan3A_473 : i32 to index
          %swap3A_668 = arith.index_cast %add3A_656 : i32 to index
          %swap3A_669 = tpu.vector_load %arg13[%swap3A_667, %swap3A_668] {strides = array<i32>} : memref<4x2048xf32, #tpu.memory_space<vmem>>, vector<1x16xf32>,
          %swap3A_670 = vector.shape_cast %swap3A_669 : vector<1x16xf32> to vector<16xf32>
          %swap3A_671 = vector.shape_cast %get3A_565 : vector<16xf32> to vector<1x16xf32>
          tpu.vector_store %arg13[%swap3A_667, %swap3A_668], %swap3A_671 {add = true, strides = array<i32>} : memref<4x2048xf32, #tpu.memory_space<vmem>>, vector<1x16xf32>,
          %swap3A_672 = arith.index_cast %scan3A_473 : i32 to index
          %swap3A_673 = arith.index_cast %add3A_656 : i32 to index
          %swap3A_674 = tpu.vector_load %arg14[%swap3A_672, %swap3A_673] {strides = array<i32>} : memref<4x2048xf32, #tpu.memory_space<vmem>>, vector<1x16xf32>,
          %swap3A_675 = vector.shape_cast %swap3A_674 : vector<1x16xf32> to vector<16xf32>
          %swap3A_676 = vector.shape_cast %get3A_565 : vector<16xf32> to vector<1x16xf32>
          tpu.vector_store %arg14[%swap3A_672, %swap3A_673], %swap3A_676 {add = true, strides = array<i32>} : memref<4x2048xf32, #tpu.memory_space<vmem>>, vector<1x16xf32>,
          %add3A_677 = arith.constant 64 : i32
          %add3A_678 = arith.addi %mul3A_542, %add3A_677 : i32
          %swap3A_679 = arith.index_cast %scan3A_473 : i32 to index
          %swap3A_680 = arith.index_cast %add3A_678 : i32 to index
          %swap3A_681 = tpu.vector_load %arg11[%swap3A_679, %swap3A_680] {strides = array<i32>} : memref<4x2048xf32, #tpu.memory_space<vmem>>, vector<1x16xf32>,
          %swap3A_682 = vector.shape_cast %swap3A_681 : vector<1x16xf32> to vector<16xf32>
          %swap3A_683 = vector.shape_cast %get3A_571 : vector<16xf32> to vector<1x16xf32>
          tpu.vector_store %arg11[%swap3A_679, %swap3A_680], %swap3A_683 {add = true, strides = array<i32>} : memref<4x2048xf32, #tpu.memory_space<vmem>>, vector<1x16xf32>,
          %swap3A_684 = arith.index_cast %scan3A_473 : i32 to index
          %swap3A_685 = arith.index_cast %add3A_678 : i32 to index
          %swap3A_686 = tpu.vector_load %arg12[%swap3A_684, %swap3A_685] {strides = array<i32>} : memref<4x2048xf32, #tpu.memory_space<vmem>>, vector<1x16xf32>,
          %swap3A_687 = vector.shape_cast %swap3A_686 : vector<1x16xf32> to vector<16xf32>
          %swap3A_688 = vector.shape_cast %get3A_571 : vector<16xf32> to vector<1x16xf32>
          tpu.vector_store %arg12[%swap3A_684, %swap3A_685], %swap3A_688 {add = true, strides = array<i32>} : memref<4x2048xf32, #tpu.memory_space<vmem>>, vector<1x16xf32>,
          %swap3A_689 = arith.index_cast %scan3A_473 : i32 to index
          %swap3A_690 = arith.index_cast %add3A_678 : i32 to index
          %swap3A_691 = tpu.vector_load %arg13[%swap3A_689, %swap3A_690] {strides = array<i32>} : memref<4x2048xf32, #tpu.memory_space<vmem>>, vector<1x16xf32>,
          %swap3A_692 = vector.shape_cast %swap3A_691 : vector<1x16xf32> to vector<16xf32>
          %swap3A_693 = vector.shape_cast %get3A_571 : vector<16xf32> to vector<1x16xf32>
          tpu.vector_store %arg13[%swap3A_689, %swap3A_690], %swap3A_693 {add = true, strides = array<i32>} : memref<4x2048xf32, #tpu.memory_space<vmem>>, vector<1x16xf32>,
          %swap3A_694 = arith.index_cast %scan3A_473 : i32 to index
          %swap3A_695 = arith.index_cast %add3A_678 : i32 to index
          %swap3A_696 = tpu.vector_load %arg14[%swap3A_694, %swap3A_695] {strides = array<i32>} : memref<4x2048xf32, #tpu.memory_space<vmem>>, vector<1x16xf32>,
          %swap3A_697 = vector.shape_cast %swap3A_696 : vector<1x16xf32> to vector<16xf32>
          %swap3A_698 = vector.shape_cast %get3A_571 : vector<16xf32> to vector<1x16xf32>
          tpu.vector_store %arg14[%swap3A_694, %swap3A_695], %swap3A_698 {add = true, strides = array<i32>} : memref<4x2048xf32, #tpu.memory_space<vmem>>, vector<1x16xf32>,
          %add3A_699 = arith.constant 80 : i32
          %add3A_700 = arith.addi %mul3A_542, %add3A_699 : i32
          %swap3A_701 = arith.index_cast %scan3A_473 : i32 to index
          %swap3A_702 = arith.index_cast %add3A_700 : i32 to index
          %swap3A_703 = tpu.vector_load %arg11[%swap3A_701, %swap3A_702] {strides = array<i32>} : memref<4x2048xf32, #tpu.memory_space<vmem>>, vector<1x16xf32>,
          %swap3A_704 = vector.shape_cast %swap3A_703 : vector<1x16xf32> to vector<16xf32>
          %swap3A_705 = vector.shape_cast %get3A_577 : vector<16xf32> to vector<1x16xf32>
          tpu.vector_store %arg11[%swap3A_701, %swap3A_702], %swap3A_705 {add = true, strides = array<i32>} : memref<4x2048xf32, #tpu.memory_space<vmem>>, vector<1x16xf32>,
          %swap3A_706 = arith.index_cast %scan3A_473 : i32 to index
          %swap3A_707 = arith.index_cast %add3A_700 : i32 to index
          %swap3A_708 = tpu.vector_load %arg12[%swap3A_706, %swap3A_707] {strides = array<i32>} : memref<4x2048xf32, #tpu.memory_space<vmem>>, vector<1x16xf32>,
          %swap3A_709 = vector.shape_cast %swap3A_708 : vector<1x16xf32> to vector<16xf32>
          %swap3A_710 = vector.shape_cast %get3A_577 : vector<16xf32> to vector<1x16xf32>
          tpu.vector_store %arg12[%swap3A_706, %swap3A_707], %swap3A_710 {add = true, strides = array<i32>} : memref<4x2048xf32, #tpu.memory_space<vmem>>, vector<1x16xf32>,
          %swap3A_711 = arith.index_cast %scan3A_473 : i32 to index
          %swap3A_712 = arith.index_cast %add3A_700 : i32 to index
          %swap3A_713 = tpu.vector_load %arg13[%swap3A_711, %swap3A_712] {strides = array<i32>} : memref<4x2048xf32, #tpu.memory_space<vmem>>, vector<1x16xf32>,
          %swap3A_714 = vector.shape_cast %swap3A_713 : vector<1x16xf32> to vector<16xf32>
          %swap3A_715 = vector.shape_cast %get3A_577 : vector<16xf32> to vector<1x16xf32>
          tpu.vector_store %arg13[%swap3A_711, %swap3A_712], %swap3A_715 {add = true, strides = array<i32>} : memref<4x2048xf32, #tpu.memory_space<vmem>>, vector<1x16xf32>,
          %swap3A_716 = arith.index_cast %scan3A_473 : i32 to index
          %swap3A_717 = arith.index_cast %add3A_700 : i32 to index
          %swap3A_718 = tpu.vector_load %arg14[%swap3A_716, %swap3A_717] {strides = array<i32>} : memref<4x2048xf32, #tpu.memory_space<vmem>>, vector<1x16xf32>,
          %swap3A_719 = vector.shape_cast %swap3A_718 : vector<1x16xf32> to vector<16xf32>
          %swap3A_720 = vector.shape_cast %get3A_577 : vector<16xf32> to vector<1x16xf32>
          tpu.vector_store %arg14[%swap3A_716, %swap3A_717], %swap3A_720 {add = true, strides = array<i32>} : memref<4x2048xf32, #tpu.memory_space<vmem>>, vector<1x16xf32>,
          %add3A_721 = arith.constant 96 : i32
          %add3A_722 = arith.addi %mul3A_542, %add3A_721 : i32
          %swap3A_723 = arith.index_cast %scan3A_473 : i32 to index
          %swap3A_724 = arith.index_cast %add3A_722 : i32 to index
          %swap3A_725 = tpu.vector_load %arg11[%swap3A_723, %swap3A_724] {strides = array<i32>} : memref<4x2048xf32, #tpu.memory_space<vmem>>, vector<1x16xf32>,
          %swap3A_726 = vector.shape_cast %swap3A_725 : vector<1x16xf32> to vector<16xf32>
          %swap3A_727 = vector.shape_cast %get3A_583 : vector<16xf32> to vector<1x16xf32>
          tpu.vector_store %arg11[%swap3A_723, %swap3A_724], %swap3A_727 {add = true, strides = array<i32>} : memref<4x2048xf32, #tpu.memory_space<vmem>>, vector<1x16xf32>,
          %swap3A_728 = arith.index_cast %scan3A_473 : i32 to index
          %swap3A_729 = arith.index_cast %add3A_722 : i32 to index
          %swap3A_730 = tpu.vector_load %arg12[%swap3A_728, %swap3A_729] {strides = array<i32>} : memref<4x2048xf32, #tpu.memory_space<vmem>>, vector<1x16xf32>,
          %swap3A_731 = vector.shape_cast %swap3A_730 : vector<1x16xf32> to vector<16xf32>
          %swap3A_732 = vector.shape_cast %get3A_583 : vector<16xf32> to vector<1x16xf32>
          tpu.vector_store %arg12[%swap3A_728, %swap3A_729], %swap3A_732 {add = true, strides = array<i32>} : memref<4x2048xf32, #tpu.memory_space<vmem>>, vector<1x16xf32>,
          %swap3A_733 = arith.index_cast %scan3A_473 : i32 to index
          %swap3A_734 = arith.index_cast %add3A_722 : i32 to index
          %swap3A_735 = tpu.vector_load %arg13[%swap3A_733, %swap3A_734] {strides = array<i32>} : memref<4x2048xf32, #tpu.memory_space<vmem>>, vector<1x16xf32>,
          %swap3A_736 = vector.shape_cast %swap3A_735 : vector<1x16xf32> to vector<16xf32>
          %swap3A_737 = vector.shape_cast %get3A_583 : vector<16xf32> to vector<1x16xf32>
          tpu.vector_store %arg13[%swap3A_733, %swap3A_734], %swap3A_737 {add = true, strides = array<i32>} : memref<4x2048xf32, #tpu.memory_space<vmem>>, vector<1x16xf32>,
          %swap3A_738 = arith.index_cast %scan3A_473 : i32 to index
          %swap3A_739 = arith.index_cast %add3A_722 : i32 to index
          %swap3A_740 = tpu.vector_load %arg14[%swap3A_738, %swap3A_739] {strides = array<i32>} : memref<4x2048xf32, #tpu.memory_space<vmem>>, vector<1x16xf32>,
          %swap3A_741 = vector.shape_cast %swap3A_740 : vector<1x16xf32> to vector<16xf32>
          %swap3A_742 = vector.shape_cast %get3A_583 : vector<16xf32> to vector<1x16xf32>
          tpu.vector_store %arg14[%swap3A_738, %swap3A_739], %swap3A_742 {add = true, strides = array<i32>} : memref<4x2048xf32, #tpu.memory_space<vmem>>, vector<1x16xf32>,
          %add3A_743 = arith.constant 112 : i32
          %add3A_744 = arith.addi %mul3A_542, %add3A_743 : i32
          %swap3A_745 = arith.index_cast %scan3A_473 : i32 to index
          %swap3A_746 = arith.index_cast %add3A_744 : i32 to index
          %swap3A_747 = tpu.vector_load %arg11[%swap3A_745, %swap3A_746] {strides = array<i32>} : memref<4x2048xf32, #tpu.memory_space<vmem>>, vector<1x16xf32>,
          %swap3A_748 = vector.shape_cast %swap3A_747 : vector<1x16xf32> to vector<16xf32>
          %swap3A_749 = vector.shape_cast %get3A_589 : vector<16xf32> to vector<1x16xf32>
          tpu.vector_store %arg11[%swap3A_745, %swap3A_746], %swap3A_749 {add = true, strides = array<i32>} : memref<4x2048xf32, #tpu.memory_space<vmem>>, vector<1x16xf32>,
          %swap3A_750 = arith.index_cast %scan3A_473 : i32 to index
          %swap3A_751 = arith.index_cast %add3A_744 : i32 to index
          %swap3A_752 = tpu.vector_load %arg12[%swap3A_750, %swap3A_751] {strides = array<i32>} : memref<4x2048xf32, #tpu.memory_space<vmem>>, vector<1x16xf32>,
          %swap3A_753 = vector.shape_cast %swap3A_752 : vector<1x16xf32> to vector<16xf32>
          %swap3A_754 = vector.shape_cast %get3A_589 : vector<16xf32> to vector<1x16xf32>
          tpu.vector_store %arg12[%swap3A_750, %swap3A_751], %swap3A_754 {add = true, strides = array<i32>} : memref<4x2048xf32, #tpu.memory_space<vmem>>, vector<1x16xf32>,
          %swap3A_755 = arith.index_cast %scan3A_473 : i32 to index
          %swap3A_756 = arith.index_cast %add3A_744 : i32 to index
          %swap3A_757 = tpu.vector_load %arg13[%swap3A_755, %swap3A_756] {strides = array<i32>} : memref<4x2048xf32, #tpu.memory_space<vmem>>, vector<1x16xf32>,
          %swap3A_758 = vector.shape_cast %swap3A_757 : vector<1x16xf32> to vector<16xf32>
          %swap3A_759 = vector.shape_cast %get3A_589 : vector<16xf32> to vector<1x16xf32>
          tpu.vector_store %arg13[%swap3A_755, %swap3A_756], %swap3A_759 {add = true, strides = array<i32>} : memref<4x2048xf32, #tpu.memory_space<vmem>>, vector<1x16xf32>,
          %swap3A_760 = arith.index_cast %scan3A_473 : i32 to index
          %swap3A_761 = arith.index_cast %add3A_744 : i32 to index
          %swap3A_762 = tpu.vector_load %arg14[%swap3A_760, %swap3A_761] {strides = array<i32>} : memref<4x2048xf32, #tpu.memory_space<vmem>>, vector<1x16xf32>,
          %swap3A_763 = vector.shape_cast %swap3A_762 : vector<1x16xf32> to vector<16xf32>
          %swap3A_764 = vector.shape_cast %get3A_589 : vector<16xf32> to vector<1x16xf32>
          tpu.vector_store %arg14[%swap3A_760, %swap3A_761], %swap3A_764 {add = true, strides = array<i32>} : memref<4x2048xf32, #tpu.memory_space<vmem>>, vector<1x16xf32>,
          %scan3A_765 = arith.constant 0 : i32
          scf.yield %scan3A_765 : i32
        }
        %scan3A_481 = arith.constant 16 : i32
        %add3A_482 = arith.constant 0 : i32
        %add3A_483 = arith.addi %add3A_482, %mul3A_2 : i32
        %mul3A_484 = arith.constant 4 : i32
        %mul3A_485 = arith.muli %add3A_414, %mul3A_484 : i32
        %add3A_486 = arith.addi %add3A_483, %mul3A_485 : i32
        %add3A_487 = arith.addi %add3A_486, %scan3A_473 : i32
        %dma_start3A_488 = arith.constant 0 : i32
        %dma_start3A_489 = tpu.memref_slice %arg11[%scan3A_473, %dma_start3A_488] : memref<4x2048xf32, #tpu.memory_space<vmem>> -> memref<1x2048xf32, #tpu.memory_space<vmem>>
        %dma_start3A_490 = arith.constant 0 : i32
        %dma_start3A_491 = tpu.memref_slice %arg5[%add3A_487, %dma_start3A_490] : memref<16384x2048xf32, #tpu.memory_space<hbm>> -> memref<1x2048xf32, #tpu.memory_space<hbm>>
        %dma_start3A_492 = arith.constant 0 : i32
        %dma_start3A_493 = tpu.memref_slice %arg5[%add3A_487, %dma_start3A_492] : memref<16384x2048xf32, #tpu.memory_space<hbm>> -> memref<1x2048xf32, #tpu.memory_space<hbm>>
        %dma_start3A_494 = arith.constant 0 : i32
        %dma_start3A_495 = tpu.memref_slice %arg11[%scan3A_473, %dma_start3A_494] : memref<4x2048xf32, #tpu.memory_space<vmem>> -> memref<1x2048xf32, #tpu.memory_space<vmem>>
        tpu.enqueue_dma source(%dma_start3A_495 : memref<1x2048xf32, #tpu.memory_space<vmem>>) target(%dma_start3A_493 : memref<1x2048xf32, #tpu.memory_space<hbm>>) target_semaphore(%arg29 : memref<!tpu.dma_semaphore, #tpu.memory_space<semaphore_mem>>)
        %add3A_496 = arith.constant 4096 : i32
        %add3A_497 = arith.addi %add3A_496, %mul3A_2 : i32
        %mul3A_498 = arith.constant 4 : i32
        %mul3A_499 = arith.muli %add3A_414, %mul3A_498 : i32
        %add3A_500 = arith.addi %add3A_497, %mul3A_499 : i32
        %add3A_501 = arith.addi %add3A_500, %scan3A_473 : i32
        %dma_start3A_502 = arith.constant 0 : i32
        %dma_start3A_503 = tpu.memref_slice %arg12[%scan3A_473, %dma_start3A_502] : memref<4x2048xf32, #tpu.memory_space<vmem>> -> memref<1x2048xf32, #tpu.memory_space<vmem>>
        %dma_start3A_504 = arith.constant 0 : i32
        %dma_start3A_505 = tpu.memref_slice %arg5[%add3A_501, %dma_start3A_504] : memref<16384x2048xf32, #tpu.memory_space<hbm>> -> memref<1x2048xf32, #tpu.memory_space<hbm>>
        %dma_start3A_506 = arith.constant 0 : i32
        %dma_start3A_507 = tpu.memref_slice %arg5[%add3A_501, %dma_start3A_506] : memref<16384x2048xf32, #tpu.memory_space<hbm>> -> memref<1x2048xf32, #tpu.memory_space<hbm>>
        %dma_start3A_508 = arith.constant 0 : i32
        %dma_start3A_509 = tpu.memref_slice %arg12[%scan3A_473, %dma_start3A_508] : memref<4x2048xf32, #tpu.memory_space<vmem>> -> memref<1x2048xf32, #tpu.memory_space<vmem>>
        tpu.enqueue_dma source(%dma_start3A_509 : memref<1x2048xf32, #tpu.memory_space<vmem>>) target(%dma_start3A_507 : memref<1x2048xf32, #tpu.memory_space<hbm>>) target_semaphore(%arg30 : memref<!tpu.dma_semaphore, #tpu.memory_space<semaphore_mem>>)
        %add3A_510 = arith.constant 8192 : i32
        %add3A_511 = arith.addi %add3A_510, %mul3A_2 : i32
        %mul3A_512 = arith.constant 4 : i32
        %mul3A_513 = arith.muli %add3A_414, %mul3A_512 : i32
        %add3A_514 = arith.addi %add3A_511, %mul3A_513 : i32
        %add3A_515 = arith.addi %add3A_514, %scan3A_473 : i32
        %dma_start3A_516 = arith.constant 0 : i32
        %dma_start3A_517 = tpu.memref_slice %arg13[%scan3A_473, %dma_start3A_516] : memref<4x2048xf32, #tpu.memory_space<vmem>> -> memref<1x2048xf32, #tpu.memory_space<vmem>>
        %dma_start3A_518 = arith.constant 0 : i32
        %dma_start3A_519 = tpu.memref_slice %arg5[%add3A_515, %dma_start3A_518] : memref<16384x2048xf32, #tpu.memory_space<hbm>> -> memref<1x2048xf32, #tpu.memory_space<hbm>>
        %dma_start3A_520 = arith.constant 0 : i32
        %dma_start3A_521 = tpu.memref_slice %arg5[%add3A_515, %dma_start3A_520] : memref<16384x2048xf32, #tpu.memory_space<hbm>> -> memref<1x2048xf32, #tpu.memory_space<hbm>>
        %dma_start3A_522 = arith.constant 0 : i32
        %dma_start3A_523 = tpu.memref_slice %arg13[%scan3A_473, %dma_start3A_522] : memref<4x2048xf32, #tpu.memory_space<vmem>> -> memref<1x2048xf32, #tpu.memory_space<vmem>>
        tpu.enqueue_dma source(%dma_start3A_523 : memref<1x2048xf32, #tpu.memory_space<vmem>>) target(%dma_start3A_521 : memref<1x2048xf32, #tpu.memory_space<hbm>>) target_semaphore(%arg31 : memref<!tpu.dma_semaphore, #tpu.memory_space<semaphore_mem>>)
        %add3A_524 = arith.constant 12288 : i32
        %add3A_525 = arith.addi %add3A_524, %mul3A_2 : i32
        %mul3A_526 = arith.constant 4 : i32
        %mul3A_527 = arith.muli %add3A_414, %mul3A_526 : i32
        %add3A_528 = arith.addi %add3A_525, %mul3A_527 : i32
        %add3A_529 = arith.addi %add3A_528, %scan3A_473 : i32
        %dma_start3A_530 = arith.constant 0 : i32
        %dma_start3A_531 = tpu.memref_slice %arg14[%scan3A_473, %dma_start3A_530] : memref<4x2048xf32, #tpu.memory_space<vmem>> -> memref<1x2048xf32, #tpu.memory_space<vmem>>
        %dma_start3A_532 = arith.constant 0 : i32
        %dma_start3A_533 = tpu.memref_slice %arg5[%add3A_529, %dma_start3A_532] : memref<16384x2048xf32, #tpu.memory_space<hbm>> -> memref<1x2048xf32, #tpu.memory_space<hbm>>
        %dma_start3A_534 = arith.constant 0 : i32
        %dma_start3A_535 = tpu.memref_slice %arg5[%add3A_529, %dma_start3A_534] : memref<16384x2048xf32, #tpu.memory_space<hbm>> -> memref<1x2048xf32, #tpu.memory_space<hbm>>
        %dma_start3A_536 = arith.constant 0 : i32
        %dma_start3A_537 = tpu.memref_slice %arg14[%scan3A_473, %dma_start3A_536] : memref<4x2048xf32, #tpu.memory_space<vmem>> -> memref<1x2048xf32, #tpu.memory_space<vmem>>
        tpu.enqueue_dma source(%dma_start3A_537 : memref<1x2048xf32, #tpu.memory_space<vmem>>) target(%dma_start3A_535 : memref<1x2048xf32, #tpu.memory_space<hbm>>) target_semaphore(%arg32 : memref<!tpu.dma_semaphore, #tpu.memory_space<semaphore_mem>>)
        %scan3A_538 = arith.constant 0 : i32
        scf.yield %scan3A_538 : i32
      }
      %scan3A_464 = arith.constant 4 : i32
      %add3A_465 = arith.constant 2 : i32
      %add3A_466 = arith.addi %add3A_414, %add3A_465 : i32
      %lt3A_467 = arith.constant 32 : i32
      %lt3A_468 = arith.cmpi slt, %add3A_466, %lt3A_467 : i32
      %convert_element_type3A_469 = arith.extui %lt3A_468 : i1 to i32
      %cond3A_470 = arith.constant 0 : i32
      %cond3A_471 = arith.cmpi ne, %convert_element_type3A_469, %cond3A_470 : i32
      scf.if %cond3A_471 {
        %add3A_473 = arith.constant 2 : i32
        %add3A_474 = arith.addi %add3A_414, %add3A_473 : i32
        %mul3A_475 = arith.constant 4 : i32
        %mul3A_476 = arith.muli %add3A_474, %mul3A_475 : i32
        %add3A_477 = arith.addi %mul3A_2, %mul3A_476 : i32
        %dma_start3A_478 = arith.constant 0 : i32
        %dma_start3A_479 = tpu.memref_slice %arg4[%add3A_477, %dma_start3A_478] : memref<8192x2048xf32, #tpu.memory_space<hbm>> -> memref<4x2048xf32, #tpu.memory_space<hbm>>
        %dma_start3A_480 = arith.constant 0 : i32
        %dma_start3A_481 = tpu.memref_slice %arg4[%add3A_477, %dma_start3A_480] : memref<8192x2048xf32, #tpu.memory_space<hbm>> -> memref<4x2048xf32, #tpu.memory_space<hbm>>
        tpu.enqueue_dma source(%dma_start3A_481 : memref<4x2048xf32, #tpu.memory_space<hbm>>) target(%arg16 : memref<4x2048xf32, #tpu.memory_space<vmem>>) target_semaphore(%arg34 : memref<!tpu.dma_semaphore, #tpu.memory_space<semaphore_mem>>)
      } else {
      }
      %scan3A_472 = arith.constant 0 : i32
      scf.yield %scan3A_472 : i32
    }
    %scan3A_320 = arith.constant 15 : i32
    %dma_wait3A_321 = arith.constant 0 : i32
    %dma_wait3A_322 = tpu.memref_slice %arg5[%mul3A_2, %dma_wait3A_321] : memref<16384x2048xf32, #tpu.memory_space<hbm>> -> memref<4x2048xf32, #tpu.memory_space<hbm>>
    %dma_wait3A_323 = arith.constant 0 : i32
    %dma_wait3A_324 = tpu.memref_slice %arg5[%mul3A_2, %dma_wait3A_323] : memref<16384x2048xf32, #tpu.memory_space<hbm>> -> memref<4x2048xf32, #tpu.memory_space<hbm>>
    tpu.wait_dma2 semaphore(%arg25 : memref<!tpu.dma_semaphore, #tpu.memory_space<semaphore_mem>>) src(%arg7 : memref<4x2048xf32, #tpu.memory_space<vmem>>) dst(%dma_wait3A_324 : memref<4x2048xf32, #tpu.memory_space<hbm>>)
    %dma_wait3A_325 = arith.constant 0 : i32
    %dma_wait3A_326 = tpu.memref_slice %arg5[%mul3A_2, %dma_wait3A_325] : memref<16384x2048xf32, #tpu.memory_space<hbm>> -> memref<4x2048xf32, #tpu.memory_space<hbm>>
    %dma_wait3A_327 = arith.constant 0 : i32
    %dma_wait3A_328 = tpu.memref_slice %arg5[%mul3A_2, %dma_wait3A_327] : memref<16384x2048xf32, #tpu.memory_space<hbm>> -> memref<4x2048xf32, #tpu.memory_space<hbm>>
    tpu.wait_dma2 semaphore(%arg26 : memref<!tpu.dma_semaphore, #tpu.memory_space<semaphore_mem>>) src(%arg8 : memref<4x2048xf32, #tpu.memory_space<vmem>>) dst(%dma_wait3A_328 : memref<4x2048xf32, #tpu.memory_space<hbm>>)
    %dma_wait3A_329 = arith.constant 0 : i32
    %dma_wait3A_330 = tpu.memref_slice %arg5[%mul3A_2, %dma_wait3A_329] : memref<16384x2048xf32, #tpu.memory_space<hbm>> -> memref<4x2048xf32, #tpu.memory_space<hbm>>
    %dma_wait3A_331 = arith.constant 0 : i32
    %dma_wait3A_332 = tpu.memref_slice %arg5[%mul3A_2, %dma_wait3A_331] : memref<16384x2048xf32, #tpu.memory_space<hbm>> -> memref<4x2048xf32, #tpu.memory_space<hbm>>
    tpu.wait_dma2 semaphore(%arg27 : memref<!tpu.dma_semaphore, #tpu.memory_space<semaphore_mem>>) src(%arg9 : memref<4x2048xf32, #tpu.memory_space<vmem>>) dst(%dma_wait3A_332 : memref<4x2048xf32, #tpu.memory_space<hbm>>)
    %dma_wait3A_333 = arith.constant 0 : i32
    %dma_wait3A_334 = tpu.memref_slice %arg5[%mul3A_2, %dma_wait3A_333] : memref<16384x2048xf32, #tpu.memory_space<hbm>> -> memref<4x2048xf32, #tpu.memory_space<hbm>>
    %dma_wait3A_335 = arith.constant 0 : i32
    %dma_wait3A_336 = tpu.memref_slice %arg5[%mul3A_2, %dma_wait3A_335] : memref<16384x2048xf32, #tpu.memory_space<hbm>> -> memref<4x2048xf32, #tpu.memory_space<hbm>>
    tpu.wait_dma2 semaphore(%arg28 : memref<!tpu.dma_semaphore, #tpu.memory_space<semaphore_mem>>) src(%arg10 : memref<4x2048xf32, #tpu.memory_space<vmem>>) dst(%dma_wait3A_336 : memref<4x2048xf32, #tpu.memory_space<hbm>>)
    %dma_wait3A_337 = arith.constant 0 : i32
    %dma_wait3A_338 = tpu.memref_slice %arg5[%mul3A_2, %dma_wait3A_337] : memref<16384x2048xf32, #tpu.memory_space<hbm>> -> memref<4x2048xf32, #tpu.memory_space<hbm>>
    %dma_wait3A_339 = arith.constant 0 : i32
    %dma_wait3A_340 = tpu.memref_slice %arg5[%mul3A_2, %dma_wait3A_339] : memref<16384x2048xf32, #tpu.memory_space<hbm>> -> memref<4x2048xf32, #tpu.memory_space<hbm>>
    tpu.wait_dma2 semaphore(%arg29 : memref<!tpu.dma_semaphore, #tpu.memory_space<semaphore_mem>>) src(%arg11 : memref<4x2048xf32, #tpu.memory_space<vmem>>) dst(%dma_wait3A_340 : memref<4x2048xf32, #tpu.memory_space<hbm>>)
    %dma_wait3A_341 = arith.constant 0 : i32
    %dma_wait3A_342 = tpu.memref_slice %arg5[%mul3A_2, %dma_wait3A_341] : memref<16384x2048xf32, #tpu.memory_space<hbm>> -> memref<4x2048xf32, #tpu.memory_space<hbm>>
    %dma_wait3A_343 = arith.constant 0 : i32
    %dma_wait3A_344 = tpu.memref_slice %arg5[%mul3A_2, %dma_wait3A_343] : memref<16384x2048xf32, #tpu.memory_space<hbm>> -> memref<4x2048xf32, #tpu.memory_space<hbm>>
    tpu.wait_dma2 semaphore(%arg30 : memref<!tpu.dma_semaphore, #tpu.memory_space<semaphore_mem>>) src(%arg12 : memref<4x2048xf32, #tpu.memory_space<vmem>>) dst(%dma_wait3A_344 : memref<4x2048xf32, #tpu.memory_space<hbm>>)
    %dma_wait3A_345 = arith.constant 0 : i32
    %dma_wait3A_346 = tpu.memref_slice %arg5[%mul3A_2, %dma_wait3A_345] : memref<16384x2048xf32, #tpu.memory_space<hbm>> -> memref<4x2048xf32, #tpu.memory_space<hbm>>
    %dma_wait3A_347 = arith.constant 0 : i32
    %dma_wait3A_348 = tpu.memref_slice %arg5[%mul3A_2, %dma_wait3A_347] : memref<16384x2048xf32, #tpu.memory_space<hbm>> -> memref<4x2048xf32, #tpu.memory_space<hbm>>
    tpu.wait_dma2 semaphore(%arg31 : memref<!tpu.dma_semaphore, #tpu.memory_space<semaphore_mem>>) src(%arg13 : memref<4x2048xf32, #tpu.memory_space<vmem>>) dst(%dma_wait3A_348 : memref<4x2048xf32, #tpu.memory_space<hbm>>)
    %dma_wait3A_349 = arith.constant 0 : i32
    %dma_wait3A_350 = tpu.memref_slice %arg5[%mul3A_2, %dma_wait3A_349] : memref<16384x2048xf32, #tpu.memory_space<hbm>> -> memref<4x2048xf32, #tpu.memory_space<hbm>>
    %dma_wait3A_351 = arith.constant 0 : i32
    %dma_wait3A_352 = tpu.memref_slice %arg5[%mul3A_2, %dma_wait3A_351] : memref<16384x2048xf32, #tpu.memory_space<hbm>> -> memref<4x2048xf32, #tpu.memory_space<hbm>>
    tpu.wait_dma2 semaphore(%arg32 : memref<!tpu.dma_semaphore, #tpu.memory_space<semaphore_mem>>) src(%arg14 : memref<4x2048xf32, #tpu.memory_space<vmem>>) dst(%dma_wait3A_352 : memref<4x2048xf32, #tpu.memory_space<hbm>>)
    return
  }
}

</mosaic_0001>

<sc_bundles>
// kernel: kernel.3.cloned.1.call-start
scs
__scs_entry_jumppad:
0x0: {  	(pc) =	sbr.rel $0x88, $3  }
0x1: {  	(tag) =	ssettag $0x0;
	lr =	simm.s32 $0x1  }
0x2: {  	[smem:$0x3F9E] =	sst lr;
	_ =	strace $0xD0000000  }
0x3: {  	_ = 	snop  }
0x4: {  	_ = 	snop  }
0x5: {  	_ = 	snop  }
0x6: {  	_ = 	snop  }
0x7: {  	_ = 	snop  }
__scs_overlays_trampoline_lowered:
0x8: {  	[smem:$0x3FAD] =	sst s0  }
0x9: {  	[smem:$0x3FAE] =	sst s1  }
0xa: {  	[smem:$0x3FAF] =	sst s2  }
0xb: {  	[smem:$0x3FB0] =	sst s3  }
0xc: {  	[smem:$0x3FB1] =	sst s4  }
0xd: {  	[smem:$0x3FB2] =	sst s5  }
0xe: {  	[smem:$0x3FB3] =	sst s6  }
0xf: {  	[smem:$0x3FB4] =	sst s7  }
0x10: {  	[smem:$0x3FB5] =	sst s8  }
0x11: {  	[smem:$0x3FB6] =	sst s9;
	s0 =	simm.s32 @!p0 $0x0  }
0x12: {  	s1 =	sld [smem:$0x3F9C];
	s0 =	simm.s32 @p0 $0x1  }
0x13: {  	[smem:$0x3FB7] =	sst s0;
	s0 =	simm.s32 @!p1 $0x0  }
0x14: {  	s2 =	sld [smem:$0x3F9B];
	s0 =	simm.s32 @p1 $0x1  }
0x15: {  	[smem:$0x3FB8] =	sst s0;
	s0 =	simm.s32 @!p2 $0x0  }
0x16: {  	s3 =	sld [smem:$0x3FDB];
	s0 =	simm.s32 @p2 $0x1  }
0x17: {  	s4 =	simm.s32 $0x1BF5;
	[smem:$0x3FBA] =	sst s0  }
0x18: {  	s0 =	sld [smem:$0x3F9D];
	_ =	swait.ge [sflag:s4], $0x0  }
0x19: {  	s7 =	sld [smem:$0x3F9E]  }
0x1a: {  	s8 =	sadd.s32 $0xFFFFE003, lr  }
0x1b: {  	s9 =	sadd.s32 $0xFFFFFEF7, lr;
	s5 =	simm.s32 $0xFFFFFFFF;
	p2 =	slt.u32 s8, $0xFFFFF086  }
0x1c: {  	p1 =	slt.u32 s9, $0xF7A;
	s5 =	simm.s32 @!p2 $0x0  }
0x1d: {  	s5 =	simm.s32 @p1 $0x1;
	p0 =	seq.s32 s7, s2  }
0x1e: {  	s7 =	smul.u32 @!p0 $0xF7A, s2;
	p2 =	seq.s32 @!p0 s5, $0x0  }
0x1f: {  	s9 =	smul.u32 $0xF7A, s1;
	s8 =	simm.s32 @!p0 $0x1BF5;
	p2 =	por !p2, p0  }
0x20: {  	[sflag:s8] =	ssyncset.s32 @!p0 $0xFFFFF086;
	s6 =	sadd.s32 @!p0 s3, s7;
	s7 =	simm.s32 @!p0 $0x108  }
0x21: {  	s3 =	sadd.s32 s3, s9;
	s6 =	sadd.s32 @!p0 $0x88, s6;
	s7 =	simm.s32 @p2 $0x1082  }
0x22: {  	[simem:s7], [sflag:s8] =	dma.local @!p0 [hbm:s6], $0xF7A  }
0x23: {  	s9 =	sor.u32 $0xD0000000, s2;
	s6 =	simm.s32 $0x108;
	_ =	swait.ge @!p0 [sflag:s8], $0x0  }
0x24: {  	s3 =	sadd.s32 $0x88, s3;
	s6 =	simm.s32 @!p1 $0x1082;
	[sflag:s4] =	ssyncset.s32 $0xFFFFF086  }
0x25: {  	[simem:s6], [sflag:s4] =	dma.local [hbm:s3], $0xF7A  }
0x26: {  	[smem:$0x3F9E] =	sst s1;
	(tag) =	ssettag s2;
	_ =	strace s9  }
0x27: {  	s1 =	sld [smem:$0x3FAE]  }
0x28: {  	s2 =	sld [smem:$0x3FAF]  }
0x29: {  	s4 =	sld [smem:$0x3FB1]  }
0x2a: {  	p0 =	seq.s32 s5, $0x0;
	s5 =	sld [smem:$0x3FB2]  }
0x2b: {  	s6 =	sld [smem:$0x3FB3]  }
0x2c: {  	s7 =	sld [smem:$0x3FB4]  }
0x2d: {  	s3 =	simm.s32 $0x108;
	s8 =	sld [smem:$0x3FB5]  }
0x2e: {  	s3 =	simm.s32 @!p0 $0x1082;
	s9 =	sld [smem:$0x3FB6]  }
0x2f: {  	lr =	sadd.s32 s0, s3;
	s0 =	sld [smem:$0x3FAD]  }
0x30: {  	s3 =	sld [smem:$0x3FB0]  }
0x31: {  	[smem:$0x3FB9] =	sst s10  }
0x32: {  	s10 =	sld [smem:$0x3FB7];
	_ =	sdelay $0x3  }
0x33: {  	p0 =	seq.s32 s10, $0x1;
	s10 =	sld [smem:$0x3FB9];
	_ =	sdelay $0x3  }
0x34: {  	[smem:$0x3FB9] =	sst s10  }
0x35: {  	s10 =	sld [smem:$0x3FB8];
	_ =	sdelay $0x3  }
0x36: {  	p1 =	seq.s32 s10, $0x1;
	s10 =	sld [smem:$0x3FB9];
	_ =	sdelay $0x3  }
0x37: {  	[smem:$0x3FB9] =	sst s10  }
0x38: {  	s10 =	sld [smem:$0x3FBA]  }
0x39: {  	_ = 	snop;
	(pc) =	sbr.ind lr, $3  }
0x3a: {  	_ = 	snop  }
0x3b: {  	_ = 	snop  }
0x3c: {  	p2 =	seq.s32 s10, $0x1;
	s10 =	sld [smem:$0x3FB9]  }
0x3d: {  	_ =	shalt  }
0x3e: {  	_ =	shalt  }
0x3f: {  	_ =	shalt  }
0x40: {  	_ =	shalt  }
0x41: {  	_ =	shalt  }
0x42: {  	_ =	shalt  }
0x43: {  	_ =	shalt  }
0x44: {  	_ =	shalt  }
0x45: {  	_ =	shalt  }
0x46: {  	_ =	shalt  }
0x47: {  	_ =	shalt  }
0x48: {  	_ =	shalt  }
0x49: {  	_ =	shalt  }
0x4a: {  	_ =	shalt  }
0x4b: {  	_ =	shalt  }
0x4c: {  	_ =	shalt  }
0x4d: {  	_ =	shalt  }
0x4e: {  	_ =	shalt  }
0x4f: {  	_ =	shalt  }
0x50: {  	_ =	shalt  }
0x51: {  	_ =	shalt  }
0x52: {  	_ =	shalt  }
0x53: {  	_ =	shalt  }
0x54: {  	_ =	shalt  }
0x55: {  	_ =	shalt  }
0x56: {  	_ =	shalt  }
0x57: {  	_ =	shalt  }
0x58: {  	_ =	shalt  }
0x59: {  	_ =	shalt  }
0x5a: {  	_ =	shalt  }
0x5b: {  	_ =	shalt  }
0x5c: {  	_ =	shalt  }
0x5d: {  	_ =	shalt  }
0x5e: {  	_ =	shalt  }
0x5f: {  	_ =	shalt  }
0x60: {  	_ =	shalt  }
0x61: {  	_ =	shalt  }
0x62: {  	_ =	shalt  }
0x63: {  	_ =	shalt  }
0x64: {  	_ =	shalt  }
0x65: {  	_ =	shalt  }
0x66: {  	_ =	shalt  }
0x67: {  	_ =	shalt  }
0x68: {  	_ =	shalt  }
0x69: {  	_ =	shalt  }
0x6a: {  	_ =	shalt  }
0x6b: {  	_ =	shalt  }
0x6c: {  	_ =	shalt  }
0x6d: {  	_ =	shalt  }
0x6e: {  	_ =	shalt  }
0x6f: {  	_ =	shalt  }
0x70: {  	_ =	shalt  }
0x71: {  	_ =	shalt  }
0x72: {  	_ =	shalt  }
0x73: {  	_ =	shalt  }
0x74: {  	_ =	shalt  }
0x75: {  	_ =	shalt  }
0x76: {  	_ =	shalt  }
0x77: {  	_ =	shalt  }
0x78: {  	_ =	shalt  }
0x79: {  	_ =	shalt  }
0x7a: {  	_ =	shalt  }
0x7b: {  	_ =	shalt  }
0x7c: {  	_ =	shalt  }
0x7d: {  	_ =	shalt  }
0x7e: {  	_ =	shalt  }
0x7f: {  	_ =	shalt  }
0x80: {  	_ =	shalt  }
0x81: {  	_ =	shalt  }
0x82: {  	_ =	shalt  }
0x83: {  	_ =	shalt  }
0x84: {  	_ =	shalt  }
0x85: {  	_ =	shalt  }
0x86: {  	_ =	shalt  }
0x87: {  	_ =	shalt  }
.Lfunc_end0:
.L_simem_size_0:
called_computation_lowered:
.L_overlay_start_0:
0x88: {  	s2 =	sld [smem:$0x3FD9]  }
0x89: {  	s3 =	sld [smem:$0x3FFE];
	_ =	sdelay $0x1  }
0x8a: {  	s1 =	srdreg.scid  }
0x8b: {  	s0 =	sand.u32 $0x1, s1  }
0x8c: {  	s17 =	sshll.u32 s0, $0xA;
	s2 =	sadd.s32 s3, s2  }
0x8d: {  	s2 =	sadd.s32 s2, s17  }
0x8e: {  	[smem:$0x3FC5] =	sst s2  }
0x8f: {  	_ = 	snop  }
0x90: {  	s2 =	sld [smem:$0x3FC8]  }
0x91: {  	s18 =	sld [smem:$0x3FC7]  }
0x92: {  	s4 =	sld [smem:$0x3FD0];
	(tm) =	ssettm $0x1  }
0x93: {  	s5 =	sld [smem:$0x3FFB];
	_ =	sdelay $0x3  }
0x94: {  	_ =	strace s5  }
0x95: {  	s5 =	sld [smem:$0x3FFC];
	_ =	sdelay $0x3  }
0x96: {  	_ =	strace s5  }
0x97: {  	s5 =	sld [smem:$0x3FFD];
	_ =	sdelay $0x3  }
0x98: {  	_ =	strace s5  }
0x99: {  	_ =	strace $0x8FFFFFFF  }
0x9a: {  	s19 =	sld [smem:$0x3FDB];
	_ =	sdelay $0x1  }
0x9b: {  	s6 =	simm.s32 $_scs_section_size  }
0x9c: {  	s7 =	simm.s32 $_size__tile_overlayer_lowered;
	s8 =	simm.s32 $_tile_overlayer_lowered  }
0x9d: {  	s22 =	simm.s32 $0x1BFF;
	s21 =	sshll.u32 s8, $0x1;
	s5 =	sadd.s32 s6, s19  }
0x9e: {  	s9 =	simm.s32 $0x0;
	s20 =	sshll.u32 s7, $0x1;
	s7 =	sadd.s32 s21, s5  }
0x9f: {  	[timem:s9], [sflag:s22] =	dma.local [hbm:s7], s20  }
0xa0: {  	_ =	swait.ge [sflag:s22], s20  }
0xa1: {  	s6 =	ssub.s32 $0x0, s20;
	[sflag:s22] =	ssyncset.done $0x0  }
0xa2: {  	[sflag:s22] =	ssyncadd.s32 s6;
	_ =	sdelay $0x1  }
0xa3: {  	s23 =	simm.s32 $0x1B8B  }
0xa4: {  	_ =	swait.ge [sflag:s23], $0x1  }
0xa5: {  	[sflag:s23] =	ssyncset.done $0x0  }
0xa6: {  	s25 =	simm.s32 $0x1B8E;
	s24 =	sld [smem:$0x3FFE];
	[sflag:s23] =	ssyncadd.s32 $0xFFFFFFFF  }
0xa7: {  	s26 =	simm.s32 $execute0_lowered;
	[smem:$0x3FD2] =	sst s25  }
0xa8: {  	s7 =	sshll.u32 s26, $0x1;
	_ =	strace $0x80000046;
	[dreg:$0x1] =	wrdreg $0xFFFFFFFF  }
0xa9: {  	s28 =	simm.s32 $_size_execute0_lowered;
	s5 =	sadd.s32 s5, s7;
	[dreg:$0x0] =	wrdreg $0x0  }
0xaa: {  	s7 =	sshll.u32 s28, $0x1;
	[dreg:$0x2] =	wrdreg s5  }
0xab: {  	[dreg:$0x3] =	wrdreg s7  }
0xac: {  	[dreg:$0x4] =	wrdreg $0xC0  }
0xad: {  	_ =	task [dreg:s9], $0x5FFFF  }
0xae: {  	[dreg:$0x1] =	wrdreg $0xFFFFFFFF  }
0xaf: {  	[dreg:$0x0] =	wrdreg $0x60  }
0xb0: {  	[dreg:$0x2] =	wrdreg s24  }
0xb1: {  	[dreg:$0x3] =	wrdreg s2  }
0xb2: {  	[dreg:$0x4] =	wrdreg s18  }
0xb3: {  	[dreg:$0x5] =	wrdreg s4  }
0xb4: {  	[dreg:$0x6] =	wrdreg $0x9  }
0xb5: {  	_ =	task.clear_ibuf [dreg:s9], $0x7FFFF;
	_ =	strace $0x90000046  }
0xb6: {  	s29 =	simm.s32 $0x9;
	_ =	strace $0x80000048  }
0xb7: {  	_ =	swait.ge [sflag:s29], $0x1  }
0xb8: {  	[sflag:s29] =	ssyncadd.s32 $0xFFFFFFFF  }
0xb9: {  	_ =	strace $0x90000048  }
0xba: {  	_ =	sfence  }
0xbb: {  	s30 =	sld [smem:$0x0];
	_ =	sdelay $0x2  }
0xbc: {  	s31 =	sshll.u32 s1, $0xD;
	s1 =	sshrl.u32 s1, $0x2  }
0xbd: {  	s3 =	sand.u32 $0x4000, s31;
	s1 =	sadd.s32 s1, s30  }
0xbe: {  	s0 =	sor.u32 s3, s0;
	s1 =	sshll.u32 s1, $0x11  }
0xbf: {  	s0 =	sor.u32 s1, s0  }
0xc0: {  	s0 =	sadd.s32 $0x8F2B, s0  }
0xc1: {  	[sflag:s0] =	ssyncadd.remote.s32 $0x1  }
0xc2: {  	_ =	sfence.sel $0xFFFF  }
0xc3: {  	[dreg:$0x0] =	wrdreg $0xFFFFFFFF;
	(pc) =	sbr.abs _section_cstart, $3  }
0xc4: {  	[dreg:$0x1] =	wrdreg $0xFFFFFFFF  }
0xc5: {  	_ =	task.clear_ibuf [dreg:s9], $0x2FFFF;
	_ =	strace $0x9FFFFFFF  }
0xc6: {  	(tm) =	ssettm $0x7FFFFFFF  }
0xc7: {  	_ =	shalt  }
tec
execute0_lowered:
.L_overlay_start_1:
0x0: {  	(tag) =	ssettag $0x1  }
0x1: {  	s0 =	rddreg [dreg:$0x0]  }
0x2: {  	s1 =	rddreg [dreg:$0x1]  }
0x3: {  	s5 =	srdreg.scid;
	s6 =	stileid.u32  }
0x4: {  	s2 =	rddreg [dreg:$0x2];
	s5 =	sand.u32 $0x1, s5;
	s6 =	sshll.u32 s6, $0x1  }
0x5: {  	s3 =	rddreg [dreg:$0x3];
	s4 =	simm.s32 $0x0;
	s6 =	sor.u32 s5, s6  }
0x6: {  	[smem:$0x7FF] =	sst s4;
	s7 =	sshll.u32 s6, $0x9  }
0x7: {  	s13 =	sadd.s32 $0x200, s1;
	s14 =	sadd.s32 $0x400, s1;
	s0 =	sadd.s32 s7, s0  }
0x8: {  	s5 =	ssub.s32 $0x2, s5;
	_ =	strace $0x80000047;
	s25 =	sadd.s32 $0x400, s0  }
0x9: {  	s8 =	sshrl.u32 s5, $0x1;
	s26 =	sadd.s32 $0x4400, s0;
	[dreg:$0x5] =	wrdreg s25  }
0xa: {  	s24 =	ssub.s32 s5, s8;
	s28 =	sadd.s32 $0x8400, s0;
	[dreg:$0x6] =	wrdreg s26  }
0xb: {  	s8 =	sshll.u32 s6, $0xF;
	s0 =	sadd.s32 $0xC400, s0;
	[dreg:$0x7] =	wrdreg s28  }
0xc: {  	s15 =	sadd.s32 $0x600, s1;
	s29 =	sadd.s32 s2, s8;
	[dreg:$0x8] =	wrdreg s0  }
0xd: {  	s16 =	sadd.s32 $0x100000, s3;
	s31 =	smax.u32 s24, $0x1;
	[dreg:$0x9] =	wrdreg s29  }
.Ltmp0:
0xe: {  	s12 =	sadd.s32 s3, s8;
	[dreg:$0xe] =	wrdreg s31;
	(pc) =	sbr.rel .LBB2_1-.Ltmp0, $4  }
0xf: {  	s17 =	sadd.s32 $0x200000, s3;
	s2 =	sadd.s32 $0x40, s29;
	[dreg:$0xc] =	wrdreg s12  }
0x10: {  	v0 =	vlaneseq.u32;
	s18 =	sadd.s32 $0x300000, s3;
	s30 =	sadd.s32 $0x800, s29;
	[dreg:$0xa] =	wrdreg s2  }
0x11: {  	v1 =	vshrl.u32 v0, $0x2;
	s5 =	sshll.u32 s6, $0x7;
	s0 =	sadd.s32 $0x840, s29;
	[dreg:$0xb] =	wrdreg s30  }
0x12: {  	vm0 =	vmmov $0xffff;
	v0 =	vand.u32 $0x3, v0;
	v1 =	vmul.u32 $0x8, v1;
	s6 =	simm.s32 $0x0;
	s25 =	simm.s32 $0x14000;
	[dreg:$0xd] =	wrdreg s0  }
.LBB2_22:
0x13: {  	s0 =	simm.s32 $0x9  }
0x14: {  	_ =	swait.ge [sflag:s0], $0x2000  }
0x15: {  	[sflag:s0] =	ssyncset.done $0x0  }
0x16: {  	s24 =	simm.s32 $0xA;
	[sflag:s0] =	ssyncadd.s32 $0xFFFFE000  }
0x17: {  	_ =	swait.ge [sflag:s24], $0x2000  }
0x18: {  	[sflag:s24] =	ssyncset.done $0x0  }
0x19: {  	s25 =	simm.s32 $0xB;
	[sflag:s24] =	ssyncadd.s32 $0xFFFFE000  }
0x1a: {  	_ =	swait.ge [sflag:s25], $0x2000  }
0x1b: {  	[sflag:s25] =	ssyncset.done $0x0  }
0x1c: {  	s26 =	simm.s32 $0xC;
	[sflag:s25] =	ssyncadd.s32 $0xFFFFE000  }
0x1d: {  	_ =	swait.ge [sflag:s26], $0x2000  }
0x1e: {  	[sflag:s26] =	ssyncset.done $0x0  }
0x1f: {  	s28 =	simm.s32 $0xD;
	[sflag:s26] =	ssyncadd.s32 $0xFFFFE000  }
0x20: {  	_ =	swait.ge [sflag:s28], $0x2000  }
0x21: {  	[sflag:s28] =	ssyncset.done $0x0  }
0x22: {  	s29 =	simm.s32 $0xE;
	[sflag:s28] =	ssyncadd.s32 $0xFFFFE000  }
0x23: {  	_ =	swait.ge [sflag:s29], $0x2000  }
0x24: {  	[sflag:s29] =	ssyncset.done $0x0  }
0x25: {  	s30 =	simm.s32 $0xF;
	[sflag:s29] =	ssyncadd.s32 $0xFFFFE000  }
0x26: {  	_ =	swait.ge [sflag:s30], $0x2000  }
0x27: {  	[sflag:s30] =	ssyncset.done $0x0  }
0x28: {  	s2 =	simm.s32 $0x10;
	[sflag:s30] =	ssyncadd.s32 $0xFFFFE000  }
0x29: {  	_ =	swait.ge [sflag:s2], $0x2000  }
0x2a: {  	s6 =	rddreg [dreg:$0xf]  }
0x2b: {  	s31 =	rddreg [dreg:$0xe];
	s6 =	sadd.s32 $0x1, s6  }
0x2c: {  	p0 =	sne.s32 s6, s31  }
.Ltmp1:
0x2d: {  	_ = 	snop;
	(pc) =	sbr.rel @!p0 .LBB2_23-.Ltmp1, $3  }
0x2e: {  	_ =	sdelay $0x1  }
0x2f: {  	[sflag:s2] =	ssyncset.done $0x0  }
0x30: {  	s25 =	simm.s32 $0x14000;
	s12 =	rddreg [dreg:$0xc];
	[sflag:s2] =	ssyncadd.s32 $0xFFFFE000  }
.LBB2_1:
0x31: {  	[dreg:$0xf] =	wrdreg s6  }
0x32: {  	s0 =	rddreg [dreg:$0x5]  }
0x33: {  	[tilespmem:s4], [sflag:$0x11] =	stream.linear.gather [hbm4b:s0+s4], $0x1000, $0x38;
	[tilespmem:$0x18000] =	vst v63  }
0x34: {  	s11 =	rddreg [dreg:$0x6];
	s2 =	simm.s32 $0x1000  }
0x35: {  	[tilespmem:s2], [sflag:$0x11] =	stream.linear.gather [hbm4b:s11+s4], $0x1000, $0x38;
	[tilespmem:$0x18000] =	vst v63  }
0x36: {  	s19 =	rddreg [dreg:$0x7];
	s20 =	simm.s32 $0x2000  }
0x37: {  	[tilespmem:s20], [sflag:$0x11] =	stream.linear.gather [hbm4b:s19+s4], $0x1000, $0x38;
	[tilespmem:$0x18000] =	vst v63  }
0x38: {  	s21 =	rddreg [dreg:$0x8];
	s22 =	simm.s32 $0x3000;
	s2 =	simm.s32 $0x11  }
0x39: {  	[tilespmem:s22], [sflag:$0x11] =	stream.linear.gather [hbm4b:s21+s4], $0x1000, $0x38;
	[tilespmem:$0x18000] =	vst v63  }
0x3a: {  	_ =	swait.ge [sflag:s2], $0x1000  }
0x3b: {  	[sflag:s2] =	ssyncset.done $0x0  }
0x3c: {  	[sflag:s2] =	ssyncadd.s32 $0xFFFFF000  }
0x3d: {  	_ =	swait.ge [sflag:s2], $0x1000  }
0x3e: {  	[sflag:s2] =	ssyncset.done $0x0  }
0x3f: {  	[sflag:s2] =	ssyncadd.s32 $0xFFFFF000  }
0x40: {  	_ =	swait.ge [sflag:s2], $0x1000  }
0x41: {  	[sflag:s2] =	ssyncset.done $0x0  }
0x42: {  	[sflag:s2] =	ssyncadd.s32 $0xFFFFF000  }
0x43: {  	_ =	swait.ge [sflag:s2], $0x1000  }
0x44: {  	s24 =	simm.s32 $0x200;
	[sflag:s2] =	ssyncset.done $0x0  }
0x45: {  	s7 =	simm.s32 $0x400;
	s23 =	rddreg [dreg:$0x9];
	[sflag:s2] =	ssyncadd.s32 $0xFFFFF000  }
0x46: {  	[tilespmem:s25], [sflag:$0x11] =	stream.strided.gather [hbm4b:s23+s24], $0x2000, s7, s24, $0x38;
	[tilespmem:$0x18000] =	vst v63  }
0x47: {  	s9 =	simm.s32 $0x16000;
	s26 =	rddreg [dreg:$0xa]  }
0x48: {  	[tilespmem:s9], [sflag:$0x12] =	stream.strided.gather [hbm4b:s26+s24], $0x2000, s7, s24, $0x38;
	[tilespmem:$0x18000] =	vst v63  }
0x49: {  	v2 =	vld.msk [tilespmem:$0x0], $0xf;
	_ =	sdelay $0x4  }
0x4a: {  	v3 =	vshll.u32 v2, $0x4  }
0x4b: {  	v2 =	vand.u32 $0x7, v2;
	v3 =	vand.u32 $0xFFFFFF80, v3  }
0x4c: {  	v2 =	vor.u32 v2, v3  }
0x4d: {  	v2 =	vperm.xlane v2, v0;
	_ =	sdelay $0x1  }
0x4e: {  	v2 =	vadd.s32 v1, v2;
	_ =	sdelay $0x3  }
0x4f: {  	s28 =	simm.s32 $0x4000  }
0x50: {  	[tilespmem:s28], [sflag:$0x1] =	stream.indirect_vreg.gather [hbm4b:s1+s4], $0x80, v2, vm0, $0xb8;
	[tilespmem:$0x18000] =	vst v63  }
0x51: {  	s29 =	simm.s32 $0x4800  }
0x52: {  	[tilespmem:s29], [sflag:$0x1] =	stream.indirect_vreg.gather [hbm4b:s13+s4], $0x80, v2, vm0, $0xb8;
	[tilespmem:$0x18000] =	vst v63  }
0x53: {  	s30 =	simm.s32 $0x5000  }
0x54: {  	[tilespmem:s30], [sflag:$0x1] =	stream.indirect_vreg.gather [hbm4b:s14+s4], $0x80, v2, vm0, $0xb8;
	[tilespmem:$0x18000] =	vst v63  }
0x55: {  	s31 =	simm.s32 $0x5800  }
0x56: {  	[tilespmem:s31], [sflag:$0x1] =	stream.indirect_vreg.gather [hbm4b:s15+s4], $0x80, v2, vm0, $0xb8;
	[tilespmem:$0x18000] =	vst v63  }
0x57: {  	v2 =	vld.msk [tilespmem:$0x1000], $0xf;
	_ =	sdelay $0x4  }
0x58: {  	v3 =	vshll.u32 v2, $0x4  }
0x59: {  	v2 =	vand.u32 $0x7, v2;
	v3 =	vand.u32 $0xFFFFFF80, v3  }
0x5a: {  	v2 =	vor.u32 v2, v3  }
0x5b: {  	v2 =	vperm.xlane v2, v0;
	_ =	sdelay $0x1  }
0x5c: {  	v2 =	vadd.s32 v1, v2;
	_ =	sdelay $0x3  }
0x5d: {  	s6 =	simm.s32 $0x6000  }
0x5e: {  	[tilespmem:s6], [sflag:$0x2] =	stream.indirect_vreg.gather [hbm4b:s1+s4], $0x80, v2, vm0, $0xb8;
	[tilespmem:$0x18000] =	vst v63  }
0x5f: {  	s7 =	simm.s32 $0x6800  }
0x60: {  	[tilespmem:s7], [sflag:$0x2] =	stream.indirect_vreg.gather [hbm4b:s13+s4], $0x80, v2, vm0, $0xb8;
	[tilespmem:$0x18000] =	vst v63  }
0x61: {  	s9 =	simm.s32 $0x7000  }
0x62: {  	[tilespmem:s9], [sflag:$0x2] =	stream.indirect_vreg.gather [hbm4b:s14+s4], $0x80, v2, vm0, $0xb8;
	[tilespmem:$0x18000] =	vst v63  }
0x63: {  	s10 =	simm.s32 $0x7800  }
0x64: {  	[tilespmem:s10], [sflag:$0x2] =	stream.indirect_vreg.gather [hbm4b:s15+s4], $0x80, v2, vm0, $0xb8;
	[tilespmem:$0x18000] =	vst v63  }
0x65: {  	v2 =	vld.msk [tilespmem:$0x2000], $0xf;
	_ =	sdelay $0x4  }
0x66: {  	v3 =	vshll.u32 v2, $0x4  }
0x67: {  	v2 =	vand.u32 $0x7, v2;
	v3 =	vand.u32 $0xFFFFFF80, v3  }
0x68: {  	v2 =	vor.u32 v2, v3  }
0x69: {  	v2 =	vperm.xlane v2, v0;
	_ =	sdelay $0x1  }
0x6a: {  	v2 =	vadd.s32 v1, v2;
	_ =	sdelay $0x3  }
0x6b: {  	s11 =	simm.s32 $0x8000  }
0x6c: {  	[tilespmem:s11], [sflag:$0x3] =	stream.indirect_vreg.gather [hbm4b:s1+s4], $0x80, v2, vm0, $0xb8;
	[tilespmem:$0x18000] =	vst v63  }
0x6d: {  	s19 =	simm.s32 $0x8800  }
0x6e: {  	[tilespmem:s19], [sflag:$0x3] =	stream.indirect_vreg.gather [hbm4b:s13+s4], $0x80, v2, vm0, $0xb8;
	[tilespmem:$0x18000] =	vst v63  }
0x6f: {  	s20 =	simm.s32 $0x9000  }
0x70: {  	[tilespmem:s20], [sflag:$0x3] =	stream.indirect_vreg.gather [hbm4b:s14+s4], $0x80, v2, vm0, $0xb8;
	[tilespmem:$0x18000] =	vst v63  }
0x71: {  	s21 =	simm.s32 $0x9800  }
0x72: {  	[tilespmem:s21], [sflag:$0x3] =	stream.indirect_vreg.gather [hbm4b:s15+s4], $0x80, v2, vm0, $0xb8;
	[tilespmem:$0x18000] =	vst v63  }
0x73: {  	v2 =	vld.msk [tilespmem:$0x3000], $0xf;
	_ =	sdelay $0x4  }
0x74: {  	v3 =	vshll.u32 v2, $0x4  }
0x75: {  	v2 =	vand.u32 $0x7, v2;
	v3 =	vand.u32 $0xFFFFFF80, v3  }
0x76: {  	v2 =	vor.u32 v2, v3  }
0x77: {  	v2 =	vperm.xlane v2, v0;
	_ =	sdelay $0x1  }
0x78: {  	v2 =	vadd.s32 v1, v2;
	_ =	sdelay $0x3  }
0x79: {  	s22 =	simm.s32 $0xA000  }
0x7a: {  	[tilespmem:s22], [sflag:$0x4] =	stream.indirect_vreg.gather [hbm4b:s1+s4], $0x80, v2, vm0, $0xb8;
	[tilespmem:$0x18000] =	vst v63  }
0x7b: {  	s23 =	simm.s32 $0xA800  }
0x7c: {  	[tilespmem:s23], [sflag:$0x4] =	stream.indirect_vreg.gather [hbm4b:s13+s4], $0x80, v2, vm0, $0xb8;
	[tilespmem:$0x18000] =	vst v63  }
0x7d: {  	s24 =	simm.s32 $0xB000  }
0x7e: {  	[tilespmem:s24], [sflag:$0x4] =	stream.indirect_vreg.gather [hbm4b:s14+s4], $0x80, v2, vm0, $0xb8;
	[tilespmem:$0x18000] =	vst v63  }
0x7f: {  	s26 =	simm.s32 $0xB800  }
0x80: {  	[tilespmem:s26], [sflag:$0x4] =	stream.indirect_vreg.gather [hbm4b:s15+s4], $0x80, v2, vm0, $0xb8;
	[tilespmem:$0x18000] =	vst v63  }
0x81: {  	v2 =	vld.msk [tilespmem:$0x80], $0xf;
	_ =	sdelay $0x4  }
0x82: {  	v3 =	vshll.u32 v2, $0x4  }
0x83: {  	v2 =	vand.u32 $0x7, v2;
	v3 =	vand.u32 $0xFFFFFF80, v3  }
0x84: {  	v2 =	vor.u32 v2, v3  }
0x85: {  	v2 =	vperm.xlane v2, v0;
	_ =	sdelay $0x1  }
0x86: {  	v2 =	vadd.s32 v1, v2;
	_ =	sdelay $0x3  }
0x87: {  	s28 =	simm.s32 $0xC000  }
0x88: {  	[tilespmem:s28], [sflag:$0x5] =	stream.indirect_vreg.gather [hbm4b:s1+s4], $0x80, v2, vm0, $0xb8;
	[tilespmem:$0x18000] =	vst v63  }
0x89: {  	s29 =	simm.s32 $0xC800  }
0x8a: {  	[tilespmem:s29], [sflag:$0x5] =	stream.indirect_vreg.gather [hbm4b:s13+s4], $0x80, v2, vm0, $0xb8;
	[tilespmem:$0x18000] =	vst v63  }
0x8b: {  	s30 =	simm.s32 $0xD000  }
0x8c: {  	[tilespmem:s30], [sflag:$0x5] =	stream.indirect_vreg.gather [hbm4b:s14+s4], $0x80, v2, vm0, $0xb8;
	[tilespmem:$0x18000] =	vst v63  }
0x8d: {  	s31 =	simm.s32 $0xD800  }
0x8e: {  	[tilespmem:s31], [sflag:$0x5] =	stream.indirect_vreg.gather [hbm4b:s15+s4], $0x80, v2, vm0, $0xb8;
	[tilespmem:$0x18000] =	vst v63  }
0x8f: {  	v2 =	vld.msk [tilespmem:$0x1080], $0xf;
	_ =	sdelay $0x4  }
0x90: {  	v3 =	vshll.u32 v2, $0x4  }
0x91: {  	v2 =	vand.u32 $0x7, v2;
	v3 =	vand.u32 $0xFFFFFF80, v3  }
0x92: {  	v2 =	vor.u32 v2, v3  }
0x93: {  	v2 =	vperm.xlane v2, v0;
	_ =	sdelay $0x1  }
0x94: {  	v2 =	vadd.s32 v1, v2;
	_ =	sdelay $0x3  }
0x95: {  	s6 =	simm.s32 $0xE000  }
0x96: {  	[tilespmem:s6], [sflag:$0x6] =	stream.indirect_vreg.gather [hbm4b:s1+s4], $0x80, v2, vm0, $0xb8;
	[tilespmem:$0x18000] =	vst v63  }
0x97: {  	s7 =	simm.s32 $0xE800  }
0x98: {  	[tilespmem:s7], [sflag:$0x6] =	stream.indirect_vreg.gather [hbm4b:s13+s4], $0x80, v2, vm0, $0xb8;
	[tilespmem:$0x18000] =	vst v63  }
0x99: {  	s9 =	simm.s32 $0xF000  }
0x9a: {  	[tilespmem:s9], [sflag:$0x6] =	stream.indirect_vreg.gather [hbm4b:s14+s4], $0x80, v2, vm0, $0xb8;
	[tilespmem:$0x18000] =	vst v63  }
0x9b: {  	s10 =	simm.s32 $0xF800  }
0x9c: {  	[tilespmem:s10], [sflag:$0x6] =	stream.indirect_vreg.gather [hbm4b:s15+s4], $0x80, v2, vm0, $0xb8;
	[tilespmem:$0x18000] =	vst v63  }
0x9d: {  	v2 =	vld.msk [tilespmem:$0x2080], $0xf;
	_ =	sdelay $0x4  }
0x9e: {  	v3 =	vshll.u32 v2, $0x4  }
0x9f: {  	v2 =	vand.u32 $0x7, v2;
	v3 =	vand.u32 $0xFFFFFF80, v3  }
0xa0: {  	v2 =	vor.u32 v2, v3  }
0xa1: {  	v2 =	vperm.xlane v2, v0;
	_ =	sdelay $0x1  }
0xa2: {  	v2 =	vadd.s32 v1, v2;
	_ =	sdelay $0x3  }
0xa3: {  	s11 =	simm.s32 $0x10000  }
0xa4: {  	[tilespmem:s11], [sflag:$0x7] =	stream.indirect_vreg.gather [hbm4b:s1+s4], $0x80, v2, vm0, $0xb8;
	[tilespmem:$0x18000] =	vst v63  }
0xa5: {  	s19 =	simm.s32 $0x10800  }
0xa6: {  	[tilespmem:s19], [sflag:$0x7] =	stream.indirect_vreg.gather [hbm4b:s13+s4], $0x80, v2, vm0, $0xb8;
	[tilespmem:$0x18000] =	vst v63  }
0xa7: {  	s20 =	simm.s32 $0x11000  }
0xa8: {  	[tilespmem:s20], [sflag:$0x7] =	stream.indirect_vreg.gather [hbm4b:s14+s4], $0x80, v2, vm0, $0xb8;
	[tilespmem:$0x18000] =	vst v63  }
0xa9: {  	s21 =	simm.s32 $0x11800  }
0xaa: {  	[tilespmem:s21], [sflag:$0x7] =	stream.indirect_vreg.gather [hbm4b:s15+s4], $0x80, v2, vm0, $0xb8;
	[tilespmem:$0x18000] =	vst v63  }
0xab: {  	v2 =	vld.msk [tilespmem:$0x3080], $0xf;
	_ =	sdelay $0x4  }
0xac: {  	v3 =	vshll.u32 v2, $0x4  }
0xad: {  	v2 =	vand.u32 $0x7, v2;
	v3 =	vand.u32 $0xFFFFFF80, v3  }
0xae: {  	v2 =	vor.u32 v2, v3  }
0xaf: {  	v2 =	vperm.xlane v2, v0;
	_ =	sdelay $0x1  }
0xb0: {  	v2 =	vadd.s32 v1, v2;
	_ =	sdelay $0x3  }
0xb1: {  	s22 =	simm.s32 $0x12000  }
0xb2: {  	[tilespmem:s22], [sflag:$0x8] =	stream.indirect_vreg.gather [hbm4b:s1+s4], $0x80, v2, vm0, $0xb8;
	[tilespmem:$0x18000] =	vst v63  }
0xb3: {  	s23 =	simm.s32 $0x12800  }
0xb4: {  	[tilespmem:s23], [sflag:$0x8] =	stream.indirect_vreg.gather [hbm4b:s13+s4], $0x80, v2, vm0, $0xb8;
	[tilespmem:$0x18000] =	vst v63  }
0xb5: {  	s24 =	simm.s32 $0x13000  }
0xb6: {  	[tilespmem:s24], [sflag:$0x8] =	stream.indirect_vreg.gather [hbm4b:s14+s4], $0x80, v2, vm0, $0xb8;
	[tilespmem:$0x18000] =	vst v63  }
0xb7: {  	s26 =	simm.s32 $0x13800  }
0xb8: {  	[tilespmem:s26], [sflag:$0x8] =	stream.indirect_vreg.gather [hbm4b:s15+s4], $0x80, v2, vm0, $0xb8;
	[tilespmem:$0x18000] =	vst v63  }
0xb9: {  	_ =	swait.ge [sflag:s2], $0x2000  }
0xba: {  	[sflag:s2] =	ssyncset.done $0x0  }
0xbb: {  	s28 =	simm.s32 $0x1;
	[sflag:s2] =	ssyncadd.s32 $0xFFFFE000  }
0xbc: {  	_ =	swait.ge [sflag:s28], $0x2000  }
0xbd: {  	[sflag:s28] =	ssyncset.done $0x0  }
0xbe: {  	s29 =	simm.s32 $0x2;
	[sflag:s28] =	ssyncadd.s32 $0xFFFFE000  }
0xbf: {  	_ =	swait.ge [sflag:s29], $0x2000  }
0xc0: {  	[sflag:s29] =	ssyncset.done $0x0  }
0xc1: {  	s30 =	simm.s32 $0x3;
	[sflag:s29] =	ssyncadd.s32 $0xFFFFE000  }
0xc2: {  	_ =	swait.ge [sflag:s30], $0x2000  }
0xc3: {  	[sflag:s30] =	ssyncset.done $0x0  }
0xc4: {  	s31 =	simm.s32 $0x4;
	[sflag:s30] =	ssyncadd.s32 $0xFFFFE000  }
0xc5: {  	s6 =	simm.s32 $0x4000;
	s7 =	simm.s32 $0x6000;
	_ =	swait.ge [sflag:s31], $0x2000  }
0xc6: {  	s11 =	simm.s32 $0x8000;
	s19 =	simm.s32 $0xA000;
	[sflag:s31] =	ssyncset.done $0x0  }
0xc7: {  	s20 =	simm.s32 $0x0;
	s2 =	simm.s32 $0x14070;
	[sflag:s31] =	ssyncadd.s32 $0xFFFFE000  }
.LBB2_2:
0xc8: {  	v2 =	vmov s2;
	_ =	sdelay $0x3  }
0xc9: {  	s0 =	simm.s32 $0x0  }
0xca: {  	v3 =	vld.idx.msk [tilespmem:v2+s0+$0x0 ss:$0x1], $0xffff  }
0xcb: {  	v4 =	vld.idx.msk [tilespmem:v2+s0+$0xFFFFFFE0 ss:$0x1], $0xffff  }
0xcc: {  	v5 =	vld.idx.msk [tilespmem:v2+s0+$0xFFFFFF90 ss:$0x1], $0xffff  }
0xcd: {  	v6 =	vld.idx.msk [tilespmem:v2+s0+$0xFFFFFFC0 ss:$0x1], $0xffff  }
0xce: {  	v7 =	vld.idx.msk [tilespmem:v2+s0+$0xFFFFFFA0 ss:$0x1], $0xffff  }
0xcf: {  	v8 =	vld.idx.msk [tilespmem:v2+s0+$0xFFFFFFB0 ss:$0x1], $0xffff  }
0xd0: {  	v9 =	vld.idx.msk [tilespmem:v2+s0+$0xFFFFFFF0 ss:$0x1], $0xffff  }
0xd1: {  	s9 =	sadd.s32 $0x0, s6;
	v10 =	vld.idx.msk [tilespmem:v2+s0+$0xFFFFFFD0 ss:$0x1], $0xffff  }
0xd2: {  	s10 =	sadd.s32 $0x0, s7;
	[tilespmem:s9+$0x0] =	vst.add.f32.msk $0xffff, v5  }
0xd3: {  	s21 =	sadd.s32 $0x0, s11;
	[tilespmem:s10+$0x0] =	vst.add.f32.msk $0xffff, v5  }
0xd4: {  	s0 =	sadd.s32 $0x0, s19;
	[tilespmem:s21+$0x0] =	vst.add.f32.msk $0xffff, v5  }
0xd5: {  	[tilespmem:s0+$0x0] =	vst.add.f32.msk $0xffff, v5  }
0xd6: {  	[tilespmem:s9+$0x10] =	vst.add.f32.msk $0xffff, v7  }
0xd7: {  	[tilespmem:s10+$0x10] =	vst.add.f32.msk $0xffff, v7  }
0xd8: {  	[tilespmem:s21+$0x10] =	vst.add.f32.msk $0xffff, v7  }
0xd9: {  	[tilespmem:s0+$0x10] =	vst.add.f32.msk $0xffff, v7  }
0xda: {  	[tilespmem:s9+$0x20] =	vst.add.f32.msk $0xffff, v8  }
0xdb: {  	[tilespmem:s10+$0x20] =	vst.add.f32.msk $0xffff, v8  }
0xdc: {  	[tilespmem:s21+$0x20] =	vst.add.f32.msk $0xffff, v8  }
0xdd: {  	[tilespmem:s0+$0x20] =	vst.add.f32.msk $0xffff, v8  }
0xde: {  	[tilespmem:s9+$0x30] =	vst.add.f32.msk $0xffff, v6  }
0xdf: {  	[tilespmem:s10+$0x30] =	vst.add.f32.msk $0xffff, v6  }
0xe0: {  	[tilespmem:s21+$0x30] =	vst.add.f32.msk $0xffff, v6  }
0xe1: {  	[tilespmem:s0+$0x30] =	vst.add.f32.msk $0xffff, v6  }
0xe2: {  	[tilespmem:s9+$0x40] =	vst.add.f32.msk $0xffff, v10  }
0xe3: {  	[tilespmem:s10+$0x40] =	vst.add.f32.msk $0xffff, v10  }
0xe4: {  	[tilespmem:s21+$0x40] =	vst.add.f32.msk $0xffff, v10  }
0xe5: {  	[tilespmem:s0+$0x40] =	vst.add.f32.msk $0xffff, v10  }
0xe6: {  	[tilespmem:s9+$0x50] =	vst.add.f32.msk $0xffff, v4  }
0xe7: {  	[tilespmem:s10+$0x50] =	vst.add.f32.msk $0xffff, v4  }
0xe8: {  	[tilespmem:s21+$0x50] =	vst.add.f32.msk $0xffff, v4  }
0xe9: {  	[tilespmem:s0+$0x50] =	vst.add.f32.msk $0xffff, v4  }
0xea: {  	[tilespmem:s9+$0x60] =	vst.add.f32.msk $0xffff, v9  }
0xeb: {  	[tilespmem:s10+$0x60] =	vst.add.f32.msk $0xffff, v9  }
0xec: {  	[tilespmem:s21+$0x60] =	vst.add.f32.msk $0xffff, v9  }
0xed: {  	[tilespmem:s0+$0x60] =	vst.add.f32.msk $0xffff, v9  }
0xee: {  	[tilespmem:s9+$0x70] =	vst.add.f32.msk $0xffff, v3  }
0xef: {  	[tilespmem:s10+$0x70] =	vst.add.f32.msk $0xffff, v3  }
0xf0: {  	s9 =	sshll.u32 s20, $0x7;
	s10 =	simm.s32 $0x800;
	[tilespmem:s21+$0x70] =	vst.add.f32.msk $0xffff, v3  }
.LBB2_3:
0xf1: {  	s21 =	sshra.s32 s10, $0x2;
	p0 =	sne.s32 s10, $0x7800;
	s10 =	sadd.s32 $0x800, s10;
	[tilespmem:s0+$0x70] =	vst.add.f32.msk $0xffff, v3  }
0xf2: {  	v3 =	vld.idx.msk [tilespmem:v2+s21+$0x0 ss:$0x1], $0xffff  }
0xf3: {  	v4 =	vld.idx.msk [tilespmem:v2+s21+$0xFFFFFFE0 ss:$0x1], $0xffff  }
0xf4: {  	v5 =	vld.idx.msk [tilespmem:v2+s21+$0xFFFFFF90 ss:$0x1], $0xffff  }
0xf5: {  	v6 =	vld.idx.msk [tilespmem:v2+s21+$0xFFFFFFC0 ss:$0x1], $0xffff  }
0xf6: {  	v7 =	vld.idx.msk [tilespmem:v2+s21+$0xFFFFFFA0 ss:$0x1], $0xffff  }
0xf7: {  	v8 =	vld.idx.msk [tilespmem:v2+s21+$0xFFFFFFB0 ss:$0x1], $0xffff  }
0xf8: {  	v9 =	vld.idx.msk [tilespmem:v2+s21+$0xFFFFFFF0 ss:$0x1], $0xffff  }
0xf9: {  	s22 =	sadd.s32 s21, s6;
	v10 =	vld.idx.msk [tilespmem:v2+s21+$0xFFFFFFD0 ss:$0x1], $0xffff  }
0xfa: {  	s23 =	sadd.s32 s21, s7;
	[tilespmem:s22+$0x0] =	vst.add.f32.msk $0xffff, v5  }
0xfb: {  	s24 =	sadd.s32 s21, s11;
	[tilespmem:s23+$0x0] =	vst.add.f32.msk $0xffff, v5  }
0xfc: {  	s0 =	sadd.s32 s21, s19;
	[tilespmem:s24+$0x0] =	vst.add.f32.msk $0xffff, v5  }
0xfd: {  	[tilespmem:s0+$0x0] =	vst.add.f32.msk $0xffff, v5  }
0xfe: {  	[tilespmem:s22+$0x10] =	vst.add.f32.msk $0xffff, v7  }
0xff: {  	[tilespmem:s23+$0x10] =	vst.add.f32.msk $0xffff, v7  }
0x100: {  	[tilespmem:s24+$0x10] =	vst.add.f32.msk $0xffff, v7  }
0x101: {  	[tilespmem:s0+$0x10] =	vst.add.f32.msk $0xffff, v7  }
0x102: {  	[tilespmem:s22+$0x20] =	vst.add.f32.msk $0xffff, v8  }
0x103: {  	[tilespmem:s23+$0x20] =	vst.add.f32.msk $0xffff, v8  }
0x104: {  	[tilespmem:s24+$0x20] =	vst.add.f32.msk $0xffff, v8  }
0x105: {  	[tilespmem:s0+$0x20] =	vst.add.f32.msk $0xffff, v8  }
0x106: {  	[tilespmem:s22+$0x30] =	vst.add.f32.msk $0xffff, v6  }
0x107: {  	[tilespmem:s23+$0x30] =	vst.add.f32.msk $0xffff, v6  }
0x108: {  	[tilespmem:s24+$0x30] =	vst.add.f32.msk $0xffff, v6  }
0x109: {  	[tilespmem:s0+$0x30] =	vst.add.f32.msk $0xffff, v6  }
0x10a: {  	[tilespmem:s22+$0x40] =	vst.add.f32.msk $0xffff, v10  }
0x10b: {  	[tilespmem:s23+$0x40] =	vst.add.f32.msk $0xffff, v10  }
0x10c: {  	[tilespmem:s24+$0x40] =	vst.add.f32.msk $0xffff, v10  }
0x10d: {  	[tilespmem:s0+$0x40] =	vst.add.f32.msk $0xffff, v10  }
0x10e: {  	[tilespmem:s22+$0x50] =	vst.add.f32.msk $0xffff, v4  }
0x10f: {  	[tilespmem:s23+$0x50] =	vst.add.f32.msk $0xffff, v4  }
0x110: {  	[tilespmem:s24+$0x50] =	vst.add.f32.msk $0xffff, v4  }
0x111: {  	[tilespmem:s0+$0x50] =	vst.add.f32.msk $0xffff, v4  }
0x112: {  	[tilespmem:s22+$0x60] =	vst.add.f32.msk $0xffff, v9  }
0x113: {  	[tilespmem:s23+$0x60] =	vst.add.f32.msk $0xffff, v9  }
.Ltmp2:
0x114: {  	[tilespmem:s24+$0x60] =	vst.add.f32.msk $0xffff, v9;
	(pc) =	sbr.rel @p0 .LBB2_3-.Ltmp2, $4  }
0x115: {  	[tilespmem:s0+$0x60] =	vst.add.f32.msk $0xffff, v9  }
0x116: {  	[tilespmem:s22+$0x70] =	vst.add.f32.msk $0xffff, v3  }
0x117: {  	[tilespmem:s23+$0x70] =	vst.add.f32.msk $0xffff, v3  }
0x118: {  	[tilespmem:s24+$0x70] =	vst.add.f32.msk $0xffff, v3  }
0x119: {  	s10 =	sshll.u32 s20, $0x4  }
0x11a: {  	s10 =	sadd.s32 s8, s10  }
0x11b: {  	[tilespmem:s0+$0x70] =	vst.add.f32.msk $0xffff, v3;
	s22 =	sadd.s32 $0x4000, s9;
	s21 =	sadd.s32 s3, s10  }
0x11c: {  	[hbm4b:s21+s4] =	stream.linear.scatter [tilespmem:s22], [sflag:$0x9], $0x80, $0x38;
	[tilespmem:$0x18000] =	vst v63  }
0x11d: {  	s23 =	sadd.s32 $0x4200, s9;
	s22 =	sadd.s32 $0x80, s21  }
0x11e: {  	[hbm4b:s22+s4] =	stream.linear.scatter [tilespmem:s23], [sflag:$0x9], $0x80, $0x38;
	[tilespmem:$0x18000] =	vst v63  }
0x11f: {  	s24 =	sadd.s32 $0x4400, s9;
	s26 =	sadd.s32 $0x100, s21  }
0x120: {  	[hbm4b:s26+s4] =	stream.linear.scatter [tilespmem:s24], [sflag:$0x9], $0x80, $0x38;
	[tilespmem:$0x18000] =	vst v63  }
0x121: {  	s28 =	sadd.s32 $0x4600, s9;
	s29 =	sadd.s32 $0x180, s21  }
0x122: {  	[hbm4b:s29+s4] =	stream.linear.scatter [tilespmem:s28], [sflag:$0x9], $0x80, $0x38;
	[tilespmem:$0x18000] =	vst v63  }
0x123: {  	s30 =	sadd.s32 $0x4800, s9;
	s31 =	sadd.s32 $0x200, s21  }
0x124: {  	[hbm4b:s31+s4] =	stream.linear.scatter [tilespmem:s30], [sflag:$0x9], $0x80, $0x38;
	[tilespmem:$0x18000] =	vst v63  }
0x125: {  	s22 =	sadd.s32 $0x4A00, s9;
	s23 =	sadd.s32 $0x280, s21  }
0x126: {  	[hbm4b:s23+s4] =	stream.linear.scatter [tilespmem:s22], [sflag:$0x9], $0x80, $0x38;
	[tilespmem:$0x18000] =	vst v63  }
0x127: {  	s24 =	sadd.s32 $0x4C00, s9;
	s26 =	sadd.s32 $0x300, s21  }
0x128: {  	[hbm4b:s26+s4] =	stream.linear.scatter [tilespmem:s24], [sflag:$0x9], $0x80, $0x38;
	[tilespmem:$0x18000] =	vst v63  }
0x129: {  	s28 =	sadd.s32 $0x4E00, s9;
	s29 =	sadd.s32 $0x380, s21  }
0x12a: {  	[hbm4b:s29+s4] =	stream.linear.scatter [tilespmem:s28], [sflag:$0x9], $0x80, $0x38;
	[tilespmem:$0x18000] =	vst v63  }
0x12b: {  	s30 =	sadd.s32 $0x5000, s9;
	s31 =	sadd.s32 $0x400, s21  }
0x12c: {  	[hbm4b:s31+s4] =	stream.linear.scatter [tilespmem:s30], [sflag:$0x9], $0x80, $0x38;
	[tilespmem:$0x18000] =	vst v63  }
0x12d: {  	s22 =	sadd.s32 $0x5200, s9;
	s23 =	sadd.s32 $0x480, s21  }
0x12e: {  	[hbm4b:s23+s4] =	stream.linear.scatter [tilespmem:s22], [sflag:$0x9], $0x80, $0x38;
	[tilespmem:$0x18000] =	vst v63  }
0x12f: {  	s24 =	sadd.s32 $0x5400, s9;
	s26 =	sadd.s32 $0x500, s21  }
0x130: {  	[hbm4b:s26+s4] =	stream.linear.scatter [tilespmem:s24], [sflag:$0x9], $0x80, $0x38;
	[tilespmem:$0x18000] =	vst v63  }
0x131: {  	s28 =	sadd.s32 $0x5600, s9;
	s29 =	sadd.s32 $0x580, s21  }
0x132: {  	[hbm4b:s29+s4] =	stream.linear.scatter [tilespmem:s28], [sflag:$0x9], $0x80, $0x38;
	[tilespmem:$0x18000] =	vst v63  }
0x133: {  	s30 =	sadd.s32 $0x5800, s9;
	s31 =	sadd.s32 $0x600, s21  }
0x134: {  	[hbm4b:s31+s4] =	stream.linear.scatter [tilespmem:s30], [sflag:$0x9], $0x80, $0x38;
	[tilespmem:$0x18000] =	vst v63  }
0x135: {  	s22 =	sadd.s32 $0x5A00, s9;
	s23 =	sadd.s32 $0x680, s21  }
0x136: {  	[hbm4b:s23+s4] =	stream.linear.scatter [tilespmem:s22], [sflag:$0x9], $0x80, $0x38;
	[tilespmem:$0x18000] =	vst v63  }
0x137: {  	s24 =	sadd.s32 $0x5C00, s9;
	s26 =	sadd.s32 $0x700, s21  }
0x138: {  	[hbm4b:s26+s4] =	stream.linear.scatter [tilespmem:s24], [sflag:$0x9], $0x80, $0x38;
	[tilespmem:$0x18000] =	vst v63  }
0x139: {  	s21 =	sadd.s32 $0x780, s21;
	s28 =	sadd.s32 $0x5E00, s9  }
0x13a: {  	[hbm4b:s21+s4] =	stream.linear.scatter [tilespmem:s28], [sflag:$0x9], $0x80, $0x38;
	[tilespmem:$0x18000] =	vst v63  }
0x13b: {  	s29 =	sadd.s32 $0x6000, s9;
	s21 =	sadd.s32 s10, s16  }
0x13c: {  	[hbm4b:s21+s4] =	stream.linear.scatter [tilespmem:s29], [sflag:$0xA], $0x80, $0x38;
	[tilespmem:$0x18000] =	vst v63  }
0x13d: {  	s30 =	sadd.s32 $0x6200, s9;
	s31 =	sadd.s32 $0x80, s21  }
0x13e: {  	[hbm4b:s31+s4] =	stream.linear.scatter [tilespmem:s30], [sflag:$0xA], $0x80, $0x38;
	[tilespmem:$0x18000] =	vst v63  }
0x13f: {  	s22 =	sadd.s32 $0x6400, s9;
	s23 =	sadd.s32 $0x100, s21  }
0x140: {  	[hbm4b:s23+s4] =	stream.linear.scatter [tilespmem:s22], [sflag:$0xA], $0x80, $0x38;
	[tilespmem:$0x18000] =	vst v63  }
0x141: {  	s24 =	sadd.s32 $0x6600, s9;
	s26 =	sadd.s32 $0x180, s21  }
0x142: {  	[hbm4b:s26+s4] =	stream.linear.scatter [tilespmem:s24], [sflag:$0xA], $0x80, $0x38;
	[tilespmem:$0x18000] =	vst v63  }
0x143: {  	s28 =	sadd.s32 $0x6800, s9;
	s29 =	sadd.s32 $0x200, s21  }
0x144: {  	[hbm4b:s29+s4] =	stream.linear.scatter [tilespmem:s28], [sflag:$0xA], $0x80, $0x38;
	[tilespmem:$0x18000] =	vst v63  }
0x145: {  	s30 =	sadd.s32 $0x6A00, s9;
	s31 =	sadd.s32 $0x280, s21  }
0x146: {  	[hbm4b:s31+s4] =	stream.linear.scatter [tilespmem:s30], [sflag:$0xA], $0x80, $0x38;
	[tilespmem:$0x18000] =	vst v63  }
0x147: {  	s22 =	sadd.s32 $0x6C00, s9;
	s23 =	sadd.s32 $0x300, s21  }
0x148: {  	[hbm4b:s23+s4] =	stream.linear.scatter [tilespmem:s22], [sflag:$0xA], $0x80, $0x38;
	[tilespmem:$0x18000] =	vst v63  }
0x149: {  	s24 =	sadd.s32 $0x6E00, s9;
	s26 =	sadd.s32 $0x380, s21  }
0x14a: {  	[hbm4b:s26+s4] =	stream.linear.scatter [tilespmem:s24], [sflag:$0xA], $0x80, $0x38;
	[tilespmem:$0x18000] =	vst v63  }
0x14b: {  	s28 =	sadd.s32 $0x7000, s9;
	s29 =	sadd.s32 $0x400, s21  }
0x14c: {  	[hbm4b:s29+s4] =	stream.linear.scatter [tilespmem:s28], [sflag:$0xA], $0x80, $0x38;
	[tilespmem:$0x18000] =	vst v63  }
0x14d: {  	s30 =	sadd.s32 $0x7200, s9;
	s31 =	sadd.s32 $0x480, s21  }
0x14e: {  	[hbm4b:s31+s4] =	stream.linear.scatter [tilespmem:s30], [sflag:$0xA], $0x80, $0x38;
	[tilespmem:$0x18000] =	vst v63  }
0x14f: {  	s22 =	sadd.s32 $0x7400, s9;
	s23 =	sadd.s32 $0x500, s21  }
0x150: {  	[hbm4b:s23+s4] =	stream.linear.scatter [tilespmem:s22], [sflag:$0xA], $0x80, $0x38;
	[tilespmem:$0x18000] =	vst v63  }
0x151: {  	s24 =	sadd.s32 $0x7600, s9;
	s26 =	sadd.s32 $0x580, s21  }
0x152: {  	[hbm4b:s26+s4] =	stream.linear.scatter [tilespmem:s24], [sflag:$0xA], $0x80, $0x38;
	[tilespmem:$0x18000] =	vst v63  }
0x153: {  	s28 =	sadd.s32 $0x7800, s9;
	s29 =	sadd.s32 $0x600, s21  }
0x154: {  	[hbm4b:s29+s4] =	stream.linear.scatter [tilespmem:s28], [sflag:$0xA], $0x80, $0x38;
	[tilespmem:$0x18000] =	vst v63  }
0x155: {  	s30 =	sadd.s32 $0x7A00, s9;
	s31 =	sadd.s32 $0x680, s21  }
0x156: {  	[hbm4b:s31+s4] =	stream.linear.scatter [tilespmem:s30], [sflag:$0xA], $0x80, $0x38;
	[tilespmem:$0x18000] =	vst v63  }
0x157: {  	s22 =	sadd.s32 $0x7C00, s9;
	s23 =	sadd.s32 $0x700, s21  }
0x158: {  	[hbm4b:s23+s4] =	stream.linear.scatter [tilespmem:s22], [sflag:$0xA], $0x80, $0x38;
	[tilespmem:$0x18000] =	vst v63  }
0x159: {  	s21 =	sadd.s32 $0x780, s21;
	s24 =	sadd.s32 $0x7E00, s9  }
0x15a: {  	[hbm4b:s21+s4] =	stream.linear.scatter [tilespmem:s24], [sflag:$0xA], $0x80, $0x38;
	[tilespmem:$0x18000] =	vst v63  }
0x15b: {  	s26 =	sadd.s32 $0x8000, s9;
	s21 =	sadd.s32 s10, s17  }
0x15c: {  	[hbm4b:s21+s4] =	stream.linear.scatter [tilespmem:s26], [sflag:$0xB], $0x80, $0x38;
	[tilespmem:$0x18000] =	vst v63  }
0x15d: {  	s28 =	sadd.s32 $0x8200, s9;
	s29 =	sadd.s32 $0x80, s21  }
0x15e: {  	[hbm4b:s29+s4] =	stream.linear.scatter [tilespmem:s28], [sflag:$0xB], $0x80, $0x38;
	[tilespmem:$0x18000] =	vst v63  }
0x15f: {  	s30 =	sadd.s32 $0x8400, s9;
	s31 =	sadd.s32 $0x100, s21  }
0x160: {  	[hbm4b:s31+s4] =	stream.linear.scatter [tilespmem:s30], [sflag:$0xB], $0x80, $0x38;
	[tilespmem:$0x18000] =	vst v63  }
0x161: {  	s22 =	sadd.s32 $0x8600, s9;
	s23 =	sadd.s32 $0x180, s21  }
0x162: {  	[hbm4b:s23+s4] =	stream.linear.scatter [tilespmem:s22], [sflag:$0xB], $0x80, $0x38;
	[tilespmem:$0x18000] =	vst v63  }
0x163: {  	s24 =	sadd.s32 $0x8800, s9;
	s26 =	sadd.s32 $0x200, s21  }
0x164: {  	[hbm4b:s26+s4] =	stream.linear.scatter [tilespmem:s24], [sflag:$0xB], $0x80, $0x38;
	[tilespmem:$0x18000] =	vst v63  }
0x165: {  	s28 =	sadd.s32 $0x8A00, s9;
	s29 =	sadd.s32 $0x280, s21  }
0x166: {  	[hbm4b:s29+s4] =	stream.linear.scatter [tilespmem:s28], [sflag:$0xB], $0x80, $0x38;
	[tilespmem:$0x18000] =	vst v63  }
0x167: {  	s30 =	sadd.s32 $0x8C00, s9;
	s31 =	sadd.s32 $0x300, s21  }
0x168: {  	[hbm4b:s31+s4] =	stream.linear.scatter [tilespmem:s30], [sflag:$0xB], $0x80, $0x38;
	[tilespmem:$0x18000] =	vst v63  }
0x169: {  	s22 =	sadd.s32 $0x8E00, s9;
	s23 =	sadd.s32 $0x380, s21  }
0x16a: {  	[hbm4b:s23+s4] =	stream.linear.scatter [tilespmem:s22], [sflag:$0xB], $0x80, $0x38;
	[tilespmem:$0x18000] =	vst v63  }
0x16b: {  	s24 =	sadd.s32 $0x9000, s9;
	s26 =	sadd.s32 $0x400, s21  }
0x16c: {  	[hbm4b:s26+s4] =	stream.linear.scatter [tilespmem:s24], [sflag:$0xB], $0x80, $0x38;
	[tilespmem:$0x18000] =	vst v63  }
0x16d: {  	s28 =	sadd.s32 $0x9200, s9;
	s29 =	sadd.s32 $0x480, s21  }
0x16e: {  	[hbm4b:s29+s4] =	stream.linear.scatter [tilespmem:s28], [sflag:$0xB], $0x80, $0x38;
	[tilespmem:$0x18000] =	vst v63  }
0x16f: {  	s30 =	sadd.s32 $0x9400, s9;
	s31 =	sadd.s32 $0x500, s21  }
0x170: {  	[hbm4b:s31+s4] =	stream.linear.scatter [tilespmem:s30], [sflag:$0xB], $0x80, $0x38;
	[tilespmem:$0x18000] =	vst v63  }
0x171: {  	s22 =	sadd.s32 $0x9600, s9;
	s23 =	sadd.s32 $0x580, s21  }
0x172: {  	[hbm4b:s23+s4] =	stream.linear.scatter [tilespmem:s22], [sflag:$0xB], $0x80, $0x38;
	[tilespmem:$0x18000] =	vst v63  }
0x173: {  	s24 =	sadd.s32 $0x9800, s9;
	s26 =	sadd.s32 $0x600, s21  }
0x174: {  	[hbm4b:s26+s4] =	stream.linear.scatter [tilespmem:s24], [sflag:$0xB], $0x80, $0x38;
	[tilespmem:$0x18000] =	vst v63  }
0x175: {  	s28 =	sadd.s32 $0x9A00, s9;
	s29 =	sadd.s32 $0x680, s21  }
0x176: {  	[hbm4b:s29+s4] =	stream.linear.scatter [tilespmem:s28], [sflag:$0xB], $0x80, $0x38;
	[tilespmem:$0x18000] =	vst v63  }
0x177: {  	s30 =	sadd.s32 $0x9C00, s9;
	s31 =	sadd.s32 $0x700, s21  }
0x178: {  	[hbm4b:s31+s4] =	stream.linear.scatter [tilespmem:s30], [sflag:$0xB], $0x80, $0x38;
	[tilespmem:$0x18000] =	vst v63  }
0x179: {  	s21 =	sadd.s32 $0x780, s21;
	s22 =	sadd.s32 $0x9E00, s9  }
0x17a: {  	[hbm4b:s21+s4] =	stream.linear.scatter [tilespmem:s22], [sflag:$0xB], $0x80, $0x38;
	[tilespmem:$0x18000] =	vst v63  }
0x17b: {  	s10 =	sadd.s32 s10, s18;
	s23 =	sadd.s32 $0xA000, s9  }
0x17c: {  	[hbm4b:s10+s4] =	stream.linear.scatter [tilespmem:s23], [sflag:$0xC], $0x80, $0x38;
	[tilespmem:$0x18000] =	vst v63  }
0x17d: {  	s24 =	sadd.s32 $0xA200, s9;
	s26 =	sadd.s32 $0x80, s10  }
0x17e: {  	[hbm4b:s26+s4] =	stream.linear.scatter [tilespmem:s24], [sflag:$0xC], $0x80, $0x38;
	[tilespmem:$0x18000] =	vst v63  }
0x17f: {  	s28 =	sadd.s32 $0xA400, s9;
	s29 =	sadd.s32 $0x100, s10  }
0x180: {  	[hbm4b:s29+s4] =	stream.linear.scatter [tilespmem:s28], [sflag:$0xC], $0x80, $0x38;
	[tilespmem:$0x18000] =	vst v63  }
0x181: {  	s30 =	sadd.s32 $0xA600, s9;
	s31 =	sadd.s32 $0x180, s10  }
0x182: {  	[hbm4b:s31+s4] =	stream.linear.scatter [tilespmem:s30], [sflag:$0xC], $0x80, $0x38;
	[tilespmem:$0x18000] =	vst v63  }
0x183: {  	s22 =	sadd.s32 $0xA800, s9;
	s23 =	sadd.s32 $0x200, s10  }
0x184: {  	[hbm4b:s23+s4] =	stream.linear.scatter [tilespmem:s22], [sflag:$0xC], $0x80, $0x38;
	[tilespmem:$0x18000] =	vst v63  }
0x185: {  	s24 =	sadd.s32 $0xAA00, s9;
	s26 =	sadd.s32 $0x280, s10  }
0x186: {  	[hbm4b:s26+s4] =	stream.linear.scatter [tilespmem:s24], [sflag:$0xC], $0x80, $0x38;
	[tilespmem:$0x18000] =	vst v63  }
0x187: {  	s28 =	sadd.s32 $0xAC00, s9;
	s29 =	sadd.s32 $0x300, s10  }
0x188: {  	[hbm4b:s29+s4] =	stream.linear.scatter [tilespmem:s28], [sflag:$0xC], $0x80, $0x38;
	[tilespmem:$0x18000] =	vst v63  }
0x189: {  	s30 =	sadd.s32 $0xAE00, s9;
	s31 =	sadd.s32 $0x380, s10  }
0x18a: {  	[hbm4b:s31+s4] =	stream.linear.scatter [tilespmem:s30], [sflag:$0xC], $0x80, $0x38;
	[tilespmem:$0x18000] =	vst v63  }
0x18b: {  	s22 =	sadd.s32 $0xB000, s9;
	s23 =	sadd.s32 $0x400, s10  }
0x18c: {  	[hbm4b:s23+s4] =	stream.linear.scatter [tilespmem:s22], [sflag:$0xC], $0x80, $0x38;
	[tilespmem:$0x18000] =	vst v63  }
0x18d: {  	s24 =	sadd.s32 $0xB200, s9;
	s26 =	sadd.s32 $0x480, s10  }
0x18e: {  	[hbm4b:s26+s4] =	stream.linear.scatter [tilespmem:s24], [sflag:$0xC], $0x80, $0x38;
	[tilespmem:$0x18000] =	vst v63  }
0x18f: {  	s28 =	sadd.s32 $0xB400, s9;
	s29 =	sadd.s32 $0x500, s10  }
0x190: {  	[hbm4b:s29+s4] =	stream.linear.scatter [tilespmem:s28], [sflag:$0xC], $0x80, $0x38;
	[tilespmem:$0x18000] =	vst v63  }
0x191: {  	s20 =	sadd.s32 $0x1, s20;
	s30 =	sadd.s32 $0xB600, s9;
	s31 =	sadd.s32 $0x580, s10  }
0x192: {  	[hbm4b:s31+s4] =	stream.linear.scatter [tilespmem:s30], [sflag:$0xC], $0x80, $0x38;
	[tilespmem:$0x18000] =	vst v63  }
0x193: {  	s19 =	sadd.s32 $0x80, s19;
	s22 =	sadd.s32 $0xB800, s9;
	s23 =	sadd.s32 $0x600, s10  }
0x194: {  	[hbm4b:s23+s4] =	stream.linear.scatter [tilespmem:s22], [sflag:$0xC], $0x80, $0x38;
	[tilespmem:$0x18000] =	vst v63  }
0x195: {  	p0 =	sne.s32 s20, $0x4;
	s24 =	sadd.s32 $0xBA00, s9;
	s26 =	sadd.s32 $0x680, s10  }
0x196: {  	[hbm4b:s26+s4] =	stream.linear.scatter [tilespmem:s24], [sflag:$0xC], $0x80, $0x38;
	[tilespmem:$0x18000] =	vst v63  }
.Ltmp3:
0x197: {  	s11 =	sadd.s32 $0x80, s11;
	s7 =	sadd.s32 $0x80, s7;
	(pc) =	sbr.rel @p0 .LBB2_2-.Ltmp3, $4  }
0x198: {  	s6 =	sadd.s32 $0x80, s6;
	s28 =	sadd.s32 $0xBC00, s9;
	s29 =	sadd.s32 $0x700, s10  }
0x199: {  	[hbm4b:s29+s4] =	stream.linear.scatter [tilespmem:s28], [sflag:$0xC], $0x80, $0x38;
	[tilespmem:$0x18000] =	vst v63  }
0x19a: {  	s2 =	sadd.s32 $0x80, s2;
	s30 =	sadd.s32 $0xBE00, s9;
	s31 =	sadd.s32 $0x780, s10  }
0x19b: {  	[hbm4b:s31+s4] =	stream.linear.scatter [tilespmem:s30], [sflag:$0xC], $0x80, $0x38;
	[tilespmem:$0x18000] =	vst v63  }
0x19c: {  	s0 =	rddreg [dreg:$0xb]  }
0x19d: {  	s2 =	simm.s32 $0x200;
	s6 =	simm.s32 $0x400;
	s21 =	simm.s32 $0x12  }
0x19e: {  	[tilespmem:s25], [sflag:$0x11] =	stream.strided.gather [hbm4b:s0+s2], $0x2000, s6, s2, $0x38;
	[tilespmem:$0x18000] =	vst v63  }
0x19f: {  	_ =	swait.ge [sflag:s21], $0x2000  }
0x1a0: {  	[sflag:s21] =	ssyncset.done $0x0  }
0x1a1: {  	s22 =	simm.s32 $0x5;
	[sflag:s21] =	ssyncadd.s32 $0xFFFFE000  }
0x1a2: {  	_ =	swait.ge [sflag:s22], $0x2000  }
0x1a3: {  	[sflag:s22] =	ssyncset.done $0x0  }
0x1a4: {  	s23 =	simm.s32 $0x6;
	[sflag:s22] =	ssyncadd.s32 $0xFFFFE000  }
0x1a5: {  	_ =	swait.ge [sflag:s23], $0x2000  }
0x1a6: {  	[sflag:s23] =	ssyncset.done $0x0  }
0x1a7: {  	s24 =	simm.s32 $0x7;
	[sflag:s23] =	ssyncadd.s32 $0xFFFFE000  }
0x1a8: {  	_ =	swait.ge [sflag:s24], $0x2000  }
0x1a9: {  	[sflag:s24] =	ssyncset.done $0x0  }
0x1aa: {  	s25 =	simm.s32 $0x8;
	[sflag:s24] =	ssyncadd.s32 $0xFFFFE000  }
0x1ab: {  	_ =	swait.ge [sflag:s25], $0x2000  }
0x1ac: {  	[sflag:s25] =	ssyncset.done $0x0  }
0x1ad: {  	s26 =	simm.s32 $0x9;
	[sflag:s25] =	ssyncadd.s32 $0xFFFFE000  }
0x1ae: {  	_ =	swait.ge [sflag:s26], $0x2000  }
0x1af: {  	[sflag:s26] =	ssyncset.done $0x0  }
0x1b0: {  	[sflag:s26] =	ssyncadd.s32 $0xFFFFE000  }
0x1b1: {  	v2 =	vld.msk [tilespmem:$0x100], $0xf;
	_ =	sdelay $0x4  }
0x1b2: {  	v3 =	vshll.u32 v2, $0x4  }
0x1b3: {  	v2 =	vand.u32 $0x7, v2;
	v3 =	vand.u32 $0xFFFFFF80, v3  }
0x1b4: {  	v2 =	vor.u32 v2, v3  }
0x1b5: {  	v2 =	vperm.xlane v2, v0;
	_ =	sdelay $0x1  }
0x1b6: {  	v2 =	vadd.s32 v1, v2;
	_ =	sdelay $0x3  }
0x1b7: {  	s19 =	simm.s32 $0x0;
	s28 =	simm.s32 $0x4000  }
0x1b8: {  	[tilespmem:s28], [sflag:$0x1] =	stream.indirect_vreg.gather [hbm4b:s1+s19], $0x80, v2, vm0, $0xb8;
	[tilespmem:$0x18000] =	vst v63  }
0x1b9: {  	s29 =	simm.s32 $0x4800  }
0x1ba: {  	[tilespmem:s29], [sflag:$0x1] =	stream.indirect_vreg.gather [hbm4b:s13+s19], $0x80, v2, vm0, $0xb8;
	[tilespmem:$0x18000] =	vst v63  }
0x1bb: {  	s30 =	simm.s32 $0x5000  }
0x1bc: {  	[tilespmem:s30], [sflag:$0x1] =	stream.indirect_vreg.gather [hbm4b:s14+s19], $0x80, v2, vm0, $0xb8;
	[tilespmem:$0x18000] =	vst v63  }
0x1bd: {  	s2 =	simm.s32 $0x5800;
	s6 =	simm.s32 $0xA  }
0x1be: {  	[tilespmem:s2], [sflag:$0x1] =	stream.indirect_vreg.gather [hbm4b:s15+s19], $0x80, v2, vm0, $0xb8;
	[tilespmem:$0x18000] =	vst v63  }
0x1bf: {  	_ =	swait.ge [sflag:s6], $0x2000  }
0x1c0: {  	[sflag:s6] =	ssyncset.done $0x0  }
0x1c1: {  	[sflag:s6] =	ssyncadd.s32 $0xFFFFE000  }
0x1c2: {  	v2 =	vld.msk [tilespmem:$0x1100], $0xf;
	_ =	sdelay $0x4  }
0x1c3: {  	v3 =	vshll.u32 v2, $0x4  }
0x1c4: {  	v2 =	vand.u32 $0x7, v2;
	v3 =	vand.u32 $0xFFFFFF80, v3  }
0x1c5: {  	v2 =	vor.u32 v2, v3  }
0x1c6: {  	v2 =	vperm.xlane v2, v0;
	_ =	sdelay $0x1  }
0x1c7: {  	v2 =	vadd.s32 v1, v2;
	_ =	sdelay $0x3  }
0x1c8: {  	s7 =	simm.s32 $0x6000  }
0x1c9: {  	[tilespmem:s7], [sflag:$0x2] =	stream.indirect_vreg.gather [hbm4b:s1+s19], $0x80, v2, vm0, $0xb8;
	[tilespmem:$0x18000] =	vst v63  }
0x1ca: {  	s9 =	simm.s32 $0x6800  }
0x1cb: {  	[tilespmem:s9], [sflag:$0x2] =	stream.indirect_vreg.gather [hbm4b:s13+s19], $0x80, v2, vm0, $0xb8;
	[tilespmem:$0x18000] =	vst v63  }
0x1cc: {  	s10 =	simm.s32 $0x7000  }
0x1cd: {  	[tilespmem:s10], [sflag:$0x2] =	stream.indirect_vreg.gather [hbm4b:s14+s19], $0x80, v2, vm0, $0xb8;
	[tilespmem:$0x18000] =	vst v63  }
0x1ce: {  	s11 =	simm.s32 $0x7800;
	s20 =	simm.s32 $0xB  }
0x1cf: {  	[tilespmem:s11], [sflag:$0x2] =	stream.indirect_vreg.gather [hbm4b:s15+s19], $0x80, v2, vm0, $0xb8;
	[tilespmem:$0x18000] =	vst v63  }
0x1d0: {  	_ =	swait.ge [sflag:s20], $0x2000  }
0x1d1: {  	[sflag:s20] =	ssyncset.done $0x0  }
0x1d2: {  	[sflag:s20] =	ssyncadd.s32 $0xFFFFE000  }
0x1d3: {  	v2 =	vld.msk [tilespmem:$0x2100], $0xf;
	_ =	sdelay $0x4  }
0x1d4: {  	v3 =	vshll.u32 v2, $0x4  }
0x1d5: {  	v2 =	vand.u32 $0x7, v2;
	v3 =	vand.u32 $0xFFFFFF80, v3  }
0x1d6: {  	v2 =	vor.u32 v2, v3  }
0x1d7: {  	v2 =	vperm.xlane v2, v0;
	_ =	sdelay $0x1  }
0x1d8: {  	v2 =	vadd.s32 v1, v2;
	_ =	sdelay $0x3  }
0x1d9: {  	s21 =	simm.s32 $0x8000  }
0x1da: {  	[tilespmem:s21], [sflag:$0x3] =	stream.indirect_vreg.gather [hbm4b:s1+s19], $0x80, v2, vm0, $0xb8;
	[tilespmem:$0x18000] =	vst v63  }
0x1db: {  	s22 =	simm.s32 $0x8800  }
0x1dc: {  	[tilespmem:s22], [sflag:$0x3] =	stream.indirect_vreg.gather [hbm4b:s13+s19], $0x80, v2, vm0, $0xb8;
	[tilespmem:$0x18000] =	vst v63  }
0x1dd: {  	s23 =	simm.s32 $0x9000  }
0x1de: {  	[tilespmem:s23], [sflag:$0x3] =	stream.indirect_vreg.gather [hbm4b:s14+s19], $0x80, v2, vm0, $0xb8;
	[tilespmem:$0x18000] =	vst v63  }
0x1df: {  	s24 =	simm.s32 $0x9800;
	s25 =	simm.s32 $0xC  }
0x1e0: {  	[tilespmem:s24], [sflag:$0x3] =	stream.indirect_vreg.gather [hbm4b:s15+s19], $0x80, v2, vm0, $0xb8;
	[tilespmem:$0x18000] =	vst v63  }
0x1e1: {  	_ =	swait.ge [sflag:s25], $0x2000  }
0x1e2: {  	[sflag:s25] =	ssyncset.done $0x0  }
0x1e3: {  	[sflag:s25] =	ssyncadd.s32 $0xFFFFE000  }
0x1e4: {  	v2 =	vld.msk [tilespmem:$0x3100], $0xf;
	_ =	sdelay $0x4  }
0x1e5: {  	v3 =	vshll.u32 v2, $0x4  }
0x1e6: {  	v2 =	vand.u32 $0x7, v2;
	v3 =	vand.u32 $0xFFFFFF80, v3  }
0x1e7: {  	v2 =	vor.u32 v2, v3  }
0x1e8: {  	v2 =	vperm.xlane v2, v0;
	_ =	sdelay $0x1  }
0x1e9: {  	v2 =	vadd.s32 v1, v2;
	_ =	sdelay $0x3  }
0x1ea: {  	s26 =	simm.s32 $0xA000  }
0x1eb: {  	[tilespmem:s26], [sflag:$0x4] =	stream.indirect_vreg.gather [hbm4b:s1+s19], $0x80, v2, vm0, $0xb8;
	[tilespmem:$0x18000] =	vst v63  }
0x1ec: {  	s31 =	simm.s32 $0xC000;
	s28 =	simm.s32 $0xA800  }
0x1ed: {  	[tilespmem:s28], [sflag:$0x4] =	stream.indirect_vreg.gather [hbm4b:s13+s19], $0x80, v2, vm0, $0xb8;
	[tilespmem:$0x18000] =	vst v63  }
0x1ee: {  	s29 =	simm.s32 $0xB000;
	s30 =	simm.s32 $0xB800;
	s11 =	simm.s32 $0x16070  }
0x1ef: {  	[tilespmem:s29], [sflag:$0x4] =	stream.indirect_vreg.gather [hbm4b:s14+s19], $0x80, v2, vm0, $0xb8;
	[tilespmem:$0x18000] =	vst v63  }
0x1f0: {  	s20 =	simm.s32 $0x12000;
	s21 =	simm.s32 $0x10000;
	s22 =	simm.s32 $0xE000  }
0x1f1: {  	[tilespmem:s30], [sflag:$0x4] =	stream.indirect_vreg.gather [hbm4b:s15+s19], $0x80, v2, vm0, $0xb8;
	[tilespmem:$0x18000] =	vst v63  }
.LBB2_6:
0x1f2: {  	v3 =	vmov s11;
	_ =	sdelay $0x3  }
0x1f3: {  	s0 =	simm.s32 $0x0  }
0x1f4: {  	v2 =	vld.idx.msk [tilespmem:v3+s0+$0x0 ss:$0x1], $0xffff  }
0x1f5: {  	v4 =	vld.idx.msk [tilespmem:v3+s0+$0xFFFFFFE0 ss:$0x1], $0xffff  }
0x1f6: {  	v5 =	vld.idx.msk [tilespmem:v3+s0+$0xFFFFFF90 ss:$0x1], $0xffff  }
0x1f7: {  	v6 =	vld.idx.msk [tilespmem:v3+s0+$0xFFFFFFC0 ss:$0x1], $0xffff  }
0x1f8: {  	v7 =	vld.idx.msk [tilespmem:v3+s0+$0xFFFFFFA0 ss:$0x1], $0xffff  }
0x1f9: {  	v8 =	vld.idx.msk [tilespmem:v3+s0+$0xFFFFFFB0 ss:$0x1], $0xffff  }
0x1fa: {  	v9 =	vld.idx.msk [tilespmem:v3+s0+$0xFFFFFFF0 ss:$0x1], $0xffff  }
0x1fb: {  	s30 =	sadd.s32 $0x0, s31;
	v10 =	vld.idx.msk [tilespmem:v3+s0+$0xFFFFFFD0 ss:$0x1], $0xffff  }
0x1fc: {  	s2 =	sadd.s32 $0x0, s22;
	[tilespmem:s30+$0x0] =	vst.add.f32.msk $0xffff, v5  }
0x1fd: {  	s6 =	sadd.s32 $0x0, s21;
	[tilespmem:s2+$0x0] =	vst.add.f32.msk $0xffff, v5  }
0x1fe: {  	s7 =	sadd.s32 $0x0, s20;
	[tilespmem:s6+$0x0] =	vst.add.f32.msk $0xffff, v5  }
0x1ff: {  	[tilespmem:s7+$0x0] =	vst.add.f32.msk $0xffff, v5  }
0x200: {  	[tilespmem:s30+$0x10] =	vst.add.f32.msk $0xffff, v7  }
0x201: {  	[tilespmem:s2+$0x10] =	vst.add.f32.msk $0xffff, v7  }
0x202: {  	[tilespmem:s6+$0x10] =	vst.add.f32.msk $0xffff, v7  }
0x203: {  	[tilespmem:s7+$0x10] =	vst.add.f32.msk $0xffff, v7  }
0x204: {  	[tilespmem:s30+$0x20] =	vst.add.f32.msk $0xffff, v8  }
0x205: {  	[tilespmem:s2+$0x20] =	vst.add.f32.msk $0xffff, v8  }
0x206: {  	[tilespmem:s6+$0x20] =	vst.add.f32.msk $0xffff, v8  }
0x207: {  	[tilespmem:s7+$0x20] =	vst.add.f32.msk $0xffff, v8  }
0x208: {  	[tilespmem:s30+$0x30] =	vst.add.f32.msk $0xffff, v6  }
0x209: {  	[tilespmem:s2+$0x30] =	vst.add.f32.msk $0xffff, v6  }
0x20a: {  	[tilespmem:s6+$0x30] =	vst.add.f32.msk $0xffff, v6  }
0x20b: {  	[tilespmem:s7+$0x30] =	vst.add.f32.msk $0xffff, v6  }
0x20c: {  	[tilespmem:s30+$0x40] =	vst.add.f32.msk $0xffff, v10  }
0x20d: {  	[tilespmem:s2+$0x40] =	vst.add.f32.msk $0xffff, v10  }
0x20e: {  	[tilespmem:s6+$0x40] =	vst.add.f32.msk $0xffff, v10  }
0x20f: {  	[tilespmem:s7+$0x40] =	vst.add.f32.msk $0xffff, v10  }
0x210: {  	[tilespmem:s30+$0x50] =	vst.add.f32.msk $0xffff, v4  }
0x211: {  	[tilespmem:s2+$0x50] =	vst.add.f32.msk $0xffff, v4  }
0x212: {  	[tilespmem:s6+$0x50] =	vst.add.f32.msk $0xffff, v4  }
0x213: {  	[tilespmem:s7+$0x50] =	vst.add.f32.msk $0xffff, v4  }
0x214: {  	[tilespmem:s30+$0x60] =	vst.add.f32.msk $0xffff, v9  }
0x215: {  	[tilespmem:s2+$0x60] =	vst.add.f32.msk $0xffff, v9  }
0x216: {  	[tilespmem:s6+$0x60] =	vst.add.f32.msk $0xffff, v9  }
0x217: {  	[tilespmem:s7+$0x60] =	vst.add.f32.msk $0xffff, v9  }
0x218: {  	[tilespmem:s30+$0x70] =	vst.add.f32.msk $0xffff, v2  }
0x219: {  	[tilespmem:s2+$0x70] =	vst.add.f32.msk $0xffff, v2  }
0x21a: {  	s0 =	simm.s32 $0x800;
	s2 =	sshll.u32 s19, $0x7;
	[tilespmem:s6+$0x70] =	vst.add.f32.msk $0xffff, v2  }
.LBB2_7:
0x21b: {  	s6 =	sshra.s32 s0, $0x2;
	p0 =	sne.s32 s0, $0x7800;
	s0 =	sadd.s32 $0x800, s0;
	[tilespmem:s7+$0x70] =	vst.add.f32.msk $0xffff, v2  }
0x21c: {  	v2 =	vld.idx.msk [tilespmem:v3+s6+$0x0 ss:$0x1], $0xffff  }
0x21d: {  	v4 =	vld.idx.msk [tilespmem:v3+s6+$0xFFFFFFE0 ss:$0x1], $0xffff  }
0x21e: {  	v5 =	vld.idx.msk [tilespmem:v3+s6+$0xFFFFFF90 ss:$0x1], $0xffff  }
0x21f: {  	v6 =	vld.idx.msk [tilespmem:v3+s6+$0xFFFFFFC0 ss:$0x1], $0xffff  }
0x220: {  	v7 =	vld.idx.msk [tilespmem:v3+s6+$0xFFFFFFA0 ss:$0x1], $0xffff  }
0x221: {  	v8 =	vld.idx.msk [tilespmem:v3+s6+$0xFFFFFFB0 ss:$0x1], $0xffff  }
0x222: {  	v9 =	vld.idx.msk [tilespmem:v3+s6+$0xFFFFFFF0 ss:$0x1], $0xffff  }
0x223: {  	s9 =	sadd.s32 s6, s31;
	v10 =	vld.idx.msk [tilespmem:v3+s6+$0xFFFFFFD0 ss:$0x1], $0xffff  }
0x224: {  	s10 =	sadd.s32 s6, s22;
	[tilespmem:s9+$0x0] =	vst.add.f32.msk $0xffff, v5  }
0x225: {  	s23 =	sadd.s32 s6, s21;
	[tilespmem:s10+$0x0] =	vst.add.f32.msk $0xffff, v5  }
0x226: {  	s7 =	sadd.s32 s6, s20;
	[tilespmem:s23+$0x0] =	vst.add.f32.msk $0xffff, v5  }
0x227: {  	[tilespmem:s7+$0x0] =	vst.add.f32.msk $0xffff, v5  }
0x228: {  	[tilespmem:s9+$0x10] =	vst.add.f32.msk $0xffff, v7  }
0x229: {  	[tilespmem:s10+$0x10] =	vst.add.f32.msk $0xffff, v7  }
0x22a: {  	[tilespmem:s23+$0x10] =	vst.add.f32.msk $0xffff, v7  }
0x22b: {  	[tilespmem:s7+$0x10] =	vst.add.f32.msk $0xffff, v7  }
0x22c: {  	[tilespmem:s9+$0x20] =	vst.add.f32.msk $0xffff, v8  }
0x22d: {  	[tilespmem:s10+$0x20] =	vst.add.f32.msk $0xffff, v8  }
0x22e: {  	[tilespmem:s23+$0x20] =	vst.add.f32.msk $0xffff, v8  }
0x22f: {  	[tilespmem:s7+$0x20] =	vst.add.f32.msk $0xffff, v8  }
0x230: {  	[tilespmem:s9+$0x30] =	vst.add.f32.msk $0xffff, v6  }
0x231: {  	[tilespmem:s10+$0x30] =	vst.add.f32.msk $0xffff, v6  }
0x232: {  	[tilespmem:s23+$0x30] =	vst.add.f32.msk $0xffff, v6  }
0x233: {  	[tilespmem:s7+$0x30] =	vst.add.f32.msk $0xffff, v6  }
0x234: {  	[tilespmem:s9+$0x40] =	vst.add.f32.msk $0xffff, v10  }
0x235: {  	[tilespmem:s10+$0x40] =	vst.add.f32.msk $0xffff, v10  }
0x236: {  	[tilespmem:s23+$0x40] =	vst.add.f32.msk $0xffff, v10  }
0x237: {  	[tilespmem:s7+$0x40] =	vst.add.f32.msk $0xffff, v10  }
0x238: {  	[tilespmem:s9+$0x50] =	vst.add.f32.msk $0xffff, v4  }
0x239: {  	[tilespmem:s10+$0x50] =	vst.add.f32.msk $0xffff, v4  }
0x23a: {  	[tilespmem:s23+$0x50] =	vst.add.f32.msk $0xffff, v4  }
0x23b: {  	[tilespmem:s7+$0x50] =	vst.add.f32.msk $0xffff, v4  }
0x23c: {  	[tilespmem:s9+$0x60] =	vst.add.f32.msk $0xffff, v9  }
0x23d: {  	[tilespmem:s10+$0x60] =	vst.add.f32.msk $0xffff, v9  }
.Ltmp4:
0x23e: {  	[tilespmem:s23+$0x60] =	vst.add.f32.msk $0xffff, v9;
	(pc) =	sbr.rel @p0 .LBB2_7-.Ltmp4, $4  }
0x23f: {  	[tilespmem:s7+$0x60] =	vst.add.f32.msk $0xffff, v9  }
0x240: {  	[tilespmem:s9+$0x70] =	vst.add.f32.msk $0xffff, v2  }
0x241: {  	[tilespmem:s10+$0x70] =	vst.add.f32.msk $0xffff, v2  }
0x242: {  	[tilespmem:s23+$0x70] =	vst.add.f32.msk $0xffff, v2  }
0x243: {  	s6 =	sor.u32 s5, s19  }
0x244: {  	s0 =	sshll.u32 s6, $0x4  }
0x245: {  	s0 =	sand.u32 $0x30, s0  }
0x246: {  	s0 =	sadd.s32 s0, s12  }
0x247: {  	[tilespmem:s7+$0x70] =	vst.add.f32.msk $0xffff, v2;
	s25 =	sadd.s32 $0xC000, s2;
	s9 =	sadd.s32 $0x40, s0  }
0x248: {  	[hbm4b:s9+s4] =	stream.linear.scatter [tilespmem:s25], [sflag:$0xD], $0x80, $0x38;
	[tilespmem:$0x18000] =	vst v63  }
0x249: {  	s26 =	sadd.s32 $0xC200, s2;
	s28 =	sadd.s32 $0xC0, s0  }
0x24a: {  	[hbm4b:s28+s4] =	stream.linear.scatter [tilespmem:s26], [sflag:$0xD], $0x80, $0x38;
	[tilespmem:$0x18000] =	vst v63  }
0x24b: {  	s29 =	sadd.s32 $0xC400, s2;
	s30 =	sadd.s32 $0x140, s0  }
0x24c: {  	[hbm4b:s30+s4] =	stream.linear.scatter [tilespmem:s29], [sflag:$0xD], $0x80, $0x38;
	[tilespmem:$0x18000] =	vst v63  }
0x24d: {  	s10 =	sadd.s32 $0xC600, s2;
	s23 =	sadd.s32 $0x1C0, s0  }
0x24e: {  	[hbm4b:s23+s4] =	stream.linear.scatter [tilespmem:s10], [sflag:$0xD], $0x80, $0x38;
	[tilespmem:$0x18000] =	vst v63  }
0x24f: {  	s24 =	sadd.s32 $0xC800, s2;
	s25 =	sadd.s32 $0x240, s0  }
0x250: {  	[hbm4b:s25+s4] =	stream.linear.scatter [tilespmem:s24], [sflag:$0xD], $0x80, $0x38;
	[tilespmem:$0x18000] =	vst v63  }
0x251: {  	s26 =	sadd.s32 $0xCA00, s2;
	s28 =	sadd.s32 $0x2C0, s0  }
0x252: {  	[hbm4b:s28+s4] =	stream.linear.scatter [tilespmem:s26], [sflag:$0xD], $0x80, $0x38;
	[tilespmem:$0x18000] =	vst v63  }
0x253: {  	s29 =	sadd.s32 $0xCC00, s2;
	s30 =	sadd.s32 $0x340, s0  }
0x254: {  	[hbm4b:s30+s4] =	stream.linear.scatter [tilespmem:s29], [sflag:$0xD], $0x80, $0x38;
	[tilespmem:$0x18000] =	vst v63  }
0x255: {  	s10 =	sadd.s32 $0xCE00, s2;
	s23 =	sadd.s32 $0x3C0, s0  }
0x256: {  	[hbm4b:s23+s4] =	stream.linear.scatter [tilespmem:s10], [sflag:$0xD], $0x80, $0x38;
	[tilespmem:$0x18000] =	vst v63  }
0x257: {  	s24 =	sadd.s32 $0xD000, s2;
	s25 =	sadd.s32 $0x440, s0  }
0x258: {  	[hbm4b:s25+s4] =	stream.linear.scatter [tilespmem:s24], [sflag:$0xD], $0x80, $0x38;
	[tilespmem:$0x18000] =	vst v63  }
0x259: {  	s26 =	sadd.s32 $0xD200, s2;
	s28 =	sadd.s32 $0x4C0, s0  }
0x25a: {  	[hbm4b:s28+s4] =	stream.linear.scatter [tilespmem:s26], [sflag:$0xD], $0x80, $0x38;
	[tilespmem:$0x18000] =	vst v63  }
0x25b: {  	s29 =	sadd.s32 $0xD400, s2;
	s30 =	sadd.s32 $0x540, s0  }
0x25c: {  	[hbm4b:s30+s4] =	stream.linear.scatter [tilespmem:s29], [sflag:$0xD], $0x80, $0x38;
	[tilespmem:$0x18000] =	vst v63  }
0x25d: {  	s10 =	sadd.s32 $0xD600, s2;
	s23 =	sadd.s32 $0x5C0, s0  }
0x25e: {  	[hbm4b:s23+s4] =	stream.linear.scatter [tilespmem:s10], [sflag:$0xD], $0x80, $0x38;
	[tilespmem:$0x18000] =	vst v63  }
0x25f: {  	s24 =	sadd.s32 $0xD800, s2;
	s25 =	sadd.s32 $0x640, s0  }
0x260: {  	[hbm4b:s25+s4] =	stream.linear.scatter [tilespmem:s24], [sflag:$0xD], $0x80, $0x38;
	[tilespmem:$0x18000] =	vst v63  }
0x261: {  	s26 =	sadd.s32 $0xDA00, s2;
	s28 =	sadd.s32 $0x6C0, s0  }
0x262: {  	[hbm4b:s28+s4] =	stream.linear.scatter [tilespmem:s26], [sflag:$0xD], $0x80, $0x38;
	[tilespmem:$0x18000] =	vst v63  }
0x263: {  	s29 =	sadd.s32 $0xDC00, s2;
	s30 =	sadd.s32 $0x740, s0;
	s23 =	sor.u32 $0x1004, s6  }
0x264: {  	[hbm4b:s30+s4] =	stream.linear.scatter [tilespmem:s29], [sflag:$0xD], $0x80, $0x38;
	[tilespmem:$0x18000] =	vst v63  }
0x265: {  	s0 =	sadd.s32 $0x7C0, s0;
	s10 =	sadd.s32 $0xDE00, s2;
	s24 =	sshll.u32 s23, $0x4  }
0x266: {  	[hbm4b:s0+s4] =	stream.linear.scatter [tilespmem:s10], [sflag:$0xD], $0x80, $0x38;
	[tilespmem:$0x18000] =	vst v63  }
0x267: {  	s7 =	sand.u32 $0x70, s24;
	s0 =	sshll.u32 s23, $0x8  }
0x268: {  	s7 =	sadd.s32 s3, s7;
	s0 =	sand.u32 $0xFFF8000, s0  }
0x269: {  	s25 =	sadd.s32 $0xE000, s2;
	s0 =	sadd.s32 s0, s7  }
0x26a: {  	[hbm4b:s0+s4] =	stream.linear.scatter [tilespmem:s25], [sflag:$0xE], $0x80, $0x38;
	[tilespmem:$0x18000] =	vst v63  }
0x26b: {  	s26 =	sadd.s32 $0xE200, s2;
	s28 =	sadd.s32 $0x80, s0  }
0x26c: {  	[hbm4b:s28+s4] =	stream.linear.scatter [tilespmem:s26], [sflag:$0xE], $0x80, $0x38;
	[tilespmem:$0x18000] =	vst v63  }
0x26d: {  	s29 =	sadd.s32 $0xE400, s2;
	s30 =	sadd.s32 $0x100, s0  }
0x26e: {  	[hbm4b:s30+s4] =	stream.linear.scatter [tilespmem:s29], [sflag:$0xE], $0x80, $0x38;
	[tilespmem:$0x18000] =	vst v63  }
0x26f: {  	s10 =	sadd.s32 $0xE600, s2;
	s23 =	sadd.s32 $0x180, s0  }
0x270: {  	[hbm4b:s23+s4] =	stream.linear.scatter [tilespmem:s10], [sflag:$0xE], $0x80, $0x38;
	[tilespmem:$0x18000] =	vst v63  }
0x271: {  	s24 =	sadd.s32 $0xE800, s2;
	s25 =	sadd.s32 $0x200, s0  }
0x272: {  	[hbm4b:s25+s4] =	stream.linear.scatter [tilespmem:s24], [sflag:$0xE], $0x80, $0x38;
	[tilespmem:$0x18000] =	vst v63  }
0x273: {  	s26 =	sadd.s32 $0xEA00, s2;
	s28 =	sadd.s32 $0x280, s0  }
0x274: {  	[hbm4b:s28+s4] =	stream.linear.scatter [tilespmem:s26], [sflag:$0xE], $0x80, $0x38;
	[tilespmem:$0x18000] =	vst v63  }
0x275: {  	s29 =	sadd.s32 $0xEC00, s2;
	s30 =	sadd.s32 $0x300, s0  }
0x276: {  	[hbm4b:s30+s4] =	stream.linear.scatter [tilespmem:s29], [sflag:$0xE], $0x80, $0x38;
	[tilespmem:$0x18000] =	vst v63  }
0x277: {  	s10 =	sadd.s32 $0xEE00, s2;
	s23 =	sadd.s32 $0x380, s0  }
0x278: {  	[hbm4b:s23+s4] =	stream.linear.scatter [tilespmem:s10], [sflag:$0xE], $0x80, $0x38;
	[tilespmem:$0x18000] =	vst v63  }
0x279: {  	s24 =	sadd.s32 $0xF000, s2;
	s25 =	sadd.s32 $0x400, s0  }
0x27a: {  	[hbm4b:s25+s4] =	stream.linear.scatter [tilespmem:s24], [sflag:$0xE], $0x80, $0x38;
	[tilespmem:$0x18000] =	vst v63  }
0x27b: {  	s26 =	sadd.s32 $0xF200, s2;
	s28 =	sadd.s32 $0x480, s0  }
0x27c: {  	[hbm4b:s28+s4] =	stream.linear.scatter [tilespmem:s26], [sflag:$0xE], $0x80, $0x38;
	[tilespmem:$0x18000] =	vst v63  }
0x27d: {  	s29 =	sadd.s32 $0xF400, s2;
	s30 =	sadd.s32 $0x500, s0  }
0x27e: {  	[hbm4b:s30+s4] =	stream.linear.scatter [tilespmem:s29], [sflag:$0xE], $0x80, $0x38;
	[tilespmem:$0x18000] =	vst v63  }
0x27f: {  	s9 =	sadd.s32 $0xF600, s2;
	s10 =	sadd.s32 $0x580, s0  }
0x280: {  	[hbm4b:s10+s4] =	stream.linear.scatter [tilespmem:s9], [sflag:$0xE], $0x80, $0x38;
	[tilespmem:$0x18000] =	vst v63  }
0x281: {  	s23 =	sadd.s32 $0xF800, s2;
	s24 =	sadd.s32 $0x600, s0  }
0x282: {  	[hbm4b:s24+s4] =	stream.linear.scatter [tilespmem:s23], [sflag:$0xE], $0x80, $0x38;
	[tilespmem:$0x18000] =	vst v63  }
0x283: {  	s25 =	sadd.s32 $0xFA00, s2;
	s26 =	sadd.s32 $0x680, s0  }
0x284: {  	[hbm4b:s26+s4] =	stream.linear.scatter [tilespmem:s25], [sflag:$0xE], $0x80, $0x38;
	[tilespmem:$0x18000] =	vst v63  }
0x285: {  	s28 =	sadd.s32 $0xFC00, s2;
	s29 =	sadd.s32 $0x700, s0;
	s9 =	sor.u32 $0x2004, s6  }
0x286: {  	[hbm4b:s29+s4] =	stream.linear.scatter [tilespmem:s28], [sflag:$0xE], $0x80, $0x38;
	[tilespmem:$0x18000] =	vst v63  }
0x287: {  	s30 =	sadd.s32 $0xFE00, s2;
	s0 =	sadd.s32 $0x780, s0;
	s10 =	sshll.u32 s9, $0x4  }
0x288: {  	[hbm4b:s0+s4] =	stream.linear.scatter [tilespmem:s30], [sflag:$0xE], $0x80, $0x38;
	[tilespmem:$0x18000] =	vst v63  }
0x289: {  	s7 =	sand.u32 $0x70, s10;
	s0 =	sshll.u32 s9, $0x8  }
0x28a: {  	s7 =	sadd.s32 s3, s7;
	s0 =	sand.u32 $0xFFF8000, s0  }
0x28b: {  	s23 =	sadd.s32 $0x10000, s2;
	s0 =	sadd.s32 s0, s7  }
0x28c: {  	[hbm4b:s0+s4] =	stream.linear.scatter [tilespmem:s23], [sflag:$0xF], $0x80, $0x38;
	[tilespmem:$0x18000] =	vst v63  }
0x28d: {  	s24 =	sadd.s32 $0x10200, s2;
	s25 =	sadd.s32 $0x80, s0  }
0x28e: {  	[hbm4b:s25+s4] =	stream.linear.scatter [tilespmem:s24], [sflag:$0xF], $0x80, $0x38;
	[tilespmem:$0x18000] =	vst v63  }
0x28f: {  	s26 =	sadd.s32 $0x10400, s2;
	s28 =	sadd.s32 $0x100, s0  }
0x290: {  	[hbm4b:s28+s4] =	stream.linear.scatter [tilespmem:s26], [sflag:$0xF], $0x80, $0x38;
	[tilespmem:$0x18000] =	vst v63  }
0x291: {  	s29 =	sadd.s32 $0x10600, s2;
	s30 =	sadd.s32 $0x180, s0  }
0x292: {  	[hbm4b:s30+s4] =	stream.linear.scatter [tilespmem:s29], [sflag:$0xF], $0x80, $0x38;
	[tilespmem:$0x18000] =	vst v63  }
0x293: {  	s10 =	sadd.s32 $0x10800, s2;
	s23 =	sadd.s32 $0x200, s0  }
0x294: {  	[hbm4b:s23+s4] =	stream.linear.scatter [tilespmem:s10], [sflag:$0xF], $0x80, $0x38;
	[tilespmem:$0x18000] =	vst v63  }
0x295: {  	s24 =	sadd.s32 $0x10A00, s2;
	s25 =	sadd.s32 $0x280, s0  }
0x296: {  	[hbm4b:s25+s4] =	stream.linear.scatter [tilespmem:s24], [sflag:$0xF], $0x80, $0x38;
	[tilespmem:$0x18000] =	vst v63  }
0x297: {  	s26 =	sadd.s32 $0x10C00, s2;
	s28 =	sadd.s32 $0x300, s0  }
0x298: {  	[hbm4b:s28+s4] =	stream.linear.scatter [tilespmem:s26], [sflag:$0xF], $0x80, $0x38;
	[tilespmem:$0x18000] =	vst v63  }
0x299: {  	s29 =	sadd.s32 $0x10E00, s2;
	s30 =	sadd.s32 $0x380, s0  }
0x29a: {  	[hbm4b:s30+s4] =	stream.linear.scatter [tilespmem:s29], [sflag:$0xF], $0x80, $0x38;
	[tilespmem:$0x18000] =	vst v63  }
0x29b: {  	s10 =	sadd.s32 $0x11000, s2;
	s23 =	sadd.s32 $0x400, s0  }
0x29c: {  	[hbm4b:s23+s4] =	stream.linear.scatter [tilespmem:s10], [sflag:$0xF], $0x80, $0x38;
	[tilespmem:$0x18000] =	vst v63  }
0x29d: {  	s24 =	sadd.s32 $0x11200, s2;
	s25 =	sadd.s32 $0x480, s0  }
0x29e: {  	[hbm4b:s25+s4] =	stream.linear.scatter [tilespmem:s24], [sflag:$0xF], $0x80, $0x38;
	[tilespmem:$0x18000] =	vst v63  }
0x29f: {  	s26 =	sadd.s32 $0x11400, s2;
	s28 =	sadd.s32 $0x500, s0  }
0x2a0: {  	[hbm4b:s28+s4] =	stream.linear.scatter [tilespmem:s26], [sflag:$0xF], $0x80, $0x38;
	[tilespmem:$0x18000] =	vst v63  }
0x2a1: {  	s29 =	sadd.s32 $0x11600, s2;
	s30 =	sadd.s32 $0x580, s0  }
0x2a2: {  	[hbm4b:s30+s4] =	stream.linear.scatter [tilespmem:s29], [sflag:$0xF], $0x80, $0x38;
	[tilespmem:$0x18000] =	vst v63  }
0x2a3: {  	s9 =	sadd.s32 $0x11800, s2;
	s10 =	sadd.s32 $0x600, s0  }
0x2a4: {  	[hbm4b:s10+s4] =	stream.linear.scatter [tilespmem:s9], [sflag:$0xF], $0x80, $0x38;
	[tilespmem:$0x18000] =	vst v63  }
0x2a5: {  	s23 =	sadd.s32 $0x11A00, s2;
	s24 =	sadd.s32 $0x680, s0  }
0x2a6: {  	[hbm4b:s24+s4] =	stream.linear.scatter [tilespmem:s23], [sflag:$0xF], $0x80, $0x38;
	[tilespmem:$0x18000] =	vst v63  }
0x2a7: {  	s25 =	sadd.s32 $0x11C00, s2;
	s26 =	sadd.s32 $0x700, s0;
	s29 =	sor.u32 $0x3004, s6  }
0x2a8: {  	[hbm4b:s26+s4] =	stream.linear.scatter [tilespmem:s25], [sflag:$0xF], $0x80, $0x38;
	[tilespmem:$0x18000] =	vst v63  }
0x2a9: {  	s28 =	sadd.s32 $0x11E00, s2;
	s0 =	sadd.s32 $0x780, s0;
	s6 =	sshll.u32 s29, $0x4  }
0x2aa: {  	[hbm4b:s0+s4] =	stream.linear.scatter [tilespmem:s28], [sflag:$0xF], $0x80, $0x38;
	[tilespmem:$0x18000] =	vst v63  }
0x2ab: {  	s6 =	sand.u32 $0x70, s6;
	s0 =	sshll.u32 s29, $0x8  }
0x2ac: {  	s6 =	sadd.s32 s3, s6;
	s0 =	sand.u32 $0xFFF8000, s0  }
0x2ad: {  	s30 =	sadd.s32 $0x12000, s2;
	s0 =	sadd.s32 s0, s6  }
0x2ae: {  	[hbm4b:s0+s4] =	stream.linear.scatter [tilespmem:s30], [sflag:$0x10], $0x80, $0x38;
	[tilespmem:$0x18000] =	vst v63  }
0x2af: {  	s7 =	sadd.s32 $0x12200, s2;
	s9 =	sadd.s32 $0x80, s0  }
0x2b0: {  	[hbm4b:s9+s4] =	stream.linear.scatter [tilespmem:s7], [sflag:$0x10], $0x80, $0x38;
	[tilespmem:$0x18000] =	vst v63  }
0x2b1: {  	s10 =	sadd.s32 $0x12400, s2;
	s23 =	sadd.s32 $0x100, s0  }
0x2b2: {  	[hbm4b:s23+s4] =	stream.linear.scatter [tilespmem:s10], [sflag:$0x10], $0x80, $0x38;
	[tilespmem:$0x18000] =	vst v63  }
0x2b3: {  	s24 =	sadd.s32 $0x12600, s2;
	s25 =	sadd.s32 $0x180, s0  }
0x2b4: {  	[hbm4b:s25+s4] =	stream.linear.scatter [tilespmem:s24], [sflag:$0x10], $0x80, $0x38;
	[tilespmem:$0x18000] =	vst v63  }
0x2b5: {  	s26 =	sadd.s32 $0x12800, s2;
	s28 =	sadd.s32 $0x200, s0  }
0x2b6: {  	[hbm4b:s28+s4] =	stream.linear.scatter [tilespmem:s26], [sflag:$0x10], $0x80, $0x38;
	[tilespmem:$0x18000] =	vst v63  }
0x2b7: {  	s29 =	sadd.s32 $0x12A00, s2;
	s30 =	sadd.s32 $0x280, s0  }
0x2b8: {  	[hbm4b:s30+s4] =	stream.linear.scatter [tilespmem:s29], [sflag:$0x10], $0x80, $0x38;
	[tilespmem:$0x18000] =	vst v63  }
0x2b9: {  	s7 =	sadd.s32 $0x12C00, s2;
	s9 =	sadd.s32 $0x300, s0  }
0x2ba: {  	[hbm4b:s9+s4] =	stream.linear.scatter [tilespmem:s7], [sflag:$0x10], $0x80, $0x38;
	[tilespmem:$0x18000] =	vst v63  }
0x2bb: {  	s10 =	sadd.s32 $0x12E00, s2;
	s23 =	sadd.s32 $0x380, s0  }
0x2bc: {  	[hbm4b:s23+s4] =	stream.linear.scatter [tilespmem:s10], [sflag:$0x10], $0x80, $0x38;
	[tilespmem:$0x18000] =	vst v63  }
0x2bd: {  	s24 =	sadd.s32 $0x13000, s2;
	s25 =	sadd.s32 $0x400, s0  }
0x2be: {  	[hbm4b:s25+s4] =	stream.linear.scatter [tilespmem:s24], [sflag:$0x10], $0x80, $0x38;
	[tilespmem:$0x18000] =	vst v63  }
0x2bf: {  	s26 =	sadd.s32 $0x13200, s2;
	s28 =	sadd.s32 $0x480, s0  }
0x2c0: {  	[hbm4b:s28+s4] =	stream.linear.scatter [tilespmem:s26], [sflag:$0x10], $0x80, $0x38;
	[tilespmem:$0x18000] =	vst v63  }
0x2c1: {  	s29 =	sadd.s32 $0x13400, s2;
	s30 =	sadd.s32 $0x500, s0  }
0x2c2: {  	[hbm4b:s30+s4] =	stream.linear.scatter [tilespmem:s29], [sflag:$0x10], $0x80, $0x38;
	[tilespmem:$0x18000] =	vst v63  }
0x2c3: {  	s19 =	sadd.s32 $0x1, s19;
	s9 =	sadd.s32 $0x13600, s2;
	s10 =	sadd.s32 $0x580, s0  }
0x2c4: {  	[hbm4b:s10+s4] =	stream.linear.scatter [tilespmem:s9], [sflag:$0x10], $0x80, $0x38;
	[tilespmem:$0x18000] =	vst v63  }
0x2c5: {  	s20 =	sadd.s32 $0x80, s20;
	s23 =	sadd.s32 $0x13800, s2;
	s24 =	sadd.s32 $0x600, s0  }
0x2c6: {  	[hbm4b:s24+s4] =	stream.linear.scatter [tilespmem:s23], [sflag:$0x10], $0x80, $0x38;
	[tilespmem:$0x18000] =	vst v63  }
0x2c7: {  	p0 =	sne.s32 s19, $0x4;
	s25 =	sadd.s32 $0x13A00, s2;
	s26 =	sadd.s32 $0x680, s0  }
0x2c8: {  	[hbm4b:s26+s4] =	stream.linear.scatter [tilespmem:s25], [sflag:$0x10], $0x80, $0x38;
	[tilespmem:$0x18000] =	vst v63  }
.Ltmp5:
0x2c9: {  	s21 =	sadd.s32 $0x80, s21;
	s22 =	sadd.s32 $0x80, s22;
	(pc) =	sbr.rel @p0 .LBB2_6-.Ltmp5, $4  }
0x2ca: {  	s31 =	sadd.s32 $0x80, s31;
	s28 =	sadd.s32 $0x13C00, s2;
	s29 =	sadd.s32 $0x700, s0  }
0x2cb: {  	[hbm4b:s29+s4] =	stream.linear.scatter [tilespmem:s28], [sflag:$0x10], $0x80, $0x38;
	[tilespmem:$0x18000] =	vst v63  }
0x2cc: {  	s11 =	sadd.s32 $0x80, s11;
	s30 =	sadd.s32 $0x13E00, s2;
	s0 =	sadd.s32 $0x780, s0  }
0x2cd: {  	[hbm4b:s0+s4] =	stream.linear.scatter [tilespmem:s30], [sflag:$0x10], $0x80, $0x38;
	[tilespmem:$0x18000] =	vst v63  }
0x2ce: {  	s0 =	rddreg [dreg:$0xd];
	s2 =	simm.s32 $0x200  }
0x2cf: {  	s6 =	simm.s32 $0x400;
	s7 =	simm.s32 $0x16000;
	s19 =	simm.s32 $0x1  }
0x2d0: {  	[tilespmem:s7], [sflag:$0x12] =	stream.strided.gather [hbm4b:s0+s2], $0x2000, s6, s2, $0x38;
	[tilespmem:$0x18000] =	vst v63  }
.LBB2_10:
0x2d1: {  	s0 =	simm.s32 $0x11  }
0x2d2: {  	_ =	swait.ge [sflag:s0], $0x2000  }
0x2d3: {  	[sflag:s0] =	ssyncset.done $0x0  }
0x2d4: {  	s12 =	simm.s32 $0x1;
	[sflag:s0] =	ssyncadd.s32 $0xFFFFE000  }
0x2d5: {  	_ =	swait.ge [sflag:s12], $0x2000  }
0x2d6: {  	[sflag:s12] =	ssyncset.done $0x0  }
0x2d7: {  	s20 =	simm.s32 $0x2;
	[sflag:s12] =	ssyncadd.s32 $0xFFFFE000  }
0x2d8: {  	_ =	swait.ge [sflag:s20], $0x2000  }
0x2d9: {  	[sflag:s20] =	ssyncset.done $0x0  }
0x2da: {  	s21 =	simm.s32 $0x3;
	[sflag:s20] =	ssyncadd.s32 $0xFFFFE000  }
0x2db: {  	_ =	swait.ge [sflag:s21], $0x2000  }
0x2dc: {  	[sflag:s21] =	ssyncset.done $0x0  }
0x2dd: {  	s22 =	simm.s32 $0x4;
	[sflag:s21] =	ssyncadd.s32 $0xFFFFE000  }
0x2de: {  	_ =	swait.ge [sflag:s22], $0x2000  }
0x2df: {  	[sflag:s22] =	ssyncset.done $0x0  }
0x2e0: {  	s2 =	simm.s32 $0xD;
	[sflag:s22] =	ssyncadd.s32 $0xFFFFE000  }
0x2e1: {  	s22 =	sshllo.u32 s19, $0x1;
	_ =	swait.ge [sflag:s2], $0x2000  }
0x2e2: {  	s23 =	sshll.u32 s22, $0x7;
	[sflag:s2] =	ssyncset.done $0x0  }
0x2e3: {  	s0 =	sand.u32 $0x3FFFFF80, s23;
	[sflag:s2] =	ssyncadd.s32 $0xFFFFE000  }
0x2e4: {  	v2 =	vld.msk [tilespmem:s0+$0x0], $0xf;
	_ =	sdelay $0x4  }
0x2e5: {  	v3 =	vshll.u32 v2, $0x4  }
0x2e6: {  	v2 =	vand.u32 $0x7, v2;
	v3 =	vand.u32 $0xFFFFFF80, v3  }
0x2e7: {  	v2 =	vor.u32 v2, v3  }
0x2e8: {  	v2 =	vperm.xlane v2, v0;
	_ =	sdelay $0x1  }
0x2e9: {  	v2 =	vadd.s32 v1, v2;
	_ =	sdelay $0x3  }
0x2ea: {  	s24 =	simm.s32 $0xC000;
	s21 =	simm.s32 $0x0  }
0x2eb: {  	[tilespmem:s24], [sflag:$0x5] =	stream.indirect_vreg.gather [hbm4b:s1+s21], $0x80, v2, vm0, $0xb8;
	[tilespmem:$0x18000] =	vst v63  }
0x2ec: {  	s25 =	simm.s32 $0xC800  }
0x2ed: {  	[tilespmem:s25], [sflag:$0x5] =	stream.indirect_vreg.gather [hbm4b:s13+s21], $0x80, v2, vm0, $0xb8;
	[tilespmem:$0x18000] =	vst v63  }
0x2ee: {  	s26 =	simm.s32 $0xD000  }
0x2ef: {  	[tilespmem:s26], [sflag:$0x5] =	stream.indirect_vreg.gather [hbm4b:s14+s21], $0x80, v2, vm0, $0xb8;
	[tilespmem:$0x18000] =	vst v63  }
0x2f0: {  	s28 =	simm.s32 $0xD800;
	s29 =	simm.s32 $0xE  }
0x2f1: {  	[tilespmem:s28], [sflag:$0x5] =	stream.indirect_vreg.gather [hbm4b:s15+s21], $0x80, v2, vm0, $0xb8;
	[tilespmem:$0x18000] =	vst v63  }
0x2f2: {  	_ =	swait.ge [sflag:s29], $0x2000  }
0x2f3: {  	s30 =	sshll.u32 s19, $0x8;
	[sflag:s29] =	ssyncset.done $0x0  }
0x2f4: {  	s20 =	sand.u32 $0x3FFFFF00, s30;
	[sflag:s29] =	ssyncadd.s32 $0xFFFFE000  }
0x2f5: {  	v2 =	vld.msk [tilespmem:s20+$0x1080], $0xf;
	_ =	sdelay $0x4  }
0x2f6: {  	v3 =	vshll.u32 v2, $0x4  }
0x2f7: {  	v2 =	vand.u32 $0x7, v2;
	v3 =	vand.u32 $0xFFFFFF80, v3  }
0x2f8: {  	v2 =	vor.u32 v2, v3  }
0x2f9: {  	v2 =	vperm.xlane v2, v0;
	_ =	sdelay $0x1  }
0x2fa: {  	v2 =	vadd.s32 v1, v2;
	_ =	sdelay $0x3  }
0x2fb: {  	s2 =	simm.s32 $0xE000  }
0x2fc: {  	[tilespmem:s2], [sflag:$0x6] =	stream.indirect_vreg.gather [hbm4b:s1+s21], $0x80, v2, vm0, $0xb8;
	[tilespmem:$0x18000] =	vst v63  }
0x2fd: {  	s6 =	simm.s32 $0xE800  }
0x2fe: {  	[tilespmem:s6], [sflag:$0x6] =	stream.indirect_vreg.gather [hbm4b:s13+s21], $0x80, v2, vm0, $0xb8;
	[tilespmem:$0x18000] =	vst v63  }
0x2ff: {  	s7 =	simm.s32 $0xF000  }
0x300: {  	[tilespmem:s7], [sflag:$0x6] =	stream.indirect_vreg.gather [hbm4b:s14+s21], $0x80, v2, vm0, $0xb8;
	[tilespmem:$0x18000] =	vst v63  }
0x301: {  	s9 =	simm.s32 $0xF800;
	s10 =	simm.s32 $0xF  }
0x302: {  	[tilespmem:s9], [sflag:$0x6] =	stream.indirect_vreg.gather [hbm4b:s15+s21], $0x80, v2, vm0, $0xb8;
	[tilespmem:$0x18000] =	vst v63  }
0x303: {  	_ =	swait.ge [sflag:s10], $0x2000  }
0x304: {  	[sflag:s10] =	ssyncset.done $0x0  }
0x305: {  	[sflag:s10] =	ssyncadd.s32 $0xFFFFE000  }
0x306: {  	v2 =	vld.msk [tilespmem:s20+$0x2080], $0xf;
	_ =	sdelay $0x4  }
0x307: {  	v3 =	vshll.u32 v2, $0x4  }
0x308: {  	v2 =	vand.u32 $0x7, v2;
	v3 =	vand.u32 $0xFFFFFF80, v3  }
0x309: {  	v2 =	vor.u32 v2, v3  }
0x30a: {  	v2 =	vperm.xlane v2, v0;
	_ =	sdelay $0x1  }
0x30b: {  	v2 =	vadd.s32 v1, v2;
	_ =	sdelay $0x3  }
0x30c: {  	s11 =	simm.s32 $0x10000  }
0x30d: {  	[tilespmem:s11], [sflag:$0x7] =	stream.indirect_vreg.gather [hbm4b:s1+s21], $0x80, v2, vm0, $0xb8;
	[tilespmem:$0x18000] =	vst v63  }
0x30e: {  	s12 =	simm.s32 $0x10800  }
0x30f: {  	[tilespmem:s12], [sflag:$0x7] =	stream.indirect_vreg.gather [hbm4b:s13+s21], $0x80, v2, vm0, $0xb8;
	[tilespmem:$0x18000] =	vst v63  }
0x310: {  	s23 =	simm.s32 $0x11000  }
0x311: {  	[tilespmem:s23], [sflag:$0x7] =	stream.indirect_vreg.gather [hbm4b:s14+s21], $0x80, v2, vm0, $0xb8;
	[tilespmem:$0x18000] =	vst v63  }
0x312: {  	s24 =	simm.s32 $0x11800;
	s25 =	simm.s32 $0x10  }
0x313: {  	[tilespmem:s24], [sflag:$0x7] =	stream.indirect_vreg.gather [hbm4b:s15+s21], $0x80, v2, vm0, $0xb8;
	[tilespmem:$0x18000] =	vst v63  }
0x314: {  	_ =	swait.ge [sflag:s25], $0x2000  }
0x315: {  	[sflag:s25] =	ssyncset.done $0x0  }
0x316: {  	[sflag:s25] =	ssyncadd.s32 $0xFFFFE000  }
0x317: {  	v2 =	vld.msk [tilespmem:s20+$0x3080], $0xf;
	_ =	sdelay $0x4  }
0x318: {  	v3 =	vshll.u32 v2, $0x4  }
0x319: {  	v2 =	vand.u32 $0x7, v2;
	v3 =	vand.u32 $0xFFFFFF80, v3  }
0x31a: {  	v2 =	vor.u32 v2, v3  }
0x31b: {  	v2 =	vperm.xlane v2, v0;
	_ =	sdelay $0x1  }
0x31c: {  	v2 =	vadd.s32 v1, v2;
	_ =	sdelay $0x3  }
0x31d: {  	s31 =	sshll.u32 s19, $0xB;
	s30 =	simm.s32 $0x13800;
	s26 =	simm.s32 $0x12000  }
0x31e: {  	[tilespmem:s26], [sflag:$0x8] =	stream.indirect_vreg.gather [hbm4b:s1+s21], $0x80, v2, vm0, $0xb8;
	[tilespmem:$0x18000] =	vst v63  }
0x31f: {  	s28 =	simm.s32 $0x12800;
	s29 =	simm.s32 $0x13000;
	s2 =	sadd.s32 s8, s31  }
0x320: {  	[tilespmem:s28], [sflag:$0x8] =	stream.indirect_vreg.gather [hbm4b:s13+s21], $0x80, v2, vm0, $0xb8;
	[tilespmem:$0x18000] =	vst v63  }
0x321: {  	s6 =	simm.s32 $0x4000;
	s7 =	simm.s32 $0x14070;
	s11 =	sshll.u32 s19, $0x1  }
0x322: {  	[tilespmem:s29], [sflag:$0x8] =	stream.indirect_vreg.gather [hbm4b:s14+s21], $0x80, v2, vm0, $0xb8;
	[tilespmem:$0x18000] =	vst v63  }
0x323: {  	s23 =	simm.s32 $0xA000;
	s24 =	simm.s32 $0x8000;
	s25 =	simm.s32 $0x6000  }
0x324: {  	[tilespmem:s30], [sflag:$0x8] =	stream.indirect_vreg.gather [hbm4b:s15+s21], $0x80, v2, vm0, $0xb8;
	[tilespmem:$0x18000] =	vst v63  }
.LBB2_11:
0x325: {  	v2 =	vmov s7;
	_ =	sdelay $0x3  }
0x326: {  	s0 =	simm.s32 $0x0  }
0x327: {  	v3 =	vld.idx.msk [tilespmem:v2+s0+$0x0 ss:$0x1], $0xffff  }
0x328: {  	v4 =	vld.idx.msk [tilespmem:v2+s0+$0xFFFFFFE0 ss:$0x1], $0xffff  }
0x329: {  	v5 =	vld.idx.msk [tilespmem:v2+s0+$0xFFFFFF90 ss:$0x1], $0xffff  }
0x32a: {  	v6 =	vld.idx.msk [tilespmem:v2+s0+$0xFFFFFFC0 ss:$0x1], $0xffff  }
0x32b: {  	v7 =	vld.idx.msk [tilespmem:v2+s0+$0xFFFFFFA0 ss:$0x1], $0xffff  }
0x32c: {  	v8 =	vld.idx.msk [tilespmem:v2+s0+$0xFFFFFFB0 ss:$0x1], $0xffff  }
0x32d: {  	v9 =	vld.idx.msk [tilespmem:v2+s0+$0xFFFFFFF0 ss:$0x1], $0xffff  }
0x32e: {  	s9 =	sadd.s32 $0x0, s6;
	v10 =	vld.idx.msk [tilespmem:v2+s0+$0xFFFFFFD0 ss:$0x1], $0xffff  }
0x32f: {  	s10 =	sadd.s32 $0x0, s25;
	[tilespmem:s9+$0x0] =	vst.add.f32.msk $0xffff, v5  }
0x330: {  	s30 =	sadd.s32 $0x0, s24;
	[tilespmem:s10+$0x0] =	vst.add.f32.msk $0xffff, v5  }
0x331: {  	s0 =	sadd.s32 $0x0, s23;
	[tilespmem:s30+$0x0] =	vst.add.f32.msk $0xffff, v5  }
0x332: {  	[tilespmem:s0+$0x0] =	vst.add.f32.msk $0xffff, v5  }
0x333: {  	[tilespmem:s9+$0x10] =	vst.add.f32.msk $0xffff, v7  }
0x334: {  	[tilespmem:s10+$0x10] =	vst.add.f32.msk $0xffff, v7  }
0x335: {  	[tilespmem:s30+$0x10] =	vst.add.f32.msk $0xffff, v7  }
0x336: {  	[tilespmem:s0+$0x10] =	vst.add.f32.msk $0xffff, v7  }
0x337: {  	[tilespmem:s9+$0x20] =	vst.add.f32.msk $0xffff, v8  }
0x338: {  	[tilespmem:s10+$0x20] =	vst.add.f32.msk $0xffff, v8  }
0x339: {  	[tilespmem:s30+$0x20] =	vst.add.f32.msk $0xffff, v8  }
0x33a: {  	[tilespmem:s0+$0x20] =	vst.add.f32.msk $0xffff, v8  }
0x33b: {  	[tilespmem:s9+$0x30] =	vst.add.f32.msk $0xffff, v6  }
0x33c: {  	[tilespmem:s10+$0x30] =	vst.add.f32.msk $0xffff, v6  }
0x33d: {  	[tilespmem:s30+$0x30] =	vst.add.f32.msk $0xffff, v6  }
0x33e: {  	[tilespmem:s0+$0x30] =	vst.add.f32.msk $0xffff, v6  }
0x33f: {  	[tilespmem:s9+$0x40] =	vst.add.f32.msk $0xffff, v10  }
0x340: {  	[tilespmem:s10+$0x40] =	vst.add.f32.msk $0xffff, v10  }
0x341: {  	[tilespmem:s30+$0x40] =	vst.add.f32.msk $0xffff, v10  }
0x342: {  	[tilespmem:s0+$0x40] =	vst.add.f32.msk $0xffff, v10  }
0x343: {  	[tilespmem:s9+$0x50] =	vst.add.f32.msk $0xffff, v4  }
0x344: {  	[tilespmem:s10+$0x50] =	vst.add.f32.msk $0xffff, v4  }
0x345: {  	[tilespmem:s30+$0x50] =	vst.add.f32.msk $0xffff, v4  }
0x346: {  	[tilespmem:s0+$0x50] =	vst.add.f32.msk $0xffff, v4  }
0x347: {  	[tilespmem:s9+$0x60] =	vst.add.f32.msk $0xffff, v9  }
0x348: {  	[tilespmem:s10+$0x60] =	vst.add.f32.msk $0xffff, v9  }
0x349: {  	[tilespmem:s30+$0x60] =	vst.add.f32.msk $0xffff, v9  }
0x34a: {  	[tilespmem:s0+$0x60] =	vst.add.f32.msk $0xffff, v9  }
0x34b: {  	[tilespmem:s9+$0x70] =	vst.add.f32.msk $0xffff, v3  }
0x34c: {  	[tilespmem:s10+$0x70] =	vst.add.f32.msk $0xffff, v3  }
0x34d: {  	s9 =	sshll.u32 s21, $0x7;
	s10 =	simm.s32 $0x800;
	[tilespmem:s30+$0x70] =	vst.add.f32.msk $0xffff, v3  }
.LBB2_12:
0x34e: {  	s30 =	sshra.s32 s10, $0x2;
	p0 =	sne.s32 s10, $0x7800;
	s10 =	sadd.s32 $0x800, s10;
	[tilespmem:s0+$0x70] =	vst.add.f32.msk $0xffff, v3  }
0x34f: {  	v3 =	vld.idx.msk [tilespmem:v2+s30+$0x0 ss:$0x1], $0xffff  }
0x350: {  	v4 =	vld.idx.msk [tilespmem:v2+s30+$0xFFFFFFE0 ss:$0x1], $0xffff  }
0x351: {  	v5 =	vld.idx.msk [tilespmem:v2+s30+$0xFFFFFF90 ss:$0x1], $0xffff  }
0x352: {  	v6 =	vld.idx.msk [tilespmem:v2+s30+$0xFFFFFFC0 ss:$0x1], $0xffff  }
0x353: {  	v7 =	vld.idx.msk [tilespmem:v2+s30+$0xFFFFFFA0 ss:$0x1], $0xffff  }
0x354: {  	v8 =	vld.idx.msk [tilespmem:v2+s30+$0xFFFFFFB0 ss:$0x1], $0xffff  }
0x355: {  	v9 =	vld.idx.msk [tilespmem:v2+s30+$0xFFFFFFF0 ss:$0x1], $0xffff  }
0x356: {  	s28 =	sadd.s32 s30, s6;
	v10 =	vld.idx.msk [tilespmem:v2+s30+$0xFFFFFFD0 ss:$0x1], $0xffff  }
0x357: {  	s29 =	sadd.s32 s30, s25;
	[tilespmem:s28+$0x0] =	vst.add.f32.msk $0xffff, v5  }
0x358: {  	s12 =	sadd.s32 s30, s24;
	[tilespmem:s29+$0x0] =	vst.add.f32.msk $0xffff, v5  }
0x359: {  	s0 =	sadd.s32 s30, s23;
	[tilespmem:s12+$0x0] =	vst.add.f32.msk $0xffff, v5  }
0x35a: {  	[tilespmem:s0+$0x0] =	vst.add.f32.msk $0xffff, v5  }
0x35b: {  	[tilespmem:s28+$0x10] =	vst.add.f32.msk $0xffff, v7  }
0x35c: {  	[tilespmem:s29+$0x10] =	vst.add.f32.msk $0xffff, v7  }
0x35d: {  	[tilespmem:s12+$0x10] =	vst.add.f32.msk $0xffff, v7  }
0x35e: {  	[tilespmem:s0+$0x10] =	vst.add.f32.msk $0xffff, v7  }
0x35f: {  	[tilespmem:s28+$0x20] =	vst.add.f32.msk $0xffff, v8  }
0x360: {  	[tilespmem:s29+$0x20] =	vst.add.f32.msk $0xffff, v8  }
0x361: {  	[tilespmem:s12+$0x20] =	vst.add.f32.msk $0xffff, v8  }
0x362: {  	[tilespmem:s0+$0x20] =	vst.add.f32.msk $0xffff, v8  }
0x363: {  	[tilespmem:s28+$0x30] =	vst.add.f32.msk $0xffff, v6  }
0x364: {  	[tilespmem:s29+$0x30] =	vst.add.f32.msk $0xffff, v6  }
0x365: {  	[tilespmem:s12+$0x30] =	vst.add.f32.msk $0xffff, v6  }
0x366: {  	[tilespmem:s0+$0x30] =	vst.add.f32.msk $0xffff, v6  }
0x367: {  	[tilespmem:s28+$0x40] =	vst.add.f32.msk $0xffff, v10  }
0x368: {  	[tilespmem:s29+$0x40] =	vst.add.f32.msk $0xffff, v10  }
0x369: {  	[tilespmem:s12+$0x40] =	vst.add.f32.msk $0xffff, v10  }
0x36a: {  	[tilespmem:s0+$0x40] =	vst.add.f32.msk $0xffff, v10  }
0x36b: {  	[tilespmem:s28+$0x50] =	vst.add.f32.msk $0xffff, v4  }
0x36c: {  	[tilespmem:s29+$0x50] =	vst.add.f32.msk $0xffff, v4  }
0x36d: {  	[tilespmem:s12+$0x50] =	vst.add.f32.msk $0xffff, v4  }
0x36e: {  	[tilespmem:s0+$0x50] =	vst.add.f32.msk $0xffff, v4  }
0x36f: {  	[tilespmem:s28+$0x60] =	vst.add.f32.msk $0xffff, v9  }
0x370: {  	[tilespmem:s29+$0x60] =	vst.add.f32.msk $0xffff, v9  }
.Ltmp6:
0x371: {  	[tilespmem:s12+$0x60] =	vst.add.f32.msk $0xffff, v9;
	(pc) =	sbr.rel @p0 .LBB2_12-.Ltmp6, $4  }
0x372: {  	[tilespmem:s0+$0x60] =	vst.add.f32.msk $0xffff, v9  }
0x373: {  	[tilespmem:s28+$0x70] =	vst.add.f32.msk $0xffff, v3  }
0x374: {  	[tilespmem:s29+$0x70] =	vst.add.f32.msk $0xffff, v3  }
0x375: {  	[tilespmem:s12+$0x70] =	vst.add.f32.msk $0xffff, v3  }
0x376: {  	s10 =	sshll.u32 s21, $0x4  }
0x377: {  	s30 =	sadd.s32 s2, s10  }
0x378: {  	[tilespmem:s0+$0x70] =	vst.add.f32.msk $0xffff, v3;
	s28 =	sadd.s32 $0x4000, s9;
	s10 =	sadd.s32 s3, s30  }
0x379: {  	[hbm4b:s10+s4] =	stream.linear.scatter [tilespmem:s28], [sflag:$0x9], $0x80, $0x38;
	[tilespmem:$0x18000] =	vst v63  }
0x37a: {  	s29 =	sadd.s32 $0x4200, s9;
	s12 =	sadd.s32 $0x80, s10  }
0x37b: {  	[hbm4b:s12+s4] =	stream.linear.scatter [tilespmem:s29], [sflag:$0x9], $0x80, $0x38;
	[tilespmem:$0x18000] =	vst v63  }
0x37c: {  	s26 =	sadd.s32 $0x100, s10;
	s12 =	sadd.s32 $0x4400, s9  }
0x37d: {  	[hbm4b:s26+s4] =	stream.linear.scatter [tilespmem:s12], [sflag:$0x9], $0x80, $0x38;
	[tilespmem:$0x18000] =	vst v63  }
0x37e: {  	s28 =	sadd.s32 $0x4600, s9;
	s29 =	sadd.s32 $0x180, s10  }
0x37f: {  	[hbm4b:s29+s4] =	stream.linear.scatter [tilespmem:s28], [sflag:$0x9], $0x80, $0x38;
	[tilespmem:$0x18000] =	vst v63  }
0x380: {  	s12 =	sadd.s32 $0x4800, s9;
	s26 =	sadd.s32 $0x200, s10  }
0x381: {  	[hbm4b:s26+s4] =	stream.linear.scatter [tilespmem:s12], [sflag:$0x9], $0x80, $0x38;
	[tilespmem:$0x18000] =	vst v63  }
0x382: {  	s28 =	sadd.s32 $0x4A00, s9;
	s29 =	sadd.s32 $0x280, s10  }
0x383: {  	[hbm4b:s29+s4] =	stream.linear.scatter [tilespmem:s28], [sflag:$0x9], $0x80, $0x38;
	[tilespmem:$0x18000] =	vst v63  }
0x384: {  	s12 =	sadd.s32 $0x4C00, s9;
	s26 =	sadd.s32 $0x300, s10  }
0x385: {  	[hbm4b:s26+s4] =	stream.linear.scatter [tilespmem:s12], [sflag:$0x9], $0x80, $0x38;
	[tilespmem:$0x18000] =	vst v63  }
0x386: {  	s28 =	sadd.s32 $0x4E00, s9;
	s29 =	sadd.s32 $0x380, s10  }
0x387: {  	[hbm4b:s29+s4] =	stream.linear.scatter [tilespmem:s28], [sflag:$0x9], $0x80, $0x38;
	[tilespmem:$0x18000] =	vst v63  }
0x388: {  	s12 =	sadd.s32 $0x5000, s9;
	s26 =	sadd.s32 $0x400, s10  }
0x389: {  	[hbm4b:s26+s4] =	stream.linear.scatter [tilespmem:s12], [sflag:$0x9], $0x80, $0x38;
	[tilespmem:$0x18000] =	vst v63  }
0x38a: {  	s28 =	sadd.s32 $0x5200, s9;
	s29 =	sadd.s32 $0x480, s10  }
0x38b: {  	[hbm4b:s29+s4] =	stream.linear.scatter [tilespmem:s28], [sflag:$0x9], $0x80, $0x38;
	[tilespmem:$0x18000] =	vst v63  }
0x38c: {  	s12 =	sadd.s32 $0x5400, s9;
	s26 =	sadd.s32 $0x500, s10  }
0x38d: {  	[hbm4b:s26+s4] =	stream.linear.scatter [tilespmem:s12], [sflag:$0x9], $0x80, $0x38;
	[tilespmem:$0x18000] =	vst v63  }
0x38e: {  	s28 =	sadd.s32 $0x5600, s9;
	s29 =	sadd.s32 $0x580, s10  }
0x38f: {  	[hbm4b:s29+s4] =	stream.linear.scatter [tilespmem:s28], [sflag:$0x9], $0x80, $0x38;
	[tilespmem:$0x18000] =	vst v63  }
0x390: {  	s12 =	sadd.s32 $0x5800, s9;
	s26 =	sadd.s32 $0x600, s10  }
0x391: {  	[hbm4b:s26+s4] =	stream.linear.scatter [tilespmem:s12], [sflag:$0x9], $0x80, $0x38;
	[tilespmem:$0x18000] =	vst v63  }
0x392: {  	s28 =	sadd.s32 $0x5A00, s9;
	s29 =	sadd.s32 $0x680, s10  }
0x393: {  	[hbm4b:s29+s4] =	stream.linear.scatter [tilespmem:s28], [sflag:$0x9], $0x80, $0x38;
	[tilespmem:$0x18000] =	vst v63  }
0x394: {  	s26 =	sadd.s32 $0x5C00, s9;
	s28 =	sadd.s32 $0x700, s10  }
0x395: {  	[hbm4b:s28+s4] =	stream.linear.scatter [tilespmem:s26], [sflag:$0x9], $0x80, $0x38;
	[tilespmem:$0x18000] =	vst v63  }
0x396: {  	s12 =	sor.u32 $0x100000, s30;
	s29 =	sadd.s32 $0x5E00, s9;
	s10 =	sadd.s32 $0x780, s10  }
0x397: {  	[hbm4b:s10+s4] =	stream.linear.scatter [tilespmem:s29], [sflag:$0x9], $0x80, $0x38;
	[tilespmem:$0x18000] =	vst v63  }
0x398: {  	s0 =	sadd.s32 s3, s12;
	s26 =	sadd.s32 $0x6000, s9  }
0x399: {  	[hbm4b:s0+s4] =	stream.linear.scatter [tilespmem:s26], [sflag:$0xA], $0x80, $0x38;
	[tilespmem:$0x18000] =	vst v63  }
0x39a: {  	s28 =	sadd.s32 $0x6200, s9;
	s29 =	sadd.s32 $0x80, s0  }
0x39b: {  	[hbm4b:s29+s4] =	stream.linear.scatter [tilespmem:s28], [sflag:$0xA], $0x80, $0x38;
	[tilespmem:$0x18000] =	vst v63  }
0x39c: {  	s12 =	sadd.s32 $0x6400, s9;
	s26 =	sadd.s32 $0x100, s0  }
0x39d: {  	[hbm4b:s26+s4] =	stream.linear.scatter [tilespmem:s12], [sflag:$0xA], $0x80, $0x38;
	[tilespmem:$0x18000] =	vst v63  }
0x39e: {  	s28 =	sadd.s32 $0x6600, s9;
	s29 =	sadd.s32 $0x180, s0  }
0x39f: {  	[hbm4b:s29+s4] =	stream.linear.scatter [tilespmem:s28], [sflag:$0xA], $0x80, $0x38;
	[tilespmem:$0x18000] =	vst v63  }
0x3a0: {  	s12 =	sadd.s32 $0x6800, s9;
	s26 =	sadd.s32 $0x200, s0  }
0x3a1: {  	[hbm4b:s26+s4] =	stream.linear.scatter [tilespmem:s12], [sflag:$0xA], $0x80, $0x38;
	[tilespmem:$0x18000] =	vst v63  }
0x3a2: {  	s28 =	sadd.s32 $0x6A00, s9;
	s29 =	sadd.s32 $0x280, s0  }
0x3a3: {  	[hbm4b:s29+s4] =	stream.linear.scatter [tilespmem:s28], [sflag:$0xA], $0x80, $0x38;
	[tilespmem:$0x18000] =	vst v63  }
0x3a4: {  	s12 =	sadd.s32 $0x6C00, s9;
	s26 =	sadd.s32 $0x300, s0  }
0x3a5: {  	[hbm4b:s26+s4] =	stream.linear.scatter [tilespmem:s12], [sflag:$0xA], $0x80, $0x38;
	[tilespmem:$0x18000] =	vst v63  }
0x3a6: {  	s28 =	sadd.s32 $0x6E00, s9;
	s29 =	sadd.s32 $0x380, s0  }
0x3a7: {  	[hbm4b:s29+s4] =	stream.linear.scatter [tilespmem:s28], [sflag:$0xA], $0x80, $0x38;
	[tilespmem:$0x18000] =	vst v63  }
0x3a8: {  	s12 =	sadd.s32 $0x7000, s9;
	s26 =	sadd.s32 $0x400, s0  }
0x3a9: {  	[hbm4b:s26+s4] =	stream.linear.scatter [tilespmem:s12], [sflag:$0xA], $0x80, $0x38;
	[tilespmem:$0x18000] =	vst v63  }
0x3aa: {  	s28 =	sadd.s32 $0x7200, s9;
	s29 =	sadd.s32 $0x480, s0  }
0x3ab: {  	[hbm4b:s29+s4] =	stream.linear.scatter [tilespmem:s28], [sflag:$0xA], $0x80, $0x38;
	[tilespmem:$0x18000] =	vst v63  }
0x3ac: {  	s12 =	sadd.s32 $0x7400, s9;
	s26 =	sadd.s32 $0x500, s0  }
0x3ad: {  	[hbm4b:s26+s4] =	stream.linear.scatter [tilespmem:s12], [sflag:$0xA], $0x80, $0x38;
	[tilespmem:$0x18000] =	vst v63  }
0x3ae: {  	s28 =	sadd.s32 $0x7600, s9;
	s29 =	sadd.s32 $0x580, s0  }
0x3af: {  	[hbm4b:s29+s4] =	stream.linear.scatter [tilespmem:s28], [sflag:$0xA], $0x80, $0x38;
	[tilespmem:$0x18000] =	vst v63  }
0x3b0: {  	s12 =	sadd.s32 $0x7800, s9;
	s26 =	sadd.s32 $0x600, s0  }
0x3b1: {  	[hbm4b:s26+s4] =	stream.linear.scatter [tilespmem:s12], [sflag:$0xA], $0x80, $0x38;
	[tilespmem:$0x18000] =	vst v63  }
0x3b2: {  	s28 =	sadd.s32 $0x7A00, s9;
	s29 =	sadd.s32 $0x680, s0  }
0x3b3: {  	[hbm4b:s29+s4] =	stream.linear.scatter [tilespmem:s28], [sflag:$0xA], $0x80, $0x38;
	[tilespmem:$0x18000] =	vst v63  }
0x3b4: {  	s26 =	sadd.s32 $0x7C00, s9;
	s28 =	sadd.s32 $0x700, s0  }
0x3b5: {  	[hbm4b:s28+s4] =	stream.linear.scatter [tilespmem:s26], [sflag:$0xA], $0x80, $0x38;
	[tilespmem:$0x18000] =	vst v63  }
0x3b6: {  	s12 =	sor.u32 $0x200000, s30;
	s29 =	sadd.s32 $0x7E00, s9;
	s0 =	sadd.s32 $0x780, s0  }
0x3b7: {  	[hbm4b:s0+s4] =	stream.linear.scatter [tilespmem:s29], [sflag:$0xA], $0x80, $0x38;
	[tilespmem:$0x18000] =	vst v63  }
0x3b8: {  	s26 =	sadd.s32 $0x8000, s9;
	s0 =	sadd.s32 s3, s12  }
0x3b9: {  	[hbm4b:s0+s4] =	stream.linear.scatter [tilespmem:s26], [sflag:$0xB], $0x80, $0x38;
	[tilespmem:$0x18000] =	vst v63  }
0x3ba: {  	s28 =	sadd.s32 $0x8200, s9;
	s29 =	sadd.s32 $0x80, s0  }
0x3bb: {  	[hbm4b:s29+s4] =	stream.linear.scatter [tilespmem:s28], [sflag:$0xB], $0x80, $0x38;
	[tilespmem:$0x18000] =	vst v63  }
0x3bc: {  	s12 =	sadd.s32 $0x8400, s9;
	s26 =	sadd.s32 $0x100, s0  }
0x3bd: {  	[hbm4b:s26+s4] =	stream.linear.scatter [tilespmem:s12], [sflag:$0xB], $0x80, $0x38;
	[tilespmem:$0x18000] =	vst v63  }
0x3be: {  	s28 =	sadd.s32 $0x8600, s9;
	s29 =	sadd.s32 $0x180, s0  }
0x3bf: {  	[hbm4b:s29+s4] =	stream.linear.scatter [tilespmem:s28], [sflag:$0xB], $0x80, $0x38;
	[tilespmem:$0x18000] =	vst v63  }
0x3c0: {  	s12 =	sadd.s32 $0x8800, s9;
	s26 =	sadd.s32 $0x200, s0  }
0x3c1: {  	[hbm4b:s26+s4] =	stream.linear.scatter [tilespmem:s12], [sflag:$0xB], $0x80, $0x38;
	[tilespmem:$0x18000] =	vst v63  }
0x3c2: {  	s28 =	sadd.s32 $0x8A00, s9;
	s29 =	sadd.s32 $0x280, s0  }
0x3c3: {  	[hbm4b:s29+s4] =	stream.linear.scatter [tilespmem:s28], [sflag:$0xB], $0x80, $0x38;
	[tilespmem:$0x18000] =	vst v63  }
0x3c4: {  	s12 =	sadd.s32 $0x8C00, s9;
	s26 =	sadd.s32 $0x300, s0  }
0x3c5: {  	[hbm4b:s26+s4] =	stream.linear.scatter [tilespmem:s12], [sflag:$0xB], $0x80, $0x38;
	[tilespmem:$0x18000] =	vst v63  }
0x3c6: {  	s28 =	sadd.s32 $0x8E00, s9;
	s29 =	sadd.s32 $0x380, s0  }
0x3c7: {  	[hbm4b:s29+s4] =	stream.linear.scatter [tilespmem:s28], [sflag:$0xB], $0x80, $0x38;
	[tilespmem:$0x18000] =	vst v63  }
0x3c8: {  	s12 =	sadd.s32 $0x9000, s9;
	s26 =	sadd.s32 $0x400, s0  }
0x3c9: {  	[hbm4b:s26+s4] =	stream.linear.scatter [tilespmem:s12], [sflag:$0xB], $0x80, $0x38;
	[tilespmem:$0x18000] =	vst v63  }
0x3ca: {  	s28 =	sadd.s32 $0x9200, s9;
	s29 =	sadd.s32 $0x480, s0  }
0x3cb: {  	[hbm4b:s29+s4] =	stream.linear.scatter [tilespmem:s28], [sflag:$0xB], $0x80, $0x38;
	[tilespmem:$0x18000] =	vst v63  }
0x3cc: {  	s12 =	sadd.s32 $0x9400, s9;
	s26 =	sadd.s32 $0x500, s0  }
0x3cd: {  	[hbm4b:s26+s4] =	stream.linear.scatter [tilespmem:s12], [sflag:$0xB], $0x80, $0x38;
	[tilespmem:$0x18000] =	vst v63  }
0x3ce: {  	s28 =	sadd.s32 $0x9600, s9;
	s29 =	sadd.s32 $0x580, s0  }
0x3cf: {  	[hbm4b:s29+s4] =	stream.linear.scatter [tilespmem:s28], [sflag:$0xB], $0x80, $0x38;
	[tilespmem:$0x18000] =	vst v63  }
0x3d0: {  	s12 =	sadd.s32 $0x9800, s9;
	s26 =	sadd.s32 $0x600, s0  }
0x3d1: {  	[hbm4b:s26+s4] =	stream.linear.scatter [tilespmem:s12], [sflag:$0xB], $0x80, $0x38;
	[tilespmem:$0x18000] =	vst v63  }
0x3d2: {  	s28 =	sadd.s32 $0x9A00, s9;
	s29 =	sadd.s32 $0x680, s0  }
0x3d3: {  	[hbm4b:s29+s4] =	stream.linear.scatter [tilespmem:s28], [sflag:$0xB], $0x80, $0x38;
	[tilespmem:$0x18000] =	vst v63  }
0x3d4: {  	s26 =	sadd.s32 $0x9C00, s9;
	s28 =	sadd.s32 $0x700, s0  }
0x3d5: {  	[hbm4b:s28+s4] =	stream.linear.scatter [tilespmem:s26], [sflag:$0xB], $0x80, $0x38;
	[tilespmem:$0x18000] =	vst v63  }
0x3d6: {  	s10 =	sor.u32 $0x300000, s30;
	s29 =	sadd.s32 $0x9E00, s9;
	s0 =	sadd.s32 $0x780, s0  }
0x3d7: {  	[hbm4b:s0+s4] =	stream.linear.scatter [tilespmem:s29], [sflag:$0xB], $0x80, $0x38;
	[tilespmem:$0x18000] =	vst v63  }
0x3d8: {  	s12 =	sadd.s32 $0xA000, s9;
	s0 =	sadd.s32 s3, s10  }
0x3d9: {  	[hbm4b:s0+s4] =	stream.linear.scatter [tilespmem:s12], [sflag:$0xC], $0x80, $0x38;
	[tilespmem:$0x18000] =	vst v63  }
0x3da: {  	s26 =	sadd.s32 $0xA200, s9;
	s28 =	sadd.s32 $0x80, s0  }
0x3db: {  	[hbm4b:s28+s4] =	stream.linear.scatter [tilespmem:s26], [sflag:$0xC], $0x80, $0x38;
	[tilespmem:$0x18000] =	vst v63  }
0x3dc: {  	s29 =	sadd.s32 $0xA400, s9;
	s30 =	sadd.s32 $0x100, s0  }
0x3dd: {  	[hbm4b:s30+s4] =	stream.linear.scatter [tilespmem:s29], [sflag:$0xC], $0x80, $0x38;
	[tilespmem:$0x18000] =	vst v63  }
0x3de: {  	s26 =	sadd.s32 $0xA600, s9;
	s28 =	sadd.s32 $0x180, s0  }
0x3df: {  	[hbm4b:s28+s4] =	stream.linear.scatter [tilespmem:s26], [sflag:$0xC], $0x80, $0x38;
	[tilespmem:$0x18000] =	vst v63  }
0x3e0: {  	s29 =	sadd.s32 $0xA800, s9;
	s30 =	sadd.s32 $0x200, s0  }
0x3e1: {  	[hbm4b:s30+s4] =	stream.linear.scatter [tilespmem:s29], [sflag:$0xC], $0x80, $0x38;
	[tilespmem:$0x18000] =	vst v63  }
0x3e2: {  	s26 =	sadd.s32 $0xAA00, s9;
	s28 =	sadd.s32 $0x280, s0  }
0x3e3: {  	[hbm4b:s28+s4] =	stream.linear.scatter [tilespmem:s26], [sflag:$0xC], $0x80, $0x38;
	[tilespmem:$0x18000] =	vst v63  }
0x3e4: {  	s29 =	sadd.s32 $0xAC00, s9;
	s30 =	sadd.s32 $0x300, s0  }
0x3e5: {  	[hbm4b:s30+s4] =	stream.linear.scatter [tilespmem:s29], [sflag:$0xC], $0x80, $0x38;
	[tilespmem:$0x18000] =	vst v63  }
0x3e6: {  	s26 =	sadd.s32 $0xAE00, s9;
	s28 =	sadd.s32 $0x380, s0  }
0x3e7: {  	[hbm4b:s28+s4] =	stream.linear.scatter [tilespmem:s26], [sflag:$0xC], $0x80, $0x38;
	[tilespmem:$0x18000] =	vst v63  }
0x3e8: {  	s29 =	sadd.s32 $0xB000, s9;
	s30 =	sadd.s32 $0x400, s0  }
0x3e9: {  	[hbm4b:s30+s4] =	stream.linear.scatter [tilespmem:s29], [sflag:$0xC], $0x80, $0x38;
	[tilespmem:$0x18000] =	vst v63  }
0x3ea: {  	s26 =	sadd.s32 $0xB200, s9;
	s28 =	sadd.s32 $0x480, s0  }
0x3eb: {  	[hbm4b:s28+s4] =	stream.linear.scatter [tilespmem:s26], [sflag:$0xC], $0x80, $0x38;
	[tilespmem:$0x18000] =	vst v63  }
0x3ec: {  	s29 =	sadd.s32 $0xB400, s9;
	s30 =	sadd.s32 $0x500, s0  }
0x3ed: {  	[hbm4b:s30+s4] =	stream.linear.scatter [tilespmem:s29], [sflag:$0xC], $0x80, $0x38;
	[tilespmem:$0x18000] =	vst v63  }
0x3ee: {  	s21 =	sadd.s32 $0x1, s21;
	s26 =	sadd.s32 $0xB600, s9;
	s28 =	sadd.s32 $0x580, s0  }
0x3ef: {  	[hbm4b:s28+s4] =	stream.linear.scatter [tilespmem:s26], [sflag:$0xC], $0x80, $0x38;
	[tilespmem:$0x18000] =	vst v63  }
0x3f0: {  	s23 =	sadd.s32 $0x80, s23;
	s29 =	sadd.s32 $0xB800, s9;
	s30 =	sadd.s32 $0x600, s0  }
0x3f1: {  	[hbm4b:s30+s4] =	stream.linear.scatter [tilespmem:s29], [sflag:$0xC], $0x80, $0x38;
	[tilespmem:$0x18000] =	vst v63  }
0x3f2: {  	p0 =	sne.s32 s21, $0x4;
	s12 =	sadd.s32 $0xBA00, s9;
	s26 =	sadd.s32 $0x680, s0  }
0x3f3: {  	[hbm4b:s26+s4] =	stream.linear.scatter [tilespmem:s12], [sflag:$0xC], $0x80, $0x38;
	[tilespmem:$0x18000] =	vst v63  }
.Ltmp7:
0x3f4: {  	s24 =	sadd.s32 $0x80, s24;
	s25 =	sadd.s32 $0x80, s25;
	(pc) =	sbr.rel @p0 .LBB2_11-.Ltmp7, $4  }
0x3f5: {  	s6 =	sadd.s32 $0x80, s6;
	s28 =	sadd.s32 $0xBC00, s9;
	s29 =	sadd.s32 $0x700, s0  }
0x3f6: {  	[hbm4b:s29+s4] =	stream.linear.scatter [tilespmem:s28], [sflag:$0xC], $0x80, $0x38;
	[tilespmem:$0x18000] =	vst v63  }
0x3f7: {  	s7 =	sadd.s32 $0x80, s7;
	s30 =	sadd.s32 $0xBE00, s9;
	s0 =	sadd.s32 $0x780, s0  }
0x3f8: {  	[hbm4b:s0+s4] =	stream.linear.scatter [tilespmem:s30], [sflag:$0xC], $0x80, $0x38;
	[tilespmem:$0x18000] =	vst v63  }
0x3f9: {  	s0 =	sadd.s32 $0x2, s11;
	p0 =	seq.s32 s19, $0xF;
	s6 =	rddreg [dreg:$0x9]  }
0x3fa: {  	s25 =	simm.s32 $0x12;
	s2 =	sshll.u32 @!p0 s0, $0xA;
	s7 =	simm.s32 @!p0 $0x400  }
0x3fb: {  	s9 =	simm.s32 @!p0 $0x14000;
	s2 =	sadd.s32 @!p0 s2, s6;
	s6 =	simm.s32 @!p0 $0x200  }
0x3fc: {  	[tilespmem:s9], [sflag:$0x11] =	stream.strided.gather @!p0 [hbm4b:s2+s6], $0x2000, s7, s6, $0x38;
	[tilespmem:$0x18000] =	vst v63  }
0x3fd: {  	_ =	swait.ge [sflag:s25], $0x2000  }
0x3fe: {  	[sflag:s25] =	ssyncset.done $0x0  }
0x3ff: {  	s26 =	simm.s32 $0x5;
	[sflag:s25] =	ssyncadd.s32 $0xFFFFE000  }
0x400: {  	_ =	swait.ge [sflag:s26], $0x2000  }
0x401: {  	[sflag:s26] =	ssyncset.done $0x0  }
0x402: {  	s28 =	simm.s32 $0x6;
	[sflag:s26] =	ssyncadd.s32 $0xFFFFE000  }
0x403: {  	_ =	swait.ge [sflag:s28], $0x2000  }
0x404: {  	[sflag:s28] =	ssyncset.done $0x0  }
0x405: {  	s29 =	simm.s32 $0x7;
	[sflag:s28] =	ssyncadd.s32 $0xFFFFE000  }
0x406: {  	_ =	swait.ge [sflag:s29], $0x2000  }
.Ltmp8:
0x407: {  	[sflag:s29] =	ssyncset.done $0x0;
	(pc) =	sbr.rel @p0 .LBB2_16-.Ltmp8, $4  }
0x408: {  	s30 =	simm.s32 $0x8;
	[sflag:s29] =	ssyncadd.s32 $0xFFFFE000  }
0x409: {  	_ =	swait.ge [sflag:s30], $0x2000  }
0x40a: {  	[sflag:s30] =	ssyncset.done $0x0  }
0x40b: {  	[sflag:s30] =	ssyncadd.s32 $0xFFFFE000  }
0x40c: {  	s2 =	simm.s32 $0x9  }
0x40d: {  	_ =	swait.ge [sflag:s2], $0x2000  }
0x40e: {  	s0 =	sshll.u32 s0, $0x7;
	[sflag:s2] =	ssyncset.done $0x0  }
0x40f: {  	s0 =	sand.u32 $0x3FFFFF80, s0;
	[sflag:s2] =	ssyncadd.s32 $0xFFFFE000  }
0x410: {  	v2 =	vld.msk [tilespmem:s0+$0x0], $0xf;
	_ =	sdelay $0x4  }
0x411: {  	v3 =	vshll.u32 v2, $0x4  }
0x412: {  	v2 =	vand.u32 $0x7, v2;
	v3 =	vand.u32 $0xFFFFFF80, v3  }
0x413: {  	v2 =	vor.u32 v2, v3  }
0x414: {  	v2 =	vperm.xlane v2, v0;
	_ =	sdelay $0x1  }
0x415: {  	v2 =	vadd.s32 v1, v2;
	_ =	sdelay $0x3  }
0x416: {  	s26 =	simm.s32 $0x4000  }
0x417: {  	[tilespmem:s26], [sflag:$0x1] =	stream.indirect_vreg.gather [hbm4b:s1+s4], $0x80, v2, vm0, $0xb8;
	[tilespmem:$0x18000] =	vst v63  }
0x418: {  	s28 =	simm.s32 $0x4800  }
0x419: {  	[tilespmem:s28], [sflag:$0x1] =	stream.indirect_vreg.gather [hbm4b:s13+s4], $0x80, v2, vm0, $0xb8;
	[tilespmem:$0x18000] =	vst v63  }
0x41a: {  	s29 =	simm.s32 $0x5000  }
0x41b: {  	[tilespmem:s29], [sflag:$0x1] =	stream.indirect_vreg.gather [hbm4b:s14+s4], $0x80, v2, vm0, $0xb8;
	[tilespmem:$0x18000] =	vst v63  }
0x41c: {  	s30 =	simm.s32 $0x5800;
	s2 =	simm.s32 $0xA  }
0x41d: {  	[tilespmem:s30], [sflag:$0x1] =	stream.indirect_vreg.gather [hbm4b:s15+s4], $0x80, v2, vm0, $0xb8;
	[tilespmem:$0x18000] =	vst v63  }
0x41e: {  	_ =	swait.ge [sflag:s2], $0x2000  }
0x41f: {  	[sflag:s2] =	ssyncset.done $0x0  }
0x420: {  	[sflag:s2] =	ssyncadd.s32 $0xFFFFE000  }
0x421: {  	v2 =	vld.msk [tilespmem:s20+$0x1100], $0xf;
	_ =	sdelay $0x4  }
0x422: {  	v3 =	vshll.u32 v2, $0x4  }
0x423: {  	v2 =	vand.u32 $0x7, v2;
	v3 =	vand.u32 $0xFFFFFF80, v3  }
0x424: {  	v2 =	vor.u32 v2, v3  }
0x425: {  	v2 =	vperm.xlane v2, v0;
	_ =	sdelay $0x1  }
0x426: {  	v2 =	vadd.s32 v1, v2;
	_ =	sdelay $0x3  }
0x427: {  	s6 =	simm.s32 $0x6000  }
0x428: {  	[tilespmem:s6], [sflag:$0x2] =	stream.indirect_vreg.gather [hbm4b:s1+s4], $0x80, v2, vm0, $0xb8;
	[tilespmem:$0x18000] =	vst v63  }
0x429: {  	s7 =	simm.s32 $0x6800  }
0x42a: {  	[tilespmem:s7], [sflag:$0x2] =	stream.indirect_vreg.gather [hbm4b:s13+s4], $0x80, v2, vm0, $0xb8;
	[tilespmem:$0x18000] =	vst v63  }
0x42b: {  	s9 =	simm.s32 $0x7000  }
0x42c: {  	[tilespmem:s9], [sflag:$0x2] =	stream.indirect_vreg.gather [hbm4b:s14+s4], $0x80, v2, vm0, $0xb8;
	[tilespmem:$0x18000] =	vst v63  }
0x42d: {  	s10 =	simm.s32 $0x7800;
	s11 =	simm.s32 $0xB  }
0x42e: {  	[tilespmem:s10], [sflag:$0x2] =	stream.indirect_vreg.gather [hbm4b:s15+s4], $0x80, v2, vm0, $0xb8;
	[tilespmem:$0x18000] =	vst v63  }
0x42f: {  	_ =	swait.ge [sflag:s11], $0x2000  }
0x430: {  	[sflag:s11] =	ssyncset.done $0x0  }
0x431: {  	[sflag:s11] =	ssyncadd.s32 $0xFFFFE000  }
0x432: {  	v2 =	vld.msk [tilespmem:s20+$0x2100], $0xf;
	_ =	sdelay $0x4  }
0x433: {  	v3 =	vshll.u32 v2, $0x4  }
0x434: {  	v2 =	vand.u32 $0x7, v2;
	v3 =	vand.u32 $0xFFFFFF80, v3  }
0x435: {  	v2 =	vor.u32 v2, v3  }
0x436: {  	v2 =	vperm.xlane v2, v0;
	_ =	sdelay $0x1  }
0x437: {  	v2 =	vadd.s32 v1, v2;
	_ =	sdelay $0x3  }
0x438: {  	s12 =	simm.s32 $0x8000  }
0x439: {  	[tilespmem:s12], [sflag:$0x3] =	stream.indirect_vreg.gather [hbm4b:s1+s4], $0x80, v2, vm0, $0xb8;
	[tilespmem:$0x18000] =	vst v63  }
0x43a: {  	s21 =	simm.s32 $0x8800  }
0x43b: {  	[tilespmem:s21], [sflag:$0x3] =	stream.indirect_vreg.gather [hbm4b:s13+s4], $0x80, v2, vm0, $0xb8;
	[tilespmem:$0x18000] =	vst v63  }
0x43c: {  	s23 =	simm.s32 $0x9000  }
0x43d: {  	[tilespmem:s23], [sflag:$0x3] =	stream.indirect_vreg.gather [hbm4b:s14+s4], $0x80, v2, vm0, $0xb8;
	[tilespmem:$0x18000] =	vst v63  }
0x43e: {  	s24 =	simm.s32 $0x9800;
	s25 =	simm.s32 $0xC  }
0x43f: {  	[tilespmem:s24], [sflag:$0x3] =	stream.indirect_vreg.gather [hbm4b:s15+s4], $0x80, v2, vm0, $0xb8;
	[tilespmem:$0x18000] =	vst v63  }
0x440: {  	_ =	swait.ge [sflag:s25], $0x2000  }
0x441: {  	[sflag:s25] =	ssyncset.done $0x0  }
0x442: {  	[sflag:s25] =	ssyncadd.s32 $0xFFFFE000  }
0x443: {  	v2 =	vld.msk [tilespmem:s20+$0x3100], $0xf;
	_ =	sdelay $0x4  }
0x444: {  	v3 =	vshll.u32 v2, $0x4  }
0x445: {  	v2 =	vand.u32 $0x7, v2;
	v3 =	vand.u32 $0xFFFFFF80, v3  }
0x446: {  	v2 =	vor.u32 v2, v3  }
0x447: {  	v2 =	vperm.xlane v2, v0;
	_ =	sdelay $0x1  }
0x448: {  	v2 =	vadd.s32 v1, v2;
	_ =	sdelay $0x3  }
0x449: {  	s26 =	simm.s32 $0xA000  }
0x44a: {  	[tilespmem:s26], [sflag:$0x4] =	stream.indirect_vreg.gather [hbm4b:s1+s4], $0x80, v2, vm0, $0xb8;
	[tilespmem:$0x18000] =	vst v63  }
0x44b: {  	s28 =	simm.s32 $0xA800  }
0x44c: {  	[tilespmem:s28], [sflag:$0x4] =	stream.indirect_vreg.gather [hbm4b:s13+s4], $0x80, v2, vm0, $0xb8;
	[tilespmem:$0x18000] =	vst v63  }
0x44d: {  	s29 =	simm.s32 $0xB000  }
0x44e: {  	[tilespmem:s29], [sflag:$0x4] =	stream.indirect_vreg.gather [hbm4b:s14+s4], $0x80, v2, vm0, $0xb8;
	[tilespmem:$0x18000] =	vst v63  }
0x44f: {  	s30 =	simm.s32 $0xB800  }
0x450: {  	[tilespmem:s30], [sflag:$0x4] =	stream.indirect_vreg.gather [hbm4b:s15+s4], $0x80, v2, vm0, $0xb8;
	[tilespmem:$0x18000] =	vst v63  }
.LBB2_16:
0x451: {  	s0 =	sshll.u32 s22, $0x2;
	s24 =	simm.s32 $0x12000  }
0x452: {  	s25 =	simm.s32 $0x10000;
	s30 =	simm.s32 $0xE000;
	s11 =	sadd.s32 s5, s0  }
0x453: {  	s6 =	simm.s32 $0xC000;
	s7 =	simm.s32 $0x16070;
	s0 =	sshll.u32 s11, $0x8  }
0x454: {  	s23 =	simm.s32 $0x0;
	s2 =	sand.u32 $0xFFFF800, s0;
	s20 =	sand.u32 $0xFEFF800, s0  }
0x455: {  	s22 =	sand.u32 $0xFDFF800, s0;
	s21 =	sadd.s32 s3, s2;
	s2 =	sand.u32 $0xFCFF800, s0  }
.LBB2_17:
0x456: {  	v3 =	vmov s7;
	_ =	sdelay $0x3  }
0x457: {  	s0 =	simm.s32 $0x0  }
0x458: {  	v2 =	vld.idx.msk [tilespmem:v3+s0+$0x0 ss:$0x1], $0xffff  }
0x459: {  	v4 =	vld.idx.msk [tilespmem:v3+s0+$0xFFFFFFE0 ss:$0x1], $0xffff  }
0x45a: {  	v5 =	vld.idx.msk [tilespmem:v3+s0+$0xFFFFFF90 ss:$0x1], $0xffff  }
0x45b: {  	v6 =	vld.idx.msk [tilespmem:v3+s0+$0xFFFFFFC0 ss:$0x1], $0xffff  }
0x45c: {  	v7 =	vld.idx.msk [tilespmem:v3+s0+$0xFFFFFFA0 ss:$0x1], $0xffff  }
0x45d: {  	v8 =	vld.idx.msk [tilespmem:v3+s0+$0xFFFFFFB0 ss:$0x1], $0xffff  }
0x45e: {  	v9 =	vld.idx.msk [tilespmem:v3+s0+$0xFFFFFFF0 ss:$0x1], $0xffff  }
0x45f: {  	s9 =	sadd.s32 $0x0, s6;
	v10 =	vld.idx.msk [tilespmem:v3+s0+$0xFFFFFFD0 ss:$0x1], $0xffff  }
0x460: {  	s10 =	sadd.s32 $0x0, s30;
	[tilespmem:s9+$0x0] =	vst.add.f32.msk $0xffff, v5  }
0x461: {  	s12 =	sadd.s32 $0x0, s25;
	[tilespmem:s10+$0x0] =	vst.add.f32.msk $0xffff, v5  }
0x462: {  	s0 =	sadd.s32 $0x0, s24;
	[tilespmem:s12+$0x0] =	vst.add.f32.msk $0xffff, v5  }
0x463: {  	[tilespmem:s0+$0x0] =	vst.add.f32.msk $0xffff, v5  }
0x464: {  	[tilespmem:s9+$0x10] =	vst.add.f32.msk $0xffff, v7  }
0x465: {  	[tilespmem:s10+$0x10] =	vst.add.f32.msk $0xffff, v7  }
0x466: {  	[tilespmem:s12+$0x10] =	vst.add.f32.msk $0xffff, v7  }
0x467: {  	[tilespmem:s0+$0x10] =	vst.add.f32.msk $0xffff, v7  }
0x468: {  	[tilespmem:s9+$0x20] =	vst.add.f32.msk $0xffff, v8  }
0x469: {  	[tilespmem:s10+$0x20] =	vst.add.f32.msk $0xffff, v8  }
0x46a: {  	[tilespmem:s12+$0x20] =	vst.add.f32.msk $0xffff, v8  }
0x46b: {  	[tilespmem:s0+$0x20] =	vst.add.f32.msk $0xffff, v8  }
0x46c: {  	[tilespmem:s9+$0x30] =	vst.add.f32.msk $0xffff, v6  }
0x46d: {  	[tilespmem:s10+$0x30] =	vst.add.f32.msk $0xffff, v6  }
0x46e: {  	[tilespmem:s12+$0x30] =	vst.add.f32.msk $0xffff, v6  }
0x46f: {  	[tilespmem:s0+$0x30] =	vst.add.f32.msk $0xffff, v6  }
0x470: {  	[tilespmem:s9+$0x40] =	vst.add.f32.msk $0xffff, v10  }
0x471: {  	[tilespmem:s10+$0x40] =	vst.add.f32.msk $0xffff, v10  }
0x472: {  	[tilespmem:s12+$0x40] =	vst.add.f32.msk $0xffff, v10  }
0x473: {  	[tilespmem:s0+$0x40] =	vst.add.f32.msk $0xffff, v10  }
0x474: {  	[tilespmem:s9+$0x50] =	vst.add.f32.msk $0xffff, v4  }
0x475: {  	[tilespmem:s10+$0x50] =	vst.add.f32.msk $0xffff, v4  }
0x476: {  	[tilespmem:s12+$0x50] =	vst.add.f32.msk $0xffff, v4  }
0x477: {  	[tilespmem:s0+$0x50] =	vst.add.f32.msk $0xffff, v4  }
0x478: {  	[tilespmem:s9+$0x60] =	vst.add.f32.msk $0xffff, v9  }
0x479: {  	[tilespmem:s10+$0x60] =	vst.add.f32.msk $0xffff, v9  }
0x47a: {  	[tilespmem:s12+$0x60] =	vst.add.f32.msk $0xffff, v9  }
0x47b: {  	[tilespmem:s0+$0x60] =	vst.add.f32.msk $0xffff, v9  }
0x47c: {  	[tilespmem:s9+$0x70] =	vst.add.f32.msk $0xffff, v2  }
0x47d: {  	[tilespmem:s10+$0x70] =	vst.add.f32.msk $0xffff, v2  }
0x47e: {  	s9 =	sshll.u32 s23, $0x7;
	s10 =	simm.s32 $0x800;
	[tilespmem:s12+$0x70] =	vst.add.f32.msk $0xffff, v2  }
.LBB2_18:
0x47f: {  	s12 =	sshra.s32 s10, $0x2;
	p1 =	sne.s32 s10, $0x7800;
	s10 =	sadd.s32 $0x800, s10;
	[tilespmem:s0+$0x70] =	vst.add.f32.msk $0xffff, v2  }
0x480: {  	v2 =	vld.idx.msk [tilespmem:v3+s12+$0x0 ss:$0x1], $0xffff  }
0x481: {  	v4 =	vld.idx.msk [tilespmem:v3+s12+$0xFFFFFFE0 ss:$0x1], $0xffff  }
0x482: {  	v5 =	vld.idx.msk [tilespmem:v3+s12+$0xFFFFFF90 ss:$0x1], $0xffff  }
0x483: {  	v6 =	vld.idx.msk [tilespmem:v3+s12+$0xFFFFFFC0 ss:$0x1], $0xffff  }
0x484: {  	v7 =	vld.idx.msk [tilespmem:v3+s12+$0xFFFFFFA0 ss:$0x1], $0xffff  }
0x485: {  	v8 =	vld.idx.msk [tilespmem:v3+s12+$0xFFFFFFB0 ss:$0x1], $0xffff  }
0x486: {  	v9 =	vld.idx.msk [tilespmem:v3+s12+$0xFFFFFFF0 ss:$0x1], $0xffff  }
0x487: {  	s28 =	sadd.s32 s12, s6;
	v10 =	vld.idx.msk [tilespmem:v3+s12+$0xFFFFFFD0 ss:$0x1], $0xffff  }
0x488: {  	s29 =	sadd.s32 s12, s30;
	[tilespmem:s28+$0x0] =	vst.add.f32.msk $0xffff, v5  }
0x489: {  	s26 =	sadd.s32 s12, s25;
	[tilespmem:s29+$0x0] =	vst.add.f32.msk $0xffff, v5  }
0x48a: {  	s0 =	sadd.s32 s12, s24;
	[tilespmem:s26+$0x0] =	vst.add.f32.msk $0xffff, v5  }
0x48b: {  	[tilespmem:s0+$0x0] =	vst.add.f32.msk $0xffff, v5  }
0x48c: {  	[tilespmem:s28+$0x10] =	vst.add.f32.msk $0xffff, v7  }
0x48d: {  	[tilespmem:s29+$0x10] =	vst.add.f32.msk $0xffff, v7  }
0x48e: {  	[tilespmem:s26+$0x10] =	vst.add.f32.msk $0xffff, v7  }
0x48f: {  	[tilespmem:s0+$0x10] =	vst.add.f32.msk $0xffff, v7  }
0x490: {  	[tilespmem:s28+$0x20] =	vst.add.f32.msk $0xffff, v8  }
0x491: {  	[tilespmem:s29+$0x20] =	vst.add.f32.msk $0xffff, v8  }
0x492: {  	[tilespmem:s26+$0x20] =	vst.add.f32.msk $0xffff, v8  }
0x493: {  	[tilespmem:s0+$0x20] =	vst.add.f32.msk $0xffff, v8  }
0x494: {  	[tilespmem:s28+$0x30] =	vst.add.f32.msk $0xffff, v6  }
0x495: {  	[tilespmem:s29+$0x30] =	vst.add.f32.msk $0xffff, v6  }
0x496: {  	[tilespmem:s26+$0x30] =	vst.add.f32.msk $0xffff, v6  }
0x497: {  	[tilespmem:s0+$0x30] =	vst.add.f32.msk $0xffff, v6  }
0x498: {  	[tilespmem:s28+$0x40] =	vst.add.f32.msk $0xffff, v10  }
0x499: {  	[tilespmem:s29+$0x40] =	vst.add.f32.msk $0xffff, v10  }
0x49a: {  	[tilespmem:s26+$0x40] =	vst.add.f32.msk $0xffff, v10  }
0x49b: {  	[tilespmem:s0+$0x40] =	vst.add.f32.msk $0xffff, v10  }
0x49c: {  	[tilespmem:s28+$0x50] =	vst.add.f32.msk $0xffff, v4  }
0x49d: {  	[tilespmem:s29+$0x50] =	vst.add.f32.msk $0xffff, v4  }
0x49e: {  	[tilespmem:s26+$0x50] =	vst.add.f32.msk $0xffff, v4  }
0x49f: {  	[tilespmem:s0+$0x50] =	vst.add.f32.msk $0xffff, v4  }
0x4a0: {  	[tilespmem:s28+$0x60] =	vst.add.f32.msk $0xffff, v9  }
0x4a1: {  	[tilespmem:s29+$0x60] =	vst.add.f32.msk $0xffff, v9  }
.Ltmp9:
0x4a2: {  	[tilespmem:s26+$0x60] =	vst.add.f32.msk $0xffff, v9;
	(pc) =	sbr.rel @p1 .LBB2_18-.Ltmp9, $4  }
0x4a3: {  	[tilespmem:s0+$0x60] =	vst.add.f32.msk $0xffff, v9  }
0x4a4: {  	[tilespmem:s28+$0x70] =	vst.add.f32.msk $0xffff, v2  }
0x4a5: {  	[tilespmem:s29+$0x70] =	vst.add.f32.msk $0xffff, v2  }
0x4a6: {  	[tilespmem:s26+$0x70] =	vst.add.f32.msk $0xffff, v2  }
0x4a7: {  	s10 =	sadd.s32 s11, s23  }
0x4a8: {  	s10 =	sshll.u32 s10, $0x4  }
0x4a9: {  	s10 =	sand.u32 $0x70, s10  }
0x4aa: {  	[tilespmem:s0+$0x70] =	vst.add.f32.msk $0xffff, v2;
	s28 =	sadd.s32 $0xC000, s9;
	s12 =	sadd.s32 s10, s21  }
0x4ab: {  	[hbm4b:s12+s4] =	stream.linear.scatter [tilespmem:s28], [sflag:$0xD], $0x80, $0x38;
	[tilespmem:$0x18000] =	vst v63  }
0x4ac: {  	s29 =	sadd.s32 $0xC200, s9;
	s26 =	sadd.s32 $0x80, s12  }
0x4ad: {  	[hbm4b:s26+s4] =	stream.linear.scatter [tilespmem:s29], [sflag:$0xD], $0x80, $0x38;
	[tilespmem:$0x18000] =	vst v63  }
0x4ae: {  	s28 =	sadd.s32 $0xC400, s9;
	s29 =	sadd.s32 $0x100, s12  }
0x4af: {  	[hbm4b:s29+s4] =	stream.linear.scatter [tilespmem:s28], [sflag:$0xD], $0x80, $0x38;
	[tilespmem:$0x18000] =	vst v63  }
0x4b0: {  	s28 =	sadd.s32 $0xC600, s9;
	s29 =	sadd.s32 $0x180, s12  }
0x4b1: {  	[hbm4b:s29+s4] =	stream.linear.scatter [tilespmem:s28], [sflag:$0xD], $0x80, $0x38;
	[tilespmem:$0x18000] =	vst v63  }
0x4b2: {  	s28 =	sadd.s32 $0xC800, s9;
	s29 =	sadd.s32 $0x200, s12  }
0x4b3: {  	[hbm4b:s29+s4] =	stream.linear.scatter [tilespmem:s28], [sflag:$0xD], $0x80, $0x38;
	[tilespmem:$0x18000] =	vst v63  }
0x4b4: {  	s28 =	sadd.s32 $0xCA00, s9;
	s29 =	sadd.s32 $0x280, s12  }
0x4b5: {  	[hbm4b:s29+s4] =	stream.linear.scatter [tilespmem:s28], [sflag:$0xD], $0x80, $0x38;
	[tilespmem:$0x18000] =	vst v63  }
0x4b6: {  	s28 =	sadd.s32 $0xCC00, s9;
	s29 =	sadd.s32 $0x300, s12  }
0x4b7: {  	[hbm4b:s29+s4] =	stream.linear.scatter [tilespmem:s28], [sflag:$0xD], $0x80, $0x38;
	[tilespmem:$0x18000] =	vst v63  }
0x4b8: {  	s28 =	sadd.s32 $0xCE00, s9;
	s29 =	sadd.s32 $0x380, s12  }
0x4b9: {  	[hbm4b:s29+s4] =	stream.linear.scatter [tilespmem:s28], [sflag:$0xD], $0x80, $0x38;
	[tilespmem:$0x18000] =	vst v63  }
0x4ba: {  	s28 =	sadd.s32 $0xD000, s9;
	s29 =	sadd.s32 $0x400, s12  }
0x4bb: {  	[hbm4b:s29+s4] =	stream.linear.scatter [tilespmem:s28], [sflag:$0xD], $0x80, $0x38;
	[tilespmem:$0x18000] =	vst v63  }
0x4bc: {  	s28 =	sadd.s32 $0xD200, s9;
	s29 =	sadd.s32 $0x480, s12  }
0x4bd: {  	[hbm4b:s29+s4] =	stream.linear.scatter [tilespmem:s28], [sflag:$0xD], $0x80, $0x38;
	[tilespmem:$0x18000] =	vst v63  }
0x4be: {  	s28 =	sadd.s32 $0xD400, s9;
	s29 =	sadd.s32 $0x500, s12  }
0x4bf: {  	[hbm4b:s29+s4] =	stream.linear.scatter [tilespmem:s28], [sflag:$0xD], $0x80, $0x38;
	[tilespmem:$0x18000] =	vst v63  }
0x4c0: {  	s28 =	sadd.s32 $0xD600, s9;
	s29 =	sadd.s32 $0x580, s12  }
0x4c1: {  	[hbm4b:s29+s4] =	stream.linear.scatter [tilespmem:s28], [sflag:$0xD], $0x80, $0x38;
	[tilespmem:$0x18000] =	vst v63  }
0x4c2: {  	s28 =	sadd.s32 $0xD800, s9;
	s29 =	sadd.s32 $0x600, s12  }
0x4c3: {  	[hbm4b:s29+s4] =	stream.linear.scatter [tilespmem:s28], [sflag:$0xD], $0x80, $0x38;
	[tilespmem:$0x18000] =	vst v63  }
0x4c4: {  	s28 =	sadd.s32 $0xDA00, s9;
	s29 =	sadd.s32 $0x680, s12  }
0x4c5: {  	[hbm4b:s29+s4] =	stream.linear.scatter [tilespmem:s28], [sflag:$0xD], $0x80, $0x38;
	[tilespmem:$0x18000] =	vst v63  }
0x4c6: {  	s26 =	sadd.s32 $0xDC00, s9;
	s28 =	sadd.s32 $0x700, s12  }
0x4c7: {  	[hbm4b:s28+s4] =	stream.linear.scatter [tilespmem:s26], [sflag:$0xD], $0x80, $0x38;
	[tilespmem:$0x18000] =	vst v63  }
0x4c8: {  	s29 =	sadd.s32 $0xDE00, s9;
	s12 =	sadd.s32 $0x780, s12  }
0x4c9: {  	[hbm4b:s12+s4] =	stream.linear.scatter [tilespmem:s29], [sflag:$0xD], $0x80, $0x38;
	[tilespmem:$0x18000] =	vst v63  }
0x4ca: {  	s12 =	sor.u32 s10, s20  }
0x4cb: {  	s26 =	sadd.s32 $0xE000, s9;
	s0 =	sadd.s32 s12, s16  }
0x4cc: {  	[hbm4b:s0+s4] =	stream.linear.scatter [tilespmem:s26], [sflag:$0xE], $0x80, $0x38;
	[tilespmem:$0x18000] =	vst v63  }
0x4cd: {  	s28 =	sadd.s32 $0xE200, s9;
	s29 =	sadd.s32 $0x80, s0  }
0x4ce: {  	[hbm4b:s29+s4] =	stream.linear.scatter [tilespmem:s28], [sflag:$0xE], $0x80, $0x38;
	[tilespmem:$0x18000] =	vst v63  }
0x4cf: {  	s28 =	sadd.s32 $0xE400, s9;
	s29 =	sadd.s32 $0x100, s0  }
0x4d0: {  	[hbm4b:s29+s4] =	stream.linear.scatter [tilespmem:s28], [sflag:$0xE], $0x80, $0x38;
	[tilespmem:$0x18000] =	vst v63  }
0x4d1: {  	s28 =	sadd.s32 $0xE600, s9;
	s29 =	sadd.s32 $0x180, s0  }
0x4d2: {  	[hbm4b:s29+s4] =	stream.linear.scatter [tilespmem:s28], [sflag:$0xE], $0x80, $0x38;
	[tilespmem:$0x18000] =	vst v63  }
0x4d3: {  	s28 =	sadd.s32 $0xE800, s9;
	s29 =	sadd.s32 $0x200, s0  }
0x4d4: {  	[hbm4b:s29+s4] =	stream.linear.scatter [tilespmem:s28], [sflag:$0xE], $0x80, $0x38;
	[tilespmem:$0x18000] =	vst v63  }
0x4d5: {  	s28 =	sadd.s32 $0xEA00, s9;
	s29 =	sadd.s32 $0x280, s0  }
0x4d6: {  	[hbm4b:s29+s4] =	stream.linear.scatter [tilespmem:s28], [sflag:$0xE], $0x80, $0x38;
	[tilespmem:$0x18000] =	vst v63  }
0x4d7: {  	s28 =	sadd.s32 $0xEC00, s9;
	s29 =	sadd.s32 $0x300, s0  }
0x4d8: {  	[hbm4b:s29+s4] =	stream.linear.scatter [tilespmem:s28], [sflag:$0xE], $0x80, $0x38;
	[tilespmem:$0x18000] =	vst v63  }
0x4d9: {  	s28 =	sadd.s32 $0xEE00, s9;
	s29 =	sadd.s32 $0x380, s0  }
0x4da: {  	[hbm4b:s29+s4] =	stream.linear.scatter [tilespmem:s28], [sflag:$0xE], $0x80, $0x38;
	[tilespmem:$0x18000] =	vst v63  }
0x4db: {  	s28 =	sadd.s32 $0xF000, s9;
	s29 =	sadd.s32 $0x400, s0  }
0x4dc: {  	[hbm4b:s29+s4] =	stream.linear.scatter [tilespmem:s28], [sflag:$0xE], $0x80, $0x38;
	[tilespmem:$0x18000] =	vst v63  }
0x4dd: {  	s28 =	sadd.s32 $0xF200, s9;
	s29 =	sadd.s32 $0x480, s0  }
0x4de: {  	[hbm4b:s29+s4] =	stream.linear.scatter [tilespmem:s28], [sflag:$0xE], $0x80, $0x38;
	[tilespmem:$0x18000] =	vst v63  }
0x4df: {  	s28 =	sadd.s32 $0xF400, s9;
	s29 =	sadd.s32 $0x500, s0  }
0x4e0: {  	[hbm4b:s29+s4] =	stream.linear.scatter [tilespmem:s28], [sflag:$0xE], $0x80, $0x38;
	[tilespmem:$0x18000] =	vst v63  }
0x4e1: {  	s28 =	sadd.s32 $0xF600, s9;
	s29 =	sadd.s32 $0x580, s0  }
0x4e2: {  	[hbm4b:s29+s4] =	stream.linear.scatter [tilespmem:s28], [sflag:$0xE], $0x80, $0x38;
	[tilespmem:$0x18000] =	vst v63  }
0x4e3: {  	s28 =	sadd.s32 $0xF800, s9;
	s29 =	sadd.s32 $0x600, s0  }
0x4e4: {  	[hbm4b:s29+s4] =	stream.linear.scatter [tilespmem:s28], [sflag:$0xE], $0x80, $0x38;
	[tilespmem:$0x18000] =	vst v63  }
0x4e5: {  	s28 =	sadd.s32 $0xFA00, s9;
	s29 =	sadd.s32 $0x680, s0  }
0x4e6: {  	[hbm4b:s29+s4] =	stream.linear.scatter [tilespmem:s28], [sflag:$0xE], $0x80, $0x38;
	[tilespmem:$0x18000] =	vst v63  }
0x4e7: {  	s26 =	sadd.s32 $0xFC00, s9;
	s28 =	sadd.s32 $0x700, s0  }
0x4e8: {  	[hbm4b:s28+s4] =	stream.linear.scatter [tilespmem:s26], [sflag:$0xE], $0x80, $0x38;
	[tilespmem:$0x18000] =	vst v63  }
0x4e9: {  	s12 =	sor.u32 s10, s22;
	s29 =	sadd.s32 $0xFE00, s9;
	s0 =	sadd.s32 $0x780, s0  }
0x4ea: {  	[hbm4b:s0+s4] =	stream.linear.scatter [tilespmem:s29], [sflag:$0xE], $0x80, $0x38;
	[tilespmem:$0x18000] =	vst v63  }
0x4eb: {  	s26 =	sadd.s32 $0x10000, s9;
	s0 =	sadd.s32 s12, s17  }
0x4ec: {  	[hbm4b:s0+s4] =	stream.linear.scatter [tilespmem:s26], [sflag:$0xF], $0x80, $0x38;
	[tilespmem:$0x18000] =	vst v63  }
0x4ed: {  	s28 =	sadd.s32 $0x10200, s9;
	s29 =	sadd.s32 $0x80, s0  }
0x4ee: {  	[hbm4b:s29+s4] =	stream.linear.scatter [tilespmem:s28], [sflag:$0xF], $0x80, $0x38;
	[tilespmem:$0x18000] =	vst v63  }
0x4ef: {  	s28 =	sadd.s32 $0x10400, s9;
	s29 =	sadd.s32 $0x100, s0  }
0x4f0: {  	[hbm4b:s29+s4] =	stream.linear.scatter [tilespmem:s28], [sflag:$0xF], $0x80, $0x38;
	[tilespmem:$0x18000] =	vst v63  }
0x4f1: {  	s28 =	sadd.s32 $0x10600, s9;
	s29 =	sadd.s32 $0x180, s0  }
0x4f2: {  	[hbm4b:s29+s4] =	stream.linear.scatter [tilespmem:s28], [sflag:$0xF], $0x80, $0x38;
	[tilespmem:$0x18000] =	vst v63  }
0x4f3: {  	s28 =	sadd.s32 $0x10800, s9;
	s29 =	sadd.s32 $0x200, s0  }
0x4f4: {  	[hbm4b:s29+s4] =	stream.linear.scatter [tilespmem:s28], [sflag:$0xF], $0x80, $0x38;
	[tilespmem:$0x18000] =	vst v63  }
0x4f5: {  	s28 =	sadd.s32 $0x10A00, s9;
	s29 =	sadd.s32 $0x280, s0  }
0x4f6: {  	[hbm4b:s29+s4] =	stream.linear.scatter [tilespmem:s28], [sflag:$0xF], $0x80, $0x38;
	[tilespmem:$0x18000] =	vst v63  }
0x4f7: {  	s28 =	sadd.s32 $0x10C00, s9;
	s29 =	sadd.s32 $0x300, s0  }
0x4f8: {  	[hbm4b:s29+s4] =	stream.linear.scatter [tilespmem:s28], [sflag:$0xF], $0x80, $0x38;
	[tilespmem:$0x18000] =	vst v63  }
0x4f9: {  	s28 =	sadd.s32 $0x10E00, s9;
	s29 =	sadd.s32 $0x380, s0  }
0x4fa: {  	[hbm4b:s29+s4] =	stream.linear.scatter [tilespmem:s28], [sflag:$0xF], $0x80, $0x38;
	[tilespmem:$0x18000] =	vst v63  }
0x4fb: {  	s28 =	sadd.s32 $0x11000, s9;
	s29 =	sadd.s32 $0x400, s0  }
0x4fc: {  	[hbm4b:s29+s4] =	stream.linear.scatter [tilespmem:s28], [sflag:$0xF], $0x80, $0x38;
	[tilespmem:$0x18000] =	vst v63  }
0x4fd: {  	s28 =	sadd.s32 $0x11200, s9;
	s29 =	sadd.s32 $0x480, s0  }
0x4fe: {  	[hbm4b:s29+s4] =	stream.linear.scatter [tilespmem:s28], [sflag:$0xF], $0x80, $0x38;
	[tilespmem:$0x18000] =	vst v63  }
0x4ff: {  	s28 =	sadd.s32 $0x11400, s9;
	s29 =	sadd.s32 $0x500, s0  }
0x500: {  	[hbm4b:s29+s4] =	stream.linear.scatter [tilespmem:s28], [sflag:$0xF], $0x80, $0x38;
	[tilespmem:$0x18000] =	vst v63  }
0x501: {  	s28 =	sadd.s32 $0x11600, s9;
	s29 =	sadd.s32 $0x580, s0  }
0x502: {  	[hbm4b:s29+s4] =	stream.linear.scatter [tilespmem:s28], [sflag:$0xF], $0x80, $0x38;
	[tilespmem:$0x18000] =	vst v63  }
0x503: {  	s28 =	sadd.s32 $0x11800, s9;
	s29 =	sadd.s32 $0x600, s0  }
0x504: {  	[hbm4b:s29+s4] =	stream.linear.scatter [tilespmem:s28], [sflag:$0xF], $0x80, $0x38;
	[tilespmem:$0x18000] =	vst v63  }
0x505: {  	s28 =	sadd.s32 $0x11A00, s9;
	s29 =	sadd.s32 $0x680, s0  }
0x506: {  	[hbm4b:s29+s4] =	stream.linear.scatter [tilespmem:s28], [sflag:$0xF], $0x80, $0x38;
	[tilespmem:$0x18000] =	vst v63  }
0x507: {  	s26 =	sadd.s32 $0x11C00, s9;
	s28 =	sadd.s32 $0x700, s0  }
0x508: {  	[hbm4b:s28+s4] =	stream.linear.scatter [tilespmem:s26], [sflag:$0xF], $0x80, $0x38;
	[tilespmem:$0x18000] =	vst v63  }
0x509: {  	s12 =	sor.u32 s10, s2;
	s29 =	sadd.s32 $0x11E00, s9;
	s0 =	sadd.s32 $0x780, s0  }
0x50a: {  	[hbm4b:s0+s4] =	stream.linear.scatter [tilespmem:s29], [sflag:$0xF], $0x80, $0x38;
	[tilespmem:$0x18000] =	vst v63  }
0x50b: {  	s26 =	sadd.s32 $0x12000, s9;
	s0 =	sadd.s32 s12, s18  }
0x50c: {  	[hbm4b:s0+s4] =	stream.linear.scatter [tilespmem:s26], [sflag:$0x10], $0x80, $0x38;
	[tilespmem:$0x18000] =	vst v63  }
0x50d: {  	s28 =	sadd.s32 $0x12200, s9;
	s29 =	sadd.s32 $0x80, s0  }
0x50e: {  	[hbm4b:s29+s4] =	stream.linear.scatter [tilespmem:s28], [sflag:$0x10], $0x80, $0x38;
	[tilespmem:$0x18000] =	vst v63  }
0x50f: {  	s12 =	sadd.s32 $0x12400, s9;
	s26 =	sadd.s32 $0x100, s0  }
0x510: {  	[hbm4b:s26+s4] =	stream.linear.scatter [tilespmem:s12], [sflag:$0x10], $0x80, $0x38;
	[tilespmem:$0x18000] =	vst v63  }
0x511: {  	s28 =	sadd.s32 $0x12600, s9;
	s29 =	sadd.s32 $0x180, s0  }
0x512: {  	[hbm4b:s29+s4] =	stream.linear.scatter [tilespmem:s28], [sflag:$0x10], $0x80, $0x38;
	[tilespmem:$0x18000] =	vst v63  }
0x513: {  	s12 =	sadd.s32 $0x12800, s9;
	s26 =	sadd.s32 $0x200, s0  }
0x514: {  	[hbm4b:s26+s4] =	stream.linear.scatter [tilespmem:s12], [sflag:$0x10], $0x80, $0x38;
	[tilespmem:$0x18000] =	vst v63  }
0x515: {  	s28 =	sadd.s32 $0x12A00, s9;
	s29 =	sadd.s32 $0x280, s0  }
0x516: {  	[hbm4b:s29+s4] =	stream.linear.scatter [tilespmem:s28], [sflag:$0x10], $0x80, $0x38;
	[tilespmem:$0x18000] =	vst v63  }
0x517: {  	s12 =	sadd.s32 $0x12C00, s9;
	s26 =	sadd.s32 $0x300, s0  }
0x518: {  	[hbm4b:s26+s4] =	stream.linear.scatter [tilespmem:s12], [sflag:$0x10], $0x80, $0x38;
	[tilespmem:$0x18000] =	vst v63  }
0x519: {  	s28 =	sadd.s32 $0x12E00, s9;
	s29 =	sadd.s32 $0x380, s0  }
0x51a: {  	[hbm4b:s29+s4] =	stream.linear.scatter [tilespmem:s28], [sflag:$0x10], $0x80, $0x38;
	[tilespmem:$0x18000] =	vst v63  }
0x51b: {  	s12 =	sadd.s32 $0x13000, s9;
	s26 =	sadd.s32 $0x400, s0  }
0x51c: {  	[hbm4b:s26+s4] =	stream.linear.scatter [tilespmem:s12], [sflag:$0x10], $0x80, $0x38;
	[tilespmem:$0x18000] =	vst v63  }
0x51d: {  	s28 =	sadd.s32 $0x13200, s9;
	s29 =	sadd.s32 $0x480, s0  }
0x51e: {  	[hbm4b:s29+s4] =	stream.linear.scatter [tilespmem:s28], [sflag:$0x10], $0x80, $0x38;
	[tilespmem:$0x18000] =	vst v63  }
0x51f: {  	s12 =	sadd.s32 $0x13400, s9;
	s26 =	sadd.s32 $0x500, s0  }
0x520: {  	[hbm4b:s26+s4] =	stream.linear.scatter [tilespmem:s12], [sflag:$0x10], $0x80, $0x38;
	[tilespmem:$0x18000] =	vst v63  }
0x521: {  	s23 =	sadd.s32 $0x1, s23;
	s28 =	sadd.s32 $0x13600, s9;
	s29 =	sadd.s32 $0x580, s0  }
0x522: {  	[hbm4b:s29+s4] =	stream.linear.scatter [tilespmem:s28], [sflag:$0x10], $0x80, $0x38;
	[tilespmem:$0x18000] =	vst v63  }
0x523: {  	s24 =	sadd.s32 $0x80, s24;
	s12 =	sadd.s32 $0x13800, s9;
	s26 =	sadd.s32 $0x600, s0  }
0x524: {  	[hbm4b:s26+s4] =	stream.linear.scatter [tilespmem:s12], [sflag:$0x10], $0x80, $0x38;
	[tilespmem:$0x18000] =	vst v63  }
0x525: {  	p1 =	sne.s32 s23, $0x4;
	s28 =	sadd.s32 $0x13A00, s9;
	s29 =	sadd.s32 $0x680, s0  }
0x526: {  	[hbm4b:s29+s4] =	stream.linear.scatter [tilespmem:s28], [sflag:$0x10], $0x80, $0x38;
	[tilespmem:$0x18000] =	vst v63  }
.Ltmp10:
0x527: {  	s25 =	sadd.s32 $0x80, s25;
	s30 =	sadd.s32 $0x80, s30;
	(pc) =	sbr.rel @p1 .LBB2_17-.Ltmp10, $4  }
0x528: {  	s6 =	sadd.s32 $0x80, s6;
	s26 =	sadd.s32 $0x13C00, s9;
	s28 =	sadd.s32 $0x700, s0  }
0x529: {  	[hbm4b:s28+s4] =	stream.linear.scatter [tilespmem:s26], [sflag:$0x10], $0x80, $0x38;
	[tilespmem:$0x18000] =	vst v63  }
0x52a: {  	s7 =	sadd.s32 $0x80, s7;
	s29 =	sadd.s32 $0x13E00, s9;
	s0 =	sadd.s32 $0x780, s0  }
0x52b: {  	[hbm4b:s0+s4] =	stream.linear.scatter [tilespmem:s29], [sflag:$0x10], $0x80, $0x38;
	[tilespmem:$0x18000] =	vst v63  }
.Ltmp11:
0x52c: {  	(pc) =	sbr.rel @p0 .LBB2_22-.Ltmp11, $1  }
0x52d: {  	_ =	sdelay $0x3  }
.Ltmp12:
0x52e: {  	(pc) =	sbr.rel .LBB2_10-.Ltmp12, $4  }
0x52f: {  	_ = 	snop  }
0x530: {  	s0 =	rddreg [dreg:$0xd];
	s2 =	simm.s32 $0x200;
	s6 =	simm.s32 $0x400  }
0x531: {  	s7 =	simm.s32 $0x16000;
	s19 =	sadd.s32 $0x1, s19;
	s0 =	sadd.s32 s31, s0  }
0x532: {  	[tilespmem:s7], [sflag:$0x12] =	stream.strided.gather [hbm4b:s0+s2], $0x2000, s6, s2, $0x38;
	[tilespmem:$0x18000] =	vst v63  }
.LBB2_23:
0x533: {  	_ =	sfence.sel $0x180000  }
0x534: {  	[bflag:$0x0] =	sbarrier.arrive $0xFFFF  }
0x535: {  	_ =	strace $0x90000047  }
0x536: {  	s0 =	stileid.u32;
	[bflag:$0x2] =	sbarrier.arrive $0xFFFF  }
0x537: {  	p0 =	sne.s32 s0, $0x0;
	s0 =	rddreg [dreg:$0x4]  }
0x538: {  	s0 =	sadd.s32 @!p0 $0x100000, s0  }
0x539: {  	[sflag:s0] =	ssyncadd.tile.s32 @!p0 $0x1;
	_ =	shalt  }
.Lfunc_end2:
_tile_overlayer_lowered:
.L_overlay_start_2:
0x53a: {  	(tag) =	ssettag $0x2  }
0x53b: {  	s0 =	rddreg [dreg:$0x0];
	s2 =	stileid.u32  }
0x53c: {  	s1 =	rddreg [dreg:$0x1];
	p0 =	sne.s32 s2, $0x0  }
0x53d: {  	s3 =	rddreg [dreg:$0x2];
	[bflag:$0x3] =	sbarrier.arrive $0xFFFF;
	s2 =	simm.s32 @!p0 $0x1C13  }
0x53e: {  	[timem:s3], [sflag:s2] =	dma.local @!p0 [hbm:s0], s1  }
0x53f: {  	s0 =	simm.s32 @!p0 $0x13  }
0x540: {  	_ =	swait.ge @!p0 [sflag:s0], s1  }
0x541: {  	s1 =	ssub.s32 @!p0 $0x0, s1;
	[sflag:s0] =	ssyncset.done @!p0 $0x0  }
0x542: {  	[sflag:s0] =	ssyncadd.s32 @!p0 s1  }
0x543: {  	[bflag:$0x3] =	sbarrier.arrive $0xFFFF  }
0x544: {  	_ =	shalt  }

</sc_bundles>
